<compile_context>
chip_gen: v7x
topology: tpu7x:2x2x1
jax: 0.10.2.dev20260603
libtpu: 0.0.44.dev20260713+nightly
codegen_flags: <defaults>
</compile_context>

<pallas_src>
import functools

import jax
import jax.numpy as jnp
from jax import lax
from jax.experimental import pallas as pl
from jax.experimental.pallas import tpu as pltpu
from jax.experimental.pallas import tpu_sc as plsc

B = 16384
F = 26
L = 20
V = 100000
D = 16
ND = 13
C = 16
KEEP_PROB = 0.8
TEMPERATURE = 0.1

NC = 2
NS = 16
NW = NC * NS
BAGS = B * F
CB = 128
RPC = CB * L
NIDX = L
BPW = B // NW
SUBS = BPW // CB


SEG = V // 8


def _repack_body(t2_ref, o_ref):
    x = t2_ref[0]
    yt = jnp.concatenate(
        [x[:, s * SEG:(s + 1) * SEG] for s in range(8)], axis=0)
    o_ref[0] = jnp.swapaxes(yt, 0, 1)


def _repack_tables(t2):
    return pl.pallas_call(
        _repack_body,
        grid=(F,),
        in_specs=[pl.BlockSpec((1, D, V), lambda f: (f, 0, 0))],
        out_specs=pl.BlockSpec((1, V * D // 128, 128), lambda f: (f, 0, 0)),
        out_shape=jax.ShapeDtypeStruct((F, V * D // 128, 128), jnp.float32),
    )(t2)




def _sc_embedding_bag(idx3d, tables_rm):
    mesh = plsc.VectorSubcoreMesh(core_axis_name="c", subcore_axis_name="s")

    @functools.partial(
        pl.kernel,
        mesh=mesh,
        compiler_params=pltpu.CompilerParams(use_tc_tiling_on_sc=False),
        out_type=jax.ShapeDtypeStruct((B, F * D), jnp.float32),
        scratch_types=[
            pltpu.VMEM((2, NIDX, 128), jnp.int32),
            pltpu.VMEM((2, RPC, D), jnp.float32),
            pltpu.VMEM((CB, D), jnp.float32),
            pltpu.SemaphoreType.DMA,
            pltpu.SemaphoreType.DMA,
        ],
    )
    def k(idx_hbm, tbl_hbm, out_hbm, idx_v, rows_v, out_v, semA, semB):
        wid = lax.axis_index("s") * NC + lax.axis_index("c")
        NCHUNK = F * SUBS
        sems = (semA, semB)

        def coords(g):
            f = g // SUBS
            sub = g - f * SUBS
            return f, wid * BPW + sub * CB

        def fire(g, buf):
            f, b0 = coords(g)
            pltpu.sync_copy(idx_hbm.at[f, :, pl.ds(b0, CB)], idx_v.at[buf])
            for j in range(NIDX):
                pltpu.async_copy(
                    tbl_hbm.at[f].at[idx_v.at[buf, j]],
                    rows_v.at[buf, pl.ds(j * CB, CB)],
                    sems[buf],
                )

        def drain_pool_store(g, buf):
            for j in range(NIDX):
                pltpu.make_async_copy(
                    tbl_hbm.at[0].at[pl.ds(0, CB)],
                    rows_v.at[buf, pl.ds(j * CB, CB)],
                    sems[buf],
                ).wait()
            rv = rows_v.at[buf]

            def pool_body(i, c2):
                acc = rv[i]
                for l in range(1, L):
                    acc = acc + rv[l * CB + i]
                out_v[i] = acc
                return c2
            lax.fori_loop(0, CB, pool_body, 0)
            f, b0 = coords(g)
            pltpu.sync_copy(out_v, out_hbm.at[pl.ds(b0, CB),
                                              pl.ds(f * D, D)])

        fire(0, 0)

        def super_body(s, carry):
            g0 = 2 * s
            fire(g0 + 1, 1)
            drain_pool_store(g0, 0)
            fire(jnp.minimum(g0 + 2, NCHUNK - 1), 0)
            drain_pool_store(g0 + 1, 1)
            return carry

        lax.fori_loop(0, NCHUNK // 2, super_body, 0)
        for j in range(NIDX):
            pltpu.make_async_copy(
                tbl_hbm.at[pl.ds(0, CB)],
                rows_v.at[0, pl.ds(j * CB, CB)],
                semA,
            ).wait()

    return k(idx3d, tables_rm)



BB = 2048
HI = lax.Precision.HIGHEST


def _autodis_body(x_ref, w_ref, pm_ref, me_ref, ex_ref, bd_ref, fm_ref,
                  o_ref):
    x = x_ref[...]
    xe = jnp.dot(x, ex_ref[...], precision=HI,
                 preferred_element_type=jnp.float32)
    pre = xe * w_ref[...]
    h = jnp.where(pre >= 0, pre, 0.01 * pre)
    xb = jnp.dot(h, pm_ref[...], precision=HI,
                 preferred_element_type=jnp.float32) + KEEP_PROB * h
    g = xb * (1.0 / TEMPERATURE)
    r = jnp.maximum(g, jnp.roll(g, -1, axis=1))
    r = jnp.maximum(r, jnp.roll(r, -2, axis=1))
    r = jnp.maximum(r, jnp.roll(r, -4, axis=1))
    r = jnp.maximum(r, jnp.roll(r, -8, axis=1))
    m = jnp.dot(r * fm_ref[...], bd_ref[...], precision=HI,
                preferred_element_type=jnp.float32)
    e = jnp.exp(g - m)
    s = jnp.dot(e, bd_ref[...], precision=HI,
                preferred_element_type=jnp.float32)
    o_ref[...] = jnp.dot(e / s, me_ref[...], precision=HI,
                         preferred_element_type=jnp.float32)


def _tc_autodis(dense_input, w_row, pm_bd, me_bd, expand, ones_bd, fmask):
    return pl.pallas_call(
        _autodis_body,
        grid=(B // BB,),
        in_specs=[
            pl.BlockSpec((BB, ND), lambda i: (i, 0)),
            pl.BlockSpec((1, ND * C), lambda i: (0, 0)),
            pl.BlockSpec((ND * C, ND * C), lambda i: (0, 0)),
            pl.BlockSpec((ND * C, ND * C), lambda i: (0, 0)),
            pl.BlockSpec((ND, ND * C), lambda i: (0, 0)),
            pl.BlockSpec((ND * C, ND * C), lambda i: (0, 0)),
            pl.BlockSpec((1, ND * C), lambda i: (0, 0)),
        ],
        out_specs=pl.BlockSpec((BB, ND * C), lambda i: (i, 0)),
        out_shape=jax.ShapeDtypeStruct((B, ND * C), jnp.float32),
    )(dense_input, w_row, pm_bd, me_bd, expand, ones_bd, fmask)


def kernel(indices, dense_input, tables, meta_emb, proj_w, proj_m):
    idx32 = indices.astype(jnp.int32)
    gidx = (idx32 % SEG) * 8 + idx32 // SEG
    idx3d = jnp.transpose(gidx, (1, 2, 0))
    t2 = jnp.transpose(tables, (0, 2, 1))
    tables_rm = _repack_tables(t2).reshape(F, V, D)

    eye = jnp.eye(ND, dtype=jnp.float32)
    pm_bd = jnp.einsum('mn,nij->mjni', eye, proj_m).reshape(ND * C, ND * C)
    me_bd = jnp.einsum('mn,ncd->mcnd', eye, meta_emb).reshape(ND * C, ND * C)
    w_row = proj_w.reshape(1, ND * C)
    expand = jnp.repeat(eye, C, axis=1)
    ones_bd = jnp.einsum('mn,c,d->mcnd', eye,
                         jnp.ones((C,), jnp.float32),
                         jnp.ones((C,), jnp.float32)).reshape(ND * C, ND * C)
    fmask = (jnp.arange(ND * C, dtype=jnp.int32) % C == 0
             ).astype(jnp.float32).reshape(1, ND * C)

    sparse_out = _sc_embedding_bag(idx3d, tables_rm)
    dense_out = _tc_autodis(dense_input, w_row, pm_bd, me_bd, expand,
                            ones_bd, fmask)

    return jnp.concatenate([sparse_out, dense_out], axis=1)

# --- scband reference (transcript-rebuilt; emitter-appended) ---
"""Pipeline reference for scband-embedding-group-impl-60825326846709 (READ-ONLY COPY).

The authoritative reference and input builder live on the scoring server;
editing this copy changes nothing except your own understanding.
"""

import jax, jax.numpy as jnp
import numpy as np

B = 16384   # batch
F = 26      # number of sparse fields
L = 20      # bag length (multi-hot ids per field)
V = 100000  # vocab per table
D = 16      # embedding_dim
ND = 13     # num dense features (AutoDis)
C = 16      # num_channels for AutoDis
KEEP_PROB = 0.8
TEMPERATURE = 0.1


def setup_inputs(seed: int = 0) -> dict:
    key = jax.random.key(seed)
    k1, k2, k3, k4, k5, k6 = jax.random.split(key, 6)
    indices = jax.random.randint(k1, (B, F, L), 0, V, dtype=jnp.int64)
    dense_input = jax.random.normal(k2, (B, ND), dtype=jnp.float32)
    tables = jax.random.normal(k3, (F, V, D), dtype=jnp.float32) * 0.01
    meta_emb = jax.random.normal(k4, (ND, C, D), dtype=jnp.float32)
    proj_w = jax.random.normal(k5, (ND, C), dtype=jnp.float32)
    proj_m = jax.random.normal(k6, (ND, C, C), dtype=jnp.float32)
    return {
        "indices": indices,
        "dense_input": dense_input,
        "tables": tables,
        "meta_emb": meta_emb,
        "proj_w": proj_w,
        "proj_m": proj_m,
    }


def reference(indices, dense_input, tables, meta_emb, proj_w, proj_m):
    # ---- Sparse branch: grouped embedding-bag (sum pooling) per field ----
    # tables: [F, V, D], indices: [B, F, L]
    def one_field(table, idx):
        # table: [V, D], idx: [B, L] -> gather -> [B, L, D]
        return jnp.take(table, idx, axis=0)
    gathered = jax.vmap(one_field, in_axes=(0, 1), out_axes=1)(tables, indices)  # [B, F, L, D]
    pooled = jnp.sum(gathered, axis=2)  # [B, F, D] (EmbeddingBag sum pooling)
    sparse_out = pooled.reshape(pooled.shape[0], F * D)  # [B, F*D]

    # ---- Dense branch: AutoDisModule ----
    hidden = jax.nn.leaky_relu(jnp.einsum('nc,bn->bnc', proj_w, dense_input), negative_slope=0.01)
    x_bar = jnp.einsum('nij,bnj->bni', proj_m, hidden) + KEEP_PROB * hidden
    x_hat = jax.nn.softmax(x_bar / TEMPERATURE, axis=-1)
    emb = jnp.einsum('ncd,bnc->bnd', meta_emb, x_hat)
    dense_out = emb.reshape(-1, ND * D)  # [B, ND*D]

    # ---- Group concat (feature-group total dim = (F + ND) * D) ----
    return jnp.concatenate([sparse_out, dense_out], axis=1)  # [B, 624]

if __name__ == "__main__":
    import jax
    _d = setup_inputs()
    print(jax.jit(kernel)(*tuple(_d.values())))

</pallas_src>

<mosaic_0001>
#map = affine_map<(d0, d1) -> (0, 0, 0)>
#map1 = affine_map<(d0, d1) -> (0, 0)>
module attributes {stable_mosaic.version = 14 : i64} {
  func.func @k(%arg0: i32, %arg1: i32, %arg2: memref<26x20x16384xi32, #tpu.memory_space<hbm>>, %arg3: memref<26x100000x16xf32, #tpu.memory_space<hbm>>, %arg4: memref<16384x416xf32, #tpu.memory_space<hbm>>, %arg5: memref<2x20x128xi32, #tpu.memory_space<vmem>>, %arg6: memref<2x2560x16xf32, #tpu.memory_space<vmem>>, %arg7: memref<128x16xf32, #tpu.memory_space<vmem>>, %arg8: memref<!tpu.dma_semaphore, #tpu.memory_space<semaphore_mem>>, %arg9: memref<!tpu.dma_semaphore, #tpu.memory_space<semaphore_mem>>) attributes {dimension_semantics = [#tpu.dimension_semantics<core_parallel>, #tpu.dimension_semantics<subcore_parallel>], iteration_bounds = array<i64: 2, 16>, scalar_prefetch = 0 : i64, scratch_operands = 5 : i64, tpu.core_type = #tpu.core_type<sc_vector_subcore>, window_params = [{transform_indices = #map}, {transform_indices = #map}, {transform_indices = #map1}]} {
    %mul3A = arith.constant 2 : i32
    %mul3A_0 = arith.muli %arg1, %mul3A : i32
    %add3A = arith.addi %mul3A_0, %arg0 : i32
    %mul3A_1 = arith.constant 512 : i32
    %mul3A_2 = arith.muli %add3A, %mul3A_1 : i32
    %add3A_3 = arith.constant 0 : i32
    %add3A_4 = arith.addi %mul3A_2, %add3A_3 : i32
    %run_scoped3A = arith.constant 0 : i32
    %run_scoped3A_5 = arith.constant 0 : i32
    "tpu.region"() ({
      %run_scoped3A_709 = tpu.sem_alloc : memref<!tpu.dma_semaphore, #tpu.memory_space<semaphore_mem>>
      %dma_start3A_710 = arith.constant 0 : i32
      %dma_start3A_711 = arith.constant 0 : i32
      %dma_start3A_712 = tpu.memref_slice %arg5[%run_scoped3A_5, %dma_start3A_710, %dma_start3A_711] : memref<2x20x128xi32, #tpu.memory_space<vmem>> -> memref<1x20x128xi32, #tpu.memory_space<vmem>>
      %dma_start3A_713 = tpu.memref_squeeze %dma_start3A_712 : memref<1x20x128xi32, #tpu.memory_space<vmem>> -> memref<20x128xi32, #tpu.memory_space<vmem>>
      %dma_start3A_714 = arith.constant 0 : i32
      %dma_start3A_715 = tpu.memref_slice %arg2[%run_scoped3A, %dma_start3A_714, %add3A_4] : memref<26x20x16384xi32, #tpu.memory_space<hbm>> -> memref<1x20x128xi32, #tpu.memory_space<hbm>>
      %dma_start3A_716 = tpu.memref_squeeze %dma_start3A_715 : memref<1x20x128xi32, #tpu.memory_space<hbm>> -> memref<20x128xi32, #tpu.memory_space<hbm>>
      %dma_start3A_717 = arith.constant 0 : i32
      %dma_start3A_718 = arith.constant 0 : i32
      %dma_start3A_719 = tpu.memref_slice %arg5[%run_scoped3A_5, %dma_start3A_717, %dma_start3A_718] : memref<2x20x128xi32, #tpu.memory_space<vmem>> -> memref<1x20x128xi32, #tpu.memory_space<vmem>>
      %dma_start3A_720 = tpu.memref_squeeze %dma_start3A_719 : memref<1x20x128xi32, #tpu.memory_space<vmem>> -> memref<20x128xi32, #tpu.memory_space<vmem>>
      %dma_start3A_721 = arith.constant 0 : i32
      %dma_start3A_722 = tpu.memref_slice %arg2[%run_scoped3A, %dma_start3A_721, %add3A_4] : memref<26x20x16384xi32, #tpu.memory_space<hbm>> -> memref<1x20x128xi32, #tpu.memory_space<hbm>>
      %dma_start3A_723 = tpu.memref_squeeze %dma_start3A_722 : memref<1x20x128xi32, #tpu.memory_space<hbm>> -> memref<20x128xi32, #tpu.memory_space<hbm>>
      tpu.enqueue_dma source(%dma_start3A_723 : memref<20x128xi32, #tpu.memory_space<hbm>>) target(%dma_start3A_720 : memref<20x128xi32, #tpu.memory_space<vmem>>) target_semaphore(%run_scoped3A_709 : memref<!tpu.dma_semaphore, #tpu.memory_space<semaphore_mem>>)
      %dma_wait3A_724 = arith.constant 0 : i32
      %dma_wait3A_725 = arith.constant 0 : i32
      %dma_wait3A_726 = tpu.memref_slice %arg5[%run_scoped3A_5, %dma_wait3A_724, %dma_wait3A_725] : memref<2x20x128xi32, #tpu.memory_space<vmem>> -> memref<1x20x128xi32, #tpu.memory_space<vmem>>
      %dma_wait3A_727 = tpu.memref_squeeze %dma_wait3A_726 : memref<1x20x128xi32, #tpu.memory_space<vmem>> -> memref<20x128xi32, #tpu.memory_space<vmem>>
      %dma_wait3A_728 = arith.constant 0 : i32
      %dma_wait3A_729 = tpu.memref_slice %arg2[%run_scoped3A, %dma_wait3A_728, %add3A_4] : memref<26x20x16384xi32, #tpu.memory_space<hbm>> -> memref<1x20x128xi32, #tpu.memory_space<hbm>>
      %dma_wait3A_730 = tpu.memref_squeeze %dma_wait3A_729 : memref<1x20x128xi32, #tpu.memory_space<hbm>> -> memref<20x128xi32, #tpu.memory_space<hbm>>
      %dma_wait3A_731 = arith.constant 0 : i32
      %dma_wait3A_732 = arith.constant 0 : i32
      %dma_wait3A_733 = tpu.memref_slice %arg5[%run_scoped3A_5, %dma_wait3A_731, %dma_wait3A_732] : memref<2x20x128xi32, #tpu.memory_space<vmem>> -> memref<1x20x128xi32, #tpu.memory_space<vmem>>
      %dma_wait3A_734 = tpu.memref_squeeze %dma_wait3A_733 : memref<1x20x128xi32, #tpu.memory_space<vmem>> -> memref<20x128xi32, #tpu.memory_space<vmem>>
      %dma_wait3A_735 = arith.constant 0 : i32
      %dma_wait3A_736 = tpu.memref_slice %arg2[%run_scoped3A, %dma_wait3A_735, %add3A_4] : memref<26x20x16384xi32, #tpu.memory_space<hbm>> -> memref<1x20x128xi32, #tpu.memory_space<hbm>>
      %dma_wait3A_737 = tpu.memref_squeeze %dma_wait3A_736 : memref<1x20x128xi32, #tpu.memory_space<hbm>> -> memref<20x128xi32, #tpu.memory_space<hbm>>
      tpu.wait_dma2 semaphore(%run_scoped3A_709 : memref<!tpu.dma_semaphore, #tpu.memory_space<semaphore_mem>>) src(%dma_wait3A_737 : memref<20x128xi32, #tpu.memory_space<hbm>>) dst(%dma_wait3A_734 : memref<20x128xi32, #tpu.memory_space<vmem>>)
      tpu.yield
    }) : () -> ()
    %dma_start3A = arith.constant 0 : i32
    %dma_start3A_6 = arith.constant 0 : i32
    %dma_start3A_7 = arith.constant 0 : i32
    %dma_start3A_8 = arith.constant 0 : i32
    %dma_start3A_9 = arith.constant 0 : i32
    %dma_start3A_10 = arith.constant 0 : i32
    %dma_start3A_11 = tpu.memref_slice %arg6[%dma_start3A_8, %dma_start3A_9, %dma_start3A_10] : memref<2x2560x16xf32, #tpu.memory_space<vmem>> -> memref<1x128x16xf32, #tpu.memory_space<vmem>>
    %dma_start3A_12 = tpu.memref_squeeze %dma_start3A_11 : memref<1x128x16xf32, #tpu.memory_space<vmem>> -> memref<128x16xf32, #tpu.memory_space<vmem>>
    %dma_start3A_13 = arith.constant 0 : i32
    %dma_start3A_14 = tpu.memref_slice %arg5[%dma_start3A_6, %dma_start3A_7, %dma_start3A_13] : memref<2x20x128xi32, #tpu.memory_space<vmem>> -> memref<1x1x128xi32, #tpu.memory_space<vmem>>
    %dma_start3A_15 = tpu.memref_squeeze %dma_start3A_14 : memref<1x1x128xi32, #tpu.memory_space<vmem>> -> memref<128xi32, #tpu.memory_space<vmem>>
    %dma_start3A_16 = arith.constant 0 : i32
    %dma_start3A_17 = arith.constant 0 : i32
    %dma_start3A_18 = tpu.memref_slice %arg3[%dma_start3A, %dma_start3A_16, %dma_start3A_17] : memref<26x100000x16xf32, #tpu.memory_space<hbm>> -> memref<1x100000x16xf32, #tpu.memory_space<hbm>>
    %dma_start3A_19 = tpu.memref_squeeze %dma_start3A_18 : memref<1x100000x16xf32, #tpu.memory_space<hbm>> -> memref<100000x16xf32, #tpu.memory_space<hbm>>
    %dma_start3A_20 = arith.constant 0 : i32
    %dma_start3A_21 = arith.constant 0 : i32
    %dma_start3A_22 = tpu.memref_slice %dma_start3A_19[%dma_start3A_20, %dma_start3A_21] : memref<100000x16xf32, #tpu.memory_space<hbm>> -> memref<100000x16xf32, #tpu.memory_space<hbm>>
    tpu.enqueue_indirect_dma source(%dma_start3A_22 : memref<100000x16xf32, #tpu.memory_space<hbm>>) target(%dma_start3A_12 : memref<128x16xf32, #tpu.memory_space<vmem>>) offsets(%dma_start3A_15 : memref<128xi32, #tpu.memory_space<vmem>>) semaphore(%arg8 : memref<!tpu.dma_semaphore, #tpu.memory_space<semaphore_mem>>)
    %dma_start3A_23 = arith.constant 0 : i32
    %dma_start3A_24 = arith.constant 0 : i32
    %dma_start3A_25 = arith.constant 1 : i32
    %dma_start3A_26 = arith.constant 0 : i32
    %dma_start3A_27 = arith.constant 128 : i32
    %dma_start3A_28 = arith.constant 0 : i32
    %dma_start3A_29 = tpu.memref_slice %arg6[%dma_start3A_26, %dma_start3A_27, %dma_start3A_28] : memref<2x2560x16xf32, #tpu.memory_space<vmem>> -> memref<1x128x16xf32, #tpu.memory_space<vmem>>
    %dma_start3A_30 = tpu.memref_squeeze %dma_start3A_29 : memref<1x128x16xf32, #tpu.memory_space<vmem>> -> memref<128x16xf32, #tpu.memory_space<vmem>>
    %dma_start3A_31 = arith.constant 0 : i32
    %dma_start3A_32 = tpu.memref_slice %arg5[%dma_start3A_24, %dma_start3A_25, %dma_start3A_31] : memref<2x20x128xi32, #tpu.memory_space<vmem>> -> memref<1x1x128xi32, #tpu.memory_space<vmem>>
    %dma_start3A_33 = tpu.memref_squeeze %dma_start3A_32 : memref<1x1x128xi32, #tpu.memory_space<vmem>> -> memref<128xi32, #tpu.memory_space<vmem>>
    %dma_start3A_34 = arith.constant 0 : i32
    %dma_start3A_35 = arith.constant 0 : i32
    %dma_start3A_36 = tpu.memref_slice %arg3[%dma_start3A_23, %dma_start3A_34, %dma_start3A_35] : memref<26x100000x16xf32, #tpu.memory_space<hbm>> -> memref<1x100000x16xf32, #tpu.memory_space<hbm>>
    %dma_start3A_37 = tpu.memref_squeeze %dma_start3A_36 : memref<1x100000x16xf32, #tpu.memory_space<hbm>> -> memref<100000x16xf32, #tpu.memory_space<hbm>>
    %dma_start3A_38 = arith.constant 0 : i32
    %dma_start3A_39 = arith.constant 0 : i32
    %dma_start3A_40 = tpu.memref_slice %dma_start3A_37[%dma_start3A_38, %dma_start3A_39] : memref<100000x16xf32, #tpu.memory_space<hbm>> -> memref<100000x16xf32, #tpu.memory_space<hbm>>
    tpu.enqueue_indirect_dma source(%dma_start3A_40 : memref<100000x16xf32, #tpu.memory_space<hbm>>) target(%dma_start3A_30 : memref<128x16xf32, #tpu.memory_space<vmem>>) offsets(%dma_start3A_33 : memref<128xi32, #tpu.memory_space<vmem>>) semaphore(%arg8 : memref<!tpu.dma_semaphore, #tpu.memory_space<semaphore_mem>>)
    %dma_start3A_41 = arith.constant 0 : i32
    %dma_start3A_42 = arith.constant 0 : i32
    %dma_start3A_43 = arith.constant 2 : i32
    %dma_start3A_44 = arith.constant 0 : i32
    %dma_start3A_45 = arith.constant 256 : i32
    %dma_start3A_46 = arith.constant 0 : i32
    %dma_start3A_47 = tpu.memref_slice %arg6[%dma_start3A_44, %dma_start3A_45, %dma_start3A_46] : memref<2x2560x16xf32, #tpu.memory_space<vmem>> -> memref<1x128x16xf32, #tpu.memory_space<vmem>>
    %dma_start3A_48 = tpu.memref_squeeze %dma_start3A_47 : memref<1x128x16xf32, #tpu.memory_space<vmem>> -> memref<128x16xf32, #tpu.memory_space<vmem>>
    %dma_start3A_49 = arith.constant 0 : i32
    %dma_start3A_50 = tpu.memref_slice %arg5[%dma_start3A_42, %dma_start3A_43, %dma_start3A_49] : memref<2x20x128xi32, #tpu.memory_space<vmem>> -> memref<1x1x128xi32, #tpu.memory_space<vmem>>
    %dma_start3A_51 = tpu.memref_squeeze %dma_start3A_50 : memref<1x1x128xi32, #tpu.memory_space<vmem>> -> memref<128xi32, #tpu.memory_space<vmem>>
    %dma_start3A_52 = arith.constant 0 : i32
    %dma_start3A_53 = arith.constant 0 : i32
    %dma_start3A_54 = tpu.memref_slice %arg3[%dma_start3A_41, %dma_start3A_52, %dma_start3A_53] : memref<26x100000x16xf32, #tpu.memory_space<hbm>> -> memref<1x100000x16xf32, #tpu.memory_space<hbm>>
    %dma_start3A_55 = tpu.memref_squeeze %dma_start3A_54 : memref<1x100000x16xf32, #tpu.memory_space<hbm>> -> memref<100000x16xf32, #tpu.memory_space<hbm>>
    %dma_start3A_56 = arith.constant 0 : i32
    %dma_start3A_57 = arith.constant 0 : i32
    %dma_start3A_58 = tpu.memref_slice %dma_start3A_55[%dma_start3A_56, %dma_start3A_57] : memref<100000x16xf32, #tpu.memory_space<hbm>> -> memref<100000x16xf32, #tpu.memory_space<hbm>>
    tpu.enqueue_indirect_dma source(%dma_start3A_58 : memref<100000x16xf32, #tpu.memory_space<hbm>>) target(%dma_start3A_48 : memref<128x16xf32, #tpu.memory_space<vmem>>) offsets(%dma_start3A_51 : memref<128xi32, #tpu.memory_space<vmem>>) semaphore(%arg8 : memref<!tpu.dma_semaphore, #tpu.memory_space<semaphore_mem>>)
    %dma_start3A_59 = arith.constant 0 : i32
    %dma_start3A_60 = arith.constant 0 : i32
    %dma_start3A_61 = arith.constant 3 : i32
    %dma_start3A_62 = arith.constant 0 : i32
    %dma_start3A_63 = arith.constant 384 : i32
    %dma_start3A_64 = arith.constant 0 : i32
    %dma_start3A_65 = tpu.memref_slice %arg6[%dma_start3A_62, %dma_start3A_63, %dma_start3A_64] : memref<2x2560x16xf32, #tpu.memory_space<vmem>> -> memref<1x128x16xf32, #tpu.memory_space<vmem>>
    %dma_start3A_66 = tpu.memref_squeeze %dma_start3A_65 : memref<1x128x16xf32, #tpu.memory_space<vmem>> -> memref<128x16xf32, #tpu.memory_space<vmem>>
    %dma_start3A_67 = arith.constant 0 : i32
    %dma_start3A_68 = tpu.memref_slice %arg5[%dma_start3A_60, %dma_start3A_61, %dma_start3A_67] : memref<2x20x128xi32, #tpu.memory_space<vmem>> -> memref<1x1x128xi32, #tpu.memory_space<vmem>>
    %dma_start3A_69 = tpu.memref_squeeze %dma_start3A_68 : memref<1x1x128xi32, #tpu.memory_space<vmem>> -> memref<128xi32, #tpu.memory_space<vmem>>
    %dma_start3A_70 = arith.constant 0 : i32
    %dma_start3A_71 = arith.constant 0 : i32
    %dma_start3A_72 = tpu.memref_slice %arg3[%dma_start3A_59, %dma_start3A_70, %dma_start3A_71] : memref<26x100000x16xf32, #tpu.memory_space<hbm>> -> memref<1x100000x16xf32, #tpu.memory_space<hbm>>
    %dma_start3A_73 = tpu.memref_squeeze %dma_start3A_72 : memref<1x100000x16xf32, #tpu.memory_space<hbm>> -> memref<100000x16xf32, #tpu.memory_space<hbm>>
    %dma_start3A_74 = arith.constant 0 : i32
    %dma_start3A_75 = arith.constant 0 : i32
    %dma_start3A_76 = tpu.memref_slice %dma_start3A_73[%dma_start3A_74, %dma_start3A_75] : memref<100000x16xf32, #tpu.memory_space<hbm>> -> memref<100000x16xf32, #tpu.memory_space<hbm>>
    tpu.enqueue_indirect_dma source(%dma_start3A_76 : memref<100000x16xf32, #tpu.memory_space<hbm>>) target(%dma_start3A_66 : memref<128x16xf32, #tpu.memory_space<vmem>>) offsets(%dma_start3A_69 : memref<128xi32, #tpu.memory_space<vmem>>) semaphore(%arg8 : memref<!tpu.dma_semaphore, #tpu.memory_space<semaphore_mem>>)
    %dma_start3A_77 = arith.constant 0 : i32
    %dma_start3A_78 = arith.constant 0 : i32
    %dma_start3A_79 = arith.constant 4 : i32
    %dma_start3A_80 = arith.constant 0 : i32
    %dma_start3A_81 = arith.constant 512 : i32
    %dma_start3A_82 = arith.constant 0 : i32
    %dma_start3A_83 = tpu.memref_slice %arg6[%dma_start3A_80, %dma_start3A_81, %dma_start3A_82] : memref<2x2560x16xf32, #tpu.memory_space<vmem>> -> memref<1x128x16xf32, #tpu.memory_space<vmem>>
    %dma_start3A_84 = tpu.memref_squeeze %dma_start3A_83 : memref<1x128x16xf32, #tpu.memory_space<vmem>> -> memref<128x16xf32, #tpu.memory_space<vmem>>
    %dma_start3A_85 = arith.constant 0 : i32
    %dma_start3A_86 = tpu.memref_slice %arg5[%dma_start3A_78, %dma_start3A_79, %dma_start3A_85] : memref<2x20x128xi32, #tpu.memory_space<vmem>> -> memref<1x1x128xi32, #tpu.memory_space<vmem>>
    %dma_start3A_87 = tpu.memref_squeeze %dma_start3A_86 : memref<1x1x128xi32, #tpu.memory_space<vmem>> -> memref<128xi32, #tpu.memory_space<vmem>>
    %dma_start3A_88 = arith.constant 0 : i32
    %dma_start3A_89 = arith.constant 0 : i32
    %dma_start3A_90 = tpu.memref_slice %arg3[%dma_start3A_77, %dma_start3A_88, %dma_start3A_89] : memref<26x100000x16xf32, #tpu.memory_space<hbm>> -> memref<1x100000x16xf32, #tpu.memory_space<hbm>>
    %dma_start3A_91 = tpu.memref_squeeze %dma_start3A_90 : memref<1x100000x16xf32, #tpu.memory_space<hbm>> -> memref<100000x16xf32, #tpu.memory_space<hbm>>
    %dma_start3A_92 = arith.constant 0 : i32
    %dma_start3A_93 = arith.constant 0 : i32
    %dma_start3A_94 = tpu.memref_slice %dma_start3A_91[%dma_start3A_92, %dma_start3A_93] : memref<100000x16xf32, #tpu.memory_space<hbm>> -> memref<100000x16xf32, #tpu.memory_space<hbm>>
    tpu.enqueue_indirect_dma source(%dma_start3A_94 : memref<100000x16xf32, #tpu.memory_space<hbm>>) target(%dma_start3A_84 : memref<128x16xf32, #tpu.memory_space<vmem>>) offsets(%dma_start3A_87 : memref<128xi32, #tpu.memory_space<vmem>>) semaphore(%arg8 : memref<!tpu.dma_semaphore, #tpu.memory_space<semaphore_mem>>)
    %dma_start3A_95 = arith.constant 0 : i32
    %dma_start3A_96 = arith.constant 0 : i32
    %dma_start3A_97 = arith.constant 5 : i32
    %dma_start3A_98 = arith.constant 0 : i32
    %dma_start3A_99 = arith.constant 640 : i32
    %dma_start3A_100 = arith.constant 0 : i32
    %dma_start3A_101 = tpu.memref_slice %arg6[%dma_start3A_98, %dma_start3A_99, %dma_start3A_100] : memref<2x2560x16xf32, #tpu.memory_space<vmem>> -> memref<1x128x16xf32, #tpu.memory_space<vmem>>
    %dma_start3A_102 = tpu.memref_squeeze %dma_start3A_101 : memref<1x128x16xf32, #tpu.memory_space<vmem>> -> memref<128x16xf32, #tpu.memory_space<vmem>>
    %dma_start3A_103 = arith.constant 0 : i32
    %dma_start3A_104 = tpu.memref_slice %arg5[%dma_start3A_96, %dma_start3A_97, %dma_start3A_103] : memref<2x20x128xi32, #tpu.memory_space<vmem>> -> memref<1x1x128xi32, #tpu.memory_space<vmem>>
    %dma_start3A_105 = tpu.memref_squeeze %dma_start3A_104 : memref<1x1x128xi32, #tpu.memory_space<vmem>> -> memref<128xi32, #tpu.memory_space<vmem>>
    %dma_start3A_106 = arith.constant 0 : i32
    %dma_start3A_107 = arith.constant 0 : i32
    %dma_start3A_108 = tpu.memref_slice %arg3[%dma_start3A_95, %dma_start3A_106, %dma_start3A_107] : memref<26x100000x16xf32, #tpu.memory_space<hbm>> -> memref<1x100000x16xf32, #tpu.memory_space<hbm>>
    %dma_start3A_109 = tpu.memref_squeeze %dma_start3A_108 : memref<1x100000x16xf32, #tpu.memory_space<hbm>> -> memref<100000x16xf32, #tpu.memory_space<hbm>>
    %dma_start3A_110 = arith.constant 0 : i32
    %dma_start3A_111 = arith.constant 0 : i32
    %dma_start3A_112 = tpu.memref_slice %dma_start3A_109[%dma_start3A_110, %dma_start3A_111] : memref<100000x16xf32, #tpu.memory_space<hbm>> -> memref<100000x16xf32, #tpu.memory_space<hbm>>
    tpu.enqueue_indirect_dma source(%dma_start3A_112 : memref<100000x16xf32, #tpu.memory_space<hbm>>) target(%dma_start3A_102 : memref<128x16xf32, #tpu.memory_space<vmem>>) offsets(%dma_start3A_105 : memref<128xi32, #tpu.memory_space<vmem>>) semaphore(%arg8 : memref<!tpu.dma_semaphore, #tpu.memory_space<semaphore_mem>>)
    %dma_start3A_113 = arith.constant 0 : i32
    %dma_start3A_114 = arith.constant 0 : i32
    %dma_start3A_115 = arith.constant 6 : i32
    %dma_start3A_116 = arith.constant 0 : i32
    %dma_start3A_117 = arith.constant 768 : i32
    %dma_start3A_118 = arith.constant 0 : i32
    %dma_start3A_119 = tpu.memref_slice %arg6[%dma_start3A_116, %dma_start3A_117, %dma_start3A_118] : memref<2x2560x16xf32, #tpu.memory_space<vmem>> -> memref<1x128x16xf32, #tpu.memory_space<vmem>>
    %dma_start3A_120 = tpu.memref_squeeze %dma_start3A_119 : memref<1x128x16xf32, #tpu.memory_space<vmem>> -> memref<128x16xf32, #tpu.memory_space<vmem>>
    %dma_start3A_121 = arith.constant 0 : i32
    %dma_start3A_122 = tpu.memref_slice %arg5[%dma_start3A_114, %dma_start3A_115, %dma_start3A_121] : memref<2x20x128xi32, #tpu.memory_space<vmem>> -> memref<1x1x128xi32, #tpu.memory_space<vmem>>
    %dma_start3A_123 = tpu.memref_squeeze %dma_start3A_122 : memref<1x1x128xi32, #tpu.memory_space<vmem>> -> memref<128xi32, #tpu.memory_space<vmem>>
    %dma_start3A_124 = arith.constant 0 : i32
    %dma_start3A_125 = arith.constant 0 : i32
    %dma_start3A_126 = tpu.memref_slice %arg3[%dma_start3A_113, %dma_start3A_124, %dma_start3A_125] : memref<26x100000x16xf32, #tpu.memory_space<hbm>> -> memref<1x100000x16xf32, #tpu.memory_space<hbm>>
    %dma_start3A_127 = tpu.memref_squeeze %dma_start3A_126 : memref<1x100000x16xf32, #tpu.memory_space<hbm>> -> memref<100000x16xf32, #tpu.memory_space<hbm>>
    %dma_start3A_128 = arith.constant 0 : i32
    %dma_start3A_129 = arith.constant 0 : i32
    %dma_start3A_130 = tpu.memref_slice %dma_start3A_127[%dma_start3A_128, %dma_start3A_129] : memref<100000x16xf32, #tpu.memory_space<hbm>> -> memref<100000x16xf32, #tpu.memory_space<hbm>>
    tpu.enqueue_indirect_dma source(%dma_start3A_130 : memref<100000x16xf32, #tpu.memory_space<hbm>>) target(%dma_start3A_120 : memref<128x16xf32, #tpu.memory_space<vmem>>) offsets(%dma_start3A_123 : memref<128xi32, #tpu.memory_space<vmem>>) semaphore(%arg8 : memref<!tpu.dma_semaphore, #tpu.memory_space<semaphore_mem>>)
    %dma_start3A_131 = arith.constant 0 : i32
    %dma_start3A_132 = arith.constant 0 : i32
    %dma_start3A_133 = arith.constant 7 : i32
    %dma_start3A_134 = arith.constant 0 : i32
    %dma_start3A_135 = arith.constant 896 : i32
    %dma_start3A_136 = arith.constant 0 : i32
    %dma_start3A_137 = tpu.memref_slice %arg6[%dma_start3A_134, %dma_start3A_135, %dma_start3A_136] : memref<2x2560x16xf32, #tpu.memory_space<vmem>> -> memref<1x128x16xf32, #tpu.memory_space<vmem>>
    %dma_start3A_138 = tpu.memref_squeeze %dma_start3A_137 : memref<1x128x16xf32, #tpu.memory_space<vmem>> -> memref<128x16xf32, #tpu.memory_space<vmem>>
    %dma_start3A_139 = arith.constant 0 : i32
    %dma_start3A_140 = tpu.memref_slice %arg5[%dma_start3A_132, %dma_start3A_133, %dma_start3A_139] : memref<2x20x128xi32, #tpu.memory_space<vmem>> -> memref<1x1x128xi32, #tpu.memory_space<vmem>>
    %dma_start3A_141 = tpu.memref_squeeze %dma_start3A_140 : memref<1x1x128xi32, #tpu.memory_space<vmem>> -> memref<128xi32, #tpu.memory_space<vmem>>
    %dma_start3A_142 = arith.constant 0 : i32
    %dma_start3A_143 = arith.constant 0 : i32
    %dma_start3A_144 = tpu.memref_slice %arg3[%dma_start3A_131, %dma_start3A_142, %dma_start3A_143] : memref<26x100000x16xf32, #tpu.memory_space<hbm>> -> memref<1x100000x16xf32, #tpu.memory_space<hbm>>
    %dma_start3A_145 = tpu.memref_squeeze %dma_start3A_144 : memref<1x100000x16xf32, #tpu.memory_space<hbm>> -> memref<100000x16xf32, #tpu.memory_space<hbm>>
    %dma_start3A_146 = arith.constant 0 : i32
    %dma_start3A_147 = arith.constant 0 : i32
    %dma_start3A_148 = tpu.memref_slice %dma_start3A_145[%dma_start3A_146, %dma_start3A_147] : memref<100000x16xf32, #tpu.memory_space<hbm>> -> memref<100000x16xf32, #tpu.memory_space<hbm>>
    tpu.enqueue_indirect_dma source(%dma_start3A_148 : memref<100000x16xf32, #tpu.memory_space<hbm>>) target(%dma_start3A_138 : memref<128x16xf32, #tpu.memory_space<vmem>>) offsets(%dma_start3A_141 : memref<128xi32, #tpu.memory_space<vmem>>) semaphore(%arg8 : memref<!tpu.dma_semaphore, #tpu.memory_space<semaphore_mem>>)
    %dma_start3A_149 = arith.constant 0 : i32
    %dma_start3A_150 = arith.constant 0 : i32
    %dma_start3A_151 = arith.constant 8 : i32
    %dma_start3A_152 = arith.constant 0 : i32
    %dma_start3A_153 = arith.constant 1024 : i32
    %dma_start3A_154 = arith.constant 0 : i32
    %dma_start3A_155 = tpu.memref_slice %arg6[%dma_start3A_152, %dma_start3A_153, %dma_start3A_154] : memref<2x2560x16xf32, #tpu.memory_space<vmem>> -> memref<1x128x16xf32, #tpu.memory_space<vmem>>
    %dma_start3A_156 = tpu.memref_squeeze %dma_start3A_155 : memref<1x128x16xf32, #tpu.memory_space<vmem>> -> memref<128x16xf32, #tpu.memory_space<vmem>>
    %dma_start3A_157 = arith.constant 0 : i32
    %dma_start3A_158 = tpu.memref_slice %arg5[%dma_start3A_150, %dma_start3A_151, %dma_start3A_157] : memref<2x20x128xi32, #tpu.memory_space<vmem>> -> memref<1x1x128xi32, #tpu.memory_space<vmem>>
    %dma_start3A_159 = tpu.memref_squeeze %dma_start3A_158 : memref<1x1x128xi32, #tpu.memory_space<vmem>> -> memref<128xi32, #tpu.memory_space<vmem>>
    %dma_start3A_160 = arith.constant 0 : i32
    %dma_start3A_161 = arith.constant 0 : i32
    %dma_start3A_162 = tpu.memref_slice %arg3[%dma_start3A_149, %dma_start3A_160, %dma_start3A_161] : memref<26x100000x16xf32, #tpu.memory_space<hbm>> -> memref<1x100000x16xf32, #tpu.memory_space<hbm>>
    %dma_start3A_163 = tpu.memref_squeeze %dma_start3A_162 : memref<1x100000x16xf32, #tpu.memory_space<hbm>> -> memref<100000x16xf32, #tpu.memory_space<hbm>>
    %dma_start3A_164 = arith.constant 0 : i32
    %dma_start3A_165 = arith.constant 0 : i32
    %dma_start3A_166 = tpu.memref_slice %dma_start3A_163[%dma_start3A_164, %dma_start3A_165] : memref<100000x16xf32, #tpu.memory_space<hbm>> -> memref<100000x16xf32, #tpu.memory_space<hbm>>
    tpu.enqueue_indirect_dma source(%dma_start3A_166 : memref<100000x16xf32, #tpu.memory_space<hbm>>) target(%dma_start3A_156 : memref<128x16xf32, #tpu.memory_space<vmem>>) offsets(%dma_start3A_159 : memref<128xi32, #tpu.memory_space<vmem>>) semaphore(%arg8 : memref<!tpu.dma_semaphore, #tpu.memory_space<semaphore_mem>>)
    %dma_start3A_167 = arith.constant 0 : i32
    %dma_start3A_168 = arith.constant 0 : i32
    %dma_start3A_169 = arith.constant 9 : i32
    %dma_start3A_170 = arith.constant 0 : i32
    %dma_start3A_171 = arith.constant 1152 : i32
    %dma_start3A_172 = arith.constant 0 : i32
    %dma_start3A_173 = tpu.memref_slice %arg6[%dma_start3A_170, %dma_start3A_171, %dma_start3A_172] : memref<2x2560x16xf32, #tpu.memory_space<vmem>> -> memref<1x128x16xf32, #tpu.memory_space<vmem>>
    %dma_start3A_174 = tpu.memref_squeeze %dma_start3A_173 : memref<1x128x16xf32, #tpu.memory_space<vmem>> -> memref<128x16xf32, #tpu.memory_space<vmem>>
    %dma_start3A_175 = arith.constant 0 : i32
    %dma_start3A_176 = tpu.memref_slice %arg5[%dma_start3A_168, %dma_start3A_169, %dma_start3A_175] : memref<2x20x128xi32, #tpu.memory_space<vmem>> -> memref<1x1x128xi32, #tpu.memory_space<vmem>>
    %dma_start3A_177 = tpu.memref_squeeze %dma_start3A_176 : memref<1x1x128xi32, #tpu.memory_space<vmem>> -> memref<128xi32, #tpu.memory_space<vmem>>
    %dma_start3A_178 = arith.constant 0 : i32
    %dma_start3A_179 = arith.constant 0 : i32
    %dma_start3A_180 = tpu.memref_slice %arg3[%dma_start3A_167, %dma_start3A_178, %dma_start3A_179] : memref<26x100000x16xf32, #tpu.memory_space<hbm>> -> memref<1x100000x16xf32, #tpu.memory_space<hbm>>
    %dma_start3A_181 = tpu.memref_squeeze %dma_start3A_180 : memref<1x100000x16xf32, #tpu.memory_space<hbm>> -> memref<100000x16xf32, #tpu.memory_space<hbm>>
    %dma_start3A_182 = arith.constant 0 : i32
    %dma_start3A_183 = arith.constant 0 : i32
    %dma_start3A_184 = tpu.memref_slice %dma_start3A_181[%dma_start3A_182, %dma_start3A_183] : memref<100000x16xf32, #tpu.memory_space<hbm>> -> memref<100000x16xf32, #tpu.memory_space<hbm>>
    tpu.enqueue_indirect_dma source(%dma_start3A_184 : memref<100000x16xf32, #tpu.memory_space<hbm>>) target(%dma_start3A_174 : memref<128x16xf32, #tpu.memory_space<vmem>>) offsets(%dma_start3A_177 : memref<128xi32, #tpu.memory_space<vmem>>) semaphore(%arg8 : memref<!tpu.dma_semaphore, #tpu.memory_space<semaphore_mem>>)
    %dma_start3A_185 = arith.constant 0 : i32
    %dma_start3A_186 = arith.constant 0 : i32
    %dma_start3A_187 = arith.constant 10 : i32
    %dma_start3A_188 = arith.constant 0 : i32
    %dma_start3A_189 = arith.constant 1280 : i32
    %dma_start3A_190 = arith.constant 0 : i32
    %dma_start3A_191 = tpu.memref_slice %arg6[%dma_start3A_188, %dma_start3A_189, %dma_start3A_190] : memref<2x2560x16xf32, #tpu.memory_space<vmem>> -> memref<1x128x16xf32, #tpu.memory_space<vmem>>
    %dma_start3A_192 = tpu.memref_squeeze %dma_start3A_191 : memref<1x128x16xf32, #tpu.memory_space<vmem>> -> memref<128x16xf32, #tpu.memory_space<vmem>>
    %dma_start3A_193 = arith.constant 0 : i32
    %dma_start3A_194 = tpu.memref_slice %arg5[%dma_start3A_186, %dma_start3A_187, %dma_start3A_193] : memref<2x20x128xi32, #tpu.memory_space<vmem>> -> memref<1x1x128xi32, #tpu.memory_space<vmem>>
    %dma_start3A_195 = tpu.memref_squeeze %dma_start3A_194 : memref<1x1x128xi32, #tpu.memory_space<vmem>> -> memref<128xi32, #tpu.memory_space<vmem>>
    %dma_start3A_196 = arith.constant 0 : i32
    %dma_start3A_197 = arith.constant 0 : i32
    %dma_start3A_198 = tpu.memref_slice %arg3[%dma_start3A_185, %dma_start3A_196, %dma_start3A_197] : memref<26x100000x16xf32, #tpu.memory_space<hbm>> -> memref<1x100000x16xf32, #tpu.memory_space<hbm>>
    %dma_start3A_199 = tpu.memref_squeeze %dma_start3A_198 : memref<1x100000x16xf32, #tpu.memory_space<hbm>> -> memref<100000x16xf32, #tpu.memory_space<hbm>>
    %dma_start3A_200 = arith.constant 0 : i32
    %dma_start3A_201 = arith.constant 0 : i32
    %dma_start3A_202 = tpu.memref_slice %dma_start3A_199[%dma_start3A_200, %dma_start3A_201] : memref<100000x16xf32, #tpu.memory_space<hbm>> -> memref<100000x16xf32, #tpu.memory_space<hbm>>
    tpu.enqueue_indirect_dma source(%dma_start3A_202 : memref<100000x16xf32, #tpu.memory_space<hbm>>) target(%dma_start3A_192 : memref<128x16xf32, #tpu.memory_space<vmem>>) offsets(%dma_start3A_195 : memref<128xi32, #tpu.memory_space<vmem>>) semaphore(%arg8 : memref<!tpu.dma_semaphore, #tpu.memory_space<semaphore_mem>>)
    %dma_start3A_203 = arith.constant 0 : i32
    %dma_start3A_204 = arith.constant 0 : i32
    %dma_start3A_205 = arith.constant 11 : i32
    %dma_start3A_206 = arith.constant 0 : i32
    %dma_start3A_207 = arith.constant 1408 : i32
    %dma_start3A_208 = arith.constant 0 : i32
    %dma_start3A_209 = tpu.memref_slice %arg6[%dma_start3A_206, %dma_start3A_207, %dma_start3A_208] : memref<2x2560x16xf32, #tpu.memory_space<vmem>> -> memref<1x128x16xf32, #tpu.memory_space<vmem>>
    %dma_start3A_210 = tpu.memref_squeeze %dma_start3A_209 : memref<1x128x16xf32, #tpu.memory_space<vmem>> -> memref<128x16xf32, #tpu.memory_space<vmem>>
    %dma_start3A_211 = arith.constant 0 : i32
    %dma_start3A_212 = tpu.memref_slice %arg5[%dma_start3A_204, %dma_start3A_205, %dma_start3A_211] : memref<2x20x128xi32, #tpu.memory_space<vmem>> -> memref<1x1x128xi32, #tpu.memory_space<vmem>>
    %dma_start3A_213 = tpu.memref_squeeze %dma_start3A_212 : memref<1x1x128xi32, #tpu.memory_space<vmem>> -> memref<128xi32, #tpu.memory_space<vmem>>
    %dma_start3A_214 = arith.constant 0 : i32
    %dma_start3A_215 = arith.constant 0 : i32
    %dma_start3A_216 = tpu.memref_slice %arg3[%dma_start3A_203, %dma_start3A_214, %dma_start3A_215] : memref<26x100000x16xf32, #tpu.memory_space<hbm>> -> memref<1x100000x16xf32, #tpu.memory_space<hbm>>
    %dma_start3A_217 = tpu.memref_squeeze %dma_start3A_216 : memref<1x100000x16xf32, #tpu.memory_space<hbm>> -> memref<100000x16xf32, #tpu.memory_space<hbm>>
    %dma_start3A_218 = arith.constant 0 : i32
    %dma_start3A_219 = arith.constant 0 : i32
    %dma_start3A_220 = tpu.memref_slice %dma_start3A_217[%dma_start3A_218, %dma_start3A_219] : memref<100000x16xf32, #tpu.memory_space<hbm>> -> memref<100000x16xf32, #tpu.memory_space<hbm>>
    tpu.enqueue_indirect_dma source(%dma_start3A_220 : memref<100000x16xf32, #tpu.memory_space<hbm>>) target(%dma_start3A_210 : memref<128x16xf32, #tpu.memory_space<vmem>>) offsets(%dma_start3A_213 : memref<128xi32, #tpu.memory_space<vmem>>) semaphore(%arg8 : memref<!tpu.dma_semaphore, #tpu.memory_space<semaphore_mem>>)
    %dma_start3A_221 = arith.constant 0 : i32
    %dma_start3A_222 = arith.constant 0 : i32
    %dma_start3A_223 = arith.constant 12 : i32
    %dma_start3A_224 = arith.constant 0 : i32
    %dma_start3A_225 = arith.constant 1536 : i32
    %dma_start3A_226 = arith.constant 0 : i32
    %dma_start3A_227 = tpu.memref_slice %arg6[%dma_start3A_224, %dma_start3A_225, %dma_start3A_226] : memref<2x2560x16xf32, #tpu.memory_space<vmem>> -> memref<1x128x16xf32, #tpu.memory_space<vmem>>
    %dma_start3A_228 = tpu.memref_squeeze %dma_start3A_227 : memref<1x128x16xf32, #tpu.memory_space<vmem>> -> memref<128x16xf32, #tpu.memory_space<vmem>>
    %dma_start3A_229 = arith.constant 0 : i32
    %dma_start3A_230 = tpu.memref_slice %arg5[%dma_start3A_222, %dma_start3A_223, %dma_start3A_229] : memref<2x20x128xi32, #tpu.memory_space<vmem>> -> memref<1x1x128xi32, #tpu.memory_space<vmem>>
    %dma_start3A_231 = tpu.memref_squeeze %dma_start3A_230 : memref<1x1x128xi32, #tpu.memory_space<vmem>> -> memref<128xi32, #tpu.memory_space<vmem>>
    %dma_start3A_232 = arith.constant 0 : i32
    %dma_start3A_233 = arith.constant 0 : i32
    %dma_start3A_234 = tpu.memref_slice %arg3[%dma_start3A_221, %dma_start3A_232, %dma_start3A_233] : memref<26x100000x16xf32, #tpu.memory_space<hbm>> -> memref<1x100000x16xf32, #tpu.memory_space<hbm>>
    %dma_start3A_235 = tpu.memref_squeeze %dma_start3A_234 : memref<1x100000x16xf32, #tpu.memory_space<hbm>> -> memref<100000x16xf32, #tpu.memory_space<hbm>>
    %dma_start3A_236 = arith.constant 0 : i32
    %dma_start3A_237 = arith.constant 0 : i32
    %dma_start3A_238 = tpu.memref_slice %dma_start3A_235[%dma_start3A_236, %dma_start3A_237] : memref<100000x16xf32, #tpu.memory_space<hbm>> -> memref<100000x16xf32, #tpu.memory_space<hbm>>
    tpu.enqueue_indirect_dma source(%dma_start3A_238 : memref<100000x16xf32, #tpu.memory_space<hbm>>) target(%dma_start3A_228 : memref<128x16xf32, #tpu.memory_space<vmem>>) offsets(%dma_start3A_231 : memref<128xi32, #tpu.memory_space<vmem>>) semaphore(%arg8 : memref<!tpu.dma_semaphore, #tpu.memory_space<semaphore_mem>>)
    %dma_start3A_239 = arith.constant 0 : i32
    %dma_start3A_240 = arith.constant 0 : i32
    %dma_start3A_241 = arith.constant 13 : i32
    %dma_start3A_242 = arith.constant 0 : i32
    %dma_start3A_243 = arith.constant 1664 : i32
    %dma_start3A_244 = arith.constant 0 : i32
    %dma_start3A_245 = tpu.memref_slice %arg6[%dma_start3A_242, %dma_start3A_243, %dma_start3A_244] : memref<2x2560x16xf32, #tpu.memory_space<vmem>> -> memref<1x128x16xf32, #tpu.memory_space<vmem>>
    %dma_start3A_246 = tpu.memref_squeeze %dma_start3A_245 : memref<1x128x16xf32, #tpu.memory_space<vmem>> -> memref<128x16xf32, #tpu.memory_space<vmem>>
    %dma_start3A_247 = arith.constant 0 : i32
    %dma_start3A_248 = tpu.memref_slice %arg5[%dma_start3A_240, %dma_start3A_241, %dma_start3A_247] : memref<2x20x128xi32, #tpu.memory_space<vmem>> -> memref<1x1x128xi32, #tpu.memory_space<vmem>>
    %dma_start3A_249 = tpu.memref_squeeze %dma_start3A_248 : memref<1x1x128xi32, #tpu.memory_space<vmem>> -> memref<128xi32, #tpu.memory_space<vmem>>
    %dma_start3A_250 = arith.constant 0 : i32
    %dma_start3A_251 = arith.constant 0 : i32
    %dma_start3A_252 = tpu.memref_slice %arg3[%dma_start3A_239, %dma_start3A_250, %dma_start3A_251] : memref<26x100000x16xf32, #tpu.memory_space<hbm>> -> memref<1x100000x16xf32, #tpu.memory_space<hbm>>
    %dma_start3A_253 = tpu.memref_squeeze %dma_start3A_252 : memref<1x100000x16xf32, #tpu.memory_space<hbm>> -> memref<100000x16xf32, #tpu.memory_space<hbm>>
    %dma_start3A_254 = arith.constant 0 : i32
    %dma_start3A_255 = arith.constant 0 : i32
    %dma_start3A_256 = tpu.memref_slice %dma_start3A_253[%dma_start3A_254, %dma_start3A_255] : memref<100000x16xf32, #tpu.memory_space<hbm>> -> memref<100000x16xf32, #tpu.memory_space<hbm>>
    tpu.enqueue_indirect_dma source(%dma_start3A_256 : memref<100000x16xf32, #tpu.memory_space<hbm>>) target(%dma_start3A_246 : memref<128x16xf32, #tpu.memory_space<vmem>>) offsets(%dma_start3A_249 : memref<128xi32, #tpu.memory_space<vmem>>) semaphore(%arg8 : memref<!tpu.dma_semaphore, #tpu.memory_space<semaphore_mem>>)
    %dma_start3A_257 = arith.constant 0 : i32
    %dma_start3A_258 = arith.constant 0 : i32
    %dma_start3A_259 = arith.constant 14 : i32
    %dma_start3A_260 = arith.constant 0 : i32
    %dma_start3A_261 = arith.constant 1792 : i32
    %dma_start3A_262 = arith.constant 0 : i32
    %dma_start3A_263 = tpu.memref_slice %arg6[%dma_start3A_260, %dma_start3A_261, %dma_start3A_262] : memref<2x2560x16xf32, #tpu.memory_space<vmem>> -> memref<1x128x16xf32, #tpu.memory_space<vmem>>
    %dma_start3A_264 = tpu.memref_squeeze %dma_start3A_263 : memref<1x128x16xf32, #tpu.memory_space<vmem>> -> memref<128x16xf32, #tpu.memory_space<vmem>>
    %dma_start3A_265 = arith.constant 0 : i32
    %dma_start3A_266 = tpu.memref_slice %arg5[%dma_start3A_258, %dma_start3A_259, %dma_start3A_265] : memref<2x20x128xi32, #tpu.memory_space<vmem>> -> memref<1x1x128xi32, #tpu.memory_space<vmem>>
    %dma_start3A_267 = tpu.memref_squeeze %dma_start3A_266 : memref<1x1x128xi32, #tpu.memory_space<vmem>> -> memref<128xi32, #tpu.memory_space<vmem>>
    %dma_start3A_268 = arith.constant 0 : i32
    %dma_start3A_269 = arith.constant 0 : i32
    %dma_start3A_270 = tpu.memref_slice %arg3[%dma_start3A_257, %dma_start3A_268, %dma_start3A_269] : memref<26x100000x16xf32, #tpu.memory_space<hbm>> -> memref<1x100000x16xf32, #tpu.memory_space<hbm>>
    %dma_start3A_271 = tpu.memref_squeeze %dma_start3A_270 : memref<1x100000x16xf32, #tpu.memory_space<hbm>> -> memref<100000x16xf32, #tpu.memory_space<hbm>>
    %dma_start3A_272 = arith.constant 0 : i32
    %dma_start3A_273 = arith.constant 0 : i32
    %dma_start3A_274 = tpu.memref_slice %dma_start3A_271[%dma_start3A_272, %dma_start3A_273] : memref<100000x16xf32, #tpu.memory_space<hbm>> -> memref<100000x16xf32, #tpu.memory_space<hbm>>
    tpu.enqueue_indirect_dma source(%dma_start3A_274 : memref<100000x16xf32, #tpu.memory_space<hbm>>) target(%dma_start3A_264 : memref<128x16xf32, #tpu.memory_space<vmem>>) offsets(%dma_start3A_267 : memref<128xi32, #tpu.memory_space<vmem>>) semaphore(%arg8 : memref<!tpu.dma_semaphore, #tpu.memory_space<semaphore_mem>>)
    %dma_start3A_275 = arith.constant 0 : i32
    %dma_start3A_276 = arith.constant 0 : i32
    %dma_start3A_277 = arith.constant 15 : i32
    %dma_start3A_278 = arith.constant 0 : i32
    %dma_start3A_279 = arith.constant 1920 : i32
    %dma_start3A_280 = arith.constant 0 : i32
    %dma_start3A_281 = tpu.memref_slice %arg6[%dma_start3A_278, %dma_start3A_279, %dma_start3A_280] : memref<2x2560x16xf32, #tpu.memory_space<vmem>> -> memref<1x128x16xf32, #tpu.memory_space<vmem>>
    %dma_start3A_282 = tpu.memref_squeeze %dma_start3A_281 : memref<1x128x16xf32, #tpu.memory_space<vmem>> -> memref<128x16xf32, #tpu.memory_space<vmem>>
    %dma_start3A_283 = arith.constant 0 : i32
    %dma_start3A_284 = tpu.memref_slice %arg5[%dma_start3A_276, %dma_start3A_277, %dma_start3A_283] : memref<2x20x128xi32, #tpu.memory_space<vmem>> -> memref<1x1x128xi32, #tpu.memory_space<vmem>>
    %dma_start3A_285 = tpu.memref_squeeze %dma_start3A_284 : memref<1x1x128xi32, #tpu.memory_space<vmem>> -> memref<128xi32, #tpu.memory_space<vmem>>
    %dma_start3A_286 = arith.constant 0 : i32
    %dma_start3A_287 = arith.constant 0 : i32
    %dma_start3A_288 = tpu.memref_slice %arg3[%dma_start3A_275, %dma_start3A_286, %dma_start3A_287] : memref<26x100000x16xf32, #tpu.memory_space<hbm>> -> memref<1x100000x16xf32, #tpu.memory_space<hbm>>
    %dma_start3A_289 = tpu.memref_squeeze %dma_start3A_288 : memref<1x100000x16xf32, #tpu.memory_space<hbm>> -> memref<100000x16xf32, #tpu.memory_space<hbm>>
    %dma_start3A_290 = arith.constant 0 : i32
    %dma_start3A_291 = arith.constant 0 : i32
    %dma_start3A_292 = tpu.memref_slice %dma_start3A_289[%dma_start3A_290, %dma_start3A_291] : memref<100000x16xf32, #tpu.memory_space<hbm>> -> memref<100000x16xf32, #tpu.memory_space<hbm>>
    tpu.enqueue_indirect_dma source(%dma_start3A_292 : memref<100000x16xf32, #tpu.memory_space<hbm>>) target(%dma_start3A_282 : memref<128x16xf32, #tpu.memory_space<vmem>>) offsets(%dma_start3A_285 : memref<128xi32, #tpu.memory_space<vmem>>) semaphore(%arg8 : memref<!tpu.dma_semaphore, #tpu.memory_space<semaphore_mem>>)
    %dma_start3A_293 = arith.constant 0 : i32
    %dma_start3A_294 = arith.constant 0 : i32
    %dma_start3A_295 = arith.constant 16 : i32
    %dma_start3A_296 = arith.constant 0 : i32
    %dma_start3A_297 = arith.constant 2048 : i32
    %dma_start3A_298 = arith.constant 0 : i32
    %dma_start3A_299 = tpu.memref_slice %arg6[%dma_start3A_296, %dma_start3A_297, %dma_start3A_298] : memref<2x2560x16xf32, #tpu.memory_space<vmem>> -> memref<1x128x16xf32, #tpu.memory_space<vmem>>
    %dma_start3A_300 = tpu.memref_squeeze %dma_start3A_299 : memref<1x128x16xf32, #tpu.memory_space<vmem>> -> memref<128x16xf32, #tpu.memory_space<vmem>>
    %dma_start3A_301 = arith.constant 0 : i32
    %dma_start3A_302 = tpu.memref_slice %arg5[%dma_start3A_294, %dma_start3A_295, %dma_start3A_301] : memref<2x20x128xi32, #tpu.memory_space<vmem>> -> memref<1x1x128xi32, #tpu.memory_space<vmem>>
    %dma_start3A_303 = tpu.memref_squeeze %dma_start3A_302 : memref<1x1x128xi32, #tpu.memory_space<vmem>> -> memref<128xi32, #tpu.memory_space<vmem>>
    %dma_start3A_304 = arith.constant 0 : i32
    %dma_start3A_305 = arith.constant 0 : i32
    %dma_start3A_306 = tpu.memref_slice %arg3[%dma_start3A_293, %dma_start3A_304, %dma_start3A_305] : memref<26x100000x16xf32, #tpu.memory_space<hbm>> -> memref<1x100000x16xf32, #tpu.memory_space<hbm>>
    %dma_start3A_307 = tpu.memref_squeeze %dma_start3A_306 : memref<1x100000x16xf32, #tpu.memory_space<hbm>> -> memref<100000x16xf32, #tpu.memory_space<hbm>>
    %dma_start3A_308 = arith.constant 0 : i32
    %dma_start3A_309 = arith.constant 0 : i32
    %dma_start3A_310 = tpu.memref_slice %dma_start3A_307[%dma_start3A_308, %dma_start3A_309] : memref<100000x16xf32, #tpu.memory_space<hbm>> -> memref<100000x16xf32, #tpu.memory_space<hbm>>
    tpu.enqueue_indirect_dma source(%dma_start3A_310 : memref<100000x16xf32, #tpu.memory_space<hbm>>) target(%dma_start3A_300 : memref<128x16xf32, #tpu.memory_space<vmem>>) offsets(%dma_start3A_303 : memref<128xi32, #tpu.memory_space<vmem>>) semaphore(%arg8 : memref<!tpu.dma_semaphore, #tpu.memory_space<semaphore_mem>>)
    %dma_start3A_311 = arith.constant 0 : i32
    %dma_start3A_312 = arith.constant 0 : i32
    %dma_start3A_313 = arith.constant 17 : i32
    %dma_start3A_314 = arith.constant 0 : i32
    %dma_start3A_315 = arith.constant 2176 : i32
    %dma_start3A_316 = arith.constant 0 : i32
    %dma_start3A_317 = tpu.memref_slice %arg6[%dma_start3A_314, %dma_start3A_315, %dma_start3A_316] : memref<2x2560x16xf32, #tpu.memory_space<vmem>> -> memref<1x128x16xf32, #tpu.memory_space<vmem>>
    %dma_start3A_318 = tpu.memref_squeeze %dma_start3A_317 : memref<1x128x16xf32, #tpu.memory_space<vmem>> -> memref<128x16xf32, #tpu.memory_space<vmem>>
    %dma_start3A_319 = arith.constant 0 : i32
    %dma_start3A_320 = tpu.memref_slice %arg5[%dma_start3A_312, %dma_start3A_313, %dma_start3A_319] : memref<2x20x128xi32, #tpu.memory_space<vmem>> -> memref<1x1x128xi32, #tpu.memory_space<vmem>>
    %dma_start3A_321 = tpu.memref_squeeze %dma_start3A_320 : memref<1x1x128xi32, #tpu.memory_space<vmem>> -> memref<128xi32, #tpu.memory_space<vmem>>
    %dma_start3A_322 = arith.constant 0 : i32
    %dma_start3A_323 = arith.constant 0 : i32
    %dma_start3A_324 = tpu.memref_slice %arg3[%dma_start3A_311, %dma_start3A_322, %dma_start3A_323] : memref<26x100000x16xf32, #tpu.memory_space<hbm>> -> memref<1x100000x16xf32, #tpu.memory_space<hbm>>
    %dma_start3A_325 = tpu.memref_squeeze %dma_start3A_324 : memref<1x100000x16xf32, #tpu.memory_space<hbm>> -> memref<100000x16xf32, #tpu.memory_space<hbm>>
    %dma_start3A_326 = arith.constant 0 : i32
    %dma_start3A_327 = arith.constant 0 : i32
    %dma_start3A_328 = tpu.memref_slice %dma_start3A_325[%dma_start3A_326, %dma_start3A_327] : memref<100000x16xf32, #tpu.memory_space<hbm>> -> memref<100000x16xf32, #tpu.memory_space<hbm>>
    tpu.enqueue_indirect_dma source(%dma_start3A_328 : memref<100000x16xf32, #tpu.memory_space<hbm>>) target(%dma_start3A_318 : memref<128x16xf32, #tpu.memory_space<vmem>>) offsets(%dma_start3A_321 : memref<128xi32, #tpu.memory_space<vmem>>) semaphore(%arg8 : memref<!tpu.dma_semaphore, #tpu.memory_space<semaphore_mem>>)
    %dma_start3A_329 = arith.constant 0 : i32
    %dma_start3A_330 = arith.constant 0 : i32
    %dma_start3A_331 = arith.constant 18 : i32
    %dma_start3A_332 = arith.constant 0 : i32
    %dma_start3A_333 = arith.constant 2304 : i32
    %dma_start3A_334 = arith.constant 0 : i32
    %dma_start3A_335 = tpu.memref_slice %arg6[%dma_start3A_332, %dma_start3A_333, %dma_start3A_334] : memref<2x2560x16xf32, #tpu.memory_space<vmem>> -> memref<1x128x16xf32, #tpu.memory_space<vmem>>
    %dma_start3A_336 = tpu.memref_squeeze %dma_start3A_335 : memref<1x128x16xf32, #tpu.memory_space<vmem>> -> memref<128x16xf32, #tpu.memory_space<vmem>>
    %dma_start3A_337 = arith.constant 0 : i32
    %dma_start3A_338 = tpu.memref_slice %arg5[%dma_start3A_330, %dma_start3A_331, %dma_start3A_337] : memref<2x20x128xi32, #tpu.memory_space<vmem>> -> memref<1x1x128xi32, #tpu.memory_space<vmem>>
    %dma_start3A_339 = tpu.memref_squeeze %dma_start3A_338 : memref<1x1x128xi32, #tpu.memory_space<vmem>> -> memref<128xi32, #tpu.memory_space<vmem>>
    %dma_start3A_340 = arith.constant 0 : i32
    %dma_start3A_341 = arith.constant 0 : i32
    %dma_start3A_342 = tpu.memref_slice %arg3[%dma_start3A_329, %dma_start3A_340, %dma_start3A_341] : memref<26x100000x16xf32, #tpu.memory_space<hbm>> -> memref<1x100000x16xf32, #tpu.memory_space<hbm>>
    %dma_start3A_343 = tpu.memref_squeeze %dma_start3A_342 : memref<1x100000x16xf32, #tpu.memory_space<hbm>> -> memref<100000x16xf32, #tpu.memory_space<hbm>>
    %dma_start3A_344 = arith.constant 0 : i32
    %dma_start3A_345 = arith.constant 0 : i32
    %dma_start3A_346 = tpu.memref_slice %dma_start3A_343[%dma_start3A_344, %dma_start3A_345] : memref<100000x16xf32, #tpu.memory_space<hbm>> -> memref<100000x16xf32, #tpu.memory_space<hbm>>
    tpu.enqueue_indirect_dma source(%dma_start3A_346 : memref<100000x16xf32, #tpu.memory_space<hbm>>) target(%dma_start3A_336 : memref<128x16xf32, #tpu.memory_space<vmem>>) offsets(%dma_start3A_339 : memref<128xi32, #tpu.memory_space<vmem>>) semaphore(%arg8 : memref<!tpu.dma_semaphore, #tpu.memory_space<semaphore_mem>>)
    %dma_start3A_347 = arith.constant 0 : i32
    %dma_start3A_348 = arith.constant 0 : i32
    %dma_start3A_349 = arith.constant 19 : i32
    %dma_start3A_350 = arith.constant 0 : i32
    %dma_start3A_351 = arith.constant 2432 : i32
    %dma_start3A_352 = arith.constant 0 : i32
    %dma_start3A_353 = tpu.memref_slice %arg6[%dma_start3A_350, %dma_start3A_351, %dma_start3A_352] : memref<2x2560x16xf32, #tpu.memory_space<vmem>> -> memref<1x128x16xf32, #tpu.memory_space<vmem>>
    %dma_start3A_354 = tpu.memref_squeeze %dma_start3A_353 : memref<1x128x16xf32, #tpu.memory_space<vmem>> -> memref<128x16xf32, #tpu.memory_space<vmem>>
    %dma_start3A_355 = arith.constant 0 : i32
    %dma_start3A_356 = tpu.memref_slice %arg5[%dma_start3A_348, %dma_start3A_349, %dma_start3A_355] : memref<2x20x128xi32, #tpu.memory_space<vmem>> -> memref<1x1x128xi32, #tpu.memory_space<vmem>>
    %dma_start3A_357 = tpu.memref_squeeze %dma_start3A_356 : memref<1x1x128xi32, #tpu.memory_space<vmem>> -> memref<128xi32, #tpu.memory_space<vmem>>
    %dma_start3A_358 = arith.constant 0 : i32
    %dma_start3A_359 = arith.constant 0 : i32
    %dma_start3A_360 = tpu.memref_slice %arg3[%dma_start3A_347, %dma_start3A_358, %dma_start3A_359] : memref<26x100000x16xf32, #tpu.memory_space<hbm>> -> memref<1x100000x16xf32, #tpu.memory_space<hbm>>
    %dma_start3A_361 = tpu.memref_squeeze %dma_start3A_360 : memref<1x100000x16xf32, #tpu.memory_space<hbm>> -> memref<100000x16xf32, #tpu.memory_space<hbm>>
    %dma_start3A_362 = arith.constant 0 : i32
    %dma_start3A_363 = arith.constant 0 : i32
    %dma_start3A_364 = tpu.memref_slice %dma_start3A_361[%dma_start3A_362, %dma_start3A_363] : memref<100000x16xf32, #tpu.memory_space<hbm>> -> memref<100000x16xf32, #tpu.memory_space<hbm>>
    tpu.enqueue_indirect_dma source(%dma_start3A_364 : memref<100000x16xf32, #tpu.memory_space<hbm>>) target(%dma_start3A_354 : memref<128x16xf32, #tpu.memory_space<vmem>>) offsets(%dma_start3A_357 : memref<128xi32, #tpu.memory_space<vmem>>) semaphore(%arg8 : memref<!tpu.dma_semaphore, #tpu.memory_space<semaphore_mem>>)
    %scan3A = arith.constant 0 : i32
    %scan3A_365 = arith.constant 0 : i32
    %scan3A_366 = arith.constant 52 : i32
    %scan3A_367 = arith.addi %scan3A_365, %scan3A_366 : i32
    %scan3A_368 = arith.constant 1 : i32
    scf.for %scan3A_709 = %scan3A_365 to %scan3A_367 step %scan3A_368  : i32 {
      %mul3A_710 = arith.constant 2 : i32
      %mul3A_711 = arith.muli %mul3A_710, %scan3A_709 : i32
      %add3A_712 = arith.constant 1 : i32
      %add3A_713 = arith.addi %mul3A_711, %add3A_712 : i32
      %jit3A = arith.constant 4 : i32
      %div3A = arith.divsi %add3A_713, %jit3A : i32
      %sign3A = arith.constant 0 : i32
      %sign3A_714 = arith.cmpi sgt, %add3A_713, %sign3A : i32
      %sign3A_715 = arith.extui %sign3A_714 : i1 to i32
      %sign3A_716 = arith.constant 0 : i32
      %sign3A_717 = arith.cmpi slt, %add3A_713, %sign3A_716 : i32
      %sign3A_718 = arith.extui %sign3A_717 : i1 to i32
      %sign3A_719 = arith.subi %sign3A_715, %sign3A_718 : i32
      %sign3A_720 = arith.constant 0 : i32
      %sign3A_721 = arith.cmpi sgt, %jit3A, %sign3A_720 : i32
      %sign3A_722 = arith.extui %sign3A_721 : i1 to i32
      %sign3A_723 = arith.constant 0 : i32
      %sign3A_724 = arith.cmpi slt, %jit3A, %sign3A_723 : i32
      %sign3A_725 = arith.extui %sign3A_724 : i1 to i32
      %sign3A_726 = arith.subi %sign3A_722, %sign3A_725 : i32
      %ne3A = arith.cmpi ne, %sign3A_719, %sign3A_726 : i32
      %rem3A = arith.remsi %add3A_713, %jit3A : i32
      %ne3A_727 = arith.constant 0 : i32
      %ne3A_728 = arith.cmpi ne, %rem3A, %ne3A_727 : i32
      %and3A = arith.andi %ne3A, %ne3A_728 : i1
      %sub3A = arith.constant 1 : i32
      %sub3A_729 = arith.subi %div3A, %sub3A : i32
      %select_n3A = arith.select %and3A, %sub3A_729, %div3A : i32
      %mul3A_730 = arith.constant 4 : i32
      %mul3A_731 = arith.muli %select_n3A, %mul3A_730 : i32
      %sub3A_732 = arith.subi %add3A_713, %mul3A_731 : i32
      %mul3A_733 = arith.constant 512 : i32
      %mul3A_734 = arith.muli %add3A, %mul3A_733 : i32
      %mul3A_735 = arith.constant 128 : i32
      %mul3A_736 = arith.muli %sub3A_732, %mul3A_735 : i32
      %add3A_737 = arith.addi %mul3A_734, %mul3A_736 : i32
      %run_scoped3A_738 = arith.constant 1 : i32
      "tpu.region"() ({
        %run_scoped3A_2499 = tpu.sem_alloc : memref<!tpu.dma_semaphore, #tpu.memory_space<semaphore_mem>>
        %dma_start3A_2500 = arith.constant 0 : i32
        %dma_start3A_2501 = arith.constant 0 : i32
        %dma_start3A_2502 = tpu.memref_slice %arg5[%run_scoped3A_738, %dma_start3A_2500, %dma_start3A_2501] : memref<2x20x128xi32, #tpu.memory_space<vmem>> -> memref<1x20x128xi32, #tpu.memory_space<vmem>>
        %dma_start3A_2503 = tpu.memref_squeeze %dma_start3A_2502 : memref<1x20x128xi32, #tpu.memory_space<vmem>> -> memref<20x128xi32, #tpu.memory_space<vmem>>
        %dma_start3A_2504 = arith.constant 0 : i32
        %dma_start3A_2505 = tpu.memref_slice %arg2[%select_n3A, %dma_start3A_2504, %add3A_737] : memref<26x20x16384xi32, #tpu.memory_space<hbm>> -> memref<1x20x128xi32, #tpu.memory_space<hbm>>
        %dma_start3A_2506 = tpu.memref_squeeze %dma_start3A_2505 : memref<1x20x128xi32, #tpu.memory_space<hbm>> -> memref<20x128xi32, #tpu.memory_space<hbm>>
        %dma_start3A_2507 = arith.constant 0 : i32
        %dma_start3A_2508 = arith.constant 0 : i32
        %dma_start3A_2509 = tpu.memref_slice %arg5[%run_scoped3A_738, %dma_start3A_2507, %dma_start3A_2508] : memref<2x20x128xi32, #tpu.memory_space<vmem>> -> memref<1x20x128xi32, #tpu.memory_space<vmem>>
        %dma_start3A_2510 = tpu.memref_squeeze %dma_start3A_2509 : memref<1x20x128xi32, #tpu.memory_space<vmem>> -> memref<20x128xi32, #tpu.memory_space<vmem>>
        %dma_start3A_2511 = arith.constant 0 : i32
        %dma_start3A_2512 = tpu.memref_slice %arg2[%select_n3A, %dma_start3A_2511, %add3A_737] : memref<26x20x16384xi32, #tpu.memory_space<hbm>> -> memref<1x20x128xi32, #tpu.memory_space<hbm>>
        %dma_start3A_2513 = tpu.memref_squeeze %dma_start3A_2512 : memref<1x20x128xi32, #tpu.memory_space<hbm>> -> memref<20x128xi32, #tpu.memory_space<hbm>>
        tpu.enqueue_dma source(%dma_start3A_2513 : memref<20x128xi32, #tpu.memory_space<hbm>>) target(%dma_start3A_2510 : memref<20x128xi32, #tpu.memory_space<vmem>>) target_semaphore(%run_scoped3A_2499 : memref<!tpu.dma_semaphore, #tpu.memory_space<semaphore_mem>>)
        %dma_wait3A_2514 = arith.constant 0 : i32
        %dma_wait3A_2515 = arith.constant 0 : i32
        %dma_wait3A_2516 = tpu.memref_slice %arg5[%run_scoped3A_738, %dma_wait3A_2514, %dma_wait3A_2515] : memref<2x20x128xi32, #tpu.memory_space<vmem>> -> memref<1x20x128xi32, #tpu.memory_space<vmem>>
        %dma_wait3A_2517 = tpu.memref_squeeze %dma_wait3A_2516 : memref<1x20x128xi32, #tpu.memory_space<vmem>> -> memref<20x128xi32, #tpu.memory_space<vmem>>
        %dma_wait3A_2518 = arith.constant 0 : i32
        %dma_wait3A_2519 = tpu.memref_slice %arg2[%select_n3A, %dma_wait3A_2518, %add3A_737] : memref<26x20x16384xi32, #tpu.memory_space<hbm>> -> memref<1x20x128xi32, #tpu.memory_space<hbm>>
        %dma_wait3A_2520 = tpu.memref_squeeze %dma_wait3A_2519 : memref<1x20x128xi32, #tpu.memory_space<hbm>> -> memref<20x128xi32, #tpu.memory_space<hbm>>
        %dma_wait3A_2521 = arith.constant 0 : i32
        %dma_wait3A_2522 = arith.constant 0 : i32
        %dma_wait3A_2523 = tpu.memref_slice %arg5[%run_scoped3A_738, %dma_wait3A_2521, %dma_wait3A_2522] : memref<2x20x128xi32, #tpu.memory_space<vmem>> -> memref<1x20x128xi32, #tpu.memory_space<vmem>>
        %dma_wait3A_2524 = tpu.memref_squeeze %dma_wait3A_2523 : memref<1x20x128xi32, #tpu.memory_space<vmem>> -> memref<20x128xi32, #tpu.memory_space<vmem>>
        %dma_wait3A_2525 = arith.constant 0 : i32
        %dma_wait3A_2526 = tpu.memref_slice %arg2[%select_n3A, %dma_wait3A_2525, %add3A_737] : memref<26x20x16384xi32, #tpu.memory_space<hbm>> -> memref<1x20x128xi32, #tpu.memory_space<hbm>>
        %dma_wait3A_2527 = tpu.memref_squeeze %dma_wait3A_2526 : memref<1x20x128xi32, #tpu.memory_space<hbm>> -> memref<20x128xi32, #tpu.memory_space<hbm>>
        tpu.wait_dma2 semaphore(%run_scoped3A_2499 : memref<!tpu.dma_semaphore, #tpu.memory_space<semaphore_mem>>) src(%dma_wait3A_2527 : memref<20x128xi32, #tpu.memory_space<hbm>>) dst(%dma_wait3A_2524 : memref<20x128xi32, #tpu.memory_space<vmem>>)
        tpu.yield
      }) : () -> ()
      %dma_start3A_739 = arith.constant 1 : i32
      %dma_start3A_740 = arith.constant 0 : i32
      %dma_start3A_741 = arith.constant 1 : i32
      %dma_start3A_742 = arith.constant 0 : i32
      %dma_start3A_743 = arith.constant 0 : i32
      %dma_start3A_744 = tpu.memref_slice %arg6[%dma_start3A_741, %dma_start3A_742, %dma_start3A_743] : memref<2x2560x16xf32, #tpu.memory_space<vmem>> -> memref<1x128x16xf32, #tpu.memory_space<vmem>>
      %dma_start3A_745 = tpu.memref_squeeze %dma_start3A_744 : memref<1x128x16xf32, #tpu.memory_space<vmem>> -> memref<128x16xf32, #tpu.memory_space<vmem>>
      %dma_start3A_746 = arith.constant 0 : i32
      %dma_start3A_747 = tpu.memref_slice %arg5[%dma_start3A_739, %dma_start3A_740, %dma_start3A_746] : memref<2x20x128xi32, #tpu.memory_space<vmem>> -> memref<1x1x128xi32, #tpu.memory_space<vmem>>
      %dma_start3A_748 = tpu.memref_squeeze %dma_start3A_747 : memref<1x1x128xi32, #tpu.memory_space<vmem>> -> memref<128xi32, #tpu.memory_space<vmem>>
      %dma_start3A_749 = arith.constant 0 : i32
      %dma_start3A_750 = arith.constant 0 : i32
      %dma_start3A_751 = tpu.memref_slice %arg3[%select_n3A, %dma_start3A_749, %dma_start3A_750] : memref<26x100000x16xf32, #tpu.memory_space<hbm>> -> memref<1x100000x16xf32, #tpu.memory_space<hbm>>
      %dma_start3A_752 = tpu.memref_squeeze %dma_start3A_751 : memref<1x100000x16xf32, #tpu.memory_space<hbm>> -> memref<100000x16xf32, #tpu.memory_space<hbm>>
      %dma_start3A_753 = arith.constant 0 : i32
      %dma_start3A_754 = arith.constant 0 : i32
      %dma_start3A_755 = tpu.memref_slice %dma_start3A_752[%dma_start3A_753, %dma_start3A_754] : memref<100000x16xf32, #tpu.memory_space<hbm>> -> memref<100000x16xf32, #tpu.memory_space<hbm>>
      tpu.enqueue_indirect_dma source(%dma_start3A_755 : memref<100000x16xf32, #tpu.memory_space<hbm>>) target(%dma_start3A_745 : memref<128x16xf32, #tpu.memory_space<vmem>>) offsets(%dma_start3A_748 : memref<128xi32, #tpu.memory_space<vmem>>) semaphore(%arg9 : memref<!tpu.dma_semaphore, #tpu.memory_space<semaphore_mem>>)
      %dma_start3A_756 = arith.constant 1 : i32
      %dma_start3A_757 = arith.constant 1 : i32
      %dma_start3A_758 = arith.constant 1 : i32
      %dma_start3A_759 = arith.constant 128 : i32
      %dma_start3A_760 = arith.constant 0 : i32
      %dma_start3A_761 = tpu.memref_slice %arg6[%dma_start3A_758, %dma_start3A_759, %dma_start3A_760] : memref<2x2560x16xf32, #tpu.memory_space<vmem>> -> memref<1x128x16xf32, #tpu.memory_space<vmem>>
      %dma_start3A_762 = tpu.memref_squeeze %dma_start3A_761 : memref<1x128x16xf32, #tpu.memory_space<vmem>> -> memref<128x16xf32, #tpu.memory_space<vmem>>
      %dma_start3A_763 = arith.constant 0 : i32
      %dma_start3A_764 = tpu.memref_slice %arg5[%dma_start3A_756, %dma_start3A_757, %dma_start3A_763] : memref<2x20x128xi32, #tpu.memory_space<vmem>> -> memref<1x1x128xi32, #tpu.memory_space<vmem>>
      %dma_start3A_765 = tpu.memref_squeeze %dma_start3A_764 : memref<1x1x128xi32, #tpu.memory_space<vmem>> -> memref<128xi32, #tpu.memory_space<vmem>>
      %dma_start3A_766 = arith.constant 0 : i32
      %dma_start3A_767 = arith.constant 0 : i32
      %dma_start3A_768 = tpu.memref_slice %arg3[%select_n3A, %dma_start3A_766, %dma_start3A_767] : memref<26x100000x16xf32, #tpu.memory_space<hbm>> -> memref<1x100000x16xf32, #tpu.memory_space<hbm>>
      %dma_start3A_769 = tpu.memref_squeeze %dma_start3A_768 : memref<1x100000x16xf32, #tpu.memory_space<hbm>> -> memref<100000x16xf32, #tpu.memory_space<hbm>>
      %dma_start3A_770 = arith.constant 0 : i32
      %dma_start3A_771 = arith.constant 0 : i32
      %dma_start3A_772 = tpu.memref_slice %dma_start3A_769[%dma_start3A_770, %dma_start3A_771] : memref<100000x16xf32, #tpu.memory_space<hbm>> -> memref<100000x16xf32, #tpu.memory_space<hbm>>
      tpu.enqueue_indirect_dma source(%dma_start3A_772 : memref<100000x16xf32, #tpu.memory_space<hbm>>) target(%dma_start3A_762 : memref<128x16xf32, #tpu.memory_space<vmem>>) offsets(%dma_start3A_765 : memref<128xi32, #tpu.memory_space<vmem>>) semaphore(%arg9 : memref<!tpu.dma_semaphore, #tpu.memory_space<semaphore_mem>>)
      %dma_start3A_773 = arith.constant 1 : i32
      %dma_start3A_774 = arith.constant 2 : i32
      %dma_start3A_775 = arith.constant 1 : i32
      %dma_start3A_776 = arith.constant 256 : i32
      %dma_start3A_777 = arith.constant 0 : i32
      %dma_start3A_778 = tpu.memref_slice %arg6[%dma_start3A_775, %dma_start3A_776, %dma_start3A_777] : memref<2x2560x16xf32, #tpu.memory_space<vmem>> -> memref<1x128x16xf32, #tpu.memory_space<vmem>>
      %dma_start3A_779 = tpu.memref_squeeze %dma_start3A_778 : memref<1x128x16xf32, #tpu.memory_space<vmem>> -> memref<128x16xf32, #tpu.memory_space<vmem>>
      %dma_start3A_780 = arith.constant 0 : i32
      %dma_start3A_781 = tpu.memref_slice %arg5[%dma_start3A_773, %dma_start3A_774, %dma_start3A_780] : memref<2x20x128xi32, #tpu.memory_space<vmem>> -> memref<1x1x128xi32, #tpu.memory_space<vmem>>
      %dma_start3A_782 = tpu.memref_squeeze %dma_start3A_781 : memref<1x1x128xi32, #tpu.memory_space<vmem>> -> memref<128xi32, #tpu.memory_space<vmem>>
      %dma_start3A_783 = arith.constant 0 : i32
      %dma_start3A_784 = arith.constant 0 : i32
      %dma_start3A_785 = tpu.memref_slice %arg3[%select_n3A, %dma_start3A_783, %dma_start3A_784] : memref<26x100000x16xf32, #tpu.memory_space<hbm>> -> memref<1x100000x16xf32, #tpu.memory_space<hbm>>
      %dma_start3A_786 = tpu.memref_squeeze %dma_start3A_785 : memref<1x100000x16xf32, #tpu.memory_space<hbm>> -> memref<100000x16xf32, #tpu.memory_space<hbm>>
      %dma_start3A_787 = arith.constant 0 : i32
      %dma_start3A_788 = arith.constant 0 : i32
      %dma_start3A_789 = tpu.memref_slice %dma_start3A_786[%dma_start3A_787, %dma_start3A_788] : memref<100000x16xf32, #tpu.memory_space<hbm>> -> memref<100000x16xf32, #tpu.memory_space<hbm>>
      tpu.enqueue_indirect_dma source(%dma_start3A_789 : memref<100000x16xf32, #tpu.memory_space<hbm>>) target(%dma_start3A_779 : memref<128x16xf32, #tpu.memory_space<vmem>>) offsets(%dma_start3A_782 : memref<128xi32, #tpu.memory_space<vmem>>) semaphore(%arg9 : memref<!tpu.dma_semaphore, #tpu.memory_space<semaphore_mem>>)
      %dma_start3A_790 = arith.constant 1 : i32
      %dma_start3A_791 = arith.constant 3 : i32
      %dma_start3A_792 = arith.constant 1 : i32
      %dma_start3A_793 = arith.constant 384 : i32
      %dma_start3A_794 = arith.constant 0 : i32
      %dma_start3A_795 = tpu.memref_slice %arg6[%dma_start3A_792, %dma_start3A_793, %dma_start3A_794] : memref<2x2560x16xf32, #tpu.memory_space<vmem>> -> memref<1x128x16xf32, #tpu.memory_space<vmem>>
      %dma_start3A_796 = tpu.memref_squeeze %dma_start3A_795 : memref<1x128x16xf32, #tpu.memory_space<vmem>> -> memref<128x16xf32, #tpu.memory_space<vmem>>
      %dma_start3A_797 = arith.constant 0 : i32
      %dma_start3A_798 = tpu.memref_slice %arg5[%dma_start3A_790, %dma_start3A_791, %dma_start3A_797] : memref<2x20x128xi32, #tpu.memory_space<vmem>> -> memref<1x1x128xi32, #tpu.memory_space<vmem>>
      %dma_start3A_799 = tpu.memref_squeeze %dma_start3A_798 : memref<1x1x128xi32, #tpu.memory_space<vmem>> -> memref<128xi32, #tpu.memory_space<vmem>>
      %dma_start3A_800 = arith.constant 0 : i32
      %dma_start3A_801 = arith.constant 0 : i32
      %dma_start3A_802 = tpu.memref_slice %arg3[%select_n3A, %dma_start3A_800, %dma_start3A_801] : memref<26x100000x16xf32, #tpu.memory_space<hbm>> -> memref<1x100000x16xf32, #tpu.memory_space<hbm>>
      %dma_start3A_803 = tpu.memref_squeeze %dma_start3A_802 : memref<1x100000x16xf32, #tpu.memory_space<hbm>> -> memref<100000x16xf32, #tpu.memory_space<hbm>>
      %dma_start3A_804 = arith.constant 0 : i32
      %dma_start3A_805 = arith.constant 0 : i32
      %dma_start3A_806 = tpu.memref_slice %dma_start3A_803[%dma_start3A_804, %dma_start3A_805] : memref<100000x16xf32, #tpu.memory_space<hbm>> -> memref<100000x16xf32, #tpu.memory_space<hbm>>
      tpu.enqueue_indirect_dma source(%dma_start3A_806 : memref<100000x16xf32, #tpu.memory_space<hbm>>) target(%dma_start3A_796 : memref<128x16xf32, #tpu.memory_space<vmem>>) offsets(%dma_start3A_799 : memref<128xi32, #tpu.memory_space<vmem>>) semaphore(%arg9 : memref<!tpu.dma_semaphore, #tpu.memory_space<semaphore_mem>>)
      %dma_start3A_807 = arith.constant 1 : i32
      %dma_start3A_808 = arith.constant 4 : i32
      %dma_start3A_809 = arith.constant 1 : i32
      %dma_start3A_810 = arith.constant 512 : i32
      %dma_start3A_811 = arith.constant 0 : i32
      %dma_start3A_812 = tpu.memref_slice %arg6[%dma_start3A_809, %dma_start3A_810, %dma_start3A_811] : memref<2x2560x16xf32, #tpu.memory_space<vmem>> -> memref<1x128x16xf32, #tpu.memory_space<vmem>>
      %dma_start3A_813 = tpu.memref_squeeze %dma_start3A_812 : memref<1x128x16xf32, #tpu.memory_space<vmem>> -> memref<128x16xf32, #tpu.memory_space<vmem>>
      %dma_start3A_814 = arith.constant 0 : i32
      %dma_start3A_815 = tpu.memref_slice %arg5[%dma_start3A_807, %dma_start3A_808, %dma_start3A_814] : memref<2x20x128xi32, #tpu.memory_space<vmem>> -> memref<1x1x128xi32, #tpu.memory_space<vmem>>
      %dma_start3A_816 = tpu.memref_squeeze %dma_start3A_815 : memref<1x1x128xi32, #tpu.memory_space<vmem>> -> memref<128xi32, #tpu.memory_space<vmem>>
      %dma_start3A_817 = arith.constant 0 : i32
      %dma_start3A_818 = arith.constant 0 : i32
      %dma_start3A_819 = tpu.memref_slice %arg3[%select_n3A, %dma_start3A_817, %dma_start3A_818] : memref<26x100000x16xf32, #tpu.memory_space<hbm>> -> memref<1x100000x16xf32, #tpu.memory_space<hbm>>
      %dma_start3A_820 = tpu.memref_squeeze %dma_start3A_819 : memref<1x100000x16xf32, #tpu.memory_space<hbm>> -> memref<100000x16xf32, #tpu.memory_space<hbm>>
      %dma_start3A_821 = arith.constant 0 : i32
      %dma_start3A_822 = arith.constant 0 : i32
      %dma_start3A_823 = tpu.memref_slice %dma_start3A_820[%dma_start3A_821, %dma_start3A_822] : memref<100000x16xf32, #tpu.memory_space<hbm>> -> memref<100000x16xf32, #tpu.memory_space<hbm>>
      tpu.enqueue_indirect_dma source(%dma_start3A_823 : memref<100000x16xf32, #tpu.memory_space<hbm>>) target(%dma_start3A_813 : memref<128x16xf32, #tpu.memory_space<vmem>>) offsets(%dma_start3A_816 : memref<128xi32, #tpu.memory_space<vmem>>) semaphore(%arg9 : memref<!tpu.dma_semaphore, #tpu.memory_space<semaphore_mem>>)
      %dma_start3A_824 = arith.constant 1 : i32
      %dma_start3A_825 = arith.constant 5 : i32
      %dma_start3A_826 = arith.constant 1 : i32
      %dma_start3A_827 = arith.constant 640 : i32
      %dma_start3A_828 = arith.constant 0 : i32
      %dma_start3A_829 = tpu.memref_slice %arg6[%dma_start3A_826, %dma_start3A_827, %dma_start3A_828] : memref<2x2560x16xf32, #tpu.memory_space<vmem>> -> memref<1x128x16xf32, #tpu.memory_space<vmem>>
      %dma_start3A_830 = tpu.memref_squeeze %dma_start3A_829 : memref<1x128x16xf32, #tpu.memory_space<vmem>> -> memref<128x16xf32, #tpu.memory_space<vmem>>
      %dma_start3A_831 = arith.constant 0 : i32
      %dma_start3A_832 = tpu.memref_slice %arg5[%dma_start3A_824, %dma_start3A_825, %dma_start3A_831] : memref<2x20x128xi32, #tpu.memory_space<vmem>> -> memref<1x1x128xi32, #tpu.memory_space<vmem>>
      %dma_start3A_833 = tpu.memref_squeeze %dma_start3A_832 : memref<1x1x128xi32, #tpu.memory_space<vmem>> -> memref<128xi32, #tpu.memory_space<vmem>>
      %dma_start3A_834 = arith.constant 0 : i32
      %dma_start3A_835 = arith.constant 0 : i32
      %dma_start3A_836 = tpu.memref_slice %arg3[%select_n3A, %dma_start3A_834, %dma_start3A_835] : memref<26x100000x16xf32, #tpu.memory_space<hbm>> -> memref<1x100000x16xf32, #tpu.memory_space<hbm>>
      %dma_start3A_837 = tpu.memref_squeeze %dma_start3A_836 : memref<1x100000x16xf32, #tpu.memory_space<hbm>> -> memref<100000x16xf32, #tpu.memory_space<hbm>>
      %dma_start3A_838 = arith.constant 0 : i32
      %dma_start3A_839 = arith.constant 0 : i32
      %dma_start3A_840 = tpu.memref_slice %dma_start3A_837[%dma_start3A_838, %dma_start3A_839] : memref<100000x16xf32, #tpu.memory_space<hbm>> -> memref<100000x16xf32, #tpu.memory_space<hbm>>
      tpu.enqueue_indirect_dma source(%dma_start3A_840 : memref<100000x16xf32, #tpu.memory_space<hbm>>) target(%dma_start3A_830 : memref<128x16xf32, #tpu.memory_space<vmem>>) offsets(%dma_start3A_833 : memref<128xi32, #tpu.memory_space<vmem>>) semaphore(%arg9 : memref<!tpu.dma_semaphore, #tpu.memory_space<semaphore_mem>>)
      %dma_start3A_841 = arith.constant 1 : i32
      %dma_start3A_842 = arith.constant 6 : i32
      %dma_start3A_843 = arith.constant 1 : i32
      %dma_start3A_844 = arith.constant 768 : i32
      %dma_start3A_845 = arith.constant 0 : i32
      %dma_start3A_846 = tpu.memref_slice %arg6[%dma_start3A_843, %dma_start3A_844, %dma_start3A_845] : memref<2x2560x16xf32, #tpu.memory_space<vmem>> -> memref<1x128x16xf32, #tpu.memory_space<vmem>>
      %dma_start3A_847 = tpu.memref_squeeze %dma_start3A_846 : memref<1x128x16xf32, #tpu.memory_space<vmem>> -> memref<128x16xf32, #tpu.memory_space<vmem>>
      %dma_start3A_848 = arith.constant 0 : i32
      %dma_start3A_849 = tpu.memref_slice %arg5[%dma_start3A_841, %dma_start3A_842, %dma_start3A_848] : memref<2x20x128xi32, #tpu.memory_space<vmem>> -> memref<1x1x128xi32, #tpu.memory_space<vmem>>
      %dma_start3A_850 = tpu.memref_squeeze %dma_start3A_849 : memref<1x1x128xi32, #tpu.memory_space<vmem>> -> memref<128xi32, #tpu.memory_space<vmem>>
      %dma_start3A_851 = arith.constant 0 : i32
      %dma_start3A_852 = arith.constant 0 : i32
      %dma_start3A_853 = tpu.memref_slice %arg3[%select_n3A, %dma_start3A_851, %dma_start3A_852] : memref<26x100000x16xf32, #tpu.memory_space<hbm>> -> memref<1x100000x16xf32, #tpu.memory_space<hbm>>
      %dma_start3A_854 = tpu.memref_squeeze %dma_start3A_853 : memref<1x100000x16xf32, #tpu.memory_space<hbm>> -> memref<100000x16xf32, #tpu.memory_space<hbm>>
      %dma_start3A_855 = arith.constant 0 : i32
      %dma_start3A_856 = arith.constant 0 : i32
      %dma_start3A_857 = tpu.memref_slice %dma_start3A_854[%dma_start3A_855, %dma_start3A_856] : memref<100000x16xf32, #tpu.memory_space<hbm>> -> memref<100000x16xf32, #tpu.memory_space<hbm>>
      tpu.enqueue_indirect_dma source(%dma_start3A_857 : memref<100000x16xf32, #tpu.memory_space<hbm>>) target(%dma_start3A_847 : memref<128x16xf32, #tpu.memory_space<vmem>>) offsets(%dma_start3A_850 : memref<128xi32, #tpu.memory_space<vmem>>) semaphore(%arg9 : memref<!tpu.dma_semaphore, #tpu.memory_space<semaphore_mem>>)
      %dma_start3A_858 = arith.constant 1 : i32
      %dma_start3A_859 = arith.constant 7 : i32
      %dma_start3A_860 = arith.constant 1 : i32
      %dma_start3A_861 = arith.constant 896 : i32
      %dma_start3A_862 = arith.constant 0 : i32
      %dma_start3A_863 = tpu.memref_slice %arg6[%dma_start3A_860, %dma_start3A_861, %dma_start3A_862] : memref<2x2560x16xf32, #tpu.memory_space<vmem>> -> memref<1x128x16xf32, #tpu.memory_space<vmem>>
      %dma_start3A_864 = tpu.memref_squeeze %dma_start3A_863 : memref<1x128x16xf32, #tpu.memory_space<vmem>> -> memref<128x16xf32, #tpu.memory_space<vmem>>
      %dma_start3A_865 = arith.constant 0 : i32
      %dma_start3A_866 = tpu.memref_slice %arg5[%dma_start3A_858, %dma_start3A_859, %dma_start3A_865] : memref<2x20x128xi32, #tpu.memory_space<vmem>> -> memref<1x1x128xi32, #tpu.memory_space<vmem>>
      %dma_start3A_867 = tpu.memref_squeeze %dma_start3A_866 : memref<1x1x128xi32, #tpu.memory_space<vmem>> -> memref<128xi32, #tpu.memory_space<vmem>>
      %dma_start3A_868 = arith.constant 0 : i32
      %dma_start3A_869 = arith.constant 0 : i32
      %dma_start3A_870 = tpu.memref_slice %arg3[%select_n3A, %dma_start3A_868, %dma_start3A_869] : memref<26x100000x16xf32, #tpu.memory_space<hbm>> -> memref<1x100000x16xf32, #tpu.memory_space<hbm>>
      %dma_start3A_871 = tpu.memref_squeeze %dma_start3A_870 : memref<1x100000x16xf32, #tpu.memory_space<hbm>> -> memref<100000x16xf32, #tpu.memory_space<hbm>>
      %dma_start3A_872 = arith.constant 0 : i32
      %dma_start3A_873 = arith.constant 0 : i32
      %dma_start3A_874 = tpu.memref_slice %dma_start3A_871[%dma_start3A_872, %dma_start3A_873] : memref<100000x16xf32, #tpu.memory_space<hbm>> -> memref<100000x16xf32, #tpu.memory_space<hbm>>
      tpu.enqueue_indirect_dma source(%dma_start3A_874 : memref<100000x16xf32, #tpu.memory_space<hbm>>) target(%dma_start3A_864 : memref<128x16xf32, #tpu.memory_space<vmem>>) offsets(%dma_start3A_867 : memref<128xi32, #tpu.memory_space<vmem>>) semaphore(%arg9 : memref<!tpu.dma_semaphore, #tpu.memory_space<semaphore_mem>>)
      %dma_start3A_875 = arith.constant 1 : i32
      %dma_start3A_876 = arith.constant 8 : i32
      %dma_start3A_877 = arith.constant 1 : i32
      %dma_start3A_878 = arith.constant 1024 : i32
      %dma_start3A_879 = arith.constant 0 : i32
      %dma_start3A_880 = tpu.memref_slice %arg6[%dma_start3A_877, %dma_start3A_878, %dma_start3A_879] : memref<2x2560x16xf32, #tpu.memory_space<vmem>> -> memref<1x128x16xf32, #tpu.memory_space<vmem>>
      %dma_start3A_881 = tpu.memref_squeeze %dma_start3A_880 : memref<1x128x16xf32, #tpu.memory_space<vmem>> -> memref<128x16xf32, #tpu.memory_space<vmem>>
      %dma_start3A_882 = arith.constant 0 : i32
      %dma_start3A_883 = tpu.memref_slice %arg5[%dma_start3A_875, %dma_start3A_876, %dma_start3A_882] : memref<2x20x128xi32, #tpu.memory_space<vmem>> -> memref<1x1x128xi32, #tpu.memory_space<vmem>>
      %dma_start3A_884 = tpu.memref_squeeze %dma_start3A_883 : memref<1x1x128xi32, #tpu.memory_space<vmem>> -> memref<128xi32, #tpu.memory_space<vmem>>
      %dma_start3A_885 = arith.constant 0 : i32
      %dma_start3A_886 = arith.constant 0 : i32
      %dma_start3A_887 = tpu.memref_slice %arg3[%select_n3A, %dma_start3A_885, %dma_start3A_886] : memref<26x100000x16xf32, #tpu.memory_space<hbm>> -> memref<1x100000x16xf32, #tpu.memory_space<hbm>>
      %dma_start3A_888 = tpu.memref_squeeze %dma_start3A_887 : memref<1x100000x16xf32, #tpu.memory_space<hbm>> -> memref<100000x16xf32, #tpu.memory_space<hbm>>
      %dma_start3A_889 = arith.constant 0 : i32
      %dma_start3A_890 = arith.constant 0 : i32
      %dma_start3A_891 = tpu.memref_slice %dma_start3A_888[%dma_start3A_889, %dma_start3A_890] : memref<100000x16xf32, #tpu.memory_space<hbm>> -> memref<100000x16xf32, #tpu.memory_space<hbm>>
      tpu.enqueue_indirect_dma source(%dma_start3A_891 : memref<100000x16xf32, #tpu.memory_space<hbm>>) target(%dma_start3A_881 : memref<128x16xf32, #tpu.memory_space<vmem>>) offsets(%dma_start3A_884 : memref<128xi32, #tpu.memory_space<vmem>>) semaphore(%arg9 : memref<!tpu.dma_semaphore, #tpu.memory_space<semaphore_mem>>)
      %dma_start3A_892 = arith.constant 1 : i32
      %dma_start3A_893 = arith.constant 9 : i32
      %dma_start3A_894 = arith.constant 1 : i32
      %dma_start3A_895 = arith.constant 1152 : i32
      %dma_start3A_896 = arith.constant 0 : i32
      %dma_start3A_897 = tpu.memref_slice %arg6[%dma_start3A_894, %dma_start3A_895, %dma_start3A_896] : memref<2x2560x16xf32, #tpu.memory_space<vmem>> -> memref<1x128x16xf32, #tpu.memory_space<vmem>>
      %dma_start3A_898 = tpu.memref_squeeze %dma_start3A_897 : memref<1x128x16xf32, #tpu.memory_space<vmem>> -> memref<128x16xf32, #tpu.memory_space<vmem>>
      %dma_start3A_899 = arith.constant 0 : i32
      %dma_start3A_900 = tpu.memref_slice %arg5[%dma_start3A_892, %dma_start3A_893, %dma_start3A_899] : memref<2x20x128xi32, #tpu.memory_space<vmem>> -> memref<1x1x128xi32, #tpu.memory_space<vmem>>
      %dma_start3A_901 = tpu.memref_squeeze %dma_start3A_900 : memref<1x1x128xi32, #tpu.memory_space<vmem>> -> memref<128xi32, #tpu.memory_space<vmem>>
      %dma_start3A_902 = arith.constant 0 : i32
      %dma_start3A_903 = arith.constant 0 : i32
      %dma_start3A_904 = tpu.memref_slice %arg3[%select_n3A, %dma_start3A_902, %dma_start3A_903] : memref<26x100000x16xf32, #tpu.memory_space<hbm>> -> memref<1x100000x16xf32, #tpu.memory_space<hbm>>
      %dma_start3A_905 = tpu.memref_squeeze %dma_start3A_904 : memref<1x100000x16xf32, #tpu.memory_space<hbm>> -> memref<100000x16xf32, #tpu.memory_space<hbm>>
      %dma_start3A_906 = arith.constant 0 : i32
      %dma_start3A_907 = arith.constant 0 : i32
      %dma_start3A_908 = tpu.memref_slice %dma_start3A_905[%dma_start3A_906, %dma_start3A_907] : memref<100000x16xf32, #tpu.memory_space<hbm>> -> memref<100000x16xf32, #tpu.memory_space<hbm>>
      tpu.enqueue_indirect_dma source(%dma_start3A_908 : memref<100000x16xf32, #tpu.memory_space<hbm>>) target(%dma_start3A_898 : memref<128x16xf32, #tpu.memory_space<vmem>>) offsets(%dma_start3A_901 : memref<128xi32, #tpu.memory_space<vmem>>) semaphore(%arg9 : memref<!tpu.dma_semaphore, #tpu.memory_space<semaphore_mem>>)
      %dma_start3A_909 = arith.constant 1 : i32
      %dma_start3A_910 = arith.constant 10 : i32
      %dma_start3A_911 = arith.constant 1 : i32
      %dma_start3A_912 = arith.constant 1280 : i32
      %dma_start3A_913 = arith.constant 0 : i32
      %dma_start3A_914 = tpu.memref_slice %arg6[%dma_start3A_911, %dma_start3A_912, %dma_start3A_913] : memref<2x2560x16xf32, #tpu.memory_space<vmem>> -> memref<1x128x16xf32, #tpu.memory_space<vmem>>
      %dma_start3A_915 = tpu.memref_squeeze %dma_start3A_914 : memref<1x128x16xf32, #tpu.memory_space<vmem>> -> memref<128x16xf32, #tpu.memory_space<vmem>>
      %dma_start3A_916 = arith.constant 0 : i32
      %dma_start3A_917 = tpu.memref_slice %arg5[%dma_start3A_909, %dma_start3A_910, %dma_start3A_916] : memref<2x20x128xi32, #tpu.memory_space<vmem>> -> memref<1x1x128xi32, #tpu.memory_space<vmem>>
      %dma_start3A_918 = tpu.memref_squeeze %dma_start3A_917 : memref<1x1x128xi32, #tpu.memory_space<vmem>> -> memref<128xi32, #tpu.memory_space<vmem>>
      %dma_start3A_919 = arith.constant 0 : i32
      %dma_start3A_920 = arith.constant 0 : i32
      %dma_start3A_921 = tpu.memref_slice %arg3[%select_n3A, %dma_start3A_919, %dma_start3A_920] : memref<26x100000x16xf32, #tpu.memory_space<hbm>> -> memref<1x100000x16xf32, #tpu.memory_space<hbm>>
      %dma_start3A_922 = tpu.memref_squeeze %dma_start3A_921 : memref<1x100000x16xf32, #tpu.memory_space<hbm>> -> memref<100000x16xf32, #tpu.memory_space<hbm>>
      %dma_start3A_923 = arith.constant 0 : i32
      %dma_start3A_924 = arith.constant 0 : i32
      %dma_start3A_925 = tpu.memref_slice %dma_start3A_922[%dma_start3A_923, %dma_start3A_924] : memref<100000x16xf32, #tpu.memory_space<hbm>> -> memref<100000x16xf32, #tpu.memory_space<hbm>>
      tpu.enqueue_indirect_dma source(%dma_start3A_925 : memref<100000x16xf32, #tpu.memory_space<hbm>>) target(%dma_start3A_915 : memref<128x16xf32, #tpu.memory_space<vmem>>) offsets(%dma_start3A_918 : memref<128xi32, #tpu.memory_space<vmem>>) semaphore(%arg9 : memref<!tpu.dma_semaphore, #tpu.memory_space<semaphore_mem>>)
      %dma_start3A_926 = arith.constant 1 : i32
      %dma_start3A_927 = arith.constant 11 : i32
      %dma_start3A_928 = arith.constant 1 : i32
      %dma_start3A_929 = arith.constant 1408 : i32
      %dma_start3A_930 = arith.constant 0 : i32
      %dma_start3A_931 = tpu.memref_slice %arg6[%dma_start3A_928, %dma_start3A_929, %dma_start3A_930] : memref<2x2560x16xf32, #tpu.memory_space<vmem>> -> memref<1x128x16xf32, #tpu.memory_space<vmem>>
      %dma_start3A_932 = tpu.memref_squeeze %dma_start3A_931 : memref<1x128x16xf32, #tpu.memory_space<vmem>> -> memref<128x16xf32, #tpu.memory_space<vmem>>
      %dma_start3A_933 = arith.constant 0 : i32
      %dma_start3A_934 = tpu.memref_slice %arg5[%dma_start3A_926, %dma_start3A_927, %dma_start3A_933] : memref<2x20x128xi32, #tpu.memory_space<vmem>> -> memref<1x1x128xi32, #tpu.memory_space<vmem>>
      %dma_start3A_935 = tpu.memref_squeeze %dma_start3A_934 : memref<1x1x128xi32, #tpu.memory_space<vmem>> -> memref<128xi32, #tpu.memory_space<vmem>>
      %dma_start3A_936 = arith.constant 0 : i32
      %dma_start3A_937 = arith.constant 0 : i32
      %dma_start3A_938 = tpu.memref_slice %arg3[%select_n3A, %dma_start3A_936, %dma_start3A_937] : memref<26x100000x16xf32, #tpu.memory_space<hbm>> -> memref<1x100000x16xf32, #tpu.memory_space<hbm>>
      %dma_start3A_939 = tpu.memref_squeeze %dma_start3A_938 : memref<1x100000x16xf32, #tpu.memory_space<hbm>> -> memref<100000x16xf32, #tpu.memory_space<hbm>>
      %dma_start3A_940 = arith.constant 0 : i32
      %dma_start3A_941 = arith.constant 0 : i32
      %dma_start3A_942 = tpu.memref_slice %dma_start3A_939[%dma_start3A_940, %dma_start3A_941] : memref<100000x16xf32, #tpu.memory_space<hbm>> -> memref<100000x16xf32, #tpu.memory_space<hbm>>
      tpu.enqueue_indirect_dma source(%dma_start3A_942 : memref<100000x16xf32, #tpu.memory_space<hbm>>) target(%dma_start3A_932 : memref<128x16xf32, #tpu.memory_space<vmem>>) offsets(%dma_start3A_935 : memref<128xi32, #tpu.memory_space<vmem>>) semaphore(%arg9 : memref<!tpu.dma_semaphore, #tpu.memory_space<semaphore_mem>>)
      %dma_start3A_943 = arith.constant 1 : i32
      %dma_start3A_944 = arith.constant 12 : i32
      %dma_start3A_945 = arith.constant 1 : i32
      %dma_start3A_946 = arith.constant 1536 : i32
      %dma_start3A_947 = arith.constant 0 : i32
      %dma_start3A_948 = tpu.memref_slice %arg6[%dma_start3A_945, %dma_start3A_946, %dma_start3A_947] : memref<2x2560x16xf32, #tpu.memory_space<vmem>> -> memref<1x128x16xf32, #tpu.memory_space<vmem>>
      %dma_start3A_949 = tpu.memref_squeeze %dma_start3A_948 : memref<1x128x16xf32, #tpu.memory_space<vmem>> -> memref<128x16xf32, #tpu.memory_space<vmem>>
      %dma_start3A_950 = arith.constant 0 : i32
      %dma_start3A_951 = tpu.memref_slice %arg5[%dma_start3A_943, %dma_start3A_944, %dma_start3A_950] : memref<2x20x128xi32, #tpu.memory_space<vmem>> -> memref<1x1x128xi32, #tpu.memory_space<vmem>>
      %dma_start3A_952 = tpu.memref_squeeze %dma_start3A_951 : memref<1x1x128xi32, #tpu.memory_space<vmem>> -> memref<128xi32, #tpu.memory_space<vmem>>
      %dma_start3A_953 = arith.constant 0 : i32
      %dma_start3A_954 = arith.constant 0 : i32
      %dma_start3A_955 = tpu.memref_slice %arg3[%select_n3A, %dma_start3A_953, %dma_start3A_954] : memref<26x100000x16xf32, #tpu.memory_space<hbm>> -> memref<1x100000x16xf32, #tpu.memory_space<hbm>>
      %dma_start3A_956 = tpu.memref_squeeze %dma_start3A_955 : memref<1x100000x16xf32, #tpu.memory_space<hbm>> -> memref<100000x16xf32, #tpu.memory_space<hbm>>
      %dma_start3A_957 = arith.constant 0 : i32
      %dma_start3A_958 = arith.constant 0 : i32
      %dma_start3A_959 = tpu.memref_slice %dma_start3A_956[%dma_start3A_957, %dma_start3A_958] : memref<100000x16xf32, #tpu.memory_space<hbm>> -> memref<100000x16xf32, #tpu.memory_space<hbm>>
      tpu.enqueue_indirect_dma source(%dma_start3A_959 : memref<100000x16xf32, #tpu.memory_space<hbm>>) target(%dma_start3A_949 : memref<128x16xf32, #tpu.memory_space<vmem>>) offsets(%dma_start3A_952 : memref<128xi32, #tpu.memory_space<vmem>>) semaphore(%arg9 : memref<!tpu.dma_semaphore, #tpu.memory_space<semaphore_mem>>)
      %dma_start3A_960 = arith.constant 1 : i32
      %dma_start3A_961 = arith.constant 13 : i32
      %dma_start3A_962 = arith.constant 1 : i32
      %dma_start3A_963 = arith.constant 1664 : i32
      %dma_start3A_964 = arith.constant 0 : i32
      %dma_start3A_965 = tpu.memref_slice %arg6[%dma_start3A_962, %dma_start3A_963, %dma_start3A_964] : memref<2x2560x16xf32, #tpu.memory_space<vmem>> -> memref<1x128x16xf32, #tpu.memory_space<vmem>>
      %dma_start3A_966 = tpu.memref_squeeze %dma_start3A_965 : memref<1x128x16xf32, #tpu.memory_space<vmem>> -> memref<128x16xf32, #tpu.memory_space<vmem>>
      %dma_start3A_967 = arith.constant 0 : i32
      %dma_start3A_968 = tpu.memref_slice %arg5[%dma_start3A_960, %dma_start3A_961, %dma_start3A_967] : memref<2x20x128xi32, #tpu.memory_space<vmem>> -> memref<1x1x128xi32, #tpu.memory_space<vmem>>
      %dma_start3A_969 = tpu.memref_squeeze %dma_start3A_968 : memref<1x1x128xi32, #tpu.memory_space<vmem>> -> memref<128xi32, #tpu.memory_space<vmem>>
      %dma_start3A_970 = arith.constant 0 : i32
      %dma_start3A_971 = arith.constant 0 : i32
      %dma_start3A_972 = tpu.memref_slice %arg3[%select_n3A, %dma_start3A_970, %dma_start3A_971] : memref<26x100000x16xf32, #tpu.memory_space<hbm>> -> memref<1x100000x16xf32, #tpu.memory_space<hbm>>
      %dma_start3A_973 = tpu.memref_squeeze %dma_start3A_972 : memref<1x100000x16xf32, #tpu.memory_space<hbm>> -> memref<100000x16xf32, #tpu.memory_space<hbm>>
      %dma_start3A_974 = arith.constant 0 : i32
      %dma_start3A_975 = arith.constant 0 : i32
      %dma_start3A_976 = tpu.memref_slice %dma_start3A_973[%dma_start3A_974, %dma_start3A_975] : memref<100000x16xf32, #tpu.memory_space<hbm>> -> memref<100000x16xf32, #tpu.memory_space<hbm>>
      tpu.enqueue_indirect_dma source(%dma_start3A_976 : memref<100000x16xf32, #tpu.memory_space<hbm>>) target(%dma_start3A_966 : memref<128x16xf32, #tpu.memory_space<vmem>>) offsets(%dma_start3A_969 : memref<128xi32, #tpu.memory_space<vmem>>) semaphore(%arg9 : memref<!tpu.dma_semaphore, #tpu.memory_space<semaphore_mem>>)
      %dma_start3A_977 = arith.constant 1 : i32
      %dma_start3A_978 = arith.constant 14 : i32
      %dma_start3A_979 = arith.constant 1 : i32
      %dma_start3A_980 = arith.constant 1792 : i32
      %dma_start3A_981 = arith.constant 0 : i32
      %dma_start3A_982 = tpu.memref_slice %arg6[%dma_start3A_979, %dma_start3A_980, %dma_start3A_981] : memref<2x2560x16xf32, #tpu.memory_space<vmem>> -> memref<1x128x16xf32, #tpu.memory_space<vmem>>
      %dma_start3A_983 = tpu.memref_squeeze %dma_start3A_982 : memref<1x128x16xf32, #tpu.memory_space<vmem>> -> memref<128x16xf32, #tpu.memory_space<vmem>>
      %dma_start3A_984 = arith.constant 0 : i32
      %dma_start3A_985 = tpu.memref_slice %arg5[%dma_start3A_977, %dma_start3A_978, %dma_start3A_984] : memref<2x20x128xi32, #tpu.memory_space<vmem>> -> memref<1x1x128xi32, #tpu.memory_space<vmem>>
      %dma_start3A_986 = tpu.memref_squeeze %dma_start3A_985 : memref<1x1x128xi32, #tpu.memory_space<vmem>> -> memref<128xi32, #tpu.memory_space<vmem>>
      %dma_start3A_987 = arith.constant 0 : i32
      %dma_start3A_988 = arith.constant 0 : i32
      %dma_start3A_989 = tpu.memref_slice %arg3[%select_n3A, %dma_start3A_987, %dma_start3A_988] : memref<26x100000x16xf32, #tpu.memory_space<hbm>> -> memref<1x100000x16xf32, #tpu.memory_space<hbm>>
      %dma_start3A_990 = tpu.memref_squeeze %dma_start3A_989 : memref<1x100000x16xf32, #tpu.memory_space<hbm>> -> memref<100000x16xf32, #tpu.memory_space<hbm>>
      %dma_start3A_991 = arith.constant 0 : i32
      %dma_start3A_992 = arith.constant 0 : i32
      %dma_start3A_993 = tpu.memref_slice %dma_start3A_990[%dma_start3A_991, %dma_start3A_992] : memref<100000x16xf32, #tpu.memory_space<hbm>> -> memref<100000x16xf32, #tpu.memory_space<hbm>>
      tpu.enqueue_indirect_dma source(%dma_start3A_993 : memref<100000x16xf32, #tpu.memory_space<hbm>>) target(%dma_start3A_983 : memref<128x16xf32, #tpu.memory_space<vmem>>) offsets(%dma_start3A_986 : memref<128xi32, #tpu.memory_space<vmem>>) semaphore(%arg9 : memref<!tpu.dma_semaphore, #tpu.memory_space<semaphore_mem>>)
      %dma_start3A_994 = arith.constant 1 : i32
      %dma_start3A_995 = arith.constant 15 : i32
      %dma_start3A_996 = arith.constant 1 : i32
      %dma_start3A_997 = arith.constant 1920 : i32
      %dma_start3A_998 = arith.constant 0 : i32
      %dma_start3A_999 = tpu.memref_slice %arg6[%dma_start3A_996, %dma_start3A_997, %dma_start3A_998] : memref<2x2560x16xf32, #tpu.memory_space<vmem>> -> memref<1x128x16xf32, #tpu.memory_space<vmem>>
      %dma_start3A_1000 = tpu.memref_squeeze %dma_start3A_999 : memref<1x128x16xf32, #tpu.memory_space<vmem>> -> memref<128x16xf32, #tpu.memory_space<vmem>>
      %dma_start3A_1001 = arith.constant 0 : i32
      %dma_start3A_1002 = tpu.memref_slice %arg5[%dma_start3A_994, %dma_start3A_995, %dma_start3A_1001] : memref<2x20x128xi32, #tpu.memory_space<vmem>> -> memref<1x1x128xi32, #tpu.memory_space<vmem>>
      %dma_start3A_1003 = tpu.memref_squeeze %dma_start3A_1002 : memref<1x1x128xi32, #tpu.memory_space<vmem>> -> memref<128xi32, #tpu.memory_space<vmem>>
      %dma_start3A_1004 = arith.constant 0 : i32
      %dma_start3A_1005 = arith.constant 0 : i32
      %dma_start3A_1006 = tpu.memref_slice %arg3[%select_n3A, %dma_start3A_1004, %dma_start3A_1005] : memref<26x100000x16xf32, #tpu.memory_space<hbm>> -> memref<1x100000x16xf32, #tpu.memory_space<hbm>>
      %dma_start3A_1007 = tpu.memref_squeeze %dma_start3A_1006 : memref<1x100000x16xf32, #tpu.memory_space<hbm>> -> memref<100000x16xf32, #tpu.memory_space<hbm>>
      %dma_start3A_1008 = arith.constant 0 : i32
      %dma_start3A_1009 = arith.constant 0 : i32
      %dma_start3A_1010 = tpu.memref_slice %dma_start3A_1007[%dma_start3A_1008, %dma_start3A_1009] : memref<100000x16xf32, #tpu.memory_space<hbm>> -> memref<100000x16xf32, #tpu.memory_space<hbm>>
      tpu.enqueue_indirect_dma source(%dma_start3A_1010 : memref<100000x16xf32, #tpu.memory_space<hbm>>) target(%dma_start3A_1000 : memref<128x16xf32, #tpu.memory_space<vmem>>) offsets(%dma_start3A_1003 : memref<128xi32, #tpu.memory_space<vmem>>) semaphore(%arg9 : memref<!tpu.dma_semaphore, #tpu.memory_space<semaphore_mem>>)
      %dma_start3A_1011 = arith.constant 1 : i32
      %dma_start3A_1012 = arith.constant 16 : i32
      %dma_start3A_1013 = arith.constant 1 : i32
      %dma_start3A_1014 = arith.constant 2048 : i32
      %dma_start3A_1015 = arith.constant 0 : i32
      %dma_start3A_1016 = tpu.memref_slice %arg6[%dma_start3A_1013, %dma_start3A_1014, %dma_start3A_1015] : memref<2x2560x16xf32, #tpu.memory_space<vmem>> -> memref<1x128x16xf32, #tpu.memory_space<vmem>>
      %dma_start3A_1017 = tpu.memref_squeeze %dma_start3A_1016 : memref<1x128x16xf32, #tpu.memory_space<vmem>> -> memref<128x16xf32, #tpu.memory_space<vmem>>
      %dma_start3A_1018 = arith.constant 0 : i32
      %dma_start3A_1019 = tpu.memref_slice %arg5[%dma_start3A_1011, %dma_start3A_1012, %dma_start3A_1018] : memref<2x20x128xi32, #tpu.memory_space<vmem>> -> memref<1x1x128xi32, #tpu.memory_space<vmem>>
      %dma_start3A_1020 = tpu.memref_squeeze %dma_start3A_1019 : memref<1x1x128xi32, #tpu.memory_space<vmem>> -> memref<128xi32, #tpu.memory_space<vmem>>
      %dma_start3A_1021 = arith.constant 0 : i32
      %dma_start3A_1022 = arith.constant 0 : i32
      %dma_start3A_1023 = tpu.memref_slice %arg3[%select_n3A, %dma_start3A_1021, %dma_start3A_1022] : memref<26x100000x16xf32, #tpu.memory_space<hbm>> -> memref<1x100000x16xf32, #tpu.memory_space<hbm>>
      %dma_start3A_1024 = tpu.memref_squeeze %dma_start3A_1023 : memref<1x100000x16xf32, #tpu.memory_space<hbm>> -> memref<100000x16xf32, #tpu.memory_space<hbm>>
      %dma_start3A_1025 = arith.constant 0 : i32
      %dma_start3A_1026 = arith.constant 0 : i32
      %dma_start3A_1027 = tpu.memref_slice %dma_start3A_1024[%dma_start3A_1025, %dma_start3A_1026] : memref<100000x16xf32, #tpu.memory_space<hbm>> -> memref<100000x16xf32, #tpu.memory_space<hbm>>
      tpu.enqueue_indirect_dma source(%dma_start3A_1027 : memref<100000x16xf32, #tpu.memory_space<hbm>>) target(%dma_start3A_1017 : memref<128x16xf32, #tpu.memory_space<vmem>>) offsets(%dma_start3A_1020 : memref<128xi32, #tpu.memory_space<vmem>>) semaphore(%arg9 : memref<!tpu.dma_semaphore, #tpu.memory_space<semaphore_mem>>)
      %dma_start3A_1028 = arith.constant 1 : i32
      %dma_start3A_1029 = arith.constant 17 : i32
      %dma_start3A_1030 = arith.constant 1 : i32
      %dma_start3A_1031 = arith.constant 2176 : i32
      %dma_start3A_1032 = arith.constant 0 : i32
      %dma_start3A_1033 = tpu.memref_slice %arg6[%dma_start3A_1030, %dma_start3A_1031, %dma_start3A_1032] : memref<2x2560x16xf32, #tpu.memory_space<vmem>> -> memref<1x128x16xf32, #tpu.memory_space<vmem>>
      %dma_start3A_1034 = tpu.memref_squeeze %dma_start3A_1033 : memref<1x128x16xf32, #tpu.memory_space<vmem>> -> memref<128x16xf32, #tpu.memory_space<vmem>>
      %dma_start3A_1035 = arith.constant 0 : i32
      %dma_start3A_1036 = tpu.memref_slice %arg5[%dma_start3A_1028, %dma_start3A_1029, %dma_start3A_1035] : memref<2x20x128xi32, #tpu.memory_space<vmem>> -> memref<1x1x128xi32, #tpu.memory_space<vmem>>
      %dma_start3A_1037 = tpu.memref_squeeze %dma_start3A_1036 : memref<1x1x128xi32, #tpu.memory_space<vmem>> -> memref<128xi32, #tpu.memory_space<vmem>>
      %dma_start3A_1038 = arith.constant 0 : i32
      %dma_start3A_1039 = arith.constant 0 : i32
      %dma_start3A_1040 = tpu.memref_slice %arg3[%select_n3A, %dma_start3A_1038, %dma_start3A_1039] : memref<26x100000x16xf32, #tpu.memory_space<hbm>> -> memref<1x100000x16xf32, #tpu.memory_space<hbm>>
      %dma_start3A_1041 = tpu.memref_squeeze %dma_start3A_1040 : memref<1x100000x16xf32, #tpu.memory_space<hbm>> -> memref<100000x16xf32, #tpu.memory_space<hbm>>
      %dma_start3A_1042 = arith.constant 0 : i32
      %dma_start3A_1043 = arith.constant 0 : i32
      %dma_start3A_1044 = tpu.memref_slice %dma_start3A_1041[%dma_start3A_1042, %dma_start3A_1043] : memref<100000x16xf32, #tpu.memory_space<hbm>> -> memref<100000x16xf32, #tpu.memory_space<hbm>>
      tpu.enqueue_indirect_dma source(%dma_start3A_1044 : memref<100000x16xf32, #tpu.memory_space<hbm>>) target(%dma_start3A_1034 : memref<128x16xf32, #tpu.memory_space<vmem>>) offsets(%dma_start3A_1037 : memref<128xi32, #tpu.memory_space<vmem>>) semaphore(%arg9 : memref<!tpu.dma_semaphore, #tpu.memory_space<semaphore_mem>>)
      %dma_start3A_1045 = arith.constant 1 : i32
      %dma_start3A_1046 = arith.constant 18 : i32
      %dma_start3A_1047 = arith.constant 1 : i32
      %dma_start3A_1048 = arith.constant 2304 : i32
      %dma_start3A_1049 = arith.constant 0 : i32
      %dma_start3A_1050 = tpu.memref_slice %arg6[%dma_start3A_1047, %dma_start3A_1048, %dma_start3A_1049] : memref<2x2560x16xf32, #tpu.memory_space<vmem>> -> memref<1x128x16xf32, #tpu.memory_space<vmem>>
      %dma_start3A_1051 = tpu.memref_squeeze %dma_start3A_1050 : memref<1x128x16xf32, #tpu.memory_space<vmem>> -> memref<128x16xf32, #tpu.memory_space<vmem>>
      %dma_start3A_1052 = arith.constant 0 : i32
      %dma_start3A_1053 = tpu.memref_slice %arg5[%dma_start3A_1045, %dma_start3A_1046, %dma_start3A_1052] : memref<2x20x128xi32, #tpu.memory_space<vmem>> -> memref<1x1x128xi32, #tpu.memory_space<vmem>>
      %dma_start3A_1054 = tpu.memref_squeeze %dma_start3A_1053 : memref<1x1x128xi32, #tpu.memory_space<vmem>> -> memref<128xi32, #tpu.memory_space<vmem>>
      %dma_start3A_1055 = arith.constant 0 : i32
      %dma_start3A_1056 = arith.constant 0 : i32
      %dma_start3A_1057 = tpu.memref_slice %arg3[%select_n3A, %dma_start3A_1055, %dma_start3A_1056] : memref<26x100000x16xf32, #tpu.memory_space<hbm>> -> memref<1x100000x16xf32, #tpu.memory_space<hbm>>
      %dma_start3A_1058 = tpu.memref_squeeze %dma_start3A_1057 : memref<1x100000x16xf32, #tpu.memory_space<hbm>> -> memref<100000x16xf32, #tpu.memory_space<hbm>>
      %dma_start3A_1059 = arith.constant 0 : i32
      %dma_start3A_1060 = arith.constant 0 : i32
      %dma_start3A_1061 = tpu.memref_slice %dma_start3A_1058[%dma_start3A_1059, %dma_start3A_1060] : memref<100000x16xf32, #tpu.memory_space<hbm>> -> memref<100000x16xf32, #tpu.memory_space<hbm>>
      tpu.enqueue_indirect_dma source(%dma_start3A_1061 : memref<100000x16xf32, #tpu.memory_space<hbm>>) target(%dma_start3A_1051 : memref<128x16xf32, #tpu.memory_space<vmem>>) offsets(%dma_start3A_1054 : memref<128xi32, #tpu.memory_space<vmem>>) semaphore(%arg9 : memref<!tpu.dma_semaphore, #tpu.memory_space<semaphore_mem>>)
      %dma_start3A_1062 = arith.constant 1 : i32
      %dma_start3A_1063 = arith.constant 19 : i32
      %dma_start3A_1064 = arith.constant 1 : i32
      %dma_start3A_1065 = arith.constant 2432 : i32
      %dma_start3A_1066 = arith.constant 0 : i32
      %dma_start3A_1067 = tpu.memref_slice %arg6[%dma_start3A_1064, %dma_start3A_1065, %dma_start3A_1066] : memref<2x2560x16xf32, #tpu.memory_space<vmem>> -> memref<1x128x16xf32, #tpu.memory_space<vmem>>
      %dma_start3A_1068 = tpu.memref_squeeze %dma_start3A_1067 : memref<1x128x16xf32, #tpu.memory_space<vmem>> -> memref<128x16xf32, #tpu.memory_space<vmem>>
      %dma_start3A_1069 = arith.constant 0 : i32
      %dma_start3A_1070 = tpu.memref_slice %arg5[%dma_start3A_1062, %dma_start3A_1063, %dma_start3A_1069] : memref<2x20x128xi32, #tpu.memory_space<vmem>> -> memref<1x1x128xi32, #tpu.memory_space<vmem>>
      %dma_start3A_1071 = tpu.memref_squeeze %dma_start3A_1070 : memref<1x1x128xi32, #tpu.memory_space<vmem>> -> memref<128xi32, #tpu.memory_space<vmem>>
      %dma_start3A_1072 = arith.constant 0 : i32
      %dma_start3A_1073 = arith.constant 0 : i32
      %dma_start3A_1074 = tpu.memref_slice %arg3[%select_n3A, %dma_start3A_1072, %dma_start3A_1073] : memref<26x100000x16xf32, #tpu.memory_space<hbm>> -> memref<1x100000x16xf32, #tpu.memory_space<hbm>>
      %dma_start3A_1075 = tpu.memref_squeeze %dma_start3A_1074 : memref<1x100000x16xf32, #tpu.memory_space<hbm>> -> memref<100000x16xf32, #tpu.memory_space<hbm>>
      %dma_start3A_1076 = arith.constant 0 : i32
      %dma_start3A_1077 = arith.constant 0 : i32
      %dma_start3A_1078 = tpu.memref_slice %dma_start3A_1075[%dma_start3A_1076, %dma_start3A_1077] : memref<100000x16xf32, #tpu.memory_space<hbm>> -> memref<100000x16xf32, #tpu.memory_space<hbm>>
      tpu.enqueue_indirect_dma source(%dma_start3A_1078 : memref<100000x16xf32, #tpu.memory_space<hbm>>) target(%dma_start3A_1068 : memref<128x16xf32, #tpu.memory_space<vmem>>) offsets(%dma_start3A_1071 : memref<128xi32, #tpu.memory_space<vmem>>) semaphore(%arg9 : memref<!tpu.dma_semaphore, #tpu.memory_space<semaphore_mem>>)
      %dma_wait3A_1079 = arith.constant 0 : i32
      %dma_wait3A_1080 = arith.constant 0 : i32
      %dma_wait3A_1081 = arith.constant 0 : i32
      %dma_wait3A_1082 = arith.constant 0 : i32
      %dma_wait3A_1083 = tpu.memref_slice %arg6[%dma_wait3A_1080, %dma_wait3A_1081, %dma_wait3A_1082] : memref<2x2560x16xf32, #tpu.memory_space<vmem>> -> memref<1x128x16xf32, #tpu.memory_space<vmem>>
      %dma_wait3A_1084 = tpu.memref_squeeze %dma_wait3A_1083 : memref<1x128x16xf32, #tpu.memory_space<vmem>> -> memref<128x16xf32, #tpu.memory_space<vmem>>
      %dma_wait3A_1085 = arith.constant 0 : i32
      %dma_wait3A_1086 = arith.constant 0 : i32
      %dma_wait3A_1087 = tpu.memref_slice %arg3[%dma_wait3A_1079, %dma_wait3A_1085, %dma_wait3A_1086] : memref<26x100000x16xf32, #tpu.memory_space<hbm>> -> memref<1x100000x16xf32, #tpu.memory_space<hbm>>
      %dma_wait3A_1088 = tpu.memref_squeeze %dma_wait3A_1087 : memref<1x100000x16xf32, #tpu.memory_space<hbm>> -> memref<100000x16xf32, #tpu.memory_space<hbm>>
      %dma_wait3A_1089 = arith.constant 0 : i32
      %dma_wait3A_1090 = arith.constant 0 : i32
      %dma_wait3A_1091 = tpu.memref_slice %dma_wait3A_1088[%dma_wait3A_1089, %dma_wait3A_1090] : memref<100000x16xf32, #tpu.memory_space<hbm>> -> memref<128x16xf32, #tpu.memory_space<hbm>>
      %dma_wait3A_1092 = arith.constant 0 : i32
      %dma_wait3A_1093 = arith.constant 0 : i32
      %dma_wait3A_1094 = tpu.memref_slice %arg6[%dma_wait3A_1080, %dma_wait3A_1092, %dma_wait3A_1093] : memref<2x2560x16xf32, #tpu.memory_space<vmem>> -> memref<1x128x16xf32, #tpu.memory_space<vmem>>
      %dma_wait3A_1095 = tpu.memref_squeeze %dma_wait3A_1094 : memref<1x128x16xf32, #tpu.memory_space<vmem>> -> memref<128x16xf32, #tpu.memory_space<vmem>>
      %dma_wait3A_1096 = arith.constant 0 : i32
      %dma_wait3A_1097 = arith.constant 0 : i32
      %dma_wait3A_1098 = tpu.memref_slice %arg3[%dma_wait3A_1079, %dma_wait3A_1096, %dma_wait3A_1097] : memref<26x100000x16xf32, #tpu.memory_space<hbm>> -> memref<1x100000x16xf32, #tpu.memory_space<hbm>>
      %dma_wait3A_1099 = tpu.memref_squeeze %dma_wait3A_1098 : memref<1x100000x16xf32, #tpu.memory_space<hbm>> -> memref<100000x16xf32, #tpu.memory_space<hbm>>
      %dma_wait3A_1100 = arith.constant 0 : i32
      %dma_wait3A_1101 = arith.constant 0 : i32
      %dma_wait3A_1102 = tpu.memref_slice %dma_wait3A_1099[%dma_wait3A_1100, %dma_wait3A_1101] : memref<100000x16xf32, #tpu.memory_space<hbm>> -> memref<128x16xf32, #tpu.memory_space<hbm>>
      tpu.wait_dma2 semaphore(%arg8 : memref<!tpu.dma_semaphore, #tpu.memory_space<semaphore_mem>>) src(%dma_wait3A_1102 : memref<128x16xf32, #tpu.memory_space<hbm>>) dst(%dma_wait3A_1095 : memref<128x16xf32, #tpu.memory_space<vmem>>)
      %dma_wait3A_1103 = arith.constant 0 : i32
      %dma_wait3A_1104 = arith.constant 0 : i32
      %dma_wait3A_1105 = arith.constant 128 : i32
      %dma_wait3A_1106 = arith.constant 0 : i32
      %dma_wait3A_1107 = tpu.memref_slice %arg6[%dma_wait3A_1104, %dma_wait3A_1105, %dma_wait3A_1106] : memref<2x2560x16xf32, #tpu.memory_space<vmem>> -> memref<1x128x16xf32, #tpu.memory_space<vmem>>
      %dma_wait3A_1108 = tpu.memref_squeeze %dma_wait3A_1107 : memref<1x128x16xf32, #tpu.memory_space<vmem>> -> memref<128x16xf32, #tpu.memory_space<vmem>>
      %dma_wait3A_1109 = arith.constant 0 : i32
      %dma_wait3A_1110 = arith.constant 0 : i32
      %dma_wait3A_1111 = tpu.memref_slice %arg3[%dma_wait3A_1103, %dma_wait3A_1109, %dma_wait3A_1110] : memref<26x100000x16xf32, #tpu.memory_space<hbm>> -> memref<1x100000x16xf32, #tpu.memory_space<hbm>>
      %dma_wait3A_1112 = tpu.memref_squeeze %dma_wait3A_1111 : memref<1x100000x16xf32, #tpu.memory_space<hbm>> -> memref<100000x16xf32, #tpu.memory_space<hbm>>
      %dma_wait3A_1113 = arith.constant 0 : i32
      %dma_wait3A_1114 = arith.constant 0 : i32
      %dma_wait3A_1115 = tpu.memref_slice %dma_wait3A_1112[%dma_wait3A_1113, %dma_wait3A_1114] : memref<100000x16xf32, #tpu.memory_space<hbm>> -> memref<128x16xf32, #tpu.memory_space<hbm>>
      %dma_wait3A_1116 = arith.constant 128 : i32
      %dma_wait3A_1117 = arith.constant 0 : i32
      %dma_wait3A_1118 = tpu.memref_slice %arg6[%dma_wait3A_1104, %dma_wait3A_1116, %dma_wait3A_1117] : memref<2x2560x16xf32, #tpu.memory_space<vmem>> -> memref<1x128x16xf32, #tpu.memory_space<vmem>>
      %dma_wait3A_1119 = tpu.memref_squeeze %dma_wait3A_1118 : memref<1x128x16xf32, #tpu.memory_space<vmem>> -> memref<128x16xf32, #tpu.memory_space<vmem>>
      %dma_wait3A_1120 = arith.constant 0 : i32
      %dma_wait3A_1121 = arith.constant 0 : i32
      %dma_wait3A_1122 = tpu.memref_slice %arg3[%dma_wait3A_1103, %dma_wait3A_1120, %dma_wait3A_1121] : memref<26x100000x16xf32, #tpu.memory_space<hbm>> -> memref<1x100000x16xf32, #tpu.memory_space<hbm>>
      %dma_wait3A_1123 = tpu.memref_squeeze %dma_wait3A_1122 : memref<1x100000x16xf32, #tpu.memory_space<hbm>> -> memref<100000x16xf32, #tpu.memory_space<hbm>>
      %dma_wait3A_1124 = arith.constant 0 : i32
      %dma_wait3A_1125 = arith.constant 0 : i32
      %dma_wait3A_1126 = tpu.memref_slice %dma_wait3A_1123[%dma_wait3A_1124, %dma_wait3A_1125] : memref<100000x16xf32, #tpu.memory_space<hbm>> -> memref<128x16xf32, #tpu.memory_space<hbm>>
      tpu.wait_dma2 semaphore(%arg8 : memref<!tpu.dma_semaphore, #tpu.memory_space<semaphore_mem>>) src(%dma_wait3A_1126 : memref<128x16xf32, #tpu.memory_space<hbm>>) dst(%dma_wait3A_1119 : memref<128x16xf32, #tpu.memory_space<vmem>>)
      %dma_wait3A_1127 = arith.constant 0 : i32
      %dma_wait3A_1128 = arith.constant 0 : i32
      %dma_wait3A_1129 = arith.constant 256 : i32
      %dma_wait3A_1130 = arith.constant 0 : i32
      %dma_wait3A_1131 = tpu.memref_slice %arg6[%dma_wait3A_1128, %dma_wait3A_1129, %dma_wait3A_1130] : memref<2x2560x16xf32, #tpu.memory_space<vmem>> -> memref<1x128x16xf32, #tpu.memory_space<vmem>>
      %dma_wait3A_1132 = tpu.memref_squeeze %dma_wait3A_1131 : memref<1x128x16xf32, #tpu.memory_space<vmem>> -> memref<128x16xf32, #tpu.memory_space<vmem>>
      %dma_wait3A_1133 = arith.constant 0 : i32
      %dma_wait3A_1134 = arith.constant 0 : i32
      %dma_wait3A_1135 = tpu.memref_slice %arg3[%dma_wait3A_1127, %dma_wait3A_1133, %dma_wait3A_1134] : memref<26x100000x16xf32, #tpu.memory_space<hbm>> -> memref<1x100000x16xf32, #tpu.memory_space<hbm>>
      %dma_wait3A_1136 = tpu.memref_squeeze %dma_wait3A_1135 : memref<1x100000x16xf32, #tpu.memory_space<hbm>> -> memref<100000x16xf32, #tpu.memory_space<hbm>>
      %dma_wait3A_1137 = arith.constant 0 : i32
      %dma_wait3A_1138 = arith.constant 0 : i32
      %dma_wait3A_1139 = tpu.memref_slice %dma_wait3A_1136[%dma_wait3A_1137, %dma_wait3A_1138] : memref<100000x16xf32, #tpu.memory_space<hbm>> -> memref<128x16xf32, #tpu.memory_space<hbm>>
      %dma_wait3A_1140 = arith.constant 256 : i32
      %dma_wait3A_1141 = arith.constant 0 : i32
      %dma_wait3A_1142 = tpu.memref_slice %arg6[%dma_wait3A_1128, %dma_wait3A_1140, %dma_wait3A_1141] : memref<2x2560x16xf32, #tpu.memory_space<vmem>> -> memref<1x128x16xf32, #tpu.memory_space<vmem>>
      %dma_wait3A_1143 = tpu.memref_squeeze %dma_wait3A_1142 : memref<1x128x16xf32, #tpu.memory_space<vmem>> -> memref<128x16xf32, #tpu.memory_space<vmem>>
      %dma_wait3A_1144 = arith.constant 0 : i32
      %dma_wait3A_1145 = arith.constant 0 : i32
      %dma_wait3A_1146 = tpu.memref_slice %arg3[%dma_wait3A_1127, %dma_wait3A_1144, %dma_wait3A_1145] : memref<26x100000x16xf32, #tpu.memory_space<hbm>> -> memref<1x100000x16xf32, #tpu.memory_space<hbm>>
      %dma_wait3A_1147 = tpu.memref_squeeze %dma_wait3A_1146 : memref<1x100000x16xf32, #tpu.memory_space<hbm>> -> memref<100000x16xf32, #tpu.memory_space<hbm>>
      %dma_wait3A_1148 = arith.constant 0 : i32
      %dma_wait3A_1149 = arith.constant 0 : i32
      %dma_wait3A_1150 = tpu.memref_slice %dma_wait3A_1147[%dma_wait3A_1148, %dma_wait3A_1149] : memref<100000x16xf32, #tpu.memory_space<hbm>> -> memref<128x16xf32, #tpu.memory_space<hbm>>
      tpu.wait_dma2 semaphore(%arg8 : memref<!tpu.dma_semaphore, #tpu.memory_space<semaphore_mem>>) src(%dma_wait3A_1150 : memref<128x16xf32, #tpu.memory_space<hbm>>) dst(%dma_wait3A_1143 : memref<128x16xf32, #tpu.memory_space<vmem>>)
      %dma_wait3A_1151 = arith.constant 0 : i32
      %dma_wait3A_1152 = arith.constant 0 : i32
      %dma_wait3A_1153 = arith.constant 384 : i32
      %dma_wait3A_1154 = arith.constant 0 : i32
      %dma_wait3A_1155 = tpu.memref_slice %arg6[%dma_wait3A_1152, %dma_wait3A_1153, %dma_wait3A_1154] : memref<2x2560x16xf32, #tpu.memory_space<vmem>> -> memref<1x128x16xf32, #tpu.memory_space<vmem>>
      %dma_wait3A_1156 = tpu.memref_squeeze %dma_wait3A_1155 : memref<1x128x16xf32, #tpu.memory_space<vmem>> -> memref<128x16xf32, #tpu.memory_space<vmem>>
      %dma_wait3A_1157 = arith.constant 0 : i32
      %dma_wait3A_1158 = arith.constant 0 : i32
      %dma_wait3A_1159 = tpu.memref_slice %arg3[%dma_wait3A_1151, %dma_wait3A_1157, %dma_wait3A_1158] : memref<26x100000x16xf32, #tpu.memory_space<hbm>> -> memref<1x100000x16xf32, #tpu.memory_space<hbm>>
      %dma_wait3A_1160 = tpu.memref_squeeze %dma_wait3A_1159 : memref<1x100000x16xf32, #tpu.memory_space<hbm>> -> memref<100000x16xf32, #tpu.memory_space<hbm>>
      %dma_wait3A_1161 = arith.constant 0 : i32
      %dma_wait3A_1162 = arith.constant 0 : i32
      %dma_wait3A_1163 = tpu.memref_slice %dma_wait3A_1160[%dma_wait3A_1161, %dma_wait3A_1162] : memref<100000x16xf32, #tpu.memory_space<hbm>> -> memref<128x16xf32, #tpu.memory_space<hbm>>
      %dma_wait3A_1164 = arith.constant 384 : i32
      %dma_wait3A_1165 = arith.constant 0 : i32
      %dma_wait3A_1166 = tpu.memref_slice %arg6[%dma_wait3A_1152, %dma_wait3A_1164, %dma_wait3A_1165] : memref<2x2560x16xf32, #tpu.memory_space<vmem>> -> memref<1x128x16xf32, #tpu.memory_space<vmem>>
      %dma_wait3A_1167 = tpu.memref_squeeze %dma_wait3A_1166 : memref<1x128x16xf32, #tpu.memory_space<vmem>> -> memref<128x16xf32, #tpu.memory_space<vmem>>
      %dma_wait3A_1168 = arith.constant 0 : i32
      %dma_wait3A_1169 = arith.constant 0 : i32
      %dma_wait3A_1170 = tpu.memref_slice %arg3[%dma_wait3A_1151, %dma_wait3A_1168, %dma_wait3A_1169] : memref<26x100000x16xf32, #tpu.memory_space<hbm>> -> memref<1x100000x16xf32, #tpu.memory_space<hbm>>
      %dma_wait3A_1171 = tpu.memref_squeeze %dma_wait3A_1170 : memref<1x100000x16xf32, #tpu.memory_space<hbm>> -> memref<100000x16xf32, #tpu.memory_space<hbm>>
      %dma_wait3A_1172 = arith.constant 0 : i32
      %dma_wait3A_1173 = arith.constant 0 : i32
      %dma_wait3A_1174 = tpu.memref_slice %dma_wait3A_1171[%dma_wait3A_1172, %dma_wait3A_1173] : memref<100000x16xf32, #tpu.memory_space<hbm>> -> memref<128x16xf32, #tpu.memory_space<hbm>>
      tpu.wait_dma2 semaphore(%arg8 : memref<!tpu.dma_semaphore, #tpu.memory_space<semaphore_mem>>) src(%dma_wait3A_1174 : memref<128x16xf32, #tpu.memory_space<hbm>>) dst(%dma_wait3A_1167 : memref<128x16xf32, #tpu.memory_space<vmem>>)
      %dma_wait3A_1175 = arith.constant 0 : i32
      %dma_wait3A_1176 = arith.constant 0 : i32
      %dma_wait3A_1177 = arith.constant 512 : i32
      %dma_wait3A_1178 = arith.constant 0 : i32
      %dma_wait3A_1179 = tpu.memref_slice %arg6[%dma_wait3A_1176, %dma_wait3A_1177, %dma_wait3A_1178] : memref<2x2560x16xf32, #tpu.memory_space<vmem>> -> memref<1x128x16xf32, #tpu.memory_space<vmem>>
      %dma_wait3A_1180 = tpu.memref_squeeze %dma_wait3A_1179 : memref<1x128x16xf32, #tpu.memory_space<vmem>> -> memref<128x16xf32, #tpu.memory_space<vmem>>
      %dma_wait3A_1181 = arith.constant 0 : i32
      %dma_wait3A_1182 = arith.constant 0 : i32
      %dma_wait3A_1183 = tpu.memref_slice %arg3[%dma_wait3A_1175, %dma_wait3A_1181, %dma_wait3A_1182] : memref<26x100000x16xf32, #tpu.memory_space<hbm>> -> memref<1x100000x16xf32, #tpu.memory_space<hbm>>
      %dma_wait3A_1184 = tpu.memref_squeeze %dma_wait3A_1183 : memref<1x100000x16xf32, #tpu.memory_space<hbm>> -> memref<100000x16xf32, #tpu.memory_space<hbm>>
      %dma_wait3A_1185 = arith.constant 0 : i32
      %dma_wait3A_1186 = arith.constant 0 : i32
      %dma_wait3A_1187 = tpu.memref_slice %dma_wait3A_1184[%dma_wait3A_1185, %dma_wait3A_1186] : memref<100000x16xf32, #tpu.memory_space<hbm>> -> memref<128x16xf32, #tpu.memory_space<hbm>>
      %dma_wait3A_1188 = arith.constant 512 : i32
      %dma_wait3A_1189 = arith.constant 0 : i32
      %dma_wait3A_1190 = tpu.memref_slice %arg6[%dma_wait3A_1176, %dma_wait3A_1188, %dma_wait3A_1189] : memref<2x2560x16xf32, #tpu.memory_space<vmem>> -> memref<1x128x16xf32, #tpu.memory_space<vmem>>
      %dma_wait3A_1191 = tpu.memref_squeeze %dma_wait3A_1190 : memref<1x128x16xf32, #tpu.memory_space<vmem>> -> memref<128x16xf32, #tpu.memory_space<vmem>>
      %dma_wait3A_1192 = arith.constant 0 : i32
      %dma_wait3A_1193 = arith.constant 0 : i32
      %dma_wait3A_1194 = tpu.memref_slice %arg3[%dma_wait3A_1175, %dma_wait3A_1192, %dma_wait3A_1193] : memref<26x100000x16xf32, #tpu.memory_space<hbm>> -> memref<1x100000x16xf32, #tpu.memory_space<hbm>>
      %dma_wait3A_1195 = tpu.memref_squeeze %dma_wait3A_1194 : memref<1x100000x16xf32, #tpu.memory_space<hbm>> -> memref<100000x16xf32, #tpu.memory_space<hbm>>
      %dma_wait3A_1196 = arith.constant 0 : i32
      %dma_wait3A_1197 = arith.constant 0 : i32
      %dma_wait3A_1198 = tpu.memref_slice %dma_wait3A_1195[%dma_wait3A_1196, %dma_wait3A_1197] : memref<100000x16xf32, #tpu.memory_space<hbm>> -> memref<128x16xf32, #tpu.memory_space<hbm>>
      tpu.wait_dma2 semaphore(%arg8 : memref<!tpu.dma_semaphore, #tpu.memory_space<semaphore_mem>>) src(%dma_wait3A_1198 : memref<128x16xf32, #tpu.memory_space<hbm>>) dst(%dma_wait3A_1191 : memref<128x16xf32, #tpu.memory_space<vmem>>)
      %dma_wait3A_1199 = arith.constant 0 : i32
      %dma_wait3A_1200 = arith.constant 0 : i32
      %dma_wait3A_1201 = arith.constant 640 : i32
      %dma_wait3A_1202 = arith.constant 0 : i32
      %dma_wait3A_1203 = tpu.memref_slice %arg6[%dma_wait3A_1200, %dma_wait3A_1201, %dma_wait3A_1202] : memref<2x2560x16xf32, #tpu.memory_space<vmem>> -> memref<1x128x16xf32, #tpu.memory_space<vmem>>
      %dma_wait3A_1204 = tpu.memref_squeeze %dma_wait3A_1203 : memref<1x128x16xf32, #tpu.memory_space<vmem>> -> memref<128x16xf32, #tpu.memory_space<vmem>>
      %dma_wait3A_1205 = arith.constant 0 : i32
      %dma_wait3A_1206 = arith.constant 0 : i32
      %dma_wait3A_1207 = tpu.memref_slice %arg3[%dma_wait3A_1199, %dma_wait3A_1205, %dma_wait3A_1206] : memref<26x100000x16xf32, #tpu.memory_space<hbm>> -> memref<1x100000x16xf32, #tpu.memory_space<hbm>>
      %dma_wait3A_1208 = tpu.memref_squeeze %dma_wait3A_1207 : memref<1x100000x16xf32, #tpu.memory_space<hbm>> -> memref<100000x16xf32, #tpu.memory_space<hbm>>
      %dma_wait3A_1209 = arith.constant 0 : i32
      %dma_wait3A_1210 = arith.constant 0 : i32
      %dma_wait3A_1211 = tpu.memref_slice %dma_wait3A_1208[%dma_wait3A_1209, %dma_wait3A_1210] : memref<100000x16xf32, #tpu.memory_space<hbm>> -> memref<128x16xf32, #tpu.memory_space<hbm>>
      %dma_wait3A_1212 = arith.constant 640 : i32
      %dma_wait3A_1213 = arith.constant 0 : i32
      %dma_wait3A_1214 = tpu.memref_slice %arg6[%dma_wait3A_1200, %dma_wait3A_1212, %dma_wait3A_1213] : memref<2x2560x16xf32, #tpu.memory_space<vmem>> -> memref<1x128x16xf32, #tpu.memory_space<vmem>>
      %dma_wait3A_1215 = tpu.memref_squeeze %dma_wait3A_1214 : memref<1x128x16xf32, #tpu.memory_space<vmem>> -> memref<128x16xf32, #tpu.memory_space<vmem>>
      %dma_wait3A_1216 = arith.constant 0 : i32
      %dma_wait3A_1217 = arith.constant 0 : i32
      %dma_wait3A_1218 = tpu.memref_slice %arg3[%dma_wait3A_1199, %dma_wait3A_1216, %dma_wait3A_1217] : memref<26x100000x16xf32, #tpu.memory_space<hbm>> -> memref<1x100000x16xf32, #tpu.memory_space<hbm>>
      %dma_wait3A_1219 = tpu.memref_squeeze %dma_wait3A_1218 : memref<1x100000x16xf32, #tpu.memory_space<hbm>> -> memref<100000x16xf32, #tpu.memory_space<hbm>>
      %dma_wait3A_1220 = arith.constant 0 : i32
      %dma_wait3A_1221 = arith.constant 0 : i32
      %dma_wait3A_1222 = tpu.memref_slice %dma_wait3A_1219[%dma_wait3A_1220, %dma_wait3A_1221] : memref<100000x16xf32, #tpu.memory_space<hbm>> -> memref<128x16xf32, #tpu.memory_space<hbm>>
      tpu.wait_dma2 semaphore(%arg8 : memref<!tpu.dma_semaphore, #tpu.memory_space<semaphore_mem>>) src(%dma_wait3A_1222 : memref<128x16xf32, #tpu.memory_space<hbm>>) dst(%dma_wait3A_1215 : memref<128x16xf32, #tpu.memory_space<vmem>>)
      %dma_wait3A_1223 = arith.constant 0 : i32
      %dma_wait3A_1224 = arith.constant 0 : i32
      %dma_wait3A_1225 = arith.constant 768 : i32
      %dma_wait3A_1226 = arith.constant 0 : i32
      %dma_wait3A_1227 = tpu.memref_slice %arg6[%dma_wait3A_1224, %dma_wait3A_1225, %dma_wait3A_1226] : memref<2x2560x16xf32, #tpu.memory_space<vmem>> -> memref<1x128x16xf32, #tpu.memory_space<vmem>>
      %dma_wait3A_1228 = tpu.memref_squeeze %dma_wait3A_1227 : memref<1x128x16xf32, #tpu.memory_space<vmem>> -> memref<128x16xf32, #tpu.memory_space<vmem>>
      %dma_wait3A_1229 = arith.constant 0 : i32
      %dma_wait3A_1230 = arith.constant 0 : i32
      %dma_wait3A_1231 = tpu.memref_slice %arg3[%dma_wait3A_1223, %dma_wait3A_1229, %dma_wait3A_1230] : memref<26x100000x16xf32, #tpu.memory_space<hbm>> -> memref<1x100000x16xf32, #tpu.memory_space<hbm>>
      %dma_wait3A_1232 = tpu.memref_squeeze %dma_wait3A_1231 : memref<1x100000x16xf32, #tpu.memory_space<hbm>> -> memref<100000x16xf32, #tpu.memory_space<hbm>>
      %dma_wait3A_1233 = arith.constant 0 : i32
      %dma_wait3A_1234 = arith.constant 0 : i32
      %dma_wait3A_1235 = tpu.memref_slice %dma_wait3A_1232[%dma_wait3A_1233, %dma_wait3A_1234] : memref<100000x16xf32, #tpu.memory_space<hbm>> -> memref<128x16xf32, #tpu.memory_space<hbm>>
      %dma_wait3A_1236 = arith.constant 768 : i32
      %dma_wait3A_1237 = arith.constant 0 : i32
      %dma_wait3A_1238 = tpu.memref_slice %arg6[%dma_wait3A_1224, %dma_wait3A_1236, %dma_wait3A_1237] : memref<2x2560x16xf32, #tpu.memory_space<vmem>> -> memref<1x128x16xf32, #tpu.memory_space<vmem>>
      %dma_wait3A_1239 = tpu.memref_squeeze %dma_wait3A_1238 : memref<1x128x16xf32, #tpu.memory_space<vmem>> -> memref<128x16xf32, #tpu.memory_space<vmem>>
      %dma_wait3A_1240 = arith.constant 0 : i32
      %dma_wait3A_1241 = arith.constant 0 : i32
      %dma_wait3A_1242 = tpu.memref_slice %arg3[%dma_wait3A_1223, %dma_wait3A_1240, %dma_wait3A_1241] : memref<26x100000x16xf32, #tpu.memory_space<hbm>> -> memref<1x100000x16xf32, #tpu.memory_space<hbm>>
      %dma_wait3A_1243 = tpu.memref_squeeze %dma_wait3A_1242 : memref<1x100000x16xf32, #tpu.memory_space<hbm>> -> memref<100000x16xf32, #tpu.memory_space<hbm>>
      %dma_wait3A_1244 = arith.constant 0 : i32
      %dma_wait3A_1245 = arith.constant 0 : i32
      %dma_wait3A_1246 = tpu.memref_slice %dma_wait3A_1243[%dma_wait3A_1244, %dma_wait3A_1245] : memref<100000x16xf32, #tpu.memory_space<hbm>> -> memref<128x16xf32, #tpu.memory_space<hbm>>
      tpu.wait_dma2 semaphore(%arg8 : memref<!tpu.dma_semaphore, #tpu.memory_space<semaphore_mem>>) src(%dma_wait3A_1246 : memref<128x16xf32, #tpu.memory_space<hbm>>) dst(%dma_wait3A_1239 : memref<128x16xf32, #tpu.memory_space<vmem>>)
      %dma_wait3A_1247 = arith.constant 0 : i32
      %dma_wait3A_1248 = arith.constant 0 : i32
      %dma_wait3A_1249 = arith.constant 896 : i32
      %dma_wait3A_1250 = arith.constant 0 : i32
      %dma_wait3A_1251 = tpu.memref_slice %arg6[%dma_wait3A_1248, %dma_wait3A_1249, %dma_wait3A_1250] : memref<2x2560x16xf32, #tpu.memory_space<vmem>> -> memref<1x128x16xf32, #tpu.memory_space<vmem>>
      %dma_wait3A_1252 = tpu.memref_squeeze %dma_wait3A_1251 : memref<1x128x16xf32, #tpu.memory_space<vmem>> -> memref<128x16xf32, #tpu.memory_space<vmem>>
      %dma_wait3A_1253 = arith.constant 0 : i32
      %dma_wait3A_1254 = arith.constant 0 : i32
      %dma_wait3A_1255 = tpu.memref_slice %arg3[%dma_wait3A_1247, %dma_wait3A_1253, %dma_wait3A_1254] : memref<26x100000x16xf32, #tpu.memory_space<hbm>> -> memref<1x100000x16xf32, #tpu.memory_space<hbm>>
      %dma_wait3A_1256 = tpu.memref_squeeze %dma_wait3A_1255 : memref<1x100000x16xf32, #tpu.memory_space<hbm>> -> memref<100000x16xf32, #tpu.memory_space<hbm>>
      %dma_wait3A_1257 = arith.constant 0 : i32
      %dma_wait3A_1258 = arith.constant 0 : i32
      %dma_wait3A_1259 = tpu.memref_slice %dma_wait3A_1256[%dma_wait3A_1257, %dma_wait3A_1258] : memref<100000x16xf32, #tpu.memory_space<hbm>> -> memref<128x16xf32, #tpu.memory_space<hbm>>
      %dma_wait3A_1260 = arith.constant 896 : i32
      %dma_wait3A_1261 = arith.constant 0 : i32
      %dma_wait3A_1262 = tpu.memref_slice %arg6[%dma_wait3A_1248, %dma_wait3A_1260, %dma_wait3A_1261] : memref<2x2560x16xf32, #tpu.memory_space<vmem>> -> memref<1x128x16xf32, #tpu.memory_space<vmem>>
      %dma_wait3A_1263 = tpu.memref_squeeze %dma_wait3A_1262 : memref<1x128x16xf32, #tpu.memory_space<vmem>> -> memref<128x16xf32, #tpu.memory_space<vmem>>
      %dma_wait3A_1264 = arith.constant 0 : i32
      %dma_wait3A_1265 = arith.constant 0 : i32
      %dma_wait3A_1266 = tpu.memref_slice %arg3[%dma_wait3A_1247, %dma_wait3A_1264, %dma_wait3A_1265] : memref<26x100000x16xf32, #tpu.memory_space<hbm>> -> memref<1x100000x16xf32, #tpu.memory_space<hbm>>
      %dma_wait3A_1267 = tpu.memref_squeeze %dma_wait3A_1266 : memref<1x100000x16xf32, #tpu.memory_space<hbm>> -> memref<100000x16xf32, #tpu.memory_space<hbm>>
      %dma_wait3A_1268 = arith.constant 0 : i32
      %dma_wait3A_1269 = arith.constant 0 : i32
      %dma_wait3A_1270 = tpu.memref_slice %dma_wait3A_1267[%dma_wait3A_1268, %dma_wait3A_1269] : memref<100000x16xf32, #tpu.memory_space<hbm>> -> memref<128x16xf32, #tpu.memory_space<hbm>>
      tpu.wait_dma2 semaphore(%arg8 : memref<!tpu.dma_semaphore, #tpu.memory_space<semaphore_mem>>) src(%dma_wait3A_1270 : memref<128x16xf32, #tpu.memory_space<hbm>>) dst(%dma_wait3A_1263 : memref<128x16xf32, #tpu.memory_space<vmem>>)
      %dma_wait3A_1271 = arith.constant 0 : i32
      %dma_wait3A_1272 = arith.constant 0 : i32
      %dma_wait3A_1273 = arith.constant 1024 : i32
      %dma_wait3A_1274 = arith.constant 0 : i32
      %dma_wait3A_1275 = tpu.memref_slice %arg6[%dma_wait3A_1272, %dma_wait3A_1273, %dma_wait3A_1274] : memref<2x2560x16xf32, #tpu.memory_space<vmem>> -> memref<1x128x16xf32, #tpu.memory_space<vmem>>
      %dma_wait3A_1276 = tpu.memref_squeeze %dma_wait3A_1275 : memref<1x128x16xf32, #tpu.memory_space<vmem>> -> memref<128x16xf32, #tpu.memory_space<vmem>>
      %dma_wait3A_1277 = arith.constant 0 : i32
      %dma_wait3A_1278 = arith.constant 0 : i32
      %dma_wait3A_1279 = tpu.memref_slice %arg3[%dma_wait3A_1271, %dma_wait3A_1277, %dma_wait3A_1278] : memref<26x100000x16xf32, #tpu.memory_space<hbm>> -> memref<1x100000x16xf32, #tpu.memory_space<hbm>>
      %dma_wait3A_1280 = tpu.memref_squeeze %dma_wait3A_1279 : memref<1x100000x16xf32, #tpu.memory_space<hbm>> -> memref<100000x16xf32, #tpu.memory_space<hbm>>
      %dma_wait3A_1281 = arith.constant 0 : i32
      %dma_wait3A_1282 = arith.constant 0 : i32
      %dma_wait3A_1283 = tpu.memref_slice %dma_wait3A_1280[%dma_wait3A_1281, %dma_wait3A_1282] : memref<100000x16xf32, #tpu.memory_space<hbm>> -> memref<128x16xf32, #tpu.memory_space<hbm>>
      %dma_wait3A_1284 = arith.constant 1024 : i32
      %dma_wait3A_1285 = arith.constant 0 : i32
      %dma_wait3A_1286 = tpu.memref_slice %arg6[%dma_wait3A_1272, %dma_wait3A_1284, %dma_wait3A_1285] : memref<2x2560x16xf32, #tpu.memory_space<vmem>> -> memref<1x128x16xf32, #tpu.memory_space<vmem>>
      %dma_wait3A_1287 = tpu.memref_squeeze %dma_wait3A_1286 : memref<1x128x16xf32, #tpu.memory_space<vmem>> -> memref<128x16xf32, #tpu.memory_space<vmem>>
      %dma_wait3A_1288 = arith.constant 0 : i32
      %dma_wait3A_1289 = arith.constant 0 : i32
      %dma_wait3A_1290 = tpu.memref_slice %arg3[%dma_wait3A_1271, %dma_wait3A_1288, %dma_wait3A_1289] : memref<26x100000x16xf32, #tpu.memory_space<hbm>> -> memref<1x100000x16xf32, #tpu.memory_space<hbm>>
      %dma_wait3A_1291 = tpu.memref_squeeze %dma_wait3A_1290 : memref<1x100000x16xf32, #tpu.memory_space<hbm>> -> memref<100000x16xf32, #tpu.memory_space<hbm>>
      %dma_wait3A_1292 = arith.constant 0 : i32
      %dma_wait3A_1293 = arith.constant 0 : i32
      %dma_wait3A_1294 = tpu.memref_slice %dma_wait3A_1291[%dma_wait3A_1292, %dma_wait3A_1293] : memref<100000x16xf32, #tpu.memory_space<hbm>> -> memref<128x16xf32, #tpu.memory_space<hbm>>
      tpu.wait_dma2 semaphore(%arg8 : memref<!tpu.dma_semaphore, #tpu.memory_space<semaphore_mem>>) src(%dma_wait3A_1294 : memref<128x16xf32, #tpu.memory_space<hbm>>) dst(%dma_wait3A_1287 : memref<128x16xf32, #tpu.memory_space<vmem>>)
      %dma_wait3A_1295 = arith.constant 0 : i32
      %dma_wait3A_1296 = arith.constant 0 : i32
      %dma_wait3A_1297 = arith.constant 1152 : i32
      %dma_wait3A_1298 = arith.constant 0 : i32
      %dma_wait3A_1299 = tpu.memref_slice %arg6[%dma_wait3A_1296, %dma_wait3A_1297, %dma_wait3A_1298] : memref<2x2560x16xf32, #tpu.memory_space<vmem>> -> memref<1x128x16xf32, #tpu.memory_space<vmem>>
      %dma_wait3A_1300 = tpu.memref_squeeze %dma_wait3A_1299 : memref<1x128x16xf32, #tpu.memory_space<vmem>> -> memref<128x16xf32, #tpu.memory_space<vmem>>
      %dma_wait3A_1301 = arith.constant 0 : i32
      %dma_wait3A_1302 = arith.constant 0 : i32
      %dma_wait3A_1303 = tpu.memref_slice %arg3[%dma_wait3A_1295, %dma_wait3A_1301, %dma_wait3A_1302] : memref<26x100000x16xf32, #tpu.memory_space<hbm>> -> memref<1x100000x16xf32, #tpu.memory_space<hbm>>
      %dma_wait3A_1304 = tpu.memref_squeeze %dma_wait3A_1303 : memref<1x100000x16xf32, #tpu.memory_space<hbm>> -> memref<100000x16xf32, #tpu.memory_space<hbm>>
      %dma_wait3A_1305 = arith.constant 0 : i32
      %dma_wait3A_1306 = arith.constant 0 : i32
      %dma_wait3A_1307 = tpu.memref_slice %dma_wait3A_1304[%dma_wait3A_1305, %dma_wait3A_1306] : memref<100000x16xf32, #tpu.memory_space<hbm>> -> memref<128x16xf32, #tpu.memory_space<hbm>>
      %dma_wait3A_1308 = arith.constant 1152 : i32
      %dma_wait3A_1309 = arith.constant 0 : i32
      %dma_wait3A_1310 = tpu.memref_slice %arg6[%dma_wait3A_1296, %dma_wait3A_1308, %dma_wait3A_1309] : memref<2x2560x16xf32, #tpu.memory_space<vmem>> -> memref<1x128x16xf32, #tpu.memory_space<vmem>>
      %dma_wait3A_1311 = tpu.memref_squeeze %dma_wait3A_1310 : memref<1x128x16xf32, #tpu.memory_space<vmem>> -> memref<128x16xf32, #tpu.memory_space<vmem>>
      %dma_wait3A_1312 = arith.constant 0 : i32
      %dma_wait3A_1313 = arith.constant 0 : i32
      %dma_wait3A_1314 = tpu.memref_slice %arg3[%dma_wait3A_1295, %dma_wait3A_1312, %dma_wait3A_1313] : memref<26x100000x16xf32, #tpu.memory_space<hbm>> -> memref<1x100000x16xf32, #tpu.memory_space<hbm>>
      %dma_wait3A_1315 = tpu.memref_squeeze %dma_wait3A_1314 : memref<1x100000x16xf32, #tpu.memory_space<hbm>> -> memref<100000x16xf32, #tpu.memory_space<hbm>>
      %dma_wait3A_1316 = arith.constant 0 : i32
      %dma_wait3A_1317 = arith.constant 0 : i32
      %dma_wait3A_1318 = tpu.memref_slice %dma_wait3A_1315[%dma_wait3A_1316, %dma_wait3A_1317] : memref<100000x16xf32, #tpu.memory_space<hbm>> -> memref<128x16xf32, #tpu.memory_space<hbm>>
      tpu.wait_dma2 semaphore(%arg8 : memref<!tpu.dma_semaphore, #tpu.memory_space<semaphore_mem>>) src(%dma_wait3A_1318 : memref<128x16xf32, #tpu.memory_space<hbm>>) dst(%dma_wait3A_1311 : memref<128x16xf32, #tpu.memory_space<vmem>>)
      %dma_wait3A_1319 = arith.constant 0 : i32
      %dma_wait3A_1320 = arith.constant 0 : i32
      %dma_wait3A_1321 = arith.constant 1280 : i32
      %dma_wait3A_1322 = arith.constant 0 : i32
      %dma_wait3A_1323 = tpu.memref_slice %arg6[%dma_wait3A_1320, %dma_wait3A_1321, %dma_wait3A_1322] : memref<2x2560x16xf32, #tpu.memory_space<vmem>> -> memref<1x128x16xf32, #tpu.memory_space<vmem>>
      %dma_wait3A_1324 = tpu.memref_squeeze %dma_wait3A_1323 : memref<1x128x16xf32, #tpu.memory_space<vmem>> -> memref<128x16xf32, #tpu.memory_space<vmem>>
      %dma_wait3A_1325 = arith.constant 0 : i32
      %dma_wait3A_1326 = arith.constant 0 : i32
      %dma_wait3A_1327 = tpu.memref_slice %arg3[%dma_wait3A_1319, %dma_wait3A_1325, %dma_wait3A_1326] : memref<26x100000x16xf32, #tpu.memory_space<hbm>> -> memref<1x100000x16xf32, #tpu.memory_space<hbm>>
      %dma_wait3A_1328 = tpu.memref_squeeze %dma_wait3A_1327 : memref<1x100000x16xf32, #tpu.memory_space<hbm>> -> memref<100000x16xf32, #tpu.memory_space<hbm>>
      %dma_wait3A_1329 = arith.constant 0 : i32
      %dma_wait3A_1330 = arith.constant 0 : i32
      %dma_wait3A_1331 = tpu.memref_slice %dma_wait3A_1328[%dma_wait3A_1329, %dma_wait3A_1330] : memref<100000x16xf32, #tpu.memory_space<hbm>> -> memref<128x16xf32, #tpu.memory_space<hbm>>
      %dma_wait3A_1332 = arith.constant 1280 : i32
      %dma_wait3A_1333 = arith.constant 0 : i32
      %dma_wait3A_1334 = tpu.memref_slice %arg6[%dma_wait3A_1320, %dma_wait3A_1332, %dma_wait3A_1333] : memref<2x2560x16xf32, #tpu.memory_space<vmem>> -> memref<1x128x16xf32, #tpu.memory_space<vmem>>
      %dma_wait3A_1335 = tpu.memref_squeeze %dma_wait3A_1334 : memref<1x128x16xf32, #tpu.memory_space<vmem>> -> memref<128x16xf32, #tpu.memory_space<vmem>>
      %dma_wait3A_1336 = arith.constant 0 : i32
      %dma_wait3A_1337 = arith.constant 0 : i32
      %dma_wait3A_1338 = tpu.memref_slice %arg3[%dma_wait3A_1319, %dma_wait3A_1336, %dma_wait3A_1337] : memref<26x100000x16xf32, #tpu.memory_space<hbm>> -> memref<1x100000x16xf32, #tpu.memory_space<hbm>>
      %dma_wait3A_1339 = tpu.memref_squeeze %dma_wait3A_1338 : memref<1x100000x16xf32, #tpu.memory_space<hbm>> -> memref<100000x16xf32, #tpu.memory_space<hbm>>
      %dma_wait3A_1340 = arith.constant 0 : i32
      %dma_wait3A_1341 = arith.constant 0 : i32
      %dma_wait3A_1342 = tpu.memref_slice %dma_wait3A_1339[%dma_wait3A_1340, %dma_wait3A_1341] : memref<100000x16xf32, #tpu.memory_space<hbm>> -> memref<128x16xf32, #tpu.memory_space<hbm>>
      tpu.wait_dma2 semaphore(%arg8 : memref<!tpu.dma_semaphore, #tpu.memory_space<semaphore_mem>>) src(%dma_wait3A_1342 : memref<128x16xf32, #tpu.memory_space<hbm>>) dst(%dma_wait3A_1335 : memref<128x16xf32, #tpu.memory_space<vmem>>)
      %dma_wait3A_1343 = arith.constant 0 : i32
      %dma_wait3A_1344 = arith.constant 0 : i32
      %dma_wait3A_1345 = arith.constant 1408 : i32
      %dma_wait3A_1346 = arith.constant 0 : i32
      %dma_wait3A_1347 = tpu.memref_slice %arg6[%dma_wait3A_1344, %dma_wait3A_1345, %dma_wait3A_1346] : memref<2x2560x16xf32, #tpu.memory_space<vmem>> -> memref<1x128x16xf32, #tpu.memory_space<vmem>>
      %dma_wait3A_1348 = tpu.memref_squeeze %dma_wait3A_1347 : memref<1x128x16xf32, #tpu.memory_space<vmem>> -> memref<128x16xf32, #tpu.memory_space<vmem>>
      %dma_wait3A_1349 = arith.constant 0 : i32
      %dma_wait3A_1350 = arith.constant 0 : i32
      %dma_wait3A_1351 = tpu.memref_slice %arg3[%dma_wait3A_1343, %dma_wait3A_1349, %dma_wait3A_1350] : memref<26x100000x16xf32, #tpu.memory_space<hbm>> -> memref<1x100000x16xf32, #tpu.memory_space<hbm>>
      %dma_wait3A_1352 = tpu.memref_squeeze %dma_wait3A_1351 : memref<1x100000x16xf32, #tpu.memory_space<hbm>> -> memref<100000x16xf32, #tpu.memory_space<hbm>>
      %dma_wait3A_1353 = arith.constant 0 : i32
      %dma_wait3A_1354 = arith.constant 0 : i32
      %dma_wait3A_1355 = tpu.memref_slice %dma_wait3A_1352[%dma_wait3A_1353, %dma_wait3A_1354] : memref<100000x16xf32, #tpu.memory_space<hbm>> -> memref<128x16xf32, #tpu.memory_space<hbm>>
      %dma_wait3A_1356 = arith.constant 1408 : i32
      %dma_wait3A_1357 = arith.constant 0 : i32
      %dma_wait3A_1358 = tpu.memref_slice %arg6[%dma_wait3A_1344, %dma_wait3A_1356, %dma_wait3A_1357] : memref<2x2560x16xf32, #tpu.memory_space<vmem>> -> memref<1x128x16xf32, #tpu.memory_space<vmem>>
      %dma_wait3A_1359 = tpu.memref_squeeze %dma_wait3A_1358 : memref<1x128x16xf32, #tpu.memory_space<vmem>> -> memref<128x16xf32, #tpu.memory_space<vmem>>
      %dma_wait3A_1360 = arith.constant 0 : i32
      %dma_wait3A_1361 = arith.constant 0 : i32
      %dma_wait3A_1362 = tpu.memref_slice %arg3[%dma_wait3A_1343, %dma_wait3A_1360, %dma_wait3A_1361] : memref<26x100000x16xf32, #tpu.memory_space<hbm>> -> memref<1x100000x16xf32, #tpu.memory_space<hbm>>
      %dma_wait3A_1363 = tpu.memref_squeeze %dma_wait3A_1362 : memref<1x100000x16xf32, #tpu.memory_space<hbm>> -> memref<100000x16xf32, #tpu.memory_space<hbm>>
      %dma_wait3A_1364 = arith.constant 0 : i32
      %dma_wait3A_1365 = arith.constant 0 : i32
      %dma_wait3A_1366 = tpu.memref_slice %dma_wait3A_1363[%dma_wait3A_1364, %dma_wait3A_1365] : memref<100000x16xf32, #tpu.memory_space<hbm>> -> memref<128x16xf32, #tpu.memory_space<hbm>>
      tpu.wait_dma2 semaphore(%arg8 : memref<!tpu.dma_semaphore, #tpu.memory_space<semaphore_mem>>) src(%dma_wait3A_1366 : memref<128x16xf32, #tpu.memory_space<hbm>>) dst(%dma_wait3A_1359 : memref<128x16xf32, #tpu.memory_space<vmem>>)
      %dma_wait3A_1367 = arith.constant 0 : i32
      %dma_wait3A_1368 = arith.constant 0 : i32
      %dma_wait3A_1369 = arith.constant 1536 : i32
      %dma_wait3A_1370 = arith.constant 0 : i32
      %dma_wait3A_1371 = tpu.memref_slice %arg6[%dma_wait3A_1368, %dma_wait3A_1369, %dma_wait3A_1370] : memref<2x2560x16xf32, #tpu.memory_space<vmem>> -> memref<1x128x16xf32, #tpu.memory_space<vmem>>
      %dma_wait3A_1372 = tpu.memref_squeeze %dma_wait3A_1371 : memref<1x128x16xf32, #tpu.memory_space<vmem>> -> memref<128x16xf32, #tpu.memory_space<vmem>>
      %dma_wait3A_1373 = arith.constant 0 : i32
      %dma_wait3A_1374 = arith.constant 0 : i32
      %dma_wait3A_1375 = tpu.memref_slice %arg3[%dma_wait3A_1367, %dma_wait3A_1373, %dma_wait3A_1374] : memref<26x100000x16xf32, #tpu.memory_space<hbm>> -> memref<1x100000x16xf32, #tpu.memory_space<hbm>>
      %dma_wait3A_1376 = tpu.memref_squeeze %dma_wait3A_1375 : memref<1x100000x16xf32, #tpu.memory_space<hbm>> -> memref<100000x16xf32, #tpu.memory_space<hbm>>
      %dma_wait3A_1377 = arith.constant 0 : i32
      %dma_wait3A_1378 = arith.constant 0 : i32
      %dma_wait3A_1379 = tpu.memref_slice %dma_wait3A_1376[%dma_wait3A_1377, %dma_wait3A_1378] : memref<100000x16xf32, #tpu.memory_space<hbm>> -> memref<128x16xf32, #tpu.memory_space<hbm>>
      %dma_wait3A_1380 = arith.constant 1536 : i32
      %dma_wait3A_1381 = arith.constant 0 : i32
      %dma_wait3A_1382 = tpu.memref_slice %arg6[%dma_wait3A_1368, %dma_wait3A_1380, %dma_wait3A_1381] : memref<2x2560x16xf32, #tpu.memory_space<vmem>> -> memref<1x128x16xf32, #tpu.memory_space<vmem>>
      %dma_wait3A_1383 = tpu.memref_squeeze %dma_wait3A_1382 : memref<1x128x16xf32, #tpu.memory_space<vmem>> -> memref<128x16xf32, #tpu.memory_space<vmem>>
      %dma_wait3A_1384 = arith.constant 0 : i32
      %dma_wait3A_1385 = arith.constant 0 : i32
      %dma_wait3A_1386 = tpu.memref_slice %arg3[%dma_wait3A_1367, %dma_wait3A_1384, %dma_wait3A_1385] : memref<26x100000x16xf32, #tpu.memory_space<hbm>> -> memref<1x100000x16xf32, #tpu.memory_space<hbm>>
      %dma_wait3A_1387 = tpu.memref_squeeze %dma_wait3A_1386 : memref<1x100000x16xf32, #tpu.memory_space<hbm>> -> memref<100000x16xf32, #tpu.memory_space<hbm>>
      %dma_wait3A_1388 = arith.constant 0 : i32
      %dma_wait3A_1389 = arith.constant 0 : i32
      %dma_wait3A_1390 = tpu.memref_slice %dma_wait3A_1387[%dma_wait3A_1388, %dma_wait3A_1389] : memref<100000x16xf32, #tpu.memory_space<hbm>> -> memref<128x16xf32, #tpu.memory_space<hbm>>
      tpu.wait_dma2 semaphore(%arg8 : memref<!tpu.dma_semaphore, #tpu.memory_space<semaphore_mem>>) src(%dma_wait3A_1390 : memref<128x16xf32, #tpu.memory_space<hbm>>) dst(%dma_wait3A_1383 : memref<128x16xf32, #tpu.memory_space<vmem>>)
      %dma_wait3A_1391 = arith.constant 0 : i32
      %dma_wait3A_1392 = arith.constant 0 : i32
      %dma_wait3A_1393 = arith.constant 1664 : i32
      %dma_wait3A_1394 = arith.constant 0 : i32
      %dma_wait3A_1395 = tpu.memref_slice %arg6[%dma_wait3A_1392, %dma_wait3A_1393, %dma_wait3A_1394] : memref<2x2560x16xf32, #tpu.memory_space<vmem>> -> memref<1x128x16xf32, #tpu.memory_space<vmem>>
      %dma_wait3A_1396 = tpu.memref_squeeze %dma_wait3A_1395 : memref<1x128x16xf32, #tpu.memory_space<vmem>> -> memref<128x16xf32, #tpu.memory_space<vmem>>
      %dma_wait3A_1397 = arith.constant 0 : i32
      %dma_wait3A_1398 = arith.constant 0 : i32
      %dma_wait3A_1399 = tpu.memref_slice %arg3[%dma_wait3A_1391, %dma_wait3A_1397, %dma_wait3A_1398] : memref<26x100000x16xf32, #tpu.memory_space<hbm>> -> memref<1x100000x16xf32, #tpu.memory_space<hbm>>
      %dma_wait3A_1400 = tpu.memref_squeeze %dma_wait3A_1399 : memref<1x100000x16xf32, #tpu.memory_space<hbm>> -> memref<100000x16xf32, #tpu.memory_space<hbm>>
      %dma_wait3A_1401 = arith.constant 0 : i32
      %dma_wait3A_1402 = arith.constant 0 : i32
      %dma_wait3A_1403 = tpu.memref_slice %dma_wait3A_1400[%dma_wait3A_1401, %dma_wait3A_1402] : memref<100000x16xf32, #tpu.memory_space<hbm>> -> memref<128x16xf32, #tpu.memory_space<hbm>>
      %dma_wait3A_1404 = arith.constant 1664 : i32
      %dma_wait3A_1405 = arith.constant 0 : i32
      %dma_wait3A_1406 = tpu.memref_slice %arg6[%dma_wait3A_1392, %dma_wait3A_1404, %dma_wait3A_1405] : memref<2x2560x16xf32, #tpu.memory_space<vmem>> -> memref<1x128x16xf32, #tpu.memory_space<vmem>>
      %dma_wait3A_1407 = tpu.memref_squeeze %dma_wait3A_1406 : memref<1x128x16xf32, #tpu.memory_space<vmem>> -> memref<128x16xf32, #tpu.memory_space<vmem>>
      %dma_wait3A_1408 = arith.constant 0 : i32
      %dma_wait3A_1409 = arith.constant 0 : i32
      %dma_wait3A_1410 = tpu.memref_slice %arg3[%dma_wait3A_1391, %dma_wait3A_1408, %dma_wait3A_1409] : memref<26x100000x16xf32, #tpu.memory_space<hbm>> -> memref<1x100000x16xf32, #tpu.memory_space<hbm>>
      %dma_wait3A_1411 = tpu.memref_squeeze %dma_wait3A_1410 : memref<1x100000x16xf32, #tpu.memory_space<hbm>> -> memref<100000x16xf32, #tpu.memory_space<hbm>>
      %dma_wait3A_1412 = arith.constant 0 : i32
      %dma_wait3A_1413 = arith.constant 0 : i32
      %dma_wait3A_1414 = tpu.memref_slice %dma_wait3A_1411[%dma_wait3A_1412, %dma_wait3A_1413] : memref<100000x16xf32, #tpu.memory_space<hbm>> -> memref<128x16xf32, #tpu.memory_space<hbm>>
      tpu.wait_dma2 semaphore(%arg8 : memref<!tpu.dma_semaphore, #tpu.memory_space<semaphore_mem>>) src(%dma_wait3A_1414 : memref<128x16xf32, #tpu.memory_space<hbm>>) dst(%dma_wait3A_1407 : memref<128x16xf32, #tpu.memory_space<vmem>>)
      %dma_wait3A_1415 = arith.constant 0 : i32
      %dma_wait3A_1416 = arith.constant 0 : i32
      %dma_wait3A_1417 = arith.constant 1792 : i32
      %dma_wait3A_1418 = arith.constant 0 : i32
      %dma_wait3A_1419 = tpu.memref_slice %arg6[%dma_wait3A_1416, %dma_wait3A_1417, %dma_wait3A_1418] : memref<2x2560x16xf32, #tpu.memory_space<vmem>> -> memref<1x128x16xf32, #tpu.memory_space<vmem>>
      %dma_wait3A_1420 = tpu.memref_squeeze %dma_wait3A_1419 : memref<1x128x16xf32, #tpu.memory_space<vmem>> -> memref<128x16xf32, #tpu.memory_space<vmem>>
      %dma_wait3A_1421 = arith.constant 0 : i32
      %dma_wait3A_1422 = arith.constant 0 : i32
      %dma_wait3A_1423 = tpu.memref_slice %arg3[%dma_wait3A_1415, %dma_wait3A_1421, %dma_wait3A_1422] : memref<26x100000x16xf32, #tpu.memory_space<hbm>> -> memref<1x100000x16xf32, #tpu.memory_space<hbm>>
      %dma_wait3A_1424 = tpu.memref_squeeze %dma_wait3A_1423 : memref<1x100000x16xf32, #tpu.memory_space<hbm>> -> memref<100000x16xf32, #tpu.memory_space<hbm>>
      %dma_wait3A_1425 = arith.constant 0 : i32
      %dma_wait3A_1426 = arith.constant 0 : i32
      %dma_wait3A_1427 = tpu.memref_slice %dma_wait3A_1424[%dma_wait3A_1425, %dma_wait3A_1426] : memref<100000x16xf32, #tpu.memory_space<hbm>> -> memref<128x16xf32, #tpu.memory_space<hbm>>
      %dma_wait3A_1428 = arith.constant 1792 : i32
      %dma_wait3A_1429 = arith.constant 0 : i32
      %dma_wait3A_1430 = tpu.memref_slice %arg6[%dma_wait3A_1416, %dma_wait3A_1428, %dma_wait3A_1429] : memref<2x2560x16xf32, #tpu.memory_space<vmem>> -> memref<1x128x16xf32, #tpu.memory_space<vmem>>
      %dma_wait3A_1431 = tpu.memref_squeeze %dma_wait3A_1430 : memref<1x128x16xf32, #tpu.memory_space<vmem>> -> memref<128x16xf32, #tpu.memory_space<vmem>>
      %dma_wait3A_1432 = arith.constant 0 : i32
      %dma_wait3A_1433 = arith.constant 0 : i32
      %dma_wait3A_1434 = tpu.memref_slice %arg3[%dma_wait3A_1415, %dma_wait3A_1432, %dma_wait3A_1433] : memref<26x100000x16xf32, #tpu.memory_space<hbm>> -> memref<1x100000x16xf32, #tpu.memory_space<hbm>>
      %dma_wait3A_1435 = tpu.memref_squeeze %dma_wait3A_1434 : memref<1x100000x16xf32, #tpu.memory_space<hbm>> -> memref<100000x16xf32, #tpu.memory_space<hbm>>
      %dma_wait3A_1436 = arith.constant 0 : i32
      %dma_wait3A_1437 = arith.constant 0 : i32
      %dma_wait3A_1438 = tpu.memref_slice %dma_wait3A_1435[%dma_wait3A_1436, %dma_wait3A_1437] : memref<100000x16xf32, #tpu.memory_space<hbm>> -> memref<128x16xf32, #tpu.memory_space<hbm>>
      tpu.wait_dma2 semaphore(%arg8 : memref<!tpu.dma_semaphore, #tpu.memory_space<semaphore_mem>>) src(%dma_wait3A_1438 : memref<128x16xf32, #tpu.memory_space<hbm>>) dst(%dma_wait3A_1431 : memref<128x16xf32, #tpu.memory_space<vmem>>)
      %dma_wait3A_1439 = arith.constant 0 : i32
      %dma_wait3A_1440 = arith.constant 0 : i32
      %dma_wait3A_1441 = arith.constant 1920 : i32
      %dma_wait3A_1442 = arith.constant 0 : i32
      %dma_wait3A_1443 = tpu.memref_slice %arg6[%dma_wait3A_1440, %dma_wait3A_1441, %dma_wait3A_1442] : memref<2x2560x16xf32, #tpu.memory_space<vmem>> -> memref<1x128x16xf32, #tpu.memory_space<vmem>>
      %dma_wait3A_1444 = tpu.memref_squeeze %dma_wait3A_1443 : memref<1x128x16xf32, #tpu.memory_space<vmem>> -> memref<128x16xf32, #tpu.memory_space<vmem>>
      %dma_wait3A_1445 = arith.constant 0 : i32
      %dma_wait3A_1446 = arith.constant 0 : i32
      %dma_wait3A_1447 = tpu.memref_slice %arg3[%dma_wait3A_1439, %dma_wait3A_1445, %dma_wait3A_1446] : memref<26x100000x16xf32, #tpu.memory_space<hbm>> -> memref<1x100000x16xf32, #tpu.memory_space<hbm>>
      %dma_wait3A_1448 = tpu.memref_squeeze %dma_wait3A_1447 : memref<1x100000x16xf32, #tpu.memory_space<hbm>> -> memref<100000x16xf32, #tpu.memory_space<hbm>>
      %dma_wait3A_1449 = arith.constant 0 : i32
      %dma_wait3A_1450 = arith.constant 0 : i32
      %dma_wait3A_1451 = tpu.memref_slice %dma_wait3A_1448[%dma_wait3A_1449, %dma_wait3A_1450] : memref<100000x16xf32, #tpu.memory_space<hbm>> -> memref<128x16xf32, #tpu.memory_space<hbm>>
      %dma_wait3A_1452 = arith.constant 1920 : i32
      %dma_wait3A_1453 = arith.constant 0 : i32
      %dma_wait3A_1454 = tpu.memref_slice %arg6[%dma_wait3A_1440, %dma_wait3A_1452, %dma_wait3A_1453] : memref<2x2560x16xf32, #tpu.memory_space<vmem>> -> memref<1x128x16xf32, #tpu.memory_space<vmem>>
      %dma_wait3A_1455 = tpu.memref_squeeze %dma_wait3A_1454 : memref<1x128x16xf32, #tpu.memory_space<vmem>> -> memref<128x16xf32, #tpu.memory_space<vmem>>
      %dma_wait3A_1456 = arith.constant 0 : i32
      %dma_wait3A_1457 = arith.constant 0 : i32
      %dma_wait3A_1458 = tpu.memref_slice %arg3[%dma_wait3A_1439, %dma_wait3A_1456, %dma_wait3A_1457] : memref<26x100000x16xf32, #tpu.memory_space<hbm>> -> memref<1x100000x16xf32, #tpu.memory_space<hbm>>
      %dma_wait3A_1459 = tpu.memref_squeeze %dma_wait3A_1458 : memref<1x100000x16xf32, #tpu.memory_space<hbm>> -> memref<100000x16xf32, #tpu.memory_space<hbm>>
      %dma_wait3A_1460 = arith.constant 0 : i32
      %dma_wait3A_1461 = arith.constant 0 : i32
      %dma_wait3A_1462 = tpu.memref_slice %dma_wait3A_1459[%dma_wait3A_1460, %dma_wait3A_1461] : memref<100000x16xf32, #tpu.memory_space<hbm>> -> memref<128x16xf32, #tpu.memory_space<hbm>>
      tpu.wait_dma2 semaphore(%arg8 : memref<!tpu.dma_semaphore, #tpu.memory_space<semaphore_mem>>) src(%dma_wait3A_1462 : memref<128x16xf32, #tpu.memory_space<hbm>>) dst(%dma_wait3A_1455 : memref<128x16xf32, #tpu.memory_space<vmem>>)
      %dma_wait3A_1463 = arith.constant 0 : i32
      %dma_wait3A_1464 = arith.constant 0 : i32
      %dma_wait3A_1465 = arith.constant 2048 : i32
      %dma_wait3A_1466 = arith.constant 0 : i32
      %dma_wait3A_1467 = tpu.memref_slice %arg6[%dma_wait3A_1464, %dma_wait3A_1465, %dma_wait3A_1466] : memref<2x2560x16xf32, #tpu.memory_space<vmem>> -> memref<1x128x16xf32, #tpu.memory_space<vmem>>
      %dma_wait3A_1468 = tpu.memref_squeeze %dma_wait3A_1467 : memref<1x128x16xf32, #tpu.memory_space<vmem>> -> memref<128x16xf32, #tpu.memory_space<vmem>>
      %dma_wait3A_1469 = arith.constant 0 : i32
      %dma_wait3A_1470 = arith.constant 0 : i32
      %dma_wait3A_1471 = tpu.memref_slice %arg3[%dma_wait3A_1463, %dma_wait3A_1469, %dma_wait3A_1470] : memref<26x100000x16xf32, #tpu.memory_space<hbm>> -> memref<1x100000x16xf32, #tpu.memory_space<hbm>>
      %dma_wait3A_1472 = tpu.memref_squeeze %dma_wait3A_1471 : memref<1x100000x16xf32, #tpu.memory_space<hbm>> -> memref<100000x16xf32, #tpu.memory_space<hbm>>
      %dma_wait3A_1473 = arith.constant 0 : i32
      %dma_wait3A_1474 = arith.constant 0 : i32
      %dma_wait3A_1475 = tpu.memref_slice %dma_wait3A_1472[%dma_wait3A_1473, %dma_wait3A_1474] : memref<100000x16xf32, #tpu.memory_space<hbm>> -> memref<128x16xf32, #tpu.memory_space<hbm>>
      %dma_wait3A_1476 = arith.constant 2048 : i32
      %dma_wait3A_1477 = arith.constant 0 : i32
      %dma_wait3A_1478 = tpu.memref_slice %arg6[%dma_wait3A_1464, %dma_wait3A_1476, %dma_wait3A_1477] : memref<2x2560x16xf32, #tpu.memory_space<vmem>> -> memref<1x128x16xf32, #tpu.memory_space<vmem>>
      %dma_wait3A_1479 = tpu.memref_squeeze %dma_wait3A_1478 : memref<1x128x16xf32, #tpu.memory_space<vmem>> -> memref<128x16xf32, #tpu.memory_space<vmem>>
      %dma_wait3A_1480 = arith.constant 0 : i32
      %dma_wait3A_1481 = arith.constant 0 : i32
      %dma_wait3A_1482 = tpu.memref_slice %arg3[%dma_wait3A_1463, %dma_wait3A_1480, %dma_wait3A_1481] : memref<26x100000x16xf32, #tpu.memory_space<hbm>> -> memref<1x100000x16xf32, #tpu.memory_space<hbm>>
      %dma_wait3A_1483 = tpu.memref_squeeze %dma_wait3A_1482 : memref<1x100000x16xf32, #tpu.memory_space<hbm>> -> memref<100000x16xf32, #tpu.memory_space<hbm>>
      %dma_wait3A_1484 = arith.constant 0 : i32
      %dma_wait3A_1485 = arith.constant 0 : i32
      %dma_wait3A_1486 = tpu.memref_slice %dma_wait3A_1483[%dma_wait3A_1484, %dma_wait3A_1485] : memref<100000x16xf32, #tpu.memory_space<hbm>> -> memref<128x16xf32, #tpu.memory_space<hbm>>
      tpu.wait_dma2 semaphore(%arg8 : memref<!tpu.dma_semaphore, #tpu.memory_space<semaphore_mem>>) src(%dma_wait3A_1486 : memref<128x16xf32, #tpu.memory_space<hbm>>) dst(%dma_wait3A_1479 : memref<128x16xf32, #tpu.memory_space<vmem>>)
      %dma_wait3A_1487 = arith.constant 0 : i32
      %dma_wait3A_1488 = arith.constant 0 : i32
      %dma_wait3A_1489 = arith.constant 2176 : i32
      %dma_wait3A_1490 = arith.constant 0 : i32
      %dma_wait3A_1491 = tpu.memref_slice %arg6[%dma_wait3A_1488, %dma_wait3A_1489, %dma_wait3A_1490] : memref<2x2560x16xf32, #tpu.memory_space<vmem>> -> memref<1x128x16xf32, #tpu.memory_space<vmem>>
      %dma_wait3A_1492 = tpu.memref_squeeze %dma_wait3A_1491 : memref<1x128x16xf32, #tpu.memory_space<vmem>> -> memref<128x16xf32, #tpu.memory_space<vmem>>
      %dma_wait3A_1493 = arith.constant 0 : i32
      %dma_wait3A_1494 = arith.constant 0 : i32
      %dma_wait3A_1495 = tpu.memref_slice %arg3[%dma_wait3A_1487, %dma_wait3A_1493, %dma_wait3A_1494] : memref<26x100000x16xf32, #tpu.memory_space<hbm>> -> memref<1x100000x16xf32, #tpu.memory_space<hbm>>
      %dma_wait3A_1496 = tpu.memref_squeeze %dma_wait3A_1495 : memref<1x100000x16xf32, #tpu.memory_space<hbm>> -> memref<100000x16xf32, #tpu.memory_space<hbm>>
      %dma_wait3A_1497 = arith.constant 0 : i32
      %dma_wait3A_1498 = arith.constant 0 : i32
      %dma_wait3A_1499 = tpu.memref_slice %dma_wait3A_1496[%dma_wait3A_1497, %dma_wait3A_1498] : memref<100000x16xf32, #tpu.memory_space<hbm>> -> memref<128x16xf32, #tpu.memory_space<hbm>>
      %dma_wait3A_1500 = arith.constant 2176 : i32
      %dma_wait3A_1501 = arith.constant 0 : i32
      %dma_wait3A_1502 = tpu.memref_slice %arg6[%dma_wait3A_1488, %dma_wait3A_1500, %dma_wait3A_1501] : memref<2x2560x16xf32, #tpu.memory_space<vmem>> -> memref<1x128x16xf32, #tpu.memory_space<vmem>>
      %dma_wait3A_1503 = tpu.memref_squeeze %dma_wait3A_1502 : memref<1x128x16xf32, #tpu.memory_space<vmem>> -> memref<128x16xf32, #tpu.memory_space<vmem>>
      %dma_wait3A_1504 = arith.constant 0 : i32
      %dma_wait3A_1505 = arith.constant 0 : i32
      %dma_wait3A_1506 = tpu.memref_slice %arg3[%dma_wait3A_1487, %dma_wait3A_1504, %dma_wait3A_1505] : memref<26x100000x16xf32, #tpu.memory_space<hbm>> -> memref<1x100000x16xf32, #tpu.memory_space<hbm>>
      %dma_wait3A_1507 = tpu.memref_squeeze %dma_wait3A_1506 : memref<1x100000x16xf32, #tpu.memory_space<hbm>> -> memref<100000x16xf32, #tpu.memory_space<hbm>>
      %dma_wait3A_1508 = arith.constant 0 : i32
      %dma_wait3A_1509 = arith.constant 0 : i32
      %dma_wait3A_1510 = tpu.memref_slice %dma_wait3A_1507[%dma_wait3A_1508, %dma_wait3A_1509] : memref<100000x16xf32, #tpu.memory_space<hbm>> -> memref<128x16xf32, #tpu.memory_space<hbm>>
      tpu.wait_dma2 semaphore(%arg8 : memref<!tpu.dma_semaphore, #tpu.memory_space<semaphore_mem>>) src(%dma_wait3A_1510 : memref<128x16xf32, #tpu.memory_space<hbm>>) dst(%dma_wait3A_1503 : memref<128x16xf32, #tpu.memory_space<vmem>>)
      %dma_wait3A_1511 = arith.constant 0 : i32
      %dma_wait3A_1512 = arith.constant 0 : i32
      %dma_wait3A_1513 = arith.constant 2304 : i32
      %dma_wait3A_1514 = arith.constant 0 : i32
      %dma_wait3A_1515 = tpu.memref_slice %arg6[%dma_wait3A_1512, %dma_wait3A_1513, %dma_wait3A_1514] : memref<2x2560x16xf32, #tpu.memory_space<vmem>> -> memref<1x128x16xf32, #tpu.memory_space<vmem>>
      %dma_wait3A_1516 = tpu.memref_squeeze %dma_wait3A_1515 : memref<1x128x16xf32, #tpu.memory_space<vmem>> -> memref<128x16xf32, #tpu.memory_space<vmem>>
      %dma_wait3A_1517 = arith.constant 0 : i32
      %dma_wait3A_1518 = arith.constant 0 : i32
      %dma_wait3A_1519 = tpu.memref_slice %arg3[%dma_wait3A_1511, %dma_wait3A_1517, %dma_wait3A_1518] : memref<26x100000x16xf32, #tpu.memory_space<hbm>> -> memref<1x100000x16xf32, #tpu.memory_space<hbm>>
      %dma_wait3A_1520 = tpu.memref_squeeze %dma_wait3A_1519 : memref<1x100000x16xf32, #tpu.memory_space<hbm>> -> memref<100000x16xf32, #tpu.memory_space<hbm>>
      %dma_wait3A_1521 = arith.constant 0 : i32
      %dma_wait3A_1522 = arith.constant 0 : i32
      %dma_wait3A_1523 = tpu.memref_slice %dma_wait3A_1520[%dma_wait3A_1521, %dma_wait3A_1522] : memref<100000x16xf32, #tpu.memory_space<hbm>> -> memref<128x16xf32, #tpu.memory_space<hbm>>
      %dma_wait3A_1524 = arith.constant 2304 : i32
      %dma_wait3A_1525 = arith.constant 0 : i32
      %dma_wait3A_1526 = tpu.memref_slice %arg6[%dma_wait3A_1512, %dma_wait3A_1524, %dma_wait3A_1525] : memref<2x2560x16xf32, #tpu.memory_space<vmem>> -> memref<1x128x16xf32, #tpu.memory_space<vmem>>
      %dma_wait3A_1527 = tpu.memref_squeeze %dma_wait3A_1526 : memref<1x128x16xf32, #tpu.memory_space<vmem>> -> memref<128x16xf32, #tpu.memory_space<vmem>>
      %dma_wait3A_1528 = arith.constant 0 : i32
      %dma_wait3A_1529 = arith.constant 0 : i32
      %dma_wait3A_1530 = tpu.memref_slice %arg3[%dma_wait3A_1511, %dma_wait3A_1528, %dma_wait3A_1529] : memref<26x100000x16xf32, #tpu.memory_space<hbm>> -> memref<1x100000x16xf32, #tpu.memory_space<hbm>>
      %dma_wait3A_1531 = tpu.memref_squeeze %dma_wait3A_1530 : memref<1x100000x16xf32, #tpu.memory_space<hbm>> -> memref<100000x16xf32, #tpu.memory_space<hbm>>
      %dma_wait3A_1532 = arith.constant 0 : i32
      %dma_wait3A_1533 = arith.constant 0 : i32
      %dma_wait3A_1534 = tpu.memref_slice %dma_wait3A_1531[%dma_wait3A_1532, %dma_wait3A_1533] : memref<100000x16xf32, #tpu.memory_space<hbm>> -> memref<128x16xf32, #tpu.memory_space<hbm>>
      tpu.wait_dma2 semaphore(%arg8 : memref<!tpu.dma_semaphore, #tpu.memory_space<semaphore_mem>>) src(%dma_wait3A_1534 : memref<128x16xf32, #tpu.memory_space<hbm>>) dst(%dma_wait3A_1527 : memref<128x16xf32, #tpu.memory_space<vmem>>)
      %dma_wait3A_1535 = arith.constant 0 : i32
      %dma_wait3A_1536 = arith.constant 0 : i32
      %dma_wait3A_1537 = arith.constant 2432 : i32
      %dma_wait3A_1538 = arith.constant 0 : i32
      %dma_wait3A_1539 = tpu.memref_slice %arg6[%dma_wait3A_1536, %dma_wait3A_1537, %dma_wait3A_1538] : memref<2x2560x16xf32, #tpu.memory_space<vmem>> -> memref<1x128x16xf32, #tpu.memory_space<vmem>>
      %dma_wait3A_1540 = tpu.memref_squeeze %dma_wait3A_1539 : memref<1x128x16xf32, #tpu.memory_space<vmem>> -> memref<128x16xf32, #tpu.memory_space<vmem>>
      %dma_wait3A_1541 = arith.constant 0 : i32
      %dma_wait3A_1542 = arith.constant 0 : i32
      %dma_wait3A_1543 = tpu.memref_slice %arg3[%dma_wait3A_1535, %dma_wait3A_1541, %dma_wait3A_1542] : memref<26x100000x16xf32, #tpu.memory_space<hbm>> -> memref<1x100000x16xf32, #tpu.memory_space<hbm>>
      %dma_wait3A_1544 = tpu.memref_squeeze %dma_wait3A_1543 : memref<1x100000x16xf32, #tpu.memory_space<hbm>> -> memref<100000x16xf32, #tpu.memory_space<hbm>>
      %dma_wait3A_1545 = arith.constant 0 : i32
      %dma_wait3A_1546 = arith.constant 0 : i32
      %dma_wait3A_1547 = tpu.memref_slice %dma_wait3A_1544[%dma_wait3A_1545, %dma_wait3A_1546] : memref<100000x16xf32, #tpu.memory_space<hbm>> -> memref<128x16xf32, #tpu.memory_space<hbm>>
      %dma_wait3A_1548 = arith.constant 2432 : i32
      %dma_wait3A_1549 = arith.constant 0 : i32
      %dma_wait3A_1550 = tpu.memref_slice %arg6[%dma_wait3A_1536, %dma_wait3A_1548, %dma_wait3A_1549] : memref<2x2560x16xf32, #tpu.memory_space<vmem>> -> memref<1x128x16xf32, #tpu.memory_space<vmem>>
      %dma_wait3A_1551 = tpu.memref_squeeze %dma_wait3A_1550 : memref<1x128x16xf32, #tpu.memory_space<vmem>> -> memref<128x16xf32, #tpu.memory_space<vmem>>
      %dma_wait3A_1552 = arith.constant 0 : i32
      %dma_wait3A_1553 = arith.constant 0 : i32
      %dma_wait3A_1554 = tpu.memref_slice %arg3[%dma_wait3A_1535, %dma_wait3A_1552, %dma_wait3A_1553] : memref<26x100000x16xf32, #tpu.memory_space<hbm>> -> memref<1x100000x16xf32, #tpu.memory_space<hbm>>
      %dma_wait3A_1555 = tpu.memref_squeeze %dma_wait3A_1554 : memref<1x100000x16xf32, #tpu.memory_space<hbm>> -> memref<100000x16xf32, #tpu.memory_space<hbm>>
      %dma_wait3A_1556 = arith.constant 0 : i32
      %dma_wait3A_1557 = arith.constant 0 : i32
      %dma_wait3A_1558 = tpu.memref_slice %dma_wait3A_1555[%dma_wait3A_1556, %dma_wait3A_1557] : memref<100000x16xf32, #tpu.memory_space<hbm>> -> memref<128x16xf32, #tpu.memory_space<hbm>>
      tpu.wait_dma2 semaphore(%arg8 : memref<!tpu.dma_semaphore, #tpu.memory_space<semaphore_mem>>) src(%dma_wait3A_1558 : memref<128x16xf32, #tpu.memory_space<hbm>>) dst(%dma_wait3A_1551 : memref<128x16xf32, #tpu.memory_space<vmem>>)
      %scan3A_1559 = arith.constant 0 : i32
      %scan3A_1560 = arith.constant 0 : i32
      %scan3A_1561 = arith.constant 0 : i32
      %scan3A_1562 = arith.constant 128 : i32
      %scan3A_1563 = arith.addi %scan3A_1561, %scan3A_1562 : i32
      %scan3A_1564 = arith.constant 1 : i32
      scf.for %scan3A_2499 = %scan3A_1561 to %scan3A_1563 step %scan3A_1564  : i32 {
        %get3A = arith.constant 0 : i32
        %get3A_2500 = arith.constant 0 : i32
        %get3A_2501 = tpu.memref_slice %arg6[%scan3A_1560, %get3A, %get3A_2500] : memref<2x2560x16xf32, #tpu.memory_space<vmem>> -> memref<1x2560x16xf32, #tpu.memory_space<vmem>>
        %get3A_2502 = tpu.memref_squeeze %get3A_2501 : memref<1x2560x16xf32, #tpu.memory_space<vmem>> -> memref<2560x16xf32, #tpu.memory_space<vmem>>
        %get3A_2503 = arith.index_cast %scan3A_2499 : i32 to index
        %get3A_2504 = arith.constant 0 : index
        %get3A_2505 = tpu.vector_load %get3A_2502[%get3A_2503, %get3A_2504] {strides = array<i32>} : memref<2560x16xf32, #tpu.memory_space<vmem>>, vector<1x16xf32>,
        %get3A_2506 = vector.shape_cast %get3A_2505 : vector<1x16xf32> to vector<16xf32>
        %add3A_2507 = arith.constant 128 : i32
        %add3A_2508 = arith.addi %add3A_2507, %scan3A_2499 : i32
        %get3A_2509 = arith.constant 0 : i32
        %get3A_2510 = arith.constant 0 : i32
        %get3A_2511 = tpu.memref_slice %arg6[%scan3A_1560, %get3A_2509, %get3A_2510] : memref<2x2560x16xf32, #tpu.memory_space<vmem>> -> memref<1x2560x16xf32, #tpu.memory_space<vmem>>
        %get3A_2512 = tpu.memref_squeeze %get3A_2511 : memref<1x2560x16xf32, #tpu.memory_space<vmem>> -> memref<2560x16xf32, #tpu.memory_space<vmem>>
        %get3A_2513 = arith.index_cast %add3A_2508 : i32 to index
        %get3A_2514 = arith.constant 0 : index
        %get3A_2515 = tpu.vector_load %get3A_2512[%get3A_2513, %get3A_2514] {strides = array<i32>} : memref<2560x16xf32, #tpu.memory_space<vmem>>, vector<1x16xf32>,
        %get3A_2516 = vector.shape_cast %get3A_2515 : vector<1x16xf32> to vector<16xf32>
        %add3A_2517 = arith.addf %get3A_2506, %get3A_2516 : vector<16xf32>
        %add3A_2518 = arith.constant 256 : i32
        %add3A_2519 = arith.addi %add3A_2518, %scan3A_2499 : i32
        %get3A_2520 = arith.constant 0 : i32
        %get3A_2521 = arith.constant 0 : i32
        %get3A_2522 = tpu.memref_slice %arg6[%scan3A_1560, %get3A_2520, %get3A_2521] : memref<2x2560x16xf32, #tpu.memory_space<vmem>> -> memref<1x2560x16xf32, #tpu.memory_space<vmem>>
        %get3A_2523 = tpu.memref_squeeze %get3A_2522 : memref<1x2560x16xf32, #tpu.memory_space<vmem>> -> memref<2560x16xf32, #tpu.memory_space<vmem>>
        %get3A_2524 = arith.index_cast %add3A_2519 : i32 to index
        %get3A_2525 = arith.constant 0 : index
        %get3A_2526 = tpu.vector_load %get3A_2523[%get3A_2524, %get3A_2525] {strides = array<i32>} : memref<2560x16xf32, #tpu.memory_space<vmem>>, vector<1x16xf32>,
        %get3A_2527 = vector.shape_cast %get3A_2526 : vector<1x16xf32> to vector<16xf32>
        %add3A_2528 = arith.addf %add3A_2517, %get3A_2527 : vector<16xf32>
        %add3A_2529 = arith.constant 384 : i32
        %add3A_2530 = arith.addi %add3A_2529, %scan3A_2499 : i32
        %get3A_2531 = arith.constant 0 : i32
        %get3A_2532 = arith.constant 0 : i32
        %get3A_2533 = tpu.memref_slice %arg6[%scan3A_1560, %get3A_2531, %get3A_2532] : memref<2x2560x16xf32, #tpu.memory_space<vmem>> -> memref<1x2560x16xf32, #tpu.memory_space<vmem>>
        %get3A_2534 = tpu.memref_squeeze %get3A_2533 : memref<1x2560x16xf32, #tpu.memory_space<vmem>> -> memref<2560x16xf32, #tpu.memory_space<vmem>>
        %get3A_2535 = arith.index_cast %add3A_2530 : i32 to index
        %get3A_2536 = arith.constant 0 : index
        %get3A_2537 = tpu.vector_load %get3A_2534[%get3A_2535, %get3A_2536] {strides = array<i32>} : memref<2560x16xf32, #tpu.memory_space<vmem>>, vector<1x16xf32>,
        %get3A_2538 = vector.shape_cast %get3A_2537 : vector<1x16xf32> to vector<16xf32>
        %add3A_2539 = arith.addf %add3A_2528, %get3A_2538 : vector<16xf32>
        %add3A_2540 = arith.constant 512 : i32
        %add3A_2541 = arith.addi %add3A_2540, %scan3A_2499 : i32
        %get3A_2542 = arith.constant 0 : i32
        %get3A_2543 = arith.constant 0 : i32
        %get3A_2544 = tpu.memref_slice %arg6[%scan3A_1560, %get3A_2542, %get3A_2543] : memref<2x2560x16xf32, #tpu.memory_space<vmem>> -> memref<1x2560x16xf32, #tpu.memory_space<vmem>>
        %get3A_2545 = tpu.memref_squeeze %get3A_2544 : memref<1x2560x16xf32, #tpu.memory_space<vmem>> -> memref<2560x16xf32, #tpu.memory_space<vmem>>
        %get3A_2546 = arith.index_cast %add3A_2541 : i32 to index
        %get3A_2547 = arith.constant 0 : index
        %get3A_2548 = tpu.vector_load %get3A_2545[%get3A_2546, %get3A_2547] {strides = array<i32>} : memref<2560x16xf32, #tpu.memory_space<vmem>>, vector<1x16xf32>,
        %get3A_2549 = vector.shape_cast %get3A_2548 : vector<1x16xf32> to vector<16xf32>
        %add3A_2550 = arith.addf %add3A_2539, %get3A_2549 : vector<16xf32>
        %add3A_2551 = arith.constant 640 : i32
        %add3A_2552 = arith.addi %add3A_2551, %scan3A_2499 : i32
        %get3A_2553 = arith.constant 0 : i32
        %get3A_2554 = arith.constant 0 : i32
        %get3A_2555 = tpu.memref_slice %arg6[%scan3A_1560, %get3A_2553, %get3A_2554] : memref<2x2560x16xf32, #tpu.memory_space<vmem>> -> memref<1x2560x16xf32, #tpu.memory_space<vmem>>
        %get3A_2556 = tpu.memref_squeeze %get3A_2555 : memref<1x2560x16xf32, #tpu.memory_space<vmem>> -> memref<2560x16xf32, #tpu.memory_space<vmem>>
        %get3A_2557 = arith.index_cast %add3A_2552 : i32 to index
        %get3A_2558 = arith.constant 0 : index
        %get3A_2559 = tpu.vector_load %get3A_2556[%get3A_2557, %get3A_2558] {strides = array<i32>} : memref<2560x16xf32, #tpu.memory_space<vmem>>, vector<1x16xf32>,
        %get3A_2560 = vector.shape_cast %get3A_2559 : vector<1x16xf32> to vector<16xf32>
        %add3A_2561 = arith.addf %add3A_2550, %get3A_2560 : vector<16xf32>
        %add3A_2562 = arith.constant 768 : i32
        %add3A_2563 = arith.addi %add3A_2562, %scan3A_2499 : i32
        %get3A_2564 = arith.constant 0 : i32
        %get3A_2565 = arith.constant 0 : i32
        %get3A_2566 = tpu.memref_slice %arg6[%scan3A_1560, %get3A_2564, %get3A_2565] : memref<2x2560x16xf32, #tpu.memory_space<vmem>> -> memref<1x2560x16xf32, #tpu.memory_space<vmem>>
        %get3A_2567 = tpu.memref_squeeze %get3A_2566 : memref<1x2560x16xf32, #tpu.memory_space<vmem>> -> memref<2560x16xf32, #tpu.memory_space<vmem>>
        %get3A_2568 = arith.index_cast %add3A_2563 : i32 to index
        %get3A_2569 = arith.constant 0 : index
        %get3A_2570 = tpu.vector_load %get3A_2567[%get3A_2568, %get3A_2569] {strides = array<i32>} : memref<2560x16xf32, #tpu.memory_space<vmem>>, vector<1x16xf32>,
        %get3A_2571 = vector.shape_cast %get3A_2570 : vector<1x16xf32> to vector<16xf32>
        %add3A_2572 = arith.addf %add3A_2561, %get3A_2571 : vector<16xf32>
        %add3A_2573 = arith.constant 896 : i32
        %add3A_2574 = arith.addi %add3A_2573, %scan3A_2499 : i32
        %get3A_2575 = arith.constant 0 : i32
        %get3A_2576 = arith.constant 0 : i32
        %get3A_2577 = tpu.memref_slice %arg6[%scan3A_1560, %get3A_2575, %get3A_2576] : memref<2x2560x16xf32, #tpu.memory_space<vmem>> -> memref<1x2560x16xf32, #tpu.memory_space<vmem>>
        %get3A_2578 = tpu.memref_squeeze %get3A_2577 : memref<1x2560x16xf32, #tpu.memory_space<vmem>> -> memref<2560x16xf32, #tpu.memory_space<vmem>>
        %get3A_2579 = arith.index_cast %add3A_2574 : i32 to index
        %get3A_2580 = arith.constant 0 : index
        %get3A_2581 = tpu.vector_load %get3A_2578[%get3A_2579, %get3A_2580] {strides = array<i32>} : memref<2560x16xf32, #tpu.memory_space<vmem>>, vector<1x16xf32>,
        %get3A_2582 = vector.shape_cast %get3A_2581 : vector<1x16xf32> to vector<16xf32>
        %add3A_2583 = arith.addf %add3A_2572, %get3A_2582 : vector<16xf32>
        %add3A_2584 = arith.constant 1024 : i32
        %add3A_2585 = arith.addi %add3A_2584, %scan3A_2499 : i32
        %get3A_2586 = arith.constant 0 : i32
        %get3A_2587 = arith.constant 0 : i32
        %get3A_2588 = tpu.memref_slice %arg6[%scan3A_1560, %get3A_2586, %get3A_2587] : memref<2x2560x16xf32, #tpu.memory_space<vmem>> -> memref<1x2560x16xf32, #tpu.memory_space<vmem>>
        %get3A_2589 = tpu.memref_squeeze %get3A_2588 : memref<1x2560x16xf32, #tpu.memory_space<vmem>> -> memref<2560x16xf32, #tpu.memory_space<vmem>>
        %get3A_2590 = arith.index_cast %add3A_2585 : i32 to index
        %get3A_2591 = arith.constant 0 : index
        %get3A_2592 = tpu.vector_load %get3A_2589[%get3A_2590, %get3A_2591] {strides = array<i32>} : memref<2560x16xf32, #tpu.memory_space<vmem>>, vector<1x16xf32>,
        %get3A_2593 = vector.shape_cast %get3A_2592 : vector<1x16xf32> to vector<16xf32>
        %add3A_2594 = arith.addf %add3A_2583, %get3A_2593 : vector<16xf32>
        %add3A_2595 = arith.constant 1152 : i32
        %add3A_2596 = arith.addi %add3A_2595, %scan3A_2499 : i32
        %get3A_2597 = arith.constant 0 : i32
        %get3A_2598 = arith.constant 0 : i32
        %get3A_2599 = tpu.memref_slice %arg6[%scan3A_1560, %get3A_2597, %get3A_2598] : memref<2x2560x16xf32, #tpu.memory_space<vmem>> -> memref<1x2560x16xf32, #tpu.memory_space<vmem>>
        %get3A_2600 = tpu.memref_squeeze %get3A_2599 : memref<1x2560x16xf32, #tpu.memory_space<vmem>> -> memref<2560x16xf32, #tpu.memory_space<vmem>>
        %get3A_2601 = arith.index_cast %add3A_2596 : i32 to index
        %get3A_2602 = arith.constant 0 : index
        %get3A_2603 = tpu.vector_load %get3A_2600[%get3A_2601, %get3A_2602] {strides = array<i32>} : memref<2560x16xf32, #tpu.memory_space<vmem>>, vector<1x16xf32>,
        %get3A_2604 = vector.shape_cast %get3A_2603 : vector<1x16xf32> to vector<16xf32>
        %add3A_2605 = arith.addf %add3A_2594, %get3A_2604 : vector<16xf32>
        %add3A_2606 = arith.constant 1280 : i32
        %add3A_2607 = arith.addi %add3A_2606, %scan3A_2499 : i32
        %get3A_2608 = arith.constant 0 : i32
        %get3A_2609 = arith.constant 0 : i32
        %get3A_2610 = tpu.memref_slice %arg6[%scan3A_1560, %get3A_2608, %get3A_2609] : memref<2x2560x16xf32, #tpu.memory_space<vmem>> -> memref<1x2560x16xf32, #tpu.memory_space<vmem>>
        %get3A_2611 = tpu.memref_squeeze %get3A_2610 : memref<1x2560x16xf32, #tpu.memory_space<vmem>> -> memref<2560x16xf32, #tpu.memory_space<vmem>>
        %get3A_2612 = arith.index_cast %add3A_2607 : i32 to index
        %get3A_2613 = arith.constant 0 : index
        %get3A_2614 = tpu.vector_load %get3A_2611[%get3A_2612, %get3A_2613] {strides = array<i32>} : memref<2560x16xf32, #tpu.memory_space<vmem>>, vector<1x16xf32>,
        %get3A_2615 = vector.shape_cast %get3A_2614 : vector<1x16xf32> to vector<16xf32>
        %add3A_2616 = arith.addf %add3A_2605, %get3A_2615 : vector<16xf32>
        %add3A_2617 = arith.constant 1408 : i32
        %add3A_2618 = arith.addi %add3A_2617, %scan3A_2499 : i32
        %get3A_2619 = arith.constant 0 : i32
        %get3A_2620 = arith.constant 0 : i32
        %get3A_2621 = tpu.memref_slice %arg6[%scan3A_1560, %get3A_2619, %get3A_2620] : memref<2x2560x16xf32, #tpu.memory_space<vmem>> -> memref<1x2560x16xf32, #tpu.memory_space<vmem>>
        %get3A_2622 = tpu.memref_squeeze %get3A_2621 : memref<1x2560x16xf32, #tpu.memory_space<vmem>> -> memref<2560x16xf32, #tpu.memory_space<vmem>>
        %get3A_2623 = arith.index_cast %add3A_2618 : i32 to index
        %get3A_2624 = arith.constant 0 : index
        %get3A_2625 = tpu.vector_load %get3A_2622[%get3A_2623, %get3A_2624] {strides = array<i32>} : memref<2560x16xf32, #tpu.memory_space<vmem>>, vector<1x16xf32>,
        %get3A_2626 = vector.shape_cast %get3A_2625 : vector<1x16xf32> to vector<16xf32>
        %add3A_2627 = arith.addf %add3A_2616, %get3A_2626 : vector<16xf32>
        %add3A_2628 = arith.constant 1536 : i32
        %add3A_2629 = arith.addi %add3A_2628, %scan3A_2499 : i32
        %get3A_2630 = arith.constant 0 : i32
        %get3A_2631 = arith.constant 0 : i32
        %get3A_2632 = tpu.memref_slice %arg6[%scan3A_1560, %get3A_2630, %get3A_2631] : memref<2x2560x16xf32, #tpu.memory_space<vmem>> -> memref<1x2560x16xf32, #tpu.memory_space<vmem>>
        %get3A_2633 = tpu.memref_squeeze %get3A_2632 : memref<1x2560x16xf32, #tpu.memory_space<vmem>> -> memref<2560x16xf32, #tpu.memory_space<vmem>>
        %get3A_2634 = arith.index_cast %add3A_2629 : i32 to index
        %get3A_2635 = arith.constant 0 : index
        %get3A_2636 = tpu.vector_load %get3A_2633[%get3A_2634, %get3A_2635] {strides = array<i32>} : memref<2560x16xf32, #tpu.memory_space<vmem>>, vector<1x16xf32>,
        %get3A_2637 = vector.shape_cast %get3A_2636 : vector<1x16xf32> to vector<16xf32>
        %add3A_2638 = arith.addf %add3A_2627, %get3A_2637 : vector<16xf32>
        %add3A_2639 = arith.constant 1664 : i32
        %add3A_2640 = arith.addi %add3A_2639, %scan3A_2499 : i32
        %get3A_2641 = arith.constant 0 : i32
        %get3A_2642 = arith.constant 0 : i32
        %get3A_2643 = tpu.memref_slice %arg6[%scan3A_1560, %get3A_2641, %get3A_2642] : memref<2x2560x16xf32, #tpu.memory_space<vmem>> -> memref<1x2560x16xf32, #tpu.memory_space<vmem>>
        %get3A_2644 = tpu.memref_squeeze %get3A_2643 : memref<1x2560x16xf32, #tpu.memory_space<vmem>> -> memref<2560x16xf32, #tpu.memory_space<vmem>>
        %get3A_2645 = arith.index_cast %add3A_2640 : i32 to index
        %get3A_2646 = arith.constant 0 : index
        %get3A_2647 = tpu.vector_load %get3A_2644[%get3A_2645, %get3A_2646] {strides = array<i32>} : memref<2560x16xf32, #tpu.memory_space<vmem>>, vector<1x16xf32>,
        %get3A_2648 = vector.shape_cast %get3A_2647 : vector<1x16xf32> to vector<16xf32>
        %add3A_2649 = arith.addf %add3A_2638, %get3A_2648 : vector<16xf32>
        %add3A_2650 = arith.constant 1792 : i32
        %add3A_2651 = arith.addi %add3A_2650, %scan3A_2499 : i32
        %get3A_2652 = arith.constant 0 : i32
        %get3A_2653 = arith.constant 0 : i32
        %get3A_2654 = tpu.memref_slice %arg6[%scan3A_1560, %get3A_2652, %get3A_2653] : memref<2x2560x16xf32, #tpu.memory_space<vmem>> -> memref<1x2560x16xf32, #tpu.memory_space<vmem>>
        %get3A_2655 = tpu.memref_squeeze %get3A_2654 : memref<1x2560x16xf32, #tpu.memory_space<vmem>> -> memref<2560x16xf32, #tpu.memory_space<vmem>>
        %get3A_2656 = arith.index_cast %add3A_2651 : i32 to index
        %get3A_2657 = arith.constant 0 : index
        %get3A_2658 = tpu.vector_load %get3A_2655[%get3A_2656, %get3A_2657] {strides = array<i32>} : memref<2560x16xf32, #tpu.memory_space<vmem>>, vector<1x16xf32>,
        %get3A_2659 = vector.shape_cast %get3A_2658 : vector<1x16xf32> to vector<16xf32>
        %add3A_2660 = arith.addf %add3A_2649, %get3A_2659 : vector<16xf32>
        %add3A_2661 = arith.constant 1920 : i32
        %add3A_2662 = arith.addi %add3A_2661, %scan3A_2499 : i32
        %get3A_2663 = arith.constant 0 : i32
        %get3A_2664 = arith.constant 0 : i32
        %get3A_2665 = tpu.memref_slice %arg6[%scan3A_1560, %get3A_2663, %get3A_2664] : memref<2x2560x16xf32, #tpu.memory_space<vmem>> -> memref<1x2560x16xf32, #tpu.memory_space<vmem>>
        %get3A_2666 = tpu.memref_squeeze %get3A_2665 : memref<1x2560x16xf32, #tpu.memory_space<vmem>> -> memref<2560x16xf32, #tpu.memory_space<vmem>>
        %get3A_2667 = arith.index_cast %add3A_2662 : i32 to index
        %get3A_2668 = arith.constant 0 : index
        %get3A_2669 = tpu.vector_load %get3A_2666[%get3A_2667, %get3A_2668] {strides = array<i32>} : memref<2560x16xf32, #tpu.memory_space<vmem>>, vector<1x16xf32>,
        %get3A_2670 = vector.shape_cast %get3A_2669 : vector<1x16xf32> to vector<16xf32>
        %add3A_2671 = arith.addf %add3A_2660, %get3A_2670 : vector<16xf32>
        %add3A_2672 = arith.constant 2048 : i32
        %add3A_2673 = arith.addi %add3A_2672, %scan3A_2499 : i32
        %get3A_2674 = arith.constant 0 : i32
        %get3A_2675 = arith.constant 0 : i32
        %get3A_2676 = tpu.memref_slice %arg6[%scan3A_1560, %get3A_2674, %get3A_2675] : memref<2x2560x16xf32, #tpu.memory_space<vmem>> -> memref<1x2560x16xf32, #tpu.memory_space<vmem>>
        %get3A_2677 = tpu.memref_squeeze %get3A_2676 : memref<1x2560x16xf32, #tpu.memory_space<vmem>> -> memref<2560x16xf32, #tpu.memory_space<vmem>>
        %get3A_2678 = arith.index_cast %add3A_2673 : i32 to index
        %get3A_2679 = arith.constant 0 : index
        %get3A_2680 = tpu.vector_load %get3A_2677[%get3A_2678, %get3A_2679] {strides = array<i32>} : memref<2560x16xf32, #tpu.memory_space<vmem>>, vector<1x16xf32>,
        %get3A_2681 = vector.shape_cast %get3A_2680 : vector<1x16xf32> to vector<16xf32>
        %add3A_2682 = arith.addf %add3A_2671, %get3A_2681 : vector<16xf32>
        %add3A_2683 = arith.constant 2176 : i32
        %add3A_2684 = arith.addi %add3A_2683, %scan3A_2499 : i32
        %get3A_2685 = arith.constant 0 : i32
        %get3A_2686 = arith.constant 0 : i32
        %get3A_2687 = tpu.memref_slice %arg6[%scan3A_1560, %get3A_2685, %get3A_2686] : memref<2x2560x16xf32, #tpu.memory_space<vmem>> -> memref<1x2560x16xf32, #tpu.memory_space<vmem>>
        %get3A_2688 = tpu.memref_squeeze %get3A_2687 : memref<1x2560x16xf32, #tpu.memory_space<vmem>> -> memref<2560x16xf32, #tpu.memory_space<vmem>>
        %get3A_2689 = arith.index_cast %add3A_2684 : i32 to index
        %get3A_2690 = arith.constant 0 : index
        %get3A_2691 = tpu.vector_load %get3A_2688[%get3A_2689, %get3A_2690] {strides = array<i32>} : memref<2560x16xf32, #tpu.memory_space<vmem>>, vector<1x16xf32>,
        %get3A_2692 = vector.shape_cast %get3A_2691 : vector<1x16xf32> to vector<16xf32>
        %add3A_2693 = arith.addf %add3A_2682, %get3A_2692 : vector<16xf32>
        %add3A_2694 = arith.constant 2304 : i32
        %add3A_2695 = arith.addi %add3A_2694, %scan3A_2499 : i32
        %get3A_2696 = arith.constant 0 : i32
        %get3A_2697 = arith.constant 0 : i32
        %get3A_2698 = tpu.memref_slice %arg6[%scan3A_1560, %get3A_2696, %get3A_2697] : memref<2x2560x16xf32, #tpu.memory_space<vmem>> -> memref<1x2560x16xf32, #tpu.memory_space<vmem>>
        %get3A_2699 = tpu.memref_squeeze %get3A_2698 : memref<1x2560x16xf32, #tpu.memory_space<vmem>> -> memref<2560x16xf32, #tpu.memory_space<vmem>>
        %get3A_2700 = arith.index_cast %add3A_2695 : i32 to index
        %get3A_2701 = arith.constant 0 : index
        %get3A_2702 = tpu.vector_load %get3A_2699[%get3A_2700, %get3A_2701] {strides = array<i32>} : memref<2560x16xf32, #tpu.memory_space<vmem>>, vector<1x16xf32>,
        %get3A_2703 = vector.shape_cast %get3A_2702 : vector<1x16xf32> to vector<16xf32>
        %add3A_2704 = arith.addf %add3A_2693, %get3A_2703 : vector<16xf32>
        %add3A_2705 = arith.constant 2432 : i32
        %add3A_2706 = arith.addi %add3A_2705, %scan3A_2499 : i32
        %get3A_2707 = arith.constant 0 : i32
        %get3A_2708 = arith.constant 0 : i32
        %get3A_2709 = tpu.memref_slice %arg6[%scan3A_1560, %get3A_2707, %get3A_2708] : memref<2x2560x16xf32, #tpu.memory_space<vmem>> -> memref<1x2560x16xf32, #tpu.memory_space<vmem>>
        %get3A_2710 = tpu.memref_squeeze %get3A_2709 : memref<1x2560x16xf32, #tpu.memory_space<vmem>> -> memref<2560x16xf32, #tpu.memory_space<vmem>>
        %get3A_2711 = arith.index_cast %add3A_2706 : i32 to index
        %get3A_2712 = arith.constant 0 : index
        %get3A_2713 = tpu.vector_load %get3A_2710[%get3A_2711, %get3A_2712] {strides = array<i32>} : memref<2560x16xf32, #tpu.memory_space<vmem>>, vector<1x16xf32>,
        %get3A_2714 = vector.shape_cast %get3A_2713 : vector<1x16xf32> to vector<16xf32>
        %add3A_2715 = arith.addf %add3A_2704, %get3A_2714 : vector<16xf32>
        %swap3A = arith.index_cast %scan3A_2499 : i32 to index
        %swap3A_2716 = arith.constant 0 : index
        %swap3A_2717 = tpu.vector_load %arg7[%swap3A, %swap3A_2716] {strides = array<i32>} : memref<128x16xf32, #tpu.memory_space<vmem>>, vector<1x16xf32>,
        %swap3A_2718 = vector.shape_cast %swap3A_2717 : vector<1x16xf32> to vector<16xf32>
        %swap3A_2719 = vector.shape_cast %add3A_2715 : vector<16xf32> to vector<1x16xf32>
        tpu.vector_store %arg7[%swap3A, %swap3A_2716], %swap3A_2719 {strides = array<i32>} : memref<128x16xf32, #tpu.memory_space<vmem>>, vector<1x16xf32>,
      }
      %scan3A_1565 = arith.constant 128 : i32
      %jit3A_1566 = arith.constant 4 : i32
      %div3A_1567 = arith.divsi %mul3A_711, %jit3A_1566 : i32
      %sign3A_1568 = arith.constant 0 : i32
      %sign3A_1569 = arith.cmpi sgt, %mul3A_711, %sign3A_1568 : i32
      %sign3A_1570 = arith.extui %sign3A_1569 : i1 to i32
      %sign3A_1571 = arith.constant 0 : i32
      %sign3A_1572 = arith.cmpi slt, %mul3A_711, %sign3A_1571 : i32
      %sign3A_1573 = arith.extui %sign3A_1572 : i1 to i32
      %sign3A_1574 = arith.subi %sign3A_1570, %sign3A_1573 : i32
      %sign3A_1575 = arith.constant 0 : i32
      %sign3A_1576 = arith.cmpi sgt, %jit3A_1566, %sign3A_1575 : i32
      %sign3A_1577 = arith.extui %sign3A_1576 : i1 to i32
      %sign3A_1578 = arith.constant 0 : i32
      %sign3A_1579 = arith.cmpi slt, %jit3A_1566, %sign3A_1578 : i32
      %sign3A_1580 = arith.extui %sign3A_1579 : i1 to i32
      %sign3A_1581 = arith.subi %sign3A_1577, %sign3A_1580 : i32
      %ne3A_1582 = arith.cmpi ne, %sign3A_1574, %sign3A_1581 : i32
      %rem3A_1583 = arith.remsi %mul3A_711, %jit3A_1566 : i32
      %ne3A_1584 = arith.constant 0 : i32
      %ne3A_1585 = arith.cmpi ne, %rem3A_1583, %ne3A_1584 : i32
      %and3A_1586 = arith.andi %ne3A_1582, %ne3A_1585 : i1
      %sub3A_1587 = arith.constant 1 : i32
      %sub3A_1588 = arith.subi %div3A_1567, %sub3A_1587 : i32
      %select_n3A_1589 = arith.select %and3A_1586, %sub3A_1588, %div3A_1567 : i32
      %mul3A_1590 = arith.constant 4 : i32
      %mul3A_1591 = arith.muli %select_n3A_1589, %mul3A_1590 : i32
      %sub3A_1592 = arith.subi %mul3A_711, %mul3A_1591 : i32
      %mul3A_1593 = arith.constant 512 : i32
      %mul3A_1594 = arith.muli %add3A, %mul3A_1593 : i32
      %mul3A_1595 = arith.constant 128 : i32
      %mul3A_1596 = arith.muli %sub3A_1592, %mul3A_1595 : i32
      %add3A_1597 = arith.addi %mul3A_1594, %mul3A_1596 : i32
      %mul3A_1598 = arith.constant 16 : i32
      %mul3A_1599 = arith.muli %select_n3A_1589, %mul3A_1598 : i32
      "tpu.region"() ({
        %run_scoped3A_2499 = tpu.sem_alloc : memref<!tpu.dma_semaphore, #tpu.memory_space<semaphore_mem>>
        %dma_start3A_2500 = tpu.memref_slice %arg4[%add3A_1597, %mul3A_1599] : memref<16384x416xf32, #tpu.memory_space<hbm>> -> memref<128x16xf32, #tpu.memory_space<hbm>>
        %dma_start3A_2501 = tpu.memref_slice %arg4[%add3A_1597, %mul3A_1599] : memref<16384x416xf32, #tpu.memory_space<hbm>> -> memref<128x16xf32, #tpu.memory_space<hbm>>
        tpu.enqueue_dma source(%arg7 : memref<128x16xf32, #tpu.memory_space<vmem>>) target(%dma_start3A_2501 : memref<128x16xf32, #tpu.memory_space<hbm>>) target_semaphore(%run_scoped3A_2499 : memref<!tpu.dma_semaphore, #tpu.memory_space<semaphore_mem>>)
        %dma_wait3A_2502 = tpu.memref_slice %arg4[%add3A_1597, %mul3A_1599] : memref<16384x416xf32, #tpu.memory_space<hbm>> -> memref<128x16xf32, #tpu.memory_space<hbm>>
        %dma_wait3A_2503 = tpu.memref_slice %arg4[%add3A_1597, %mul3A_1599] : memref<16384x416xf32, #tpu.memory_space<hbm>> -> memref<128x16xf32, #tpu.memory_space<hbm>>
        tpu.wait_dma2 semaphore(%run_scoped3A_2499 : memref<!tpu.dma_semaphore, #tpu.memory_space<semaphore_mem>>) src(%arg7 : memref<128x16xf32, #tpu.memory_space<vmem>>) dst(%dma_wait3A_2503 : memref<128x16xf32, #tpu.memory_space<hbm>>)
        tpu.yield
      }) : () -> ()
      %add3A_1600 = arith.constant 2 : i32
      %add3A_1601 = arith.addi %mul3A_711, %add3A_1600 : i32
      %min3A = arith.constant 103 : i32
      %min3A_1602 = arith.minsi %add3A_1601, %min3A : i32
      %jit3A_1603 = arith.constant 4 : i32
      %div3A_1604 = arith.divsi %min3A_1602, %jit3A_1603 : i32
      %sign3A_1605 = arith.constant 0 : i32
      %sign3A_1606 = arith.cmpi sgt, %min3A_1602, %sign3A_1605 : i32
      %sign3A_1607 = arith.extui %sign3A_1606 : i1 to i32
      %sign3A_1608 = arith.constant 0 : i32
      %sign3A_1609 = arith.cmpi slt, %min3A_1602, %sign3A_1608 : i32
      %sign3A_1610 = arith.extui %sign3A_1609 : i1 to i32
      %sign3A_1611 = arith.subi %sign3A_1607, %sign3A_1610 : i32
      %sign3A_1612 = arith.constant 0 : i32
      %sign3A_1613 = arith.cmpi sgt, %jit3A_1603, %sign3A_1612 : i32
      %sign3A_1614 = arith.extui %sign3A_1613 : i1 to i32
      %sign3A_1615 = arith.constant 0 : i32
      %sign3A_1616 = arith.cmpi slt, %jit3A_1603, %sign3A_1615 : i32
      %sign3A_1617 = arith.extui %sign3A_1616 : i1 to i32
      %sign3A_1618 = arith.subi %sign3A_1614, %sign3A_1617 : i32
      %ne3A_1619 = arith.cmpi ne, %sign3A_1611, %sign3A_1618 : i32
      %rem3A_1620 = arith.remsi %min3A_1602, %jit3A_1603 : i32
      %ne3A_1621 = arith.constant 0 : i32
      %ne3A_1622 = arith.cmpi ne, %rem3A_1620, %ne3A_1621 : i32
      %and3A_1623 = arith.andi %ne3A_1619, %ne3A_1622 : i1
      %sub3A_1624 = arith.constant 1 : i32
      %sub3A_1625 = arith.subi %div3A_1604, %sub3A_1624 : i32
      %select_n3A_1626 = arith.select %and3A_1623, %sub3A_1625, %div3A_1604 : i32
      %mul3A_1627 = arith.constant 4 : i32
      %mul3A_1628 = arith.muli %select_n3A_1626, %mul3A_1627 : i32
      %sub3A_1629 = arith.subi %min3A_1602, %mul3A_1628 : i32
      %mul3A_1630 = arith.constant 512 : i32
      %mul3A_1631 = arith.muli %add3A, %mul3A_1630 : i32
      %mul3A_1632 = arith.constant 128 : i32
      %mul3A_1633 = arith.muli %sub3A_1629, %mul3A_1632 : i32
      %add3A_1634 = arith.addi %mul3A_1631, %mul3A_1633 : i32
      %run_scoped3A_1635 = arith.constant 0 : i32
      "tpu.region"() ({
        %run_scoped3A_2499 = tpu.sem_alloc : memref<!tpu.dma_semaphore, #tpu.memory_space<semaphore_mem>>
        %dma_start3A_2500 = arith.constant 0 : i32
        %dma_start3A_2501 = arith.constant 0 : i32
        %dma_start3A_2502 = tpu.memref_slice %arg5[%run_scoped3A_1635, %dma_start3A_2500, %dma_start3A_2501] : memref<2x20x128xi32, #tpu.memory_space<vmem>> -> memref<1x20x128xi32, #tpu.memory_space<vmem>>
        %dma_start3A_2503 = tpu.memref_squeeze %dma_start3A_2502 : memref<1x20x128xi32, #tpu.memory_space<vmem>> -> memref<20x128xi32, #tpu.memory_space<vmem>>
        %dma_start3A_2504 = arith.constant 0 : i32
        %dma_start3A_2505 = tpu.memref_slice %arg2[%select_n3A_1626, %dma_start3A_2504, %add3A_1634] : memref<26x20x16384xi32, #tpu.memory_space<hbm>> -> memref<1x20x128xi32, #tpu.memory_space<hbm>>
        %dma_start3A_2506 = tpu.memref_squeeze %dma_start3A_2505 : memref<1x20x128xi32, #tpu.memory_space<hbm>> -> memref<20x128xi32, #tpu.memory_space<hbm>>
        %dma_start3A_2507 = arith.constant 0 : i32
        %dma_start3A_2508 = arith.constant 0 : i32
        %dma_start3A_2509 = tpu.memref_slice %arg5[%run_scoped3A_1635, %dma_start3A_2507, %dma_start3A_2508] : memref<2x20x128xi32, #tpu.memory_space<vmem>> -> memref<1x20x128xi32, #tpu.memory_space<vmem>>
        %dma_start3A_2510 = tpu.memref_squeeze %dma_start3A_2509 : memref<1x20x128xi32, #tpu.memory_space<vmem>> -> memref<20x128xi32, #tpu.memory_space<vmem>>
        %dma_start3A_2511 = arith.constant 0 : i32
        %dma_start3A_2512 = tpu.memref_slice %arg2[%select_n3A_1626, %dma_start3A_2511, %add3A_1634] : memref<26x20x16384xi32, #tpu.memory_space<hbm>> -> memref<1x20x128xi32, #tpu.memory_space<hbm>>
        %dma_start3A_2513 = tpu.memref_squeeze %dma_start3A_2512 : memref<1x20x128xi32, #tpu.memory_space<hbm>> -> memref<20x128xi32, #tpu.memory_space<hbm>>
        tpu.enqueue_dma source(%dma_start3A_2513 : memref<20x128xi32, #tpu.memory_space<hbm>>) target(%dma_start3A_2510 : memref<20x128xi32, #tpu.memory_space<vmem>>) target_semaphore(%run_scoped3A_2499 : memref<!tpu.dma_semaphore, #tpu.memory_space<semaphore_mem>>)
        %dma_wait3A_2514 = arith.constant 0 : i32
        %dma_wait3A_2515 = arith.constant 0 : i32
        %dma_wait3A_2516 = tpu.memref_slice %arg5[%run_scoped3A_1635, %dma_wait3A_2514, %dma_wait3A_2515] : memref<2x20x128xi32, #tpu.memory_space<vmem>> -> memref<1x20x128xi32, #tpu.memory_space<vmem>>
        %dma_wait3A_2517 = tpu.memref_squeeze %dma_wait3A_2516 : memref<1x20x128xi32, #tpu.memory_space<vmem>> -> memref<20x128xi32, #tpu.memory_space<vmem>>
        %dma_wait3A_2518 = arith.constant 0 : i32
        %dma_wait3A_2519 = tpu.memref_slice %arg2[%select_n3A_1626, %dma_wait3A_2518, %add3A_1634] : memref<26x20x16384xi32, #tpu.memory_space<hbm>> -> memref<1x20x128xi32, #tpu.memory_space<hbm>>
        %dma_wait3A_2520 = tpu.memref_squeeze %dma_wait3A_2519 : memref<1x20x128xi32, #tpu.memory_space<hbm>> -> memref<20x128xi32, #tpu.memory_space<hbm>>
        %dma_wait3A_2521 = arith.constant 0 : i32
        %dma_wait3A_2522 = arith.constant 0 : i32
        %dma_wait3A_2523 = tpu.memref_slice %arg5[%run_scoped3A_1635, %dma_wait3A_2521, %dma_wait3A_2522] : memref<2x20x128xi32, #tpu.memory_space<vmem>> -> memref<1x20x128xi32, #tpu.memory_space<vmem>>
        %dma_wait3A_2524 = tpu.memref_squeeze %dma_wait3A_2523 : memref<1x20x128xi32, #tpu.memory_space<vmem>> -> memref<20x128xi32, #tpu.memory_space<vmem>>
        %dma_wait3A_2525 = arith.constant 0 : i32
        %dma_wait3A_2526 = tpu.memref_slice %arg2[%select_n3A_1626, %dma_wait3A_2525, %add3A_1634] : memref<26x20x16384xi32, #tpu.memory_space<hbm>> -> memref<1x20x128xi32, #tpu.memory_space<hbm>>
        %dma_wait3A_2527 = tpu.memref_squeeze %dma_wait3A_2526 : memref<1x20x128xi32, #tpu.memory_space<hbm>> -> memref<20x128xi32, #tpu.memory_space<hbm>>
        tpu.wait_dma2 semaphore(%run_scoped3A_2499 : memref<!tpu.dma_semaphore, #tpu.memory_space<semaphore_mem>>) src(%dma_wait3A_2527 : memref<20x128xi32, #tpu.memory_space<hbm>>) dst(%dma_wait3A_2524 : memref<20x128xi32, #tpu.memory_space<vmem>>)
        tpu.yield
      }) : () -> ()
      %dma_start3A_1636 = arith.constant 0 : i32
      %dma_start3A_1637 = arith.constant 0 : i32
      %dma_start3A_1638 = arith.constant 0 : i32
      %dma_start3A_1639 = arith.constant 0 : i32
      %dma_start3A_1640 = arith.constant 0 : i32
      %dma_start3A_1641 = tpu.memref_slice %arg6[%dma_start3A_1638, %dma_start3A_1639, %dma_start3A_1640] : memref<2x2560x16xf32, #tpu.memory_space<vmem>> -> memref<1x128x16xf32, #tpu.memory_space<vmem>>
      %dma_start3A_1642 = tpu.memref_squeeze %dma_start3A_1641 : memref<1x128x16xf32, #tpu.memory_space<vmem>> -> memref<128x16xf32, #tpu.memory_space<vmem>>
      %dma_start3A_1643 = arith.constant 0 : i32
      %dma_start3A_1644 = tpu.memref_slice %arg5[%dma_start3A_1636, %dma_start3A_1637, %dma_start3A_1643] : memref<2x20x128xi32, #tpu.memory_space<vmem>> -> memref<1x1x128xi32, #tpu.memory_space<vmem>>
      %dma_start3A_1645 = tpu.memref_squeeze %dma_start3A_1644 : memref<1x1x128xi32, #tpu.memory_space<vmem>> -> memref<128xi32, #tpu.memory_space<vmem>>
      %dma_start3A_1646 = arith.constant 0 : i32
      %dma_start3A_1647 = arith.constant 0 : i32
      %dma_start3A_1648 = tpu.memref_slice %arg3[%select_n3A_1626, %dma_start3A_1646, %dma_start3A_1647] : memref<26x100000x16xf32, #tpu.memory_space<hbm>> -> memref<1x100000x16xf32, #tpu.memory_space<hbm>>
      %dma_start3A_1649 = tpu.memref_squeeze %dma_start3A_1648 : memref<1x100000x16xf32, #tpu.memory_space<hbm>> -> memref<100000x16xf32, #tpu.memory_space<hbm>>
      %dma_start3A_1650 = arith.constant 0 : i32
      %dma_start3A_1651 = arith.constant 0 : i32
      %dma_start3A_1652 = tpu.memref_slice %dma_start3A_1649[%dma_start3A_1650, %dma_start3A_1651] : memref<100000x16xf32, #tpu.memory_space<hbm>> -> memref<100000x16xf32, #tpu.memory_space<hbm>>
      tpu.enqueue_indirect_dma source(%dma_start3A_1652 : memref<100000x16xf32, #tpu.memory_space<hbm>>) target(%dma_start3A_1642 : memref<128x16xf32, #tpu.memory_space<vmem>>) offsets(%dma_start3A_1645 : memref<128xi32, #tpu.memory_space<vmem>>) semaphore(%arg8 : memref<!tpu.dma_semaphore, #tpu.memory_space<semaphore_mem>>)
      %dma_start3A_1653 = arith.constant 0 : i32
      %dma_start3A_1654 = arith.constant 1 : i32
      %dma_start3A_1655 = arith.constant 0 : i32
      %dma_start3A_1656 = arith.constant 128 : i32
      %dma_start3A_1657 = arith.constant 0 : i32
      %dma_start3A_1658 = tpu.memref_slice %arg6[%dma_start3A_1655, %dma_start3A_1656, %dma_start3A_1657] : memref<2x2560x16xf32, #tpu.memory_space<vmem>> -> memref<1x128x16xf32, #tpu.memory_space<vmem>>
      %dma_start3A_1659 = tpu.memref_squeeze %dma_start3A_1658 : memref<1x128x16xf32, #tpu.memory_space<vmem>> -> memref<128x16xf32, #tpu.memory_space<vmem>>
      %dma_start3A_1660 = arith.constant 0 : i32
      %dma_start3A_1661 = tpu.memref_slice %arg5[%dma_start3A_1653, %dma_start3A_1654, %dma_start3A_1660] : memref<2x20x128xi32, #tpu.memory_space<vmem>> -> memref<1x1x128xi32, #tpu.memory_space<vmem>>
      %dma_start3A_1662 = tpu.memref_squeeze %dma_start3A_1661 : memref<1x1x128xi32, #tpu.memory_space<vmem>> -> memref<128xi32, #tpu.memory_space<vmem>>
      %dma_start3A_1663 = arith.constant 0 : i32
      %dma_start3A_1664 = arith.constant 0 : i32
      %dma_start3A_1665 = tpu.memref_slice %arg3[%select_n3A_1626, %dma_start3A_1663, %dma_start3A_1664] : memref<26x100000x16xf32, #tpu.memory_space<hbm>> -> memref<1x100000x16xf32, #tpu.memory_space<hbm>>
      %dma_start3A_1666 = tpu.memref_squeeze %dma_start3A_1665 : memref<1x100000x16xf32, #tpu.memory_space<hbm>> -> memref<100000x16xf32, #tpu.memory_space<hbm>>
      %dma_start3A_1667 = arith.constant 0 : i32
      %dma_start3A_1668 = arith.constant 0 : i32
      %dma_start3A_1669 = tpu.memref_slice %dma_start3A_1666[%dma_start3A_1667, %dma_start3A_1668] : memref<100000x16xf32, #tpu.memory_space<hbm>> -> memref<100000x16xf32, #tpu.memory_space<hbm>>
      tpu.enqueue_indirect_dma source(%dma_start3A_1669 : memref<100000x16xf32, #tpu.memory_space<hbm>>) target(%dma_start3A_1659 : memref<128x16xf32, #tpu.memory_space<vmem>>) offsets(%dma_start3A_1662 : memref<128xi32, #tpu.memory_space<vmem>>) semaphore(%arg8 : memref<!tpu.dma_semaphore, #tpu.memory_space<semaphore_mem>>)
      %dma_start3A_1670 = arith.constant 0 : i32
      %dma_start3A_1671 = arith.constant 2 : i32
      %dma_start3A_1672 = arith.constant 0 : i32
      %dma_start3A_1673 = arith.constant 256 : i32
      %dma_start3A_1674 = arith.constant 0 : i32
      %dma_start3A_1675 = tpu.memref_slice %arg6[%dma_start3A_1672, %dma_start3A_1673, %dma_start3A_1674] : memref<2x2560x16xf32, #tpu.memory_space<vmem>> -> memref<1x128x16xf32, #tpu.memory_space<vmem>>
      %dma_start3A_1676 = tpu.memref_squeeze %dma_start3A_1675 : memref<1x128x16xf32, #tpu.memory_space<vmem>> -> memref<128x16xf32, #tpu.memory_space<vmem>>
      %dma_start3A_1677 = arith.constant 0 : i32
      %dma_start3A_1678 = tpu.memref_slice %arg5[%dma_start3A_1670, %dma_start3A_1671, %dma_start3A_1677] : memref<2x20x128xi32, #tpu.memory_space<vmem>> -> memref<1x1x128xi32, #tpu.memory_space<vmem>>
      %dma_start3A_1679 = tpu.memref_squeeze %dma_start3A_1678 : memref<1x1x128xi32, #tpu.memory_space<vmem>> -> memref<128xi32, #tpu.memory_space<vmem>>
      %dma_start3A_1680 = arith.constant 0 : i32
      %dma_start3A_1681 = arith.constant 0 : i32
      %dma_start3A_1682 = tpu.memref_slice %arg3[%select_n3A_1626, %dma_start3A_1680, %dma_start3A_1681] : memref<26x100000x16xf32, #tpu.memory_space<hbm>> -> memref<1x100000x16xf32, #tpu.memory_space<hbm>>
      %dma_start3A_1683 = tpu.memref_squeeze %dma_start3A_1682 : memref<1x100000x16xf32, #tpu.memory_space<hbm>> -> memref<100000x16xf32, #tpu.memory_space<hbm>>
      %dma_start3A_1684 = arith.constant 0 : i32
      %dma_start3A_1685 = arith.constant 0 : i32
      %dma_start3A_1686 = tpu.memref_slice %dma_start3A_1683[%dma_start3A_1684, %dma_start3A_1685] : memref<100000x16xf32, #tpu.memory_space<hbm>> -> memref<100000x16xf32, #tpu.memory_space<hbm>>
      tpu.enqueue_indirect_dma source(%dma_start3A_1686 : memref<100000x16xf32, #tpu.memory_space<hbm>>) target(%dma_start3A_1676 : memref<128x16xf32, #tpu.memory_space<vmem>>) offsets(%dma_start3A_1679 : memref<128xi32, #tpu.memory_space<vmem>>) semaphore(%arg8 : memref<!tpu.dma_semaphore, #tpu.memory_space<semaphore_mem>>)
      %dma_start3A_1687 = arith.constant 0 : i32
      %dma_start3A_1688 = arith.constant 3 : i32
      %dma_start3A_1689 = arith.constant 0 : i32
      %dma_start3A_1690 = arith.constant 384 : i32
      %dma_start3A_1691 = arith.constant 0 : i32
      %dma_start3A_1692 = tpu.memref_slice %arg6[%dma_start3A_1689, %dma_start3A_1690, %dma_start3A_1691] : memref<2x2560x16xf32, #tpu.memory_space<vmem>> -> memref<1x128x16xf32, #tpu.memory_space<vmem>>
      %dma_start3A_1693 = tpu.memref_squeeze %dma_start3A_1692 : memref<1x128x16xf32, #tpu.memory_space<vmem>> -> memref<128x16xf32, #tpu.memory_space<vmem>>
      %dma_start3A_1694 = arith.constant 0 : i32
      %dma_start3A_1695 = tpu.memref_slice %arg5[%dma_start3A_1687, %dma_start3A_1688, %dma_start3A_1694] : memref<2x20x128xi32, #tpu.memory_space<vmem>> -> memref<1x1x128xi32, #tpu.memory_space<vmem>>
      %dma_start3A_1696 = tpu.memref_squeeze %dma_start3A_1695 : memref<1x1x128xi32, #tpu.memory_space<vmem>> -> memref<128xi32, #tpu.memory_space<vmem>>
      %dma_start3A_1697 = arith.constant 0 : i32
      %dma_start3A_1698 = arith.constant 0 : i32
      %dma_start3A_1699 = tpu.memref_slice %arg3[%select_n3A_1626, %dma_start3A_1697, %dma_start3A_1698] : memref<26x100000x16xf32, #tpu.memory_space<hbm>> -> memref<1x100000x16xf32, #tpu.memory_space<hbm>>
      %dma_start3A_1700 = tpu.memref_squeeze %dma_start3A_1699 : memref<1x100000x16xf32, #tpu.memory_space<hbm>> -> memref<100000x16xf32, #tpu.memory_space<hbm>>
      %dma_start3A_1701 = arith.constant 0 : i32
      %dma_start3A_1702 = arith.constant 0 : i32
      %dma_start3A_1703 = tpu.memref_slice %dma_start3A_1700[%dma_start3A_1701, %dma_start3A_1702] : memref<100000x16xf32, #tpu.memory_space<hbm>> -> memref<100000x16xf32, #tpu.memory_space<hbm>>
      tpu.enqueue_indirect_dma source(%dma_start3A_1703 : memref<100000x16xf32, #tpu.memory_space<hbm>>) target(%dma_start3A_1693 : memref<128x16xf32, #tpu.memory_space<vmem>>) offsets(%dma_start3A_1696 : memref<128xi32, #tpu.memory_space<vmem>>) semaphore(%arg8 : memref<!tpu.dma_semaphore, #tpu.memory_space<semaphore_mem>>)
      %dma_start3A_1704 = arith.constant 0 : i32
      %dma_start3A_1705 = arith.constant 4 : i32
      %dma_start3A_1706 = arith.constant 0 : i32
      %dma_start3A_1707 = arith.constant 512 : i32
      %dma_start3A_1708 = arith.constant 0 : i32
      %dma_start3A_1709 = tpu.memref_slice %arg6[%dma_start3A_1706, %dma_start3A_1707, %dma_start3A_1708] : memref<2x2560x16xf32, #tpu.memory_space<vmem>> -> memref<1x128x16xf32, #tpu.memory_space<vmem>>
      %dma_start3A_1710 = tpu.memref_squeeze %dma_start3A_1709 : memref<1x128x16xf32, #tpu.memory_space<vmem>> -> memref<128x16xf32, #tpu.memory_space<vmem>>
      %dma_start3A_1711 = arith.constant 0 : i32
      %dma_start3A_1712 = tpu.memref_slice %arg5[%dma_start3A_1704, %dma_start3A_1705, %dma_start3A_1711] : memref<2x20x128xi32, #tpu.memory_space<vmem>> -> memref<1x1x128xi32, #tpu.memory_space<vmem>>
      %dma_start3A_1713 = tpu.memref_squeeze %dma_start3A_1712 : memref<1x1x128xi32, #tpu.memory_space<vmem>> -> memref<128xi32, #tpu.memory_space<vmem>>
      %dma_start3A_1714 = arith.constant 0 : i32
      %dma_start3A_1715 = arith.constant 0 : i32
      %dma_start3A_1716 = tpu.memref_slice %arg3[%select_n3A_1626, %dma_start3A_1714, %dma_start3A_1715] : memref<26x100000x16xf32, #tpu.memory_space<hbm>> -> memref<1x100000x16xf32, #tpu.memory_space<hbm>>
      %dma_start3A_1717 = tpu.memref_squeeze %dma_start3A_1716 : memref<1x100000x16xf32, #tpu.memory_space<hbm>> -> memref<100000x16xf32, #tpu.memory_space<hbm>>
      %dma_start3A_1718 = arith.constant 0 : i32
      %dma_start3A_1719 = arith.constant 0 : i32
      %dma_start3A_1720 = tpu.memref_slice %dma_start3A_1717[%dma_start3A_1718, %dma_start3A_1719] : memref<100000x16xf32, #tpu.memory_space<hbm>> -> memref<100000x16xf32, #tpu.memory_space<hbm>>
      tpu.enqueue_indirect_dma source(%dma_start3A_1720 : memref<100000x16xf32, #tpu.memory_space<hbm>>) target(%dma_start3A_1710 : memref<128x16xf32, #tpu.memory_space<vmem>>) offsets(%dma_start3A_1713 : memref<128xi32, #tpu.memory_space<vmem>>) semaphore(%arg8 : memref<!tpu.dma_semaphore, #tpu.memory_space<semaphore_mem>>)
      %dma_start3A_1721 = arith.constant 0 : i32
      %dma_start3A_1722 = arith.constant 5 : i32
      %dma_start3A_1723 = arith.constant 0 : i32
      %dma_start3A_1724 = arith.constant 640 : i32
      %dma_start3A_1725 = arith.constant 0 : i32
      %dma_start3A_1726 = tpu.memref_slice %arg6[%dma_start3A_1723, %dma_start3A_1724, %dma_start3A_1725] : memref<2x2560x16xf32, #tpu.memory_space<vmem>> -> memref<1x128x16xf32, #tpu.memory_space<vmem>>
      %dma_start3A_1727 = tpu.memref_squeeze %dma_start3A_1726 : memref<1x128x16xf32, #tpu.memory_space<vmem>> -> memref<128x16xf32, #tpu.memory_space<vmem>>
      %dma_start3A_1728 = arith.constant 0 : i32
      %dma_start3A_1729 = tpu.memref_slice %arg5[%dma_start3A_1721, %dma_start3A_1722, %dma_start3A_1728] : memref<2x20x128xi32, #tpu.memory_space<vmem>> -> memref<1x1x128xi32, #tpu.memory_space<vmem>>
      %dma_start3A_1730 = tpu.memref_squeeze %dma_start3A_1729 : memref<1x1x128xi32, #tpu.memory_space<vmem>> -> memref<128xi32, #tpu.memory_space<vmem>>
      %dma_start3A_1731 = arith.constant 0 : i32
      %dma_start3A_1732 = arith.constant 0 : i32
      %dma_start3A_1733 = tpu.memref_slice %arg3[%select_n3A_1626, %dma_start3A_1731, %dma_start3A_1732] : memref<26x100000x16xf32, #tpu.memory_space<hbm>> -> memref<1x100000x16xf32, #tpu.memory_space<hbm>>
      %dma_start3A_1734 = tpu.memref_squeeze %dma_start3A_1733 : memref<1x100000x16xf32, #tpu.memory_space<hbm>> -> memref<100000x16xf32, #tpu.memory_space<hbm>>
      %dma_start3A_1735 = arith.constant 0 : i32
      %dma_start3A_1736 = arith.constant 0 : i32
      %dma_start3A_1737 = tpu.memref_slice %dma_start3A_1734[%dma_start3A_1735, %dma_start3A_1736] : memref<100000x16xf32, #tpu.memory_space<hbm>> -> memref<100000x16xf32, #tpu.memory_space<hbm>>
      tpu.enqueue_indirect_dma source(%dma_start3A_1737 : memref<100000x16xf32, #tpu.memory_space<hbm>>) target(%dma_start3A_1727 : memref<128x16xf32, #tpu.memory_space<vmem>>) offsets(%dma_start3A_1730 : memref<128xi32, #tpu.memory_space<vmem>>) semaphore(%arg8 : memref<!tpu.dma_semaphore, #tpu.memory_space<semaphore_mem>>)
      %dma_start3A_1738 = arith.constant 0 : i32
      %dma_start3A_1739 = arith.constant 6 : i32
      %dma_start3A_1740 = arith.constant 0 : i32
      %dma_start3A_1741 = arith.constant 768 : i32
      %dma_start3A_1742 = arith.constant 0 : i32
      %dma_start3A_1743 = tpu.memref_slice %arg6[%dma_start3A_1740, %dma_start3A_1741, %dma_start3A_1742] : memref<2x2560x16xf32, #tpu.memory_space<vmem>> -> memref<1x128x16xf32, #tpu.memory_space<vmem>>
      %dma_start3A_1744 = tpu.memref_squeeze %dma_start3A_1743 : memref<1x128x16xf32, #tpu.memory_space<vmem>> -> memref<128x16xf32, #tpu.memory_space<vmem>>
      %dma_start3A_1745 = arith.constant 0 : i32
      %dma_start3A_1746 = tpu.memref_slice %arg5[%dma_start3A_1738, %dma_start3A_1739, %dma_start3A_1745] : memref<2x20x128xi32, #tpu.memory_space<vmem>> -> memref<1x1x128xi32, #tpu.memory_space<vmem>>
      %dma_start3A_1747 = tpu.memref_squeeze %dma_start3A_1746 : memref<1x1x128xi32, #tpu.memory_space<vmem>> -> memref<128xi32, #tpu.memory_space<vmem>>
      %dma_start3A_1748 = arith.constant 0 : i32
      %dma_start3A_1749 = arith.constant 0 : i32
      %dma_start3A_1750 = tpu.memref_slice %arg3[%select_n3A_1626, %dma_start3A_1748, %dma_start3A_1749] : memref<26x100000x16xf32, #tpu.memory_space<hbm>> -> memref<1x100000x16xf32, #tpu.memory_space<hbm>>
      %dma_start3A_1751 = tpu.memref_squeeze %dma_start3A_1750 : memref<1x100000x16xf32, #tpu.memory_space<hbm>> -> memref<100000x16xf32, #tpu.memory_space<hbm>>
      %dma_start3A_1752 = arith.constant 0 : i32
      %dma_start3A_1753 = arith.constant 0 : i32
      %dma_start3A_1754 = tpu.memref_slice %dma_start3A_1751[%dma_start3A_1752, %dma_start3A_1753] : memref<100000x16xf32, #tpu.memory_space<hbm>> -> memref<100000x16xf32, #tpu.memory_space<hbm>>
      tpu.enqueue_indirect_dma source(%dma_start3A_1754 : memref<100000x16xf32, #tpu.memory_space<hbm>>) target(%dma_start3A_1744 : memref<128x16xf32, #tpu.memory_space<vmem>>) offsets(%dma_start3A_1747 : memref<128xi32, #tpu.memory_space<vmem>>) semaphore(%arg8 : memref<!tpu.dma_semaphore, #tpu.memory_space<semaphore_mem>>)
      %dma_start3A_1755 = arith.constant 0 : i32
      %dma_start3A_1756 = arith.constant 7 : i32
      %dma_start3A_1757 = arith.constant 0 : i32
      %dma_start3A_1758 = arith.constant 896 : i32
      %dma_start3A_1759 = arith.constant 0 : i32
      %dma_start3A_1760 = tpu.memref_slice %arg6[%dma_start3A_1757, %dma_start3A_1758, %dma_start3A_1759] : memref<2x2560x16xf32, #tpu.memory_space<vmem>> -> memref<1x128x16xf32, #tpu.memory_space<vmem>>
      %dma_start3A_1761 = tpu.memref_squeeze %dma_start3A_1760 : memref<1x128x16xf32, #tpu.memory_space<vmem>> -> memref<128x16xf32, #tpu.memory_space<vmem>>
      %dma_start3A_1762 = arith.constant 0 : i32
      %dma_start3A_1763 = tpu.memref_slice %arg5[%dma_start3A_1755, %dma_start3A_1756, %dma_start3A_1762] : memref<2x20x128xi32, #tpu.memory_space<vmem>> -> memref<1x1x128xi32, #tpu.memory_space<vmem>>
      %dma_start3A_1764 = tpu.memref_squeeze %dma_start3A_1763 : memref<1x1x128xi32, #tpu.memory_space<vmem>> -> memref<128xi32, #tpu.memory_space<vmem>>
      %dma_start3A_1765 = arith.constant 0 : i32
      %dma_start3A_1766 = arith.constant 0 : i32
      %dma_start3A_1767 = tpu.memref_slice %arg3[%select_n3A_1626, %dma_start3A_1765, %dma_start3A_1766] : memref<26x100000x16xf32, #tpu.memory_space<hbm>> -> memref<1x100000x16xf32, #tpu.memory_space<hbm>>
      %dma_start3A_1768 = tpu.memref_squeeze %dma_start3A_1767 : memref<1x100000x16xf32, #tpu.memory_space<hbm>> -> memref<100000x16xf32, #tpu.memory_space<hbm>>
      %dma_start3A_1769 = arith.constant 0 : i32
      %dma_start3A_1770 = arith.constant 0 : i32
      %dma_start3A_1771 = tpu.memref_slice %dma_start3A_1768[%dma_start3A_1769, %dma_start3A_1770] : memref<100000x16xf32, #tpu.memory_space<hbm>> -> memref<100000x16xf32, #tpu.memory_space<hbm>>
      tpu.enqueue_indirect_dma source(%dma_start3A_1771 : memref<100000x16xf32, #tpu.memory_space<hbm>>) target(%dma_start3A_1761 : memref<128x16xf32, #tpu.memory_space<vmem>>) offsets(%dma_start3A_1764 : memref<128xi32, #tpu.memory_space<vmem>>) semaphore(%arg8 : memref<!tpu.dma_semaphore, #tpu.memory_space<semaphore_mem>>)
      %dma_start3A_1772 = arith.constant 0 : i32
      %dma_start3A_1773 = arith.constant 8 : i32
      %dma_start3A_1774 = arith.constant 0 : i32
      %dma_start3A_1775 = arith.constant 1024 : i32
      %dma_start3A_1776 = arith.constant 0 : i32
      %dma_start3A_1777 = tpu.memref_slice %arg6[%dma_start3A_1774, %dma_start3A_1775, %dma_start3A_1776] : memref<2x2560x16xf32, #tpu.memory_space<vmem>> -> memref<1x128x16xf32, #tpu.memory_space<vmem>>
      %dma_start3A_1778 = tpu.memref_squeeze %dma_start3A_1777 : memref<1x128x16xf32, #tpu.memory_space<vmem>> -> memref<128x16xf32, #tpu.memory_space<vmem>>
      %dma_start3A_1779 = arith.constant 0 : i32
      %dma_start3A_1780 = tpu.memref_slice %arg5[%dma_start3A_1772, %dma_start3A_1773, %dma_start3A_1779] : memref<2x20x128xi32, #tpu.memory_space<vmem>> -> memref<1x1x128xi32, #tpu.memory_space<vmem>>
      %dma_start3A_1781 = tpu.memref_squeeze %dma_start3A_1780 : memref<1x1x128xi32, #tpu.memory_space<vmem>> -> memref<128xi32, #tpu.memory_space<vmem>>
      %dma_start3A_1782 = arith.constant 0 : i32
      %dma_start3A_1783 = arith.constant 0 : i32
      %dma_start3A_1784 = tpu.memref_slice %arg3[%select_n3A_1626, %dma_start3A_1782, %dma_start3A_1783] : memref<26x100000x16xf32, #tpu.memory_space<hbm>> -> memref<1x100000x16xf32, #tpu.memory_space<hbm>>
      %dma_start3A_1785 = tpu.memref_squeeze %dma_start3A_1784 : memref<1x100000x16xf32, #tpu.memory_space<hbm>> -> memref<100000x16xf32, #tpu.memory_space<hbm>>
      %dma_start3A_1786 = arith.constant 0 : i32
      %dma_start3A_1787 = arith.constant 0 : i32
      %dma_start3A_1788 = tpu.memref_slice %dma_start3A_1785[%dma_start3A_1786, %dma_start3A_1787] : memref<100000x16xf32, #tpu.memory_space<hbm>> -> memref<100000x16xf32, #tpu.memory_space<hbm>>
      tpu.enqueue_indirect_dma source(%dma_start3A_1788 : memref<100000x16xf32, #tpu.memory_space<hbm>>) target(%dma_start3A_1778 : memref<128x16xf32, #tpu.memory_space<vmem>>) offsets(%dma_start3A_1781 : memref<128xi32, #tpu.memory_space<vmem>>) semaphore(%arg8 : memref<!tpu.dma_semaphore, #tpu.memory_space<semaphore_mem>>)
      %dma_start3A_1789 = arith.constant 0 : i32
      %dma_start3A_1790 = arith.constant 9 : i32
      %dma_start3A_1791 = arith.constant 0 : i32
      %dma_start3A_1792 = arith.constant 1152 : i32
      %dma_start3A_1793 = arith.constant 0 : i32
      %dma_start3A_1794 = tpu.memref_slice %arg6[%dma_start3A_1791, %dma_start3A_1792, %dma_start3A_1793] : memref<2x2560x16xf32, #tpu.memory_space<vmem>> -> memref<1x128x16xf32, #tpu.memory_space<vmem>>
      %dma_start3A_1795 = tpu.memref_squeeze %dma_start3A_1794 : memref<1x128x16xf32, #tpu.memory_space<vmem>> -> memref<128x16xf32, #tpu.memory_space<vmem>>
      %dma_start3A_1796 = arith.constant 0 : i32
      %dma_start3A_1797 = tpu.memref_slice %arg5[%dma_start3A_1789, %dma_start3A_1790, %dma_start3A_1796] : memref<2x20x128xi32, #tpu.memory_space<vmem>> -> memref<1x1x128xi32, #tpu.memory_space<vmem>>
      %dma_start3A_1798 = tpu.memref_squeeze %dma_start3A_1797 : memref<1x1x128xi32, #tpu.memory_space<vmem>> -> memref<128xi32, #tpu.memory_space<vmem>>
      %dma_start3A_1799 = arith.constant 0 : i32
      %dma_start3A_1800 = arith.constant 0 : i32
      %dma_start3A_1801 = tpu.memref_slice %arg3[%select_n3A_1626, %dma_start3A_1799, %dma_start3A_1800] : memref<26x100000x16xf32, #tpu.memory_space<hbm>> -> memref<1x100000x16xf32, #tpu.memory_space<hbm>>
      %dma_start3A_1802 = tpu.memref_squeeze %dma_start3A_1801 : memref<1x100000x16xf32, #tpu.memory_space<hbm>> -> memref<100000x16xf32, #tpu.memory_space<hbm>>
      %dma_start3A_1803 = arith.constant 0 : i32
      %dma_start3A_1804 = arith.constant 0 : i32
      %dma_start3A_1805 = tpu.memref_slice %dma_start3A_1802[%dma_start3A_1803, %dma_start3A_1804] : memref<100000x16xf32, #tpu.memory_space<hbm>> -> memref<100000x16xf32, #tpu.memory_space<hbm>>
      tpu.enqueue_indirect_dma source(%dma_start3A_1805 : memref<100000x16xf32, #tpu.memory_space<hbm>>) target(%dma_start3A_1795 : memref<128x16xf32, #tpu.memory_space<vmem>>) offsets(%dma_start3A_1798 : memref<128xi32, #tpu.memory_space<vmem>>) semaphore(%arg8 : memref<!tpu.dma_semaphore, #tpu.memory_space<semaphore_mem>>)
      %dma_start3A_1806 = arith.constant 0 : i32
      %dma_start3A_1807 = arith.constant 10 : i32
      %dma_start3A_1808 = arith.constant 0 : i32
      %dma_start3A_1809 = arith.constant 1280 : i32
      %dma_start3A_1810 = arith.constant 0 : i32
      %dma_start3A_1811 = tpu.memref_slice %arg6[%dma_start3A_1808, %dma_start3A_1809, %dma_start3A_1810] : memref<2x2560x16xf32, #tpu.memory_space<vmem>> -> memref<1x128x16xf32, #tpu.memory_space<vmem>>
      %dma_start3A_1812 = tpu.memref_squeeze %dma_start3A_1811 : memref<1x128x16xf32, #tpu.memory_space<vmem>> -> memref<128x16xf32, #tpu.memory_space<vmem>>
      %dma_start3A_1813 = arith.constant 0 : i32
      %dma_start3A_1814 = tpu.memref_slice %arg5[%dma_start3A_1806, %dma_start3A_1807, %dma_start3A_1813] : memref<2x20x128xi32, #tpu.memory_space<vmem>> -> memref<1x1x128xi32, #tpu.memory_space<vmem>>
      %dma_start3A_1815 = tpu.memref_squeeze %dma_start3A_1814 : memref<1x1x128xi32, #tpu.memory_space<vmem>> -> memref<128xi32, #tpu.memory_space<vmem>>
      %dma_start3A_1816 = arith.constant 0 : i32
      %dma_start3A_1817 = arith.constant 0 : i32
      %dma_start3A_1818 = tpu.memref_slice %arg3[%select_n3A_1626, %dma_start3A_1816, %dma_start3A_1817] : memref<26x100000x16xf32, #tpu.memory_space<hbm>> -> memref<1x100000x16xf32, #tpu.memory_space<hbm>>
      %dma_start3A_1819 = tpu.memref_squeeze %dma_start3A_1818 : memref<1x100000x16xf32, #tpu.memory_space<hbm>> -> memref<100000x16xf32, #tpu.memory_space<hbm>>
      %dma_start3A_1820 = arith.constant 0 : i32
      %dma_start3A_1821 = arith.constant 0 : i32
      %dma_start3A_1822 = tpu.memref_slice %dma_start3A_1819[%dma_start3A_1820, %dma_start3A_1821] : memref<100000x16xf32, #tpu.memory_space<hbm>> -> memref<100000x16xf32, #tpu.memory_space<hbm>>
      tpu.enqueue_indirect_dma source(%dma_start3A_1822 : memref<100000x16xf32, #tpu.memory_space<hbm>>) target(%dma_start3A_1812 : memref<128x16xf32, #tpu.memory_space<vmem>>) offsets(%dma_start3A_1815 : memref<128xi32, #tpu.memory_space<vmem>>) semaphore(%arg8 : memref<!tpu.dma_semaphore, #tpu.memory_space<semaphore_mem>>)
      %dma_start3A_1823 = arith.constant 0 : i32
      %dma_start3A_1824 = arith.constant 11 : i32
      %dma_start3A_1825 = arith.constant 0 : i32
      %dma_start3A_1826 = arith.constant 1408 : i32
      %dma_start3A_1827 = arith.constant 0 : i32
      %dma_start3A_1828 = tpu.memref_slice %arg6[%dma_start3A_1825, %dma_start3A_1826, %dma_start3A_1827] : memref<2x2560x16xf32, #tpu.memory_space<vmem>> -> memref<1x128x16xf32, #tpu.memory_space<vmem>>
      %dma_start3A_1829 = tpu.memref_squeeze %dma_start3A_1828 : memref<1x128x16xf32, #tpu.memory_space<vmem>> -> memref<128x16xf32, #tpu.memory_space<vmem>>
      %dma_start3A_1830 = arith.constant 0 : i32
      %dma_start3A_1831 = tpu.memref_slice %arg5[%dma_start3A_1823, %dma_start3A_1824, %dma_start3A_1830] : memref<2x20x128xi32, #tpu.memory_space<vmem>> -> memref<1x1x128xi32, #tpu.memory_space<vmem>>
      %dma_start3A_1832 = tpu.memref_squeeze %dma_start3A_1831 : memref<1x1x128xi32, #tpu.memory_space<vmem>> -> memref<128xi32, #tpu.memory_space<vmem>>
      %dma_start3A_1833 = arith.constant 0 : i32
      %dma_start3A_1834 = arith.constant 0 : i32
      %dma_start3A_1835 = tpu.memref_slice %arg3[%select_n3A_1626, %dma_start3A_1833, %dma_start3A_1834] : memref<26x100000x16xf32, #tpu.memory_space<hbm>> -> memref<1x100000x16xf32, #tpu.memory_space<hbm>>
      %dma_start3A_1836 = tpu.memref_squeeze %dma_start3A_1835 : memref<1x100000x16xf32, #tpu.memory_space<hbm>> -> memref<100000x16xf32, #tpu.memory_space<hbm>>
      %dma_start3A_1837 = arith.constant 0 : i32
      %dma_start3A_1838 = arith.constant 0 : i32
      %dma_start3A_1839 = tpu.memref_slice %dma_start3A_1836[%dma_start3A_1837, %dma_start3A_1838] : memref<100000x16xf32, #tpu.memory_space<hbm>> -> memref<100000x16xf32, #tpu.memory_space<hbm>>
      tpu.enqueue_indirect_dma source(%dma_start3A_1839 : memref<100000x16xf32, #tpu.memory_space<hbm>>) target(%dma_start3A_1829 : memref<128x16xf32, #tpu.memory_space<vmem>>) offsets(%dma_start3A_1832 : memref<128xi32, #tpu.memory_space<vmem>>) semaphore(%arg8 : memref<!tpu.dma_semaphore, #tpu.memory_space<semaphore_mem>>)
      %dma_start3A_1840 = arith.constant 0 : i32
      %dma_start3A_1841 = arith.constant 12 : i32
      %dma_start3A_1842 = arith.constant 0 : i32
      %dma_start3A_1843 = arith.constant 1536 : i32
      %dma_start3A_1844 = arith.constant 0 : i32
      %dma_start3A_1845 = tpu.memref_slice %arg6[%dma_start3A_1842, %dma_start3A_1843, %dma_start3A_1844] : memref<2x2560x16xf32, #tpu.memory_space<vmem>> -> memref<1x128x16xf32, #tpu.memory_space<vmem>>
      %dma_start3A_1846 = tpu.memref_squeeze %dma_start3A_1845 : memref<1x128x16xf32, #tpu.memory_space<vmem>> -> memref<128x16xf32, #tpu.memory_space<vmem>>
      %dma_start3A_1847 = arith.constant 0 : i32
      %dma_start3A_1848 = tpu.memref_slice %arg5[%dma_start3A_1840, %dma_start3A_1841, %dma_start3A_1847] : memref<2x20x128xi32, #tpu.memory_space<vmem>> -> memref<1x1x128xi32, #tpu.memory_space<vmem>>
      %dma_start3A_1849 = tpu.memref_squeeze %dma_start3A_1848 : memref<1x1x128xi32, #tpu.memory_space<vmem>> -> memref<128xi32, #tpu.memory_space<vmem>>
      %dma_start3A_1850 = arith.constant 0 : i32
      %dma_start3A_1851 = arith.constant 0 : i32
      %dma_start3A_1852 = tpu.memref_slice %arg3[%select_n3A_1626, %dma_start3A_1850, %dma_start3A_1851] : memref<26x100000x16xf32, #tpu.memory_space<hbm>> -> memref<1x100000x16xf32, #tpu.memory_space<hbm>>
      %dma_start3A_1853 = tpu.memref_squeeze %dma_start3A_1852 : memref<1x100000x16xf32, #tpu.memory_space<hbm>> -> memref<100000x16xf32, #tpu.memory_space<hbm>>
      %dma_start3A_1854 = arith.constant 0 : i32
      %dma_start3A_1855 = arith.constant 0 : i32
      %dma_start3A_1856 = tpu.memref_slice %dma_start3A_1853[%dma_start3A_1854, %dma_start3A_1855] : memref<100000x16xf32, #tpu.memory_space<hbm>> -> memref<100000x16xf32, #tpu.memory_space<hbm>>
      tpu.enqueue_indirect_dma source(%dma_start3A_1856 : memref<100000x16xf32, #tpu.memory_space<hbm>>) target(%dma_start3A_1846 : memref<128x16xf32, #tpu.memory_space<vmem>>) offsets(%dma_start3A_1849 : memref<128xi32, #tpu.memory_space<vmem>>) semaphore(%arg8 : memref<!tpu.dma_semaphore, #tpu.memory_space<semaphore_mem>>)
      %dma_start3A_1857 = arith.constant 0 : i32
      %dma_start3A_1858 = arith.constant 13 : i32
      %dma_start3A_1859 = arith.constant 0 : i32
      %dma_start3A_1860 = arith.constant 1664 : i32
      %dma_start3A_1861 = arith.constant 0 : i32
      %dma_start3A_1862 = tpu.memref_slice %arg6[%dma_start3A_1859, %dma_start3A_1860, %dma_start3A_1861] : memref<2x2560x16xf32, #tpu.memory_space<vmem>> -> memref<1x128x16xf32, #tpu.memory_space<vmem>>
      %dma_start3A_1863 = tpu.memref_squeeze %dma_start3A_1862 : memref<1x128x16xf32, #tpu.memory_space<vmem>> -> memref<128x16xf32, #tpu.memory_space<vmem>>
      %dma_start3A_1864 = arith.constant 0 : i32
      %dma_start3A_1865 = tpu.memref_slice %arg5[%dma_start3A_1857, %dma_start3A_1858, %dma_start3A_1864] : memref<2x20x128xi32, #tpu.memory_space<vmem>> -> memref<1x1x128xi32, #tpu.memory_space<vmem>>
      %dma_start3A_1866 = tpu.memref_squeeze %dma_start3A_1865 : memref<1x1x128xi32, #tpu.memory_space<vmem>> -> memref<128xi32, #tpu.memory_space<vmem>>
      %dma_start3A_1867 = arith.constant 0 : i32
      %dma_start3A_1868 = arith.constant 0 : i32
      %dma_start3A_1869 = tpu.memref_slice %arg3[%select_n3A_1626, %dma_start3A_1867, %dma_start3A_1868] : memref<26x100000x16xf32, #tpu.memory_space<hbm>> -> memref<1x100000x16xf32, #tpu.memory_space<hbm>>
      %dma_start3A_1870 = tpu.memref_squeeze %dma_start3A_1869 : memref<1x100000x16xf32, #tpu.memory_space<hbm>> -> memref<100000x16xf32, #tpu.memory_space<hbm>>
      %dma_start3A_1871 = arith.constant 0 : i32
      %dma_start3A_1872 = arith.constant 0 : i32
      %dma_start3A_1873 = tpu.memref_slice %dma_start3A_1870[%dma_start3A_1871, %dma_start3A_1872] : memref<100000x16xf32, #tpu.memory_space<hbm>> -> memref<100000x16xf32, #tpu.memory_space<hbm>>
      tpu.enqueue_indirect_dma source(%dma_start3A_1873 : memref<100000x16xf32, #tpu.memory_space<hbm>>) target(%dma_start3A_1863 : memref<128x16xf32, #tpu.memory_space<vmem>>) offsets(%dma_start3A_1866 : memref<128xi32, #tpu.memory_space<vmem>>) semaphore(%arg8 : memref<!tpu.dma_semaphore, #tpu.memory_space<semaphore_mem>>)
      %dma_start3A_1874 = arith.constant 0 : i32
      %dma_start3A_1875 = arith.constant 14 : i32
      %dma_start3A_1876 = arith.constant 0 : i32
      %dma_start3A_1877 = arith.constant 1792 : i32
      %dma_start3A_1878 = arith.constant 0 : i32
      %dma_start3A_1879 = tpu.memref_slice %arg6[%dma_start3A_1876, %dma_start3A_1877, %dma_start3A_1878] : memref<2x2560x16xf32, #tpu.memory_space<vmem>> -> memref<1x128x16xf32, #tpu.memory_space<vmem>>
      %dma_start3A_1880 = tpu.memref_squeeze %dma_start3A_1879 : memref<1x128x16xf32, #tpu.memory_space<vmem>> -> memref<128x16xf32, #tpu.memory_space<vmem>>
      %dma_start3A_1881 = arith.constant 0 : i32
      %dma_start3A_1882 = tpu.memref_slice %arg5[%dma_start3A_1874, %dma_start3A_1875, %dma_start3A_1881] : memref<2x20x128xi32, #tpu.memory_space<vmem>> -> memref<1x1x128xi32, #tpu.memory_space<vmem>>
      %dma_start3A_1883 = tpu.memref_squeeze %dma_start3A_1882 : memref<1x1x128xi32, #tpu.memory_space<vmem>> -> memref<128xi32, #tpu.memory_space<vmem>>
      %dma_start3A_1884 = arith.constant 0 : i32
      %dma_start3A_1885 = arith.constant 0 : i32
      %dma_start3A_1886 = tpu.memref_slice %arg3[%select_n3A_1626, %dma_start3A_1884, %dma_start3A_1885] : memref<26x100000x16xf32, #tpu.memory_space<hbm>> -> memref<1x100000x16xf32, #tpu.memory_space<hbm>>
      %dma_start3A_1887 = tpu.memref_squeeze %dma_start3A_1886 : memref<1x100000x16xf32, #tpu.memory_space<hbm>> -> memref<100000x16xf32, #tpu.memory_space<hbm>>
      %dma_start3A_1888 = arith.constant 0 : i32
      %dma_start3A_1889 = arith.constant 0 : i32
      %dma_start3A_1890 = tpu.memref_slice %dma_start3A_1887[%dma_start3A_1888, %dma_start3A_1889] : memref<100000x16xf32, #tpu.memory_space<hbm>> -> memref<100000x16xf32, #tpu.memory_space<hbm>>
      tpu.enqueue_indirect_dma source(%dma_start3A_1890 : memref<100000x16xf32, #tpu.memory_space<hbm>>) target(%dma_start3A_1880 : memref<128x16xf32, #tpu.memory_space<vmem>>) offsets(%dma_start3A_1883 : memref<128xi32, #tpu.memory_space<vmem>>) semaphore(%arg8 : memref<!tpu.dma_semaphore, #tpu.memory_space<semaphore_mem>>)
      %dma_start3A_1891 = arith.constant 0 : i32
      %dma_start3A_1892 = arith.constant 15 : i32
      %dma_start3A_1893 = arith.constant 0 : i32
      %dma_start3A_1894 = arith.constant 1920 : i32
      %dma_start3A_1895 = arith.constant 0 : i32
      %dma_start3A_1896 = tpu.memref_slice %arg6[%dma_start3A_1893, %dma_start3A_1894, %dma_start3A_1895] : memref<2x2560x16xf32, #tpu.memory_space<vmem>> -> memref<1x128x16xf32, #tpu.memory_space<vmem>>
      %dma_start3A_1897 = tpu.memref_squeeze %dma_start3A_1896 : memref<1x128x16xf32, #tpu.memory_space<vmem>> -> memref<128x16xf32, #tpu.memory_space<vmem>>
      %dma_start3A_1898 = arith.constant 0 : i32
      %dma_start3A_1899 = tpu.memref_slice %arg5[%dma_start3A_1891, %dma_start3A_1892, %dma_start3A_1898] : memref<2x20x128xi32, #tpu.memory_space<vmem>> -> memref<1x1x128xi32, #tpu.memory_space<vmem>>
      %dma_start3A_1900 = tpu.memref_squeeze %dma_start3A_1899 : memref<1x1x128xi32, #tpu.memory_space<vmem>> -> memref<128xi32, #tpu.memory_space<vmem>>
      %dma_start3A_1901 = arith.constant 0 : i32
      %dma_start3A_1902 = arith.constant 0 : i32
      %dma_start3A_1903 = tpu.memref_slice %arg3[%select_n3A_1626, %dma_start3A_1901, %dma_start3A_1902] : memref<26x100000x16xf32, #tpu.memory_space<hbm>> -> memref<1x100000x16xf32, #tpu.memory_space<hbm>>
      %dma_start3A_1904 = tpu.memref_squeeze %dma_start3A_1903 : memref<1x100000x16xf32, #tpu.memory_space<hbm>> -> memref<100000x16xf32, #tpu.memory_space<hbm>>
      %dma_start3A_1905 = arith.constant 0 : i32
      %dma_start3A_1906 = arith.constant 0 : i32
      %dma_start3A_1907 = tpu.memref_slice %dma_start3A_1904[%dma_start3A_1905, %dma_start3A_1906] : memref<100000x16xf32, #tpu.memory_space<hbm>> -> memref<100000x16xf32, #tpu.memory_space<hbm>>
      tpu.enqueue_indirect_dma source(%dma_start3A_1907 : memref<100000x16xf32, #tpu.memory_space<hbm>>) target(%dma_start3A_1897 : memref<128x16xf32, #tpu.memory_space<vmem>>) offsets(%dma_start3A_1900 : memref<128xi32, #tpu.memory_space<vmem>>) semaphore(%arg8 : memref<!tpu.dma_semaphore, #tpu.memory_space<semaphore_mem>>)
      %dma_start3A_1908 = arith.constant 0 : i32
      %dma_start3A_1909 = arith.constant 16 : i32
      %dma_start3A_1910 = arith.constant 0 : i32
      %dma_start3A_1911 = arith.constant 2048 : i32
      %dma_start3A_1912 = arith.constant 0 : i32
      %dma_start3A_1913 = tpu.memref_slice %arg6[%dma_start3A_1910, %dma_start3A_1911, %dma_start3A_1912] : memref<2x2560x16xf32, #tpu.memory_space<vmem>> -> memref<1x128x16xf32, #tpu.memory_space<vmem>>
      %dma_start3A_1914 = tpu.memref_squeeze %dma_start3A_1913 : memref<1x128x16xf32, #tpu.memory_space<vmem>> -> memref<128x16xf32, #tpu.memory_space<vmem>>
      %dma_start3A_1915 = arith.constant 0 : i32
      %dma_start3A_1916 = tpu.memref_slice %arg5[%dma_start3A_1908, %dma_start3A_1909, %dma_start3A_1915] : memref<2x20x128xi32, #tpu.memory_space<vmem>> -> memref<1x1x128xi32, #tpu.memory_space<vmem>>
      %dma_start3A_1917 = tpu.memref_squeeze %dma_start3A_1916 : memref<1x1x128xi32, #tpu.memory_space<vmem>> -> memref<128xi32, #tpu.memory_space<vmem>>
      %dma_start3A_1918 = arith.constant 0 : i32
      %dma_start3A_1919 = arith.constant 0 : i32
      %dma_start3A_1920 = tpu.memref_slice %arg3[%select_n3A_1626, %dma_start3A_1918, %dma_start3A_1919] : memref<26x100000x16xf32, #tpu.memory_space<hbm>> -> memref<1x100000x16xf32, #tpu.memory_space<hbm>>
      %dma_start3A_1921 = tpu.memref_squeeze %dma_start3A_1920 : memref<1x100000x16xf32, #tpu.memory_space<hbm>> -> memref<100000x16xf32, #tpu.memory_space<hbm>>
      %dma_start3A_1922 = arith.constant 0 : i32
      %dma_start3A_1923 = arith.constant 0 : i32
      %dma_start3A_1924 = tpu.memref_slice %dma_start3A_1921[%dma_start3A_1922, %dma_start3A_1923] : memref<100000x16xf32, #tpu.memory_space<hbm>> -> memref<100000x16xf32, #tpu.memory_space<hbm>>
      tpu.enqueue_indirect_dma source(%dma_start3A_1924 : memref<100000x16xf32, #tpu.memory_space<hbm>>) target(%dma_start3A_1914 : memref<128x16xf32, #tpu.memory_space<vmem>>) offsets(%dma_start3A_1917 : memref<128xi32, #tpu.memory_space<vmem>>) semaphore(%arg8 : memref<!tpu.dma_semaphore, #tpu.memory_space<semaphore_mem>>)
      %dma_start3A_1925 = arith.constant 0 : i32
      %dma_start3A_1926 = arith.constant 17 : i32
      %dma_start3A_1927 = arith.constant 0 : i32
      %dma_start3A_1928 = arith.constant 2176 : i32
      %dma_start3A_1929 = arith.constant 0 : i32
      %dma_start3A_1930 = tpu.memref_slice %arg6[%dma_start3A_1927, %dma_start3A_1928, %dma_start3A_1929] : memref<2x2560x16xf32, #tpu.memory_space<vmem>> -> memref<1x128x16xf32, #tpu.memory_space<vmem>>
      %dma_start3A_1931 = tpu.memref_squeeze %dma_start3A_1930 : memref<1x128x16xf32, #tpu.memory_space<vmem>> -> memref<128x16xf32, #tpu.memory_space<vmem>>
      %dma_start3A_1932 = arith.constant 0 : i32
      %dma_start3A_1933 = tpu.memref_slice %arg5[%dma_start3A_1925, %dma_start3A_1926, %dma_start3A_1932] : memref<2x20x128xi32, #tpu.memory_space<vmem>> -> memref<1x1x128xi32, #tpu.memory_space<vmem>>
      %dma_start3A_1934 = tpu.memref_squeeze %dma_start3A_1933 : memref<1x1x128xi32, #tpu.memory_space<vmem>> -> memref<128xi32, #tpu.memory_space<vmem>>
      %dma_start3A_1935 = arith.constant 0 : i32
      %dma_start3A_1936 = arith.constant 0 : i32
      %dma_start3A_1937 = tpu.memref_slice %arg3[%select_n3A_1626, %dma_start3A_1935, %dma_start3A_1936] : memref<26x100000x16xf32, #tpu.memory_space<hbm>> -> memref<1x100000x16xf32, #tpu.memory_space<hbm>>
      %dma_start3A_1938 = tpu.memref_squeeze %dma_start3A_1937 : memref<1x100000x16xf32, #tpu.memory_space<hbm>> -> memref<100000x16xf32, #tpu.memory_space<hbm>>
      %dma_start3A_1939 = arith.constant 0 : i32
      %dma_start3A_1940 = arith.constant 0 : i32
      %dma_start3A_1941 = tpu.memref_slice %dma_start3A_1938[%dma_start3A_1939, %dma_start3A_1940] : memref<100000x16xf32, #tpu.memory_space<hbm>> -> memref<100000x16xf32, #tpu.memory_space<hbm>>
      tpu.enqueue_indirect_dma source(%dma_start3A_1941 : memref<100000x16xf32, #tpu.memory_space<hbm>>) target(%dma_start3A_1931 : memref<128x16xf32, #tpu.memory_space<vmem>>) offsets(%dma_start3A_1934 : memref<128xi32, #tpu.memory_space<vmem>>) semaphore(%arg8 : memref<!tpu.dma_semaphore, #tpu.memory_space<semaphore_mem>>)
      %dma_start3A_1942 = arith.constant 0 : i32
      %dma_start3A_1943 = arith.constant 18 : i32
      %dma_start3A_1944 = arith.constant 0 : i32
      %dma_start3A_1945 = arith.constant 2304 : i32
      %dma_start3A_1946 = arith.constant 0 : i32
      %dma_start3A_1947 = tpu.memref_slice %arg6[%dma_start3A_1944, %dma_start3A_1945, %dma_start3A_1946] : memref<2x2560x16xf32, #tpu.memory_space<vmem>> -> memref<1x128x16xf32, #tpu.memory_space<vmem>>
      %dma_start3A_1948 = tpu.memref_squeeze %dma_start3A_1947 : memref<1x128x16xf32, #tpu.memory_space<vmem>> -> memref<128x16xf32, #tpu.memory_space<vmem>>
      %dma_start3A_1949 = arith.constant 0 : i32
      %dma_start3A_1950 = tpu.memref_slice %arg5[%dma_start3A_1942, %dma_start3A_1943, %dma_start3A_1949] : memref<2x20x128xi32, #tpu.memory_space<vmem>> -> memref<1x1x128xi32, #tpu.memory_space<vmem>>
      %dma_start3A_1951 = tpu.memref_squeeze %dma_start3A_1950 : memref<1x1x128xi32, #tpu.memory_space<vmem>> -> memref<128xi32, #tpu.memory_space<vmem>>
      %dma_start3A_1952 = arith.constant 0 : i32
      %dma_start3A_1953 = arith.constant 0 : i32
      %dma_start3A_1954 = tpu.memref_slice %arg3[%select_n3A_1626, %dma_start3A_1952, %dma_start3A_1953] : memref<26x100000x16xf32, #tpu.memory_space<hbm>> -> memref<1x100000x16xf32, #tpu.memory_space<hbm>>
      %dma_start3A_1955 = tpu.memref_squeeze %dma_start3A_1954 : memref<1x100000x16xf32, #tpu.memory_space<hbm>> -> memref<100000x16xf32, #tpu.memory_space<hbm>>
      %dma_start3A_1956 = arith.constant 0 : i32
      %dma_start3A_1957 = arith.constant 0 : i32
      %dma_start3A_1958 = tpu.memref_slice %dma_start3A_1955[%dma_start3A_1956, %dma_start3A_1957] : memref<100000x16xf32, #tpu.memory_space<hbm>> -> memref<100000x16xf32, #tpu.memory_space<hbm>>
      tpu.enqueue_indirect_dma source(%dma_start3A_1958 : memref<100000x16xf32, #tpu.memory_space<hbm>>) target(%dma_start3A_1948 : memref<128x16xf32, #tpu.memory_space<vmem>>) offsets(%dma_start3A_1951 : memref<128xi32, #tpu.memory_space<vmem>>) semaphore(%arg8 : memref<!tpu.dma_semaphore, #tpu.memory_space<semaphore_mem>>)
      %dma_start3A_1959 = arith.constant 0 : i32
      %dma_start3A_1960 = arith.constant 19 : i32
      %dma_start3A_1961 = arith.constant 0 : i32
      %dma_start3A_1962 = arith.constant 2432 : i32
      %dma_start3A_1963 = arith.constant 0 : i32
      %dma_start3A_1964 = tpu.memref_slice %arg6[%dma_start3A_1961, %dma_start3A_1962, %dma_start3A_1963] : memref<2x2560x16xf32, #tpu.memory_space<vmem>> -> memref<1x128x16xf32, #tpu.memory_space<vmem>>
      %dma_start3A_1965 = tpu.memref_squeeze %dma_start3A_1964 : memref<1x128x16xf32, #tpu.memory_space<vmem>> -> memref<128x16xf32, #tpu.memory_space<vmem>>
      %dma_start3A_1966 = arith.constant 0 : i32
      %dma_start3A_1967 = tpu.memref_slice %arg5[%dma_start3A_1959, %dma_start3A_1960, %dma_start3A_1966] : memref<2x20x128xi32, #tpu.memory_space<vmem>> -> memref<1x1x128xi32, #tpu.memory_space<vmem>>
      %dma_start3A_1968 = tpu.memref_squeeze %dma_start3A_1967 : memref<1x1x128xi32, #tpu.memory_space<vmem>> -> memref<128xi32, #tpu.memory_space<vmem>>
      %dma_start3A_1969 = arith.constant 0 : i32
      %dma_start3A_1970 = arith.constant 0 : i32
      %dma_start3A_1971 = tpu.memref_slice %arg3[%select_n3A_1626, %dma_start3A_1969, %dma_start3A_1970] : memref<26x100000x16xf32, #tpu.memory_space<hbm>> -> memref<1x100000x16xf32, #tpu.memory_space<hbm>>
      %dma_start3A_1972 = tpu.memref_squeeze %dma_start3A_1971 : memref<1x100000x16xf32, #tpu.memory_space<hbm>> -> memref<100000x16xf32, #tpu.memory_space<hbm>>
      %dma_start3A_1973 = arith.constant 0 : i32
      %dma_start3A_1974 = arith.constant 0 : i32
      %dma_start3A_1975 = tpu.memref_slice %dma_start3A_1972[%dma_start3A_1973, %dma_start3A_1974] : memref<100000x16xf32, #tpu.memory_space<hbm>> -> memref<100000x16xf32, #tpu.memory_space<hbm>>
      tpu.enqueue_indirect_dma source(%dma_start3A_1975 : memref<100000x16xf32, #tpu.memory_space<hbm>>) target(%dma_start3A_1965 : memref<128x16xf32, #tpu.memory_space<vmem>>) offsets(%dma_start3A_1968 : memref<128xi32, #tpu.memory_space<vmem>>) semaphore(%arg8 : memref<!tpu.dma_semaphore, #tpu.memory_space<semaphore_mem>>)
      %add3A_1976 = arith.constant 1 : i32
      %add3A_1977 = arith.addi %mul3A_711, %add3A_1976 : i32
      %dma_wait3A_1978 = arith.constant 0 : i32
      %dma_wait3A_1979 = arith.constant 1 : i32
      %dma_wait3A_1980 = arith.constant 0 : i32
      %dma_wait3A_1981 = arith.constant 0 : i32
      %dma_wait3A_1982 = tpu.memref_slice %arg6[%dma_wait3A_1979, %dma_wait3A_1980, %dma_wait3A_1981] : memref<2x2560x16xf32, #tpu.memory_space<vmem>> -> memref<1x128x16xf32, #tpu.memory_space<vmem>>
      %dma_wait3A_1983 = tpu.memref_squeeze %dma_wait3A_1982 : memref<1x128x16xf32, #tpu.memory_space<vmem>> -> memref<128x16xf32, #tpu.memory_space<vmem>>
      %dma_wait3A_1984 = arith.constant 0 : i32
      %dma_wait3A_1985 = arith.constant 0 : i32
      %dma_wait3A_1986 = tpu.memref_slice %arg3[%dma_wait3A_1978, %dma_wait3A_1984, %dma_wait3A_1985] : memref<26x100000x16xf32, #tpu.memory_space<hbm>> -> memref<1x100000x16xf32, #tpu.memory_space<hbm>>
      %dma_wait3A_1987 = tpu.memref_squeeze %dma_wait3A_1986 : memref<1x100000x16xf32, #tpu.memory_space<hbm>> -> memref<100000x16xf32, #tpu.memory_space<hbm>>
      %dma_wait3A_1988 = arith.constant 0 : i32
      %dma_wait3A_1989 = arith.constant 0 : i32
      %dma_wait3A_1990 = tpu.memref_slice %dma_wait3A_1987[%dma_wait3A_1988, %dma_wait3A_1989] : memref<100000x16xf32, #tpu.memory_space<hbm>> -> memref<128x16xf32, #tpu.memory_space<hbm>>
      %dma_wait3A_1991 = arith.constant 0 : i32
      %dma_wait3A_1992 = arith.constant 0 : i32
      %dma_wait3A_1993 = tpu.memref_slice %arg6[%dma_wait3A_1979, %dma_wait3A_1991, %dma_wait3A_1992] : memref<2x2560x16xf32, #tpu.memory_space<vmem>> -> memref<1x128x16xf32, #tpu.memory_space<vmem>>
      %dma_wait3A_1994 = tpu.memref_squeeze %dma_wait3A_1993 : memref<1x128x16xf32, #tpu.memory_space<vmem>> -> memref<128x16xf32, #tpu.memory_space<vmem>>
      %dma_wait3A_1995 = arith.constant 0 : i32
      %dma_wait3A_1996 = arith.constant 0 : i32
      %dma_wait3A_1997 = tpu.memref_slice %arg3[%dma_wait3A_1978, %dma_wait3A_1995, %dma_wait3A_1996] : memref<26x100000x16xf32, #tpu.memory_space<hbm>> -> memref<1x100000x16xf32, #tpu.memory_space<hbm>>
      %dma_wait3A_1998 = tpu.memref_squeeze %dma_wait3A_1997 : memref<1x100000x16xf32, #tpu.memory_space<hbm>> -> memref<100000x16xf32, #tpu.memory_space<hbm>>
      %dma_wait3A_1999 = arith.constant 0 : i32
      %dma_wait3A_2000 = arith.constant 0 : i32
      %dma_wait3A_2001 = tpu.memref_slice %dma_wait3A_1998[%dma_wait3A_1999, %dma_wait3A_2000] : memref<100000x16xf32, #tpu.memory_space<hbm>> -> memref<128x16xf32, #tpu.memory_space<hbm>>
      tpu.wait_dma2 semaphore(%arg9 : memref<!tpu.dma_semaphore, #tpu.memory_space<semaphore_mem>>) src(%dma_wait3A_2001 : memref<128x16xf32, #tpu.memory_space<hbm>>) dst(%dma_wait3A_1994 : memref<128x16xf32, #tpu.memory_space<vmem>>)
      %dma_wait3A_2002 = arith.constant 0 : i32
      %dma_wait3A_2003 = arith.constant 1 : i32
      %dma_wait3A_2004 = arith.constant 128 : i32
      %dma_wait3A_2005 = arith.constant 0 : i32
      %dma_wait3A_2006 = tpu.memref_slice %arg6[%dma_wait3A_2003, %dma_wait3A_2004, %dma_wait3A_2005] : memref<2x2560x16xf32, #tpu.memory_space<vmem>> -> memref<1x128x16xf32, #tpu.memory_space<vmem>>
      %dma_wait3A_2007 = tpu.memref_squeeze %dma_wait3A_2006 : memref<1x128x16xf32, #tpu.memory_space<vmem>> -> memref<128x16xf32, #tpu.memory_space<vmem>>
      %dma_wait3A_2008 = arith.constant 0 : i32
      %dma_wait3A_2009 = arith.constant 0 : i32
      %dma_wait3A_2010 = tpu.memref_slice %arg3[%dma_wait3A_2002, %dma_wait3A_2008, %dma_wait3A_2009] : memref<26x100000x16xf32, #tpu.memory_space<hbm>> -> memref<1x100000x16xf32, #tpu.memory_space<hbm>>
      %dma_wait3A_2011 = tpu.memref_squeeze %dma_wait3A_2010 : memref<1x100000x16xf32, #tpu.memory_space<hbm>> -> memref<100000x16xf32, #tpu.memory_space<hbm>>
      %dma_wait3A_2012 = arith.constant 0 : i32
      %dma_wait3A_2013 = arith.constant 0 : i32
      %dma_wait3A_2014 = tpu.memref_slice %dma_wait3A_2011[%dma_wait3A_2012, %dma_wait3A_2013] : memref<100000x16xf32, #tpu.memory_space<hbm>> -> memref<128x16xf32, #tpu.memory_space<hbm>>
      %dma_wait3A_2015 = arith.constant 128 : i32
      %dma_wait3A_2016 = arith.constant 0 : i32
      %dma_wait3A_2017 = tpu.memref_slice %arg6[%dma_wait3A_2003, %dma_wait3A_2015, %dma_wait3A_2016] : memref<2x2560x16xf32, #tpu.memory_space<vmem>> -> memref<1x128x16xf32, #tpu.memory_space<vmem>>
      %dma_wait3A_2018 = tpu.memref_squeeze %dma_wait3A_2017 : memref<1x128x16xf32, #tpu.memory_space<vmem>> -> memref<128x16xf32, #tpu.memory_space<vmem>>
      %dma_wait3A_2019 = arith.constant 0 : i32
      %dma_wait3A_2020 = arith.constant 0 : i32
      %dma_wait3A_2021 = tpu.memref_slice %arg3[%dma_wait3A_2002, %dma_wait3A_2019, %dma_wait3A_2020] : memref<26x100000x16xf32, #tpu.memory_space<hbm>> -> memref<1x100000x16xf32, #tpu.memory_space<hbm>>
      %dma_wait3A_2022 = tpu.memref_squeeze %dma_wait3A_2021 : memref<1x100000x16xf32, #tpu.memory_space<hbm>> -> memref<100000x16xf32, #tpu.memory_space<hbm>>
      %dma_wait3A_2023 = arith.constant 0 : i32
      %dma_wait3A_2024 = arith.constant 0 : i32
      %dma_wait3A_2025 = tpu.memref_slice %dma_wait3A_2022[%dma_wait3A_2023, %dma_wait3A_2024] : memref<100000x16xf32, #tpu.memory_space<hbm>> -> memref<128x16xf32, #tpu.memory_space<hbm>>
      tpu.wait_dma2 semaphore(%arg9 : memref<!tpu.dma_semaphore, #tpu.memory_space<semaphore_mem>>) src(%dma_wait3A_2025 : memref<128x16xf32, #tpu.memory_space<hbm>>) dst(%dma_wait3A_2018 : memref<128x16xf32, #tpu.memory_space<vmem>>)
      %dma_wait3A_2026 = arith.constant 0 : i32
      %dma_wait3A_2027 = arith.constant 1 : i32
      %dma_wait3A_2028 = arith.constant 256 : i32
      %dma_wait3A_2029 = arith.constant 0 : i32
      %dma_wait3A_2030 = tpu.memref_slice %arg6[%dma_wait3A_2027, %dma_wait3A_2028, %dma_wait3A_2029] : memref<2x2560x16xf32, #tpu.memory_space<vmem>> -> memref<1x128x16xf32, #tpu.memory_space<vmem>>
      %dma_wait3A_2031 = tpu.memref_squeeze %dma_wait3A_2030 : memref<1x128x16xf32, #tpu.memory_space<vmem>> -> memref<128x16xf32, #tpu.memory_space<vmem>>
      %dma_wait3A_2032 = arith.constant 0 : i32
      %dma_wait3A_2033 = arith.constant 0 : i32
      %dma_wait3A_2034 = tpu.memref_slice %arg3[%dma_wait3A_2026, %dma_wait3A_2032, %dma_wait3A_2033] : memref<26x100000x16xf32, #tpu.memory_space<hbm>> -> memref<1x100000x16xf32, #tpu.memory_space<hbm>>
      %dma_wait3A_2035 = tpu.memref_squeeze %dma_wait3A_2034 : memref<1x100000x16xf32, #tpu.memory_space<hbm>> -> memref<100000x16xf32, #tpu.memory_space<hbm>>
      %dma_wait3A_2036 = arith.constant 0 : i32
      %dma_wait3A_2037 = arith.constant 0 : i32
      %dma_wait3A_2038 = tpu.memref_slice %dma_wait3A_2035[%dma_wait3A_2036, %dma_wait3A_2037] : memref<100000x16xf32, #tpu.memory_space<hbm>> -> memref<128x16xf32, #tpu.memory_space<hbm>>
      %dma_wait3A_2039 = arith.constant 256 : i32
      %dma_wait3A_2040 = arith.constant 0 : i32
      %dma_wait3A_2041 = tpu.memref_slice %arg6[%dma_wait3A_2027, %dma_wait3A_2039, %dma_wait3A_2040] : memref<2x2560x16xf32, #tpu.memory_space<vmem>> -> memref<1x128x16xf32, #tpu.memory_space<vmem>>
      %dma_wait3A_2042 = tpu.memref_squeeze %dma_wait3A_2041 : memref<1x128x16xf32, #tpu.memory_space<vmem>> -> memref<128x16xf32, #tpu.memory_space<vmem>>
      %dma_wait3A_2043 = arith.constant 0 : i32
      %dma_wait3A_2044 = arith.constant 0 : i32
      %dma_wait3A_2045 = tpu.memref_slice %arg3[%dma_wait3A_2026, %dma_wait3A_2043, %dma_wait3A_2044] : memref<26x100000x16xf32, #tpu.memory_space<hbm>> -> memref<1x100000x16xf32, #tpu.memory_space<hbm>>
      %dma_wait3A_2046 = tpu.memref_squeeze %dma_wait3A_2045 : memref<1x100000x16xf32, #tpu.memory_space<hbm>> -> memref<100000x16xf32, #tpu.memory_space<hbm>>
      %dma_wait3A_2047 = arith.constant 0 : i32
      %dma_wait3A_2048 = arith.constant 0 : i32
      %dma_wait3A_2049 = tpu.memref_slice %dma_wait3A_2046[%dma_wait3A_2047, %dma_wait3A_2048] : memref<100000x16xf32, #tpu.memory_space<hbm>> -> memref<128x16xf32, #tpu.memory_space<hbm>>
      tpu.wait_dma2 semaphore(%arg9 : memref<!tpu.dma_semaphore, #tpu.memory_space<semaphore_mem>>) src(%dma_wait3A_2049 : memref<128x16xf32, #tpu.memory_space<hbm>>) dst(%dma_wait3A_2042 : memref<128x16xf32, #tpu.memory_space<vmem>>)
      %dma_wait3A_2050 = arith.constant 0 : i32
      %dma_wait3A_2051 = arith.constant 1 : i32
      %dma_wait3A_2052 = arith.constant 384 : i32
      %dma_wait3A_2053 = arith.constant 0 : i32
      %dma_wait3A_2054 = tpu.memref_slice %arg6[%dma_wait3A_2051, %dma_wait3A_2052, %dma_wait3A_2053] : memref<2x2560x16xf32, #tpu.memory_space<vmem>> -> memref<1x128x16xf32, #tpu.memory_space<vmem>>
      %dma_wait3A_2055 = tpu.memref_squeeze %dma_wait3A_2054 : memref<1x128x16xf32, #tpu.memory_space<vmem>> -> memref<128x16xf32, #tpu.memory_space<vmem>>
      %dma_wait3A_2056 = arith.constant 0 : i32
      %dma_wait3A_2057 = arith.constant 0 : i32
      %dma_wait3A_2058 = tpu.memref_slice %arg3[%dma_wait3A_2050, %dma_wait3A_2056, %dma_wait3A_2057] : memref<26x100000x16xf32, #tpu.memory_space<hbm>> -> memref<1x100000x16xf32, #tpu.memory_space<hbm>>
      %dma_wait3A_2059 = tpu.memref_squeeze %dma_wait3A_2058 : memref<1x100000x16xf32, #tpu.memory_space<hbm>> -> memref<100000x16xf32, #tpu.memory_space<hbm>>
      %dma_wait3A_2060 = arith.constant 0 : i32
      %dma_wait3A_2061 = arith.constant 0 : i32
      %dma_wait3A_2062 = tpu.memref_slice %dma_wait3A_2059[%dma_wait3A_2060, %dma_wait3A_2061] : memref<100000x16xf32, #tpu.memory_space<hbm>> -> memref<128x16xf32, #tpu.memory_space<hbm>>
      %dma_wait3A_2063 = arith.constant 384 : i32
      %dma_wait3A_2064 = arith.constant 0 : i32
      %dma_wait3A_2065 = tpu.memref_slice %arg6[%dma_wait3A_2051, %dma_wait3A_2063, %dma_wait3A_2064] : memref<2x2560x16xf32, #tpu.memory_space<vmem>> -> memref<1x128x16xf32, #tpu.memory_space<vmem>>
      %dma_wait3A_2066 = tpu.memref_squeeze %dma_wait3A_2065 : memref<1x128x16xf32, #tpu.memory_space<vmem>> -> memref<128x16xf32, #tpu.memory_space<vmem>>
      %dma_wait3A_2067 = arith.constant 0 : i32
      %dma_wait3A_2068 = arith.constant 0 : i32
      %dma_wait3A_2069 = tpu.memref_slice %arg3[%dma_wait3A_2050, %dma_wait3A_2067, %dma_wait3A_2068] : memref<26x100000x16xf32, #tpu.memory_space<hbm>> -> memref<1x100000x16xf32, #tpu.memory_space<hbm>>
      %dma_wait3A_2070 = tpu.memref_squeeze %dma_wait3A_2069 : memref<1x100000x16xf32, #tpu.memory_space<hbm>> -> memref<100000x16xf32, #tpu.memory_space<hbm>>
      %dma_wait3A_2071 = arith.constant 0 : i32
      %dma_wait3A_2072 = arith.constant 0 : i32
      %dma_wait3A_2073 = tpu.memref_slice %dma_wait3A_2070[%dma_wait3A_2071, %dma_wait3A_2072] : memref<100000x16xf32, #tpu.memory_space<hbm>> -> memref<128x16xf32, #tpu.memory_space<hbm>>
      tpu.wait_dma2 semaphore(%arg9 : memref<!tpu.dma_semaphore, #tpu.memory_space<semaphore_mem>>) src(%dma_wait3A_2073 : memref<128x16xf32, #tpu.memory_space<hbm>>) dst(%dma_wait3A_2066 : memref<128x16xf32, #tpu.memory_space<vmem>>)
      %dma_wait3A_2074 = arith.constant 0 : i32
      %dma_wait3A_2075 = arith.constant 1 : i32
      %dma_wait3A_2076 = arith.constant 512 : i32
      %dma_wait3A_2077 = arith.constant 0 : i32
      %dma_wait3A_2078 = tpu.memref_slice %arg6[%dma_wait3A_2075, %dma_wait3A_2076, %dma_wait3A_2077] : memref<2x2560x16xf32, #tpu.memory_space<vmem>> -> memref<1x128x16xf32, #tpu.memory_space<vmem>>
      %dma_wait3A_2079 = tpu.memref_squeeze %dma_wait3A_2078 : memref<1x128x16xf32, #tpu.memory_space<vmem>> -> memref<128x16xf32, #tpu.memory_space<vmem>>
      %dma_wait3A_2080 = arith.constant 0 : i32
      %dma_wait3A_2081 = arith.constant 0 : i32
      %dma_wait3A_2082 = tpu.memref_slice %arg3[%dma_wait3A_2074, %dma_wait3A_2080, %dma_wait3A_2081] : memref<26x100000x16xf32, #tpu.memory_space<hbm>> -> memref<1x100000x16xf32, #tpu.memory_space<hbm>>
      %dma_wait3A_2083 = tpu.memref_squeeze %dma_wait3A_2082 : memref<1x100000x16xf32, #tpu.memory_space<hbm>> -> memref<100000x16xf32, #tpu.memory_space<hbm>>
      %dma_wait3A_2084 = arith.constant 0 : i32
      %dma_wait3A_2085 = arith.constant 0 : i32
      %dma_wait3A_2086 = tpu.memref_slice %dma_wait3A_2083[%dma_wait3A_2084, %dma_wait3A_2085] : memref<100000x16xf32, #tpu.memory_space<hbm>> -> memref<128x16xf32, #tpu.memory_space<hbm>>
      %dma_wait3A_2087 = arith.constant 512 : i32
      %dma_wait3A_2088 = arith.constant 0 : i32
      %dma_wait3A_2089 = tpu.memref_slice %arg6[%dma_wait3A_2075, %dma_wait3A_2087, %dma_wait3A_2088] : memref<2x2560x16xf32, #tpu.memory_space<vmem>> -> memref<1x128x16xf32, #tpu.memory_space<vmem>>
      %dma_wait3A_2090 = tpu.memref_squeeze %dma_wait3A_2089 : memref<1x128x16xf32, #tpu.memory_space<vmem>> -> memref<128x16xf32, #tpu.memory_space<vmem>>
      %dma_wait3A_2091 = arith.constant 0 : i32
      %dma_wait3A_2092 = arith.constant 0 : i32
      %dma_wait3A_2093 = tpu.memref_slice %arg3[%dma_wait3A_2074, %dma_wait3A_2091, %dma_wait3A_2092] : memref<26x100000x16xf32, #tpu.memory_space<hbm>> -> memref<1x100000x16xf32, #tpu.memory_space<hbm>>
      %dma_wait3A_2094 = tpu.memref_squeeze %dma_wait3A_2093 : memref<1x100000x16xf32, #tpu.memory_space<hbm>> -> memref<100000x16xf32, #tpu.memory_space<hbm>>
      %dma_wait3A_2095 = arith.constant 0 : i32
      %dma_wait3A_2096 = arith.constant 0 : i32
      %dma_wait3A_2097 = tpu.memref_slice %dma_wait3A_2094[%dma_wait3A_2095, %dma_wait3A_2096] : memref<100000x16xf32, #tpu.memory_space<hbm>> -> memref<128x16xf32, #tpu.memory_space<hbm>>
      tpu.wait_dma2 semaphore(%arg9 : memref<!tpu.dma_semaphore, #tpu.memory_space<semaphore_mem>>) src(%dma_wait3A_2097 : memref<128x16xf32, #tpu.memory_space<hbm>>) dst(%dma_wait3A_2090 : memref<128x16xf32, #tpu.memory_space<vmem>>)
      %dma_wait3A_2098 = arith.constant 0 : i32
      %dma_wait3A_2099 = arith.constant 1 : i32
      %dma_wait3A_2100 = arith.constant 640 : i32
      %dma_wait3A_2101 = arith.constant 0 : i32
      %dma_wait3A_2102 = tpu.memref_slice %arg6[%dma_wait3A_2099, %dma_wait3A_2100, %dma_wait3A_2101] : memref<2x2560x16xf32, #tpu.memory_space<vmem>> -> memref<1x128x16xf32, #tpu.memory_space<vmem>>
      %dma_wait3A_2103 = tpu.memref_squeeze %dma_wait3A_2102 : memref<1x128x16xf32, #tpu.memory_space<vmem>> -> memref<128x16xf32, #tpu.memory_space<vmem>>
      %dma_wait3A_2104 = arith.constant 0 : i32
      %dma_wait3A_2105 = arith.constant 0 : i32
      %dma_wait3A_2106 = tpu.memref_slice %arg3[%dma_wait3A_2098, %dma_wait3A_2104, %dma_wait3A_2105] : memref<26x100000x16xf32, #tpu.memory_space<hbm>> -> memref<1x100000x16xf32, #tpu.memory_space<hbm>>
      %dma_wait3A_2107 = tpu.memref_squeeze %dma_wait3A_2106 : memref<1x100000x16xf32, #tpu.memory_space<hbm>> -> memref<100000x16xf32, #tpu.memory_space<hbm>>
      %dma_wait3A_2108 = arith.constant 0 : i32
      %dma_wait3A_2109 = arith.constant 0 : i32
      %dma_wait3A_2110 = tpu.memref_slice %dma_wait3A_2107[%dma_wait3A_2108, %dma_wait3A_2109] : memref<100000x16xf32, #tpu.memory_space<hbm>> -> memref<128x16xf32, #tpu.memory_space<hbm>>
      %dma_wait3A_2111 = arith.constant 640 : i32
      %dma_wait3A_2112 = arith.constant 0 : i32
      %dma_wait3A_2113 = tpu.memref_slice %arg6[%dma_wait3A_2099, %dma_wait3A_2111, %dma_wait3A_2112] : memref<2x2560x16xf32, #tpu.memory_space<vmem>> -> memref<1x128x16xf32, #tpu.memory_space<vmem>>
      %dma_wait3A_2114 = tpu.memref_squeeze %dma_wait3A_2113 : memref<1x128x16xf32, #tpu.memory_space<vmem>> -> memref<128x16xf32, #tpu.memory_space<vmem>>
      %dma_wait3A_2115 = arith.constant 0 : i32
      %dma_wait3A_2116 = arith.constant 0 : i32
      %dma_wait3A_2117 = tpu.memref_slice %arg3[%dma_wait3A_2098, %dma_wait3A_2115, %dma_wait3A_2116] : memref<26x100000x16xf32, #tpu.memory_space<hbm>> -> memref<1x100000x16xf32, #tpu.memory_space<hbm>>
      %dma_wait3A_2118 = tpu.memref_squeeze %dma_wait3A_2117 : memref<1x100000x16xf32, #tpu.memory_space<hbm>> -> memref<100000x16xf32, #tpu.memory_space<hbm>>
      %dma_wait3A_2119 = arith.constant 0 : i32
      %dma_wait3A_2120 = arith.constant 0 : i32
      %dma_wait3A_2121 = tpu.memref_slice %dma_wait3A_2118[%dma_wait3A_2119, %dma_wait3A_2120] : memref<100000x16xf32, #tpu.memory_space<hbm>> -> memref<128x16xf32, #tpu.memory_space<hbm>>
      tpu.wait_dma2 semaphore(%arg9 : memref<!tpu.dma_semaphore, #tpu.memory_space<semaphore_mem>>) src(%dma_wait3A_2121 : memref<128x16xf32, #tpu.memory_space<hbm>>) dst(%dma_wait3A_2114 : memref<128x16xf32, #tpu.memory_space<vmem>>)
      %dma_wait3A_2122 = arith.constant 0 : i32
      %dma_wait3A_2123 = arith.constant 1 : i32
      %dma_wait3A_2124 = arith.constant 768 : i32
      %dma_wait3A_2125 = arith.constant 0 : i32
      %dma_wait3A_2126 = tpu.memref_slice %arg6[%dma_wait3A_2123, %dma_wait3A_2124, %dma_wait3A_2125] : memref<2x2560x16xf32, #tpu.memory_space<vmem>> -> memref<1x128x16xf32, #tpu.memory_space<vmem>>
      %dma_wait3A_2127 = tpu.memref_squeeze %dma_wait3A_2126 : memref<1x128x16xf32, #tpu.memory_space<vmem>> -> memref<128x16xf32, #tpu.memory_space<vmem>>
      %dma_wait3A_2128 = arith.constant 0 : i32
      %dma_wait3A_2129 = arith.constant 0 : i32
      %dma_wait3A_2130 = tpu.memref_slice %arg3[%dma_wait3A_2122, %dma_wait3A_2128, %dma_wait3A_2129] : memref<26x100000x16xf32, #tpu.memory_space<hbm>> -> memref<1x100000x16xf32, #tpu.memory_space<hbm>>
      %dma_wait3A_2131 = tpu.memref_squeeze %dma_wait3A_2130 : memref<1x100000x16xf32, #tpu.memory_space<hbm>> -> memref<100000x16xf32, #tpu.memory_space<hbm>>
      %dma_wait3A_2132 = arith.constant 0 : i32
      %dma_wait3A_2133 = arith.constant 0 : i32
      %dma_wait3A_2134 = tpu.memref_slice %dma_wait3A_2131[%dma_wait3A_2132, %dma_wait3A_2133] : memref<100000x16xf32, #tpu.memory_space<hbm>> -> memref<128x16xf32, #tpu.memory_space<hbm>>
      %dma_wait3A_2135 = arith.constant 768 : i32
      %dma_wait3A_2136 = arith.constant 0 : i32
      %dma_wait3A_2137 = tpu.memref_slice %arg6[%dma_wait3A_2123, %dma_wait3A_2135, %dma_wait3A_2136] : memref<2x2560x16xf32, #tpu.memory_space<vmem>> -> memref<1x128x16xf32, #tpu.memory_space<vmem>>
      %dma_wait3A_2138 = tpu.memref_squeeze %dma_wait3A_2137 : memref<1x128x16xf32, #tpu.memory_space<vmem>> -> memref<128x16xf32, #tpu.memory_space<vmem>>
      %dma_wait3A_2139 = arith.constant 0 : i32
      %dma_wait3A_2140 = arith.constant 0 : i32
      %dma_wait3A_2141 = tpu.memref_slice %arg3[%dma_wait3A_2122, %dma_wait3A_2139, %dma_wait3A_2140] : memref<26x100000x16xf32, #tpu.memory_space<hbm>> -> memref<1x100000x16xf32, #tpu.memory_space<hbm>>
      %dma_wait3A_2142 = tpu.memref_squeeze %dma_wait3A_2141 : memref<1x100000x16xf32, #tpu.memory_space<hbm>> -> memref<100000x16xf32, #tpu.memory_space<hbm>>
      %dma_wait3A_2143 = arith.constant 0 : i32
      %dma_wait3A_2144 = arith.constant 0 : i32
      %dma_wait3A_2145 = tpu.memref_slice %dma_wait3A_2142[%dma_wait3A_2143, %dma_wait3A_2144] : memref<100000x16xf32, #tpu.memory_space<hbm>> -> memref<128x16xf32, #tpu.memory_space<hbm>>
      tpu.wait_dma2 semaphore(%arg9 : memref<!tpu.dma_semaphore, #tpu.memory_space<semaphore_mem>>) src(%dma_wait3A_2145 : memref<128x16xf32, #tpu.memory_space<hbm>>) dst(%dma_wait3A_2138 : memref<128x16xf32, #tpu.memory_space<vmem>>)
      %dma_wait3A_2146 = arith.constant 0 : i32
      %dma_wait3A_2147 = arith.constant 1 : i32
      %dma_wait3A_2148 = arith.constant 896 : i32
      %dma_wait3A_2149 = arith.constant 0 : i32
      %dma_wait3A_2150 = tpu.memref_slice %arg6[%dma_wait3A_2147, %dma_wait3A_2148, %dma_wait3A_2149] : memref<2x2560x16xf32, #tpu.memory_space<vmem>> -> memref<1x128x16xf32, #tpu.memory_space<vmem>>
      %dma_wait3A_2151 = tpu.memref_squeeze %dma_wait3A_2150 : memref<1x128x16xf32, #tpu.memory_space<vmem>> -> memref<128x16xf32, #tpu.memory_space<vmem>>
      %dma_wait3A_2152 = arith.constant 0 : i32
      %dma_wait3A_2153 = arith.constant 0 : i32
      %dma_wait3A_2154 = tpu.memref_slice %arg3[%dma_wait3A_2146, %dma_wait3A_2152, %dma_wait3A_2153] : memref<26x100000x16xf32, #tpu.memory_space<hbm>> -> memref<1x100000x16xf32, #tpu.memory_space<hbm>>
      %dma_wait3A_2155 = tpu.memref_squeeze %dma_wait3A_2154 : memref<1x100000x16xf32, #tpu.memory_space<hbm>> -> memref<100000x16xf32, #tpu.memory_space<hbm>>
      %dma_wait3A_2156 = arith.constant 0 : i32
      %dma_wait3A_2157 = arith.constant 0 : i32
      %dma_wait3A_2158 = tpu.memref_slice %dma_wait3A_2155[%dma_wait3A_2156, %dma_wait3A_2157] : memref<100000x16xf32, #tpu.memory_space<hbm>> -> memref<128x16xf32, #tpu.memory_space<hbm>>
      %dma_wait3A_2159 = arith.constant 896 : i32
      %dma_wait3A_2160 = arith.constant 0 : i32
      %dma_wait3A_2161 = tpu.memref_slice %arg6[%dma_wait3A_2147, %dma_wait3A_2159, %dma_wait3A_2160] : memref<2x2560x16xf32, #tpu.memory_space<vmem>> -> memref<1x128x16xf32, #tpu.memory_space<vmem>>
      %dma_wait3A_2162 = tpu.memref_squeeze %dma_wait3A_2161 : memref<1x128x16xf32, #tpu.memory_space<vmem>> -> memref<128x16xf32, #tpu.memory_space<vmem>>
      %dma_wait3A_2163 = arith.constant 0 : i32
      %dma_wait3A_2164 = arith.constant 0 : i32
      %dma_wait3A_2165 = tpu.memref_slice %arg3[%dma_wait3A_2146, %dma_wait3A_2163, %dma_wait3A_2164] : memref<26x100000x16xf32, #tpu.memory_space<hbm>> -> memref<1x100000x16xf32, #tpu.memory_space<hbm>>
      %dma_wait3A_2166 = tpu.memref_squeeze %dma_wait3A_2165 : memref<1x100000x16xf32, #tpu.memory_space<hbm>> -> memref<100000x16xf32, #tpu.memory_space<hbm>>
      %dma_wait3A_2167 = arith.constant 0 : i32
      %dma_wait3A_2168 = arith.constant 0 : i32
      %dma_wait3A_2169 = tpu.memref_slice %dma_wait3A_2166[%dma_wait3A_2167, %dma_wait3A_2168] : memref<100000x16xf32, #tpu.memory_space<hbm>> -> memref<128x16xf32, #tpu.memory_space<hbm>>
      tpu.wait_dma2 semaphore(%arg9 : memref<!tpu.dma_semaphore, #tpu.memory_space<semaphore_mem>>) src(%dma_wait3A_2169 : memref<128x16xf32, #tpu.memory_space<hbm>>) dst(%dma_wait3A_2162 : memref<128x16xf32, #tpu.memory_space<vmem>>)
      %dma_wait3A_2170 = arith.constant 0 : i32
      %dma_wait3A_2171 = arith.constant 1 : i32
      %dma_wait3A_2172 = arith.constant 1024 : i32
      %dma_wait3A_2173 = arith.constant 0 : i32
      %dma_wait3A_2174 = tpu.memref_slice %arg6[%dma_wait3A_2171, %dma_wait3A_2172, %dma_wait3A_2173] : memref<2x2560x16xf32, #tpu.memory_space<vmem>> -> memref<1x128x16xf32, #tpu.memory_space<vmem>>
      %dma_wait3A_2175 = tpu.memref_squeeze %dma_wait3A_2174 : memref<1x128x16xf32, #tpu.memory_space<vmem>> -> memref<128x16xf32, #tpu.memory_space<vmem>>
      %dma_wait3A_2176 = arith.constant 0 : i32
      %dma_wait3A_2177 = arith.constant 0 : i32
      %dma_wait3A_2178 = tpu.memref_slice %arg3[%dma_wait3A_2170, %dma_wait3A_2176, %dma_wait3A_2177] : memref<26x100000x16xf32, #tpu.memory_space<hbm>> -> memref<1x100000x16xf32, #tpu.memory_space<hbm>>
      %dma_wait3A_2179 = tpu.memref_squeeze %dma_wait3A_2178 : memref<1x100000x16xf32, #tpu.memory_space<hbm>> -> memref<100000x16xf32, #tpu.memory_space<hbm>>
      %dma_wait3A_2180 = arith.constant 0 : i32
      %dma_wait3A_2181 = arith.constant 0 : i32
      %dma_wait3A_2182 = tpu.memref_slice %dma_wait3A_2179[%dma_wait3A_2180, %dma_wait3A_2181] : memref<100000x16xf32, #tpu.memory_space<hbm>> -> memref<128x16xf32, #tpu.memory_space<hbm>>
      %dma_wait3A_2183 = arith.constant 1024 : i32
      %dma_wait3A_2184 = arith.constant 0 : i32
      %dma_wait3A_2185 = tpu.memref_slice %arg6[%dma_wait3A_2171, %dma_wait3A_2183, %dma_wait3A_2184] : memref<2x2560x16xf32, #tpu.memory_space<vmem>> -> memref<1x128x16xf32, #tpu.memory_space<vmem>>
      %dma_wait3A_2186 = tpu.memref_squeeze %dma_wait3A_2185 : memref<1x128x16xf32, #tpu.memory_space<vmem>> -> memref<128x16xf32, #tpu.memory_space<vmem>>
      %dma_wait3A_2187 = arith.constant 0 : i32
      %dma_wait3A_2188 = arith.constant 0 : i32
      %dma_wait3A_2189 = tpu.memref_slice %arg3[%dma_wait3A_2170, %dma_wait3A_2187, %dma_wait3A_2188] : memref<26x100000x16xf32, #tpu.memory_space<hbm>> -> memref<1x100000x16xf32, #tpu.memory_space<hbm>>
      %dma_wait3A_2190 = tpu.memref_squeeze %dma_wait3A_2189 : memref<1x100000x16xf32, #tpu.memory_space<hbm>> -> memref<100000x16xf32, #tpu.memory_space<hbm>>
      %dma_wait3A_2191 = arith.constant 0 : i32
      %dma_wait3A_2192 = arith.constant 0 : i32
      %dma_wait3A_2193 = tpu.memref_slice %dma_wait3A_2190[%dma_wait3A_2191, %dma_wait3A_2192] : memref<100000x16xf32, #tpu.memory_space<hbm>> -> memref<128x16xf32, #tpu.memory_space<hbm>>
      tpu.wait_dma2 semaphore(%arg9 : memref<!tpu.dma_semaphore, #tpu.memory_space<semaphore_mem>>) src(%dma_wait3A_2193 : memref<128x16xf32, #tpu.memory_space<hbm>>) dst(%dma_wait3A_2186 : memref<128x16xf32, #tpu.memory_space<vmem>>)
      %dma_wait3A_2194 = arith.constant 0 : i32
      %dma_wait3A_2195 = arith.constant 1 : i32
      %dma_wait3A_2196 = arith.constant 1152 : i32
      %dma_wait3A_2197 = arith.constant 0 : i32
      %dma_wait3A_2198 = tpu.memref_slice %arg6[%dma_wait3A_2195, %dma_wait3A_2196, %dma_wait3A_2197] : memref<2x2560x16xf32, #tpu.memory_space<vmem>> -> memref<1x128x16xf32, #tpu.memory_space<vmem>>
      %dma_wait3A_2199 = tpu.memref_squeeze %dma_wait3A_2198 : memref<1x128x16xf32, #tpu.memory_space<vmem>> -> memref<128x16xf32, #tpu.memory_space<vmem>>
      %dma_wait3A_2200 = arith.constant 0 : i32
      %dma_wait3A_2201 = arith.constant 0 : i32
      %dma_wait3A_2202 = tpu.memref_slice %arg3[%dma_wait3A_2194, %dma_wait3A_2200, %dma_wait3A_2201] : memref<26x100000x16xf32, #tpu.memory_space<hbm>> -> memref<1x100000x16xf32, #tpu.memory_space<hbm>>
      %dma_wait3A_2203 = tpu.memref_squeeze %dma_wait3A_2202 : memref<1x100000x16xf32, #tpu.memory_space<hbm>> -> memref<100000x16xf32, #tpu.memory_space<hbm>>
      %dma_wait3A_2204 = arith.constant 0 : i32
      %dma_wait3A_2205 = arith.constant 0 : i32
      %dma_wait3A_2206 = tpu.memref_slice %dma_wait3A_2203[%dma_wait3A_2204, %dma_wait3A_2205] : memref<100000x16xf32, #tpu.memory_space<hbm>> -> memref<128x16xf32, #tpu.memory_space<hbm>>
      %dma_wait3A_2207 = arith.constant 1152 : i32
      %dma_wait3A_2208 = arith.constant 0 : i32
      %dma_wait3A_2209 = tpu.memref_slice %arg6[%dma_wait3A_2195, %dma_wait3A_2207, %dma_wait3A_2208] : memref<2x2560x16xf32, #tpu.memory_space<vmem>> -> memref<1x128x16xf32, #tpu.memory_space<vmem>>
      %dma_wait3A_2210 = tpu.memref_squeeze %dma_wait3A_2209 : memref<1x128x16xf32, #tpu.memory_space<vmem>> -> memref<128x16xf32, #tpu.memory_space<vmem>>
      %dma_wait3A_2211 = arith.constant 0 : i32
      %dma_wait3A_2212 = arith.constant 0 : i32
      %dma_wait3A_2213 = tpu.memref_slice %arg3[%dma_wait3A_2194, %dma_wait3A_2211, %dma_wait3A_2212] : memref<26x100000x16xf32, #tpu.memory_space<hbm>> -> memref<1x100000x16xf32, #tpu.memory_space<hbm>>
      %dma_wait3A_2214 = tpu.memref_squeeze %dma_wait3A_2213 : memref<1x100000x16xf32, #tpu.memory_space<hbm>> -> memref<100000x16xf32, #tpu.memory_space<hbm>>
      %dma_wait3A_2215 = arith.constant 0 : i32
      %dma_wait3A_2216 = arith.constant 0 : i32
      %dma_wait3A_2217 = tpu.memref_slice %dma_wait3A_2214[%dma_wait3A_2215, %dma_wait3A_2216] : memref<100000x16xf32, #tpu.memory_space<hbm>> -> memref<128x16xf32, #tpu.memory_space<hbm>>
      tpu.wait_dma2 semaphore(%arg9 : memref<!tpu.dma_semaphore, #tpu.memory_space<semaphore_mem>>) src(%dma_wait3A_2217 : memref<128x16xf32, #tpu.memory_space<hbm>>) dst(%dma_wait3A_2210 : memref<128x16xf32, #tpu.memory_space<vmem>>)
      %dma_wait3A_2218 = arith.constant 0 : i32
      %dma_wait3A_2219 = arith.constant 1 : i32
      %dma_wait3A_2220 = arith.constant 1280 : i32
      %dma_wait3A_2221 = arith.constant 0 : i32
      %dma_wait3A_2222 = tpu.memref_slice %arg6[%dma_wait3A_2219, %dma_wait3A_2220, %dma_wait3A_2221] : memref<2x2560x16xf32, #tpu.memory_space<vmem>> -> memref<1x128x16xf32, #tpu.memory_space<vmem>>
      %dma_wait3A_2223 = tpu.memref_squeeze %dma_wait3A_2222 : memref<1x128x16xf32, #tpu.memory_space<vmem>> -> memref<128x16xf32, #tpu.memory_space<vmem>>
      %dma_wait3A_2224 = arith.constant 0 : i32
      %dma_wait3A_2225 = arith.constant 0 : i32
      %dma_wait3A_2226 = tpu.memref_slice %arg3[%dma_wait3A_2218, %dma_wait3A_2224, %dma_wait3A_2225] : memref<26x100000x16xf32, #tpu.memory_space<hbm>> -> memref<1x100000x16xf32, #tpu.memory_space<hbm>>
      %dma_wait3A_2227 = tpu.memref_squeeze %dma_wait3A_2226 : memref<1x100000x16xf32, #tpu.memory_space<hbm>> -> memref<100000x16xf32, #tpu.memory_space<hbm>>
      %dma_wait3A_2228 = arith.constant 0 : i32
      %dma_wait3A_2229 = arith.constant 0 : i32
      %dma_wait3A_2230 = tpu.memref_slice %dma_wait3A_2227[%dma_wait3A_2228, %dma_wait3A_2229] : memref<100000x16xf32, #tpu.memory_space<hbm>> -> memref<128x16xf32, #tpu.memory_space<hbm>>
      %dma_wait3A_2231 = arith.constant 1280 : i32
      %dma_wait3A_2232 = arith.constant 0 : i32
      %dma_wait3A_2233 = tpu.memref_slice %arg6[%dma_wait3A_2219, %dma_wait3A_2231, %dma_wait3A_2232] : memref<2x2560x16xf32, #tpu.memory_space<vmem>> -> memref<1x128x16xf32, #tpu.memory_space<vmem>>
      %dma_wait3A_2234 = tpu.memref_squeeze %dma_wait3A_2233 : memref<1x128x16xf32, #tpu.memory_space<vmem>> -> memref<128x16xf32, #tpu.memory_space<vmem>>
      %dma_wait3A_2235 = arith.constant 0 : i32
      %dma_wait3A_2236 = arith.constant 0 : i32
      %dma_wait3A_2237 = tpu.memref_slice %arg3[%dma_wait3A_2218, %dma_wait3A_2235, %dma_wait3A_2236] : memref<26x100000x16xf32, #tpu.memory_space<hbm>> -> memref<1x100000x16xf32, #tpu.memory_space<hbm>>
      %dma_wait3A_2238 = tpu.memref_squeeze %dma_wait3A_2237 : memref<1x100000x16xf32, #tpu.memory_space<hbm>> -> memref<100000x16xf32, #tpu.memory_space<hbm>>
      %dma_wait3A_2239 = arith.constant 0 : i32
      %dma_wait3A_2240 = arith.constant 0 : i32
      %dma_wait3A_2241 = tpu.memref_slice %dma_wait3A_2238[%dma_wait3A_2239, %dma_wait3A_2240] : memref<100000x16xf32, #tpu.memory_space<hbm>> -> memref<128x16xf32, #tpu.memory_space<hbm>>
      tpu.wait_dma2 semaphore(%arg9 : memref<!tpu.dma_semaphore, #tpu.memory_space<semaphore_mem>>) src(%dma_wait3A_2241 : memref<128x16xf32, #tpu.memory_space<hbm>>) dst(%dma_wait3A_2234 : memref<128x16xf32, #tpu.memory_space<vmem>>)
      %dma_wait3A_2242 = arith.constant 0 : i32
      %dma_wait3A_2243 = arith.constant 1 : i32
      %dma_wait3A_2244 = arith.constant 1408 : i32
      %dma_wait3A_2245 = arith.constant 0 : i32
      %dma_wait3A_2246 = tpu.memref_slice %arg6[%dma_wait3A_2243, %dma_wait3A_2244, %dma_wait3A_2245] : memref<2x2560x16xf32, #tpu.memory_space<vmem>> -> memref<1x128x16xf32, #tpu.memory_space<vmem>>
      %dma_wait3A_2247 = tpu.memref_squeeze %dma_wait3A_2246 : memref<1x128x16xf32, #tpu.memory_space<vmem>> -> memref<128x16xf32, #tpu.memory_space<vmem>>
      %dma_wait3A_2248 = arith.constant 0 : i32
      %dma_wait3A_2249 = arith.constant 0 : i32
      %dma_wait3A_2250 = tpu.memref_slice %arg3[%dma_wait3A_2242, %dma_wait3A_2248, %dma_wait3A_2249] : memref<26x100000x16xf32, #tpu.memory_space<hbm>> -> memref<1x100000x16xf32, #tpu.memory_space<hbm>>
      %dma_wait3A_2251 = tpu.memref_squeeze %dma_wait3A_2250 : memref<1x100000x16xf32, #tpu.memory_space<hbm>> -> memref<100000x16xf32, #tpu.memory_space<hbm>>
      %dma_wait3A_2252 = arith.constant 0 : i32
      %dma_wait3A_2253 = arith.constant 0 : i32
      %dma_wait3A_2254 = tpu.memref_slice %dma_wait3A_2251[%dma_wait3A_2252, %dma_wait3A_2253] : memref<100000x16xf32, #tpu.memory_space<hbm>> -> memref<128x16xf32, #tpu.memory_space<hbm>>
      %dma_wait3A_2255 = arith.constant 1408 : i32
      %dma_wait3A_2256 = arith.constant 0 : i32
      %dma_wait3A_2257 = tpu.memref_slice %arg6[%dma_wait3A_2243, %dma_wait3A_2255, %dma_wait3A_2256] : memref<2x2560x16xf32, #tpu.memory_space<vmem>> -> memref<1x128x16xf32, #tpu.memory_space<vmem>>
      %dma_wait3A_2258 = tpu.memref_squeeze %dma_wait3A_2257 : memref<1x128x16xf32, #tpu.memory_space<vmem>> -> memref<128x16xf32, #tpu.memory_space<vmem>>
      %dma_wait3A_2259 = arith.constant 0 : i32
      %dma_wait3A_2260 = arith.constant 0 : i32
      %dma_wait3A_2261 = tpu.memref_slice %arg3[%dma_wait3A_2242, %dma_wait3A_2259, %dma_wait3A_2260] : memref<26x100000x16xf32, #tpu.memory_space<hbm>> -> memref<1x100000x16xf32, #tpu.memory_space<hbm>>
      %dma_wait3A_2262 = tpu.memref_squeeze %dma_wait3A_2261 : memref<1x100000x16xf32, #tpu.memory_space<hbm>> -> memref<100000x16xf32, #tpu.memory_space<hbm>>
      %dma_wait3A_2263 = arith.constant 0 : i32
      %dma_wait3A_2264 = arith.constant 0 : i32
      %dma_wait3A_2265 = tpu.memref_slice %dma_wait3A_2262[%dma_wait3A_2263, %dma_wait3A_2264] : memref<100000x16xf32, #tpu.memory_space<hbm>> -> memref<128x16xf32, #tpu.memory_space<hbm>>
      tpu.wait_dma2 semaphore(%arg9 : memref<!tpu.dma_semaphore, #tpu.memory_space<semaphore_mem>>) src(%dma_wait3A_2265 : memref<128x16xf32, #tpu.memory_space<hbm>>) dst(%dma_wait3A_2258 : memref<128x16xf32, #tpu.memory_space<vmem>>)
      %dma_wait3A_2266 = arith.constant 0 : i32
      %dma_wait3A_2267 = arith.constant 1 : i32
      %dma_wait3A_2268 = arith.constant 1536 : i32
      %dma_wait3A_2269 = arith.constant 0 : i32
      %dma_wait3A_2270 = tpu.memref_slice %arg6[%dma_wait3A_2267, %dma_wait3A_2268, %dma_wait3A_2269] : memref<2x2560x16xf32, #tpu.memory_space<vmem>> -> memref<1x128x16xf32, #tpu.memory_space<vmem>>
      %dma_wait3A_2271 = tpu.memref_squeeze %dma_wait3A_2270 : memref<1x128x16xf32, #tpu.memory_space<vmem>> -> memref<128x16xf32, #tpu.memory_space<vmem>>
      %dma_wait3A_2272 = arith.constant 0 : i32
      %dma_wait3A_2273 = arith.constant 0 : i32
      %dma_wait3A_2274 = tpu.memref_slice %arg3[%dma_wait3A_2266, %dma_wait3A_2272, %dma_wait3A_2273] : memref<26x100000x16xf32, #tpu.memory_space<hbm>> -> memref<1x100000x16xf32, #tpu.memory_space<hbm>>
      %dma_wait3A_2275 = tpu.memref_squeeze %dma_wait3A_2274 : memref<1x100000x16xf32, #tpu.memory_space<hbm>> -> memref<100000x16xf32, #tpu.memory_space<hbm>>
      %dma_wait3A_2276 = arith.constant 0 : i32
      %dma_wait3A_2277 = arith.constant 0 : i32
      %dma_wait3A_2278 = tpu.memref_slice %dma_wait3A_2275[%dma_wait3A_2276, %dma_wait3A_2277] : memref<100000x16xf32, #tpu.memory_space<hbm>> -> memref<128x16xf32, #tpu.memory_space<hbm>>
      %dma_wait3A_2279 = arith.constant 1536 : i32
      %dma_wait3A_2280 = arith.constant 0 : i32
      %dma_wait3A_2281 = tpu.memref_slice %arg6[%dma_wait3A_2267, %dma_wait3A_2279, %dma_wait3A_2280] : memref<2x2560x16xf32, #tpu.memory_space<vmem>> -> memref<1x128x16xf32, #tpu.memory_space<vmem>>
      %dma_wait3A_2282 = tpu.memref_squeeze %dma_wait3A_2281 : memref<1x128x16xf32, #tpu.memory_space<vmem>> -> memref<128x16xf32, #tpu.memory_space<vmem>>
      %dma_wait3A_2283 = arith.constant 0 : i32
      %dma_wait3A_2284 = arith.constant 0 : i32
      %dma_wait3A_2285 = tpu.memref_slice %arg3[%dma_wait3A_2266, %dma_wait3A_2283, %dma_wait3A_2284] : memref<26x100000x16xf32, #tpu.memory_space<hbm>> -> memref<1x100000x16xf32, #tpu.memory_space<hbm>>
      %dma_wait3A_2286 = tpu.memref_squeeze %dma_wait3A_2285 : memref<1x100000x16xf32, #tpu.memory_space<hbm>> -> memref<100000x16xf32, #tpu.memory_space<hbm>>
      %dma_wait3A_2287 = arith.constant 0 : i32
      %dma_wait3A_2288 = arith.constant 0 : i32
      %dma_wait3A_2289 = tpu.memref_slice %dma_wait3A_2286[%dma_wait3A_2287, %dma_wait3A_2288] : memref<100000x16xf32, #tpu.memory_space<hbm>> -> memref<128x16xf32, #tpu.memory_space<hbm>>
      tpu.wait_dma2 semaphore(%arg9 : memref<!tpu.dma_semaphore, #tpu.memory_space<semaphore_mem>>) src(%dma_wait3A_2289 : memref<128x16xf32, #tpu.memory_space<hbm>>) dst(%dma_wait3A_2282 : memref<128x16xf32, #tpu.memory_space<vmem>>)
      %dma_wait3A_2290 = arith.constant 0 : i32
      %dma_wait3A_2291 = arith.constant 1 : i32
      %dma_wait3A_2292 = arith.constant 1664 : i32
      %dma_wait3A_2293 = arith.constant 0 : i32
      %dma_wait3A_2294 = tpu.memref_slice %arg6[%dma_wait3A_2291, %dma_wait3A_2292, %dma_wait3A_2293] : memref<2x2560x16xf32, #tpu.memory_space<vmem>> -> memref<1x128x16xf32, #tpu.memory_space<vmem>>
      %dma_wait3A_2295 = tpu.memref_squeeze %dma_wait3A_2294 : memref<1x128x16xf32, #tpu.memory_space<vmem>> -> memref<128x16xf32, #tpu.memory_space<vmem>>
      %dma_wait3A_2296 = arith.constant 0 : i32
      %dma_wait3A_2297 = arith.constant 0 : i32
      %dma_wait3A_2298 = tpu.memref_slice %arg3[%dma_wait3A_2290, %dma_wait3A_2296, %dma_wait3A_2297] : memref<26x100000x16xf32, #tpu.memory_space<hbm>> -> memref<1x100000x16xf32, #tpu.memory_space<hbm>>
      %dma_wait3A_2299 = tpu.memref_squeeze %dma_wait3A_2298 : memref<1x100000x16xf32, #tpu.memory_space<hbm>> -> memref<100000x16xf32, #tpu.memory_space<hbm>>
      %dma_wait3A_2300 = arith.constant 0 : i32
      %dma_wait3A_2301 = arith.constant 0 : i32
      %dma_wait3A_2302 = tpu.memref_slice %dma_wait3A_2299[%dma_wait3A_2300, %dma_wait3A_2301] : memref<100000x16xf32, #tpu.memory_space<hbm>> -> memref<128x16xf32, #tpu.memory_space<hbm>>
      %dma_wait3A_2303 = arith.constant 1664 : i32
      %dma_wait3A_2304 = arith.constant 0 : i32
      %dma_wait3A_2305 = tpu.memref_slice %arg6[%dma_wait3A_2291, %dma_wait3A_2303, %dma_wait3A_2304] : memref<2x2560x16xf32, #tpu.memory_space<vmem>> -> memref<1x128x16xf32, #tpu.memory_space<vmem>>
      %dma_wait3A_2306 = tpu.memref_squeeze %dma_wait3A_2305 : memref<1x128x16xf32, #tpu.memory_space<vmem>> -> memref<128x16xf32, #tpu.memory_space<vmem>>
      %dma_wait3A_2307 = arith.constant 0 : i32
      %dma_wait3A_2308 = arith.constant 0 : i32
      %dma_wait3A_2309 = tpu.memref_slice %arg3[%dma_wait3A_2290, %dma_wait3A_2307, %dma_wait3A_2308] : memref<26x100000x16xf32, #tpu.memory_space<hbm>> -> memref<1x100000x16xf32, #tpu.memory_space<hbm>>
      %dma_wait3A_2310 = tpu.memref_squeeze %dma_wait3A_2309 : memref<1x100000x16xf32, #tpu.memory_space<hbm>> -> memref<100000x16xf32, #tpu.memory_space<hbm>>
      %dma_wait3A_2311 = arith.constant 0 : i32
      %dma_wait3A_2312 = arith.constant 0 : i32
      %dma_wait3A_2313 = tpu.memref_slice %dma_wait3A_2310[%dma_wait3A_2311, %dma_wait3A_2312] : memref<100000x16xf32, #tpu.memory_space<hbm>> -> memref<128x16xf32, #tpu.memory_space<hbm>>
      tpu.wait_dma2 semaphore(%arg9 : memref<!tpu.dma_semaphore, #tpu.memory_space<semaphore_mem>>) src(%dma_wait3A_2313 : memref<128x16xf32, #tpu.memory_space<hbm>>) dst(%dma_wait3A_2306 : memref<128x16xf32, #tpu.memory_space<vmem>>)
      %dma_wait3A_2314 = arith.constant 0 : i32
      %dma_wait3A_2315 = arith.constant 1 : i32
      %dma_wait3A_2316 = arith.constant 1792 : i32
      %dma_wait3A_2317 = arith.constant 0 : i32
      %dma_wait3A_2318 = tpu.memref_slice %arg6[%dma_wait3A_2315, %dma_wait3A_2316, %dma_wait3A_2317] : memref<2x2560x16xf32, #tpu.memory_space<vmem>> -> memref<1x128x16xf32, #tpu.memory_space<vmem>>
      %dma_wait3A_2319 = tpu.memref_squeeze %dma_wait3A_2318 : memref<1x128x16xf32, #tpu.memory_space<vmem>> -> memref<128x16xf32, #tpu.memory_space<vmem>>
      %dma_wait3A_2320 = arith.constant 0 : i32
      %dma_wait3A_2321 = arith.constant 0 : i32
      %dma_wait3A_2322 = tpu.memref_slice %arg3[%dma_wait3A_2314, %dma_wait3A_2320, %dma_wait3A_2321] : memref<26x100000x16xf32, #tpu.memory_space<hbm>> -> memref<1x100000x16xf32, #tpu.memory_space<hbm>>
      %dma_wait3A_2323 = tpu.memref_squeeze %dma_wait3A_2322 : memref<1x100000x16xf32, #tpu.memory_space<hbm>> -> memref<100000x16xf32, #tpu.memory_space<hbm>>
      %dma_wait3A_2324 = arith.constant 0 : i32
      %dma_wait3A_2325 = arith.constant 0 : i32
      %dma_wait3A_2326 = tpu.memref_slice %dma_wait3A_2323[%dma_wait3A_2324, %dma_wait3A_2325] : memref<100000x16xf32, #tpu.memory_space<hbm>> -> memref<128x16xf32, #tpu.memory_space<hbm>>
      %dma_wait3A_2327 = arith.constant 1792 : i32
      %dma_wait3A_2328 = arith.constant 0 : i32
      %dma_wait3A_2329 = tpu.memref_slice %arg6[%dma_wait3A_2315, %dma_wait3A_2327, %dma_wait3A_2328] : memref<2x2560x16xf32, #tpu.memory_space<vmem>> -> memref<1x128x16xf32, #tpu.memory_space<vmem>>
      %dma_wait3A_2330 = tpu.memref_squeeze %dma_wait3A_2329 : memref<1x128x16xf32, #tpu.memory_space<vmem>> -> memref<128x16xf32, #tpu.memory_space<vmem>>
      %dma_wait3A_2331 = arith.constant 0 : i32
      %dma_wait3A_2332 = arith.constant 0 : i32
      %dma_wait3A_2333 = tpu.memref_slice %arg3[%dma_wait3A_2314, %dma_wait3A_2331, %dma_wait3A_2332] : memref<26x100000x16xf32, #tpu.memory_space<hbm>> -> memref<1x100000x16xf32, #tpu.memory_space<hbm>>
      %dma_wait3A_2334 = tpu.memref_squeeze %dma_wait3A_2333 : memref<1x100000x16xf32, #tpu.memory_space<hbm>> -> memref<100000x16xf32, #tpu.memory_space<hbm>>
      %dma_wait3A_2335 = arith.constant 0 : i32
      %dma_wait3A_2336 = arith.constant 0 : i32
      %dma_wait3A_2337 = tpu.memref_slice %dma_wait3A_2334[%dma_wait3A_2335, %dma_wait3A_2336] : memref<100000x16xf32, #tpu.memory_space<hbm>> -> memref<128x16xf32, #tpu.memory_space<hbm>>
      tpu.wait_dma2 semaphore(%arg9 : memref<!tpu.dma_semaphore, #tpu.memory_space<semaphore_mem>>) src(%dma_wait3A_2337 : memref<128x16xf32, #tpu.memory_space<hbm>>) dst(%dma_wait3A_2330 : memref<128x16xf32, #tpu.memory_space<vmem>>)
      %dma_wait3A_2338 = arith.constant 0 : i32
      %dma_wait3A_2339 = arith.constant 1 : i32
      %dma_wait3A_2340 = arith.constant 1920 : i32
      %dma_wait3A_2341 = arith.constant 0 : i32
      %dma_wait3A_2342 = tpu.memref_slice %arg6[%dma_wait3A_2339, %dma_wait3A_2340, %dma_wait3A_2341] : memref<2x2560x16xf32, #tpu.memory_space<vmem>> -> memref<1x128x16xf32, #tpu.memory_space<vmem>>
      %dma_wait3A_2343 = tpu.memref_squeeze %dma_wait3A_2342 : memref<1x128x16xf32, #tpu.memory_space<vmem>> -> memref<128x16xf32, #tpu.memory_space<vmem>>
      %dma_wait3A_2344 = arith.constant 0 : i32
      %dma_wait3A_2345 = arith.constant 0 : i32
      %dma_wait3A_2346 = tpu.memref_slice %arg3[%dma_wait3A_2338, %dma_wait3A_2344, %dma_wait3A_2345] : memref<26x100000x16xf32, #tpu.memory_space<hbm>> -> memref<1x100000x16xf32, #tpu.memory_space<hbm>>
      %dma_wait3A_2347 = tpu.memref_squeeze %dma_wait3A_2346 : memref<1x100000x16xf32, #tpu.memory_space<hbm>> -> memref<100000x16xf32, #tpu.memory_space<hbm>>
      %dma_wait3A_2348 = arith.constant 0 : i32
      %dma_wait3A_2349 = arith.constant 0 : i32
      %dma_wait3A_2350 = tpu.memref_slice %dma_wait3A_2347[%dma_wait3A_2348, %dma_wait3A_2349] : memref<100000x16xf32, #tpu.memory_space<hbm>> -> memref<128x16xf32, #tpu.memory_space<hbm>>
      %dma_wait3A_2351 = arith.constant 1920 : i32
      %dma_wait3A_2352 = arith.constant 0 : i32
      %dma_wait3A_2353 = tpu.memref_slice %arg6[%dma_wait3A_2339, %dma_wait3A_2351, %dma_wait3A_2352] : memref<2x2560x16xf32, #tpu.memory_space<vmem>> -> memref<1x128x16xf32, #tpu.memory_space<vmem>>
      %dma_wait3A_2354 = tpu.memref_squeeze %dma_wait3A_2353 : memref<1x128x16xf32, #tpu.memory_space<vmem>> -> memref<128x16xf32, #tpu.memory_space<vmem>>
      %dma_wait3A_2355 = arith.constant 0 : i32
      %dma_wait3A_2356 = arith.constant 0 : i32
      %dma_wait3A_2357 = tpu.memref_slice %arg3[%dma_wait3A_2338, %dma_wait3A_2355, %dma_wait3A_2356] : memref<26x100000x16xf32, #tpu.memory_space<hbm>> -> memref<1x100000x16xf32, #tpu.memory_space<hbm>>
      %dma_wait3A_2358 = tpu.memref_squeeze %dma_wait3A_2357 : memref<1x100000x16xf32, #tpu.memory_space<hbm>> -> memref<100000x16xf32, #tpu.memory_space<hbm>>
      %dma_wait3A_2359 = arith.constant 0 : i32
      %dma_wait3A_2360 = arith.constant 0 : i32
      %dma_wait3A_2361 = tpu.memref_slice %dma_wait3A_2358[%dma_wait3A_2359, %dma_wait3A_2360] : memref<100000x16xf32, #tpu.memory_space<hbm>> -> memref<128x16xf32, #tpu.memory_space<hbm>>
      tpu.wait_dma2 semaphore(%arg9 : memref<!tpu.dma_semaphore, #tpu.memory_space<semaphore_mem>>) src(%dma_wait3A_2361 : memref<128x16xf32, #tpu.memory_space<hbm>>) dst(%dma_wait3A_2354 : memref<128x16xf32, #tpu.memory_space<vmem>>)
      %dma_wait3A_2362 = arith.constant 0 : i32
      %dma_wait3A_2363 = arith.constant 1 : i32
      %dma_wait3A_2364 = arith.constant 2048 : i32
      %dma_wait3A_2365 = arith.constant 0 : i32
      %dma_wait3A_2366 = tpu.memref_slice %arg6[%dma_wait3A_2363, %dma_wait3A_2364, %dma_wait3A_2365] : memref<2x2560x16xf32, #tpu.memory_space<vmem>> -> memref<1x128x16xf32, #tpu.memory_space<vmem>>
      %dma_wait3A_2367 = tpu.memref_squeeze %dma_wait3A_2366 : memref<1x128x16xf32, #tpu.memory_space<vmem>> -> memref<128x16xf32, #tpu.memory_space<vmem>>
      %dma_wait3A_2368 = arith.constant 0 : i32
      %dma_wait3A_2369 = arith.constant 0 : i32
      %dma_wait3A_2370 = tpu.memref_slice %arg3[%dma_wait3A_2362, %dma_wait3A_2368, %dma_wait3A_2369] : memref<26x100000x16xf32, #tpu.memory_space<hbm>> -> memref<1x100000x16xf32, #tpu.memory_space<hbm>>
      %dma_wait3A_2371 = tpu.memref_squeeze %dma_wait3A_2370 : memref<1x100000x16xf32, #tpu.memory_space<hbm>> -> memref<100000x16xf32, #tpu.memory_space<hbm>>
      %dma_wait3A_2372 = arith.constant 0 : i32
      %dma_wait3A_2373 = arith.constant 0 : i32
      %dma_wait3A_2374 = tpu.memref_slice %dma_wait3A_2371[%dma_wait3A_2372, %dma_wait3A_2373] : memref<100000x16xf32, #tpu.memory_space<hbm>> -> memref<128x16xf32, #tpu.memory_space<hbm>>
      %dma_wait3A_2375 = arith.constant 2048 : i32
      %dma_wait3A_2376 = arith.constant 0 : i32
      %dma_wait3A_2377 = tpu.memref_slice %arg6[%dma_wait3A_2363, %dma_wait3A_2375, %dma_wait3A_2376] : memref<2x2560x16xf32, #tpu.memory_space<vmem>> -> memref<1x128x16xf32, #tpu.memory_space<vmem>>
      %dma_wait3A_2378 = tpu.memref_squeeze %dma_wait3A_2377 : memref<1x128x16xf32, #tpu.memory_space<vmem>> -> memref<128x16xf32, #tpu.memory_space<vmem>>
      %dma_wait3A_2379 = arith.constant 0 : i32
      %dma_wait3A_2380 = arith.constant 0 : i32
      %dma_wait3A_2381 = tpu.memref_slice %arg3[%dma_wait3A_2362, %dma_wait3A_2379, %dma_wait3A_2380] : memref<26x100000x16xf32, #tpu.memory_space<hbm>> -> memref<1x100000x16xf32, #tpu.memory_space<hbm>>
      %dma_wait3A_2382 = tpu.memref_squeeze %dma_wait3A_2381 : memref<1x100000x16xf32, #tpu.memory_space<hbm>> -> memref<100000x16xf32, #tpu.memory_space<hbm>>
      %dma_wait3A_2383 = arith.constant 0 : i32
      %dma_wait3A_2384 = arith.constant 0 : i32
      %dma_wait3A_2385 = tpu.memref_slice %dma_wait3A_2382[%dma_wait3A_2383, %dma_wait3A_2384] : memref<100000x16xf32, #tpu.memory_space<hbm>> -> memref<128x16xf32, #tpu.memory_space<hbm>>
      tpu.wait_dma2 semaphore(%arg9 : memref<!tpu.dma_semaphore, #tpu.memory_space<semaphore_mem>>) src(%dma_wait3A_2385 : memref<128x16xf32, #tpu.memory_space<hbm>>) dst(%dma_wait3A_2378 : memref<128x16xf32, #tpu.memory_space<vmem>>)
      %dma_wait3A_2386 = arith.constant 0 : i32
      %dma_wait3A_2387 = arith.constant 1 : i32
      %dma_wait3A_2388 = arith.constant 2176 : i32
      %dma_wait3A_2389 = arith.constant 0 : i32
      %dma_wait3A_2390 = tpu.memref_slice %arg6[%dma_wait3A_2387, %dma_wait3A_2388, %dma_wait3A_2389] : memref<2x2560x16xf32, #tpu.memory_space<vmem>> -> memref<1x128x16xf32, #tpu.memory_space<vmem>>
      %dma_wait3A_2391 = tpu.memref_squeeze %dma_wait3A_2390 : memref<1x128x16xf32, #tpu.memory_space<vmem>> -> memref<128x16xf32, #tpu.memory_space<vmem>>
      %dma_wait3A_2392 = arith.constant 0 : i32
      %dma_wait3A_2393 = arith.constant 0 : i32
      %dma_wait3A_2394 = tpu.memref_slice %arg3[%dma_wait3A_2386, %dma_wait3A_2392, %dma_wait3A_2393] : memref<26x100000x16xf32, #tpu.memory_space<hbm>> -> memref<1x100000x16xf32, #tpu.memory_space<hbm>>
      %dma_wait3A_2395 = tpu.memref_squeeze %dma_wait3A_2394 : memref<1x100000x16xf32, #tpu.memory_space<hbm>> -> memref<100000x16xf32, #tpu.memory_space<hbm>>
      %dma_wait3A_2396 = arith.constant 0 : i32
      %dma_wait3A_2397 = arith.constant 0 : i32
      %dma_wait3A_2398 = tpu.memref_slice %dma_wait3A_2395[%dma_wait3A_2396, %dma_wait3A_2397] : memref<100000x16xf32, #tpu.memory_space<hbm>> -> memref<128x16xf32, #tpu.memory_space<hbm>>
      %dma_wait3A_2399 = arith.constant 2176 : i32
      %dma_wait3A_2400 = arith.constant 0 : i32
      %dma_wait3A_2401 = tpu.memref_slice %arg6[%dma_wait3A_2387, %dma_wait3A_2399, %dma_wait3A_2400] : memref<2x2560x16xf32, #tpu.memory_space<vmem>> -> memref<1x128x16xf32, #tpu.memory_space<vmem>>
      %dma_wait3A_2402 = tpu.memref_squeeze %dma_wait3A_2401 : memref<1x128x16xf32, #tpu.memory_space<vmem>> -> memref<128x16xf32, #tpu.memory_space<vmem>>
      %dma_wait3A_2403 = arith.constant 0 : i32
      %dma_wait3A_2404 = arith.constant 0 : i32
      %dma_wait3A_2405 = tpu.memref_slice %arg3[%dma_wait3A_2386, %dma_wait3A_2403, %dma_wait3A_2404] : memref<26x100000x16xf32, #tpu.memory_space<hbm>> -> memref<1x100000x16xf32, #tpu.memory_space<hbm>>
      %dma_wait3A_2406 = tpu.memref_squeeze %dma_wait3A_2405 : memref<1x100000x16xf32, #tpu.memory_space<hbm>> -> memref<100000x16xf32, #tpu.memory_space<hbm>>
      %dma_wait3A_2407 = arith.constant 0 : i32
      %dma_wait3A_2408 = arith.constant 0 : i32
      %dma_wait3A_2409 = tpu.memref_slice %dma_wait3A_2406[%dma_wait3A_2407, %dma_wait3A_2408] : memref<100000x16xf32, #tpu.memory_space<hbm>> -> memref<128x16xf32, #tpu.memory_space<hbm>>
      tpu.wait_dma2 semaphore(%arg9 : memref<!tpu.dma_semaphore, #tpu.memory_space<semaphore_mem>>) src(%dma_wait3A_2409 : memref<128x16xf32, #tpu.memory_space<hbm>>) dst(%dma_wait3A_2402 : memref<128x16xf32, #tpu.memory_space<vmem>>)
      %dma_wait3A_2410 = arith.constant 0 : i32
      %dma_wait3A_2411 = arith.constant 1 : i32
      %dma_wait3A_2412 = arith.constant 2304 : i32
      %dma_wait3A_2413 = arith.constant 0 : i32
      %dma_wait3A_2414 = tpu.memref_slice %arg6[%dma_wait3A_2411, %dma_wait3A_2412, %dma_wait3A_2413] : memref<2x2560x16xf32, #tpu.memory_space<vmem>> -> memref<1x128x16xf32, #tpu.memory_space<vmem>>
      %dma_wait3A_2415 = tpu.memref_squeeze %dma_wait3A_2414 : memref<1x128x16xf32, #tpu.memory_space<vmem>> -> memref<128x16xf32, #tpu.memory_space<vmem>>
      %dma_wait3A_2416 = arith.constant 0 : i32
      %dma_wait3A_2417 = arith.constant 0 : i32
      %dma_wait3A_2418 = tpu.memref_slice %arg3[%dma_wait3A_2410, %dma_wait3A_2416, %dma_wait3A_2417] : memref<26x100000x16xf32, #tpu.memory_space<hbm>> -> memref<1x100000x16xf32, #tpu.memory_space<hbm>>
      %dma_wait3A_2419 = tpu.memref_squeeze %dma_wait3A_2418 : memref<1x100000x16xf32, #tpu.memory_space<hbm>> -> memref<100000x16xf32, #tpu.memory_space<hbm>>
      %dma_wait3A_2420 = arith.constant 0 : i32
      %dma_wait3A_2421 = arith.constant 0 : i32
      %dma_wait3A_2422 = tpu.memref_slice %dma_wait3A_2419[%dma_wait3A_2420, %dma_wait3A_2421] : memref<100000x16xf32, #tpu.memory_space<hbm>> -> memref<128x16xf32, #tpu.memory_space<hbm>>
      %dma_wait3A_2423 = arith.constant 2304 : i32
      %dma_wait3A_2424 = arith.constant 0 : i32
      %dma_wait3A_2425 = tpu.memref_slice %arg6[%dma_wait3A_2411, %dma_wait3A_2423, %dma_wait3A_2424] : memref<2x2560x16xf32, #tpu.memory_space<vmem>> -> memref<1x128x16xf32, #tpu.memory_space<vmem>>
      %dma_wait3A_2426 = tpu.memref_squeeze %dma_wait3A_2425 : memref<1x128x16xf32, #tpu.memory_space<vmem>> -> memref<128x16xf32, #tpu.memory_space<vmem>>
      %dma_wait3A_2427 = arith.constant 0 : i32
      %dma_wait3A_2428 = arith.constant 0 : i32
      %dma_wait3A_2429 = tpu.memref_slice %arg3[%dma_wait3A_2410, %dma_wait3A_2427, %dma_wait3A_2428] : memref<26x100000x16xf32, #tpu.memory_space<hbm>> -> memref<1x100000x16xf32, #tpu.memory_space<hbm>>
      %dma_wait3A_2430 = tpu.memref_squeeze %dma_wait3A_2429 : memref<1x100000x16xf32, #tpu.memory_space<hbm>> -> memref<100000x16xf32, #tpu.memory_space<hbm>>
      %dma_wait3A_2431 = arith.constant 0 : i32
      %dma_wait3A_2432 = arith.constant 0 : i32
      %dma_wait3A_2433 = tpu.memref_slice %dma_wait3A_2430[%dma_wait3A_2431, %dma_wait3A_2432] : memref<100000x16xf32, #tpu.memory_space<hbm>> -> memref<128x16xf32, #tpu.memory_space<hbm>>
      tpu.wait_dma2 semaphore(%arg9 : memref<!tpu.dma_semaphore, #tpu.memory_space<semaphore_mem>>) src(%dma_wait3A_2433 : memref<128x16xf32, #tpu.memory_space<hbm>>) dst(%dma_wait3A_2426 : memref<128x16xf32, #tpu.memory_space<vmem>>)
      %dma_wait3A_2434 = arith.constant 0 : i32
      %dma_wait3A_2435 = arith.constant 1 : i32
      %dma_wait3A_2436 = arith.constant 2432 : i32
      %dma_wait3A_2437 = arith.constant 0 : i32
      %dma_wait3A_2438 = tpu.memref_slice %arg6[%dma_wait3A_2435, %dma_wait3A_2436, %dma_wait3A_2437] : memref<2x2560x16xf32, #tpu.memory_space<vmem>> -> memref<1x128x16xf32, #tpu.memory_space<vmem>>
      %dma_wait3A_2439 = tpu.memref_squeeze %dma_wait3A_2438 : memref<1x128x16xf32, #tpu.memory_space<vmem>> -> memref<128x16xf32, #tpu.memory_space<vmem>>
      %dma_wait3A_2440 = arith.constant 0 : i32
      %dma_wait3A_2441 = arith.constant 0 : i32
      %dma_wait3A_2442 = tpu.memref_slice %arg3[%dma_wait3A_2434, %dma_wait3A_2440, %dma_wait3A_2441] : memref<26x100000x16xf32, #tpu.memory_space<hbm>> -> memref<1x100000x16xf32, #tpu.memory_space<hbm>>
      %dma_wait3A_2443 = tpu.memref_squeeze %dma_wait3A_2442 : memref<1x100000x16xf32, #tpu.memory_space<hbm>> -> memref<100000x16xf32, #tpu.memory_space<hbm>>
      %dma_wait3A_2444 = arith.constant 0 : i32
      %dma_wait3A_2445 = arith.constant 0 : i32
      %dma_wait3A_2446 = tpu.memref_slice %dma_wait3A_2443[%dma_wait3A_2444, %dma_wait3A_2445] : memref<100000x16xf32, #tpu.memory_space<hbm>> -> memref<128x16xf32, #tpu.memory_space<hbm>>
      %dma_wait3A_2447 = arith.constant 2432 : i32
      %dma_wait3A_2448 = arith.constant 0 : i32
      %dma_wait3A_2449 = tpu.memref_slice %arg6[%dma_wait3A_2435, %dma_wait3A_2447, %dma_wait3A_2448] : memref<2x2560x16xf32, #tpu.memory_space<vmem>> -> memref<1x128x16xf32, #tpu.memory_space<vmem>>
      %dma_wait3A_2450 = tpu.memref_squeeze %dma_wait3A_2449 : memref<1x128x16xf32, #tpu.memory_space<vmem>> -> memref<128x16xf32, #tpu.memory_space<vmem>>
      %dma_wait3A_2451 = arith.constant 0 : i32
      %dma_wait3A_2452 = arith.constant 0 : i32
      %dma_wait3A_2453 = tpu.memref_slice %arg3[%dma_wait3A_2434, %dma_wait3A_2451, %dma_wait3A_2452] : memref<26x100000x16xf32, #tpu.memory_space<hbm>> -> memref<1x100000x16xf32, #tpu.memory_space<hbm>>
      %dma_wait3A_2454 = tpu.memref_squeeze %dma_wait3A_2453 : memref<1x100000x16xf32, #tpu.memory_space<hbm>> -> memref<100000x16xf32, #tpu.memory_space<hbm>>
      %dma_wait3A_2455 = arith.constant 0 : i32
      %dma_wait3A_2456 = arith.constant 0 : i32
      %dma_wait3A_2457 = tpu.memref_slice %dma_wait3A_2454[%dma_wait3A_2455, %dma_wait3A_2456] : memref<100000x16xf32, #tpu.memory_space<hbm>> -> memref<128x16xf32, #tpu.memory_space<hbm>>
      tpu.wait_dma2 semaphore(%arg9 : memref<!tpu.dma_semaphore, #tpu.memory_space<semaphore_mem>>) src(%dma_wait3A_2457 : memref<128x16xf32, #tpu.memory_space<hbm>>) dst(%dma_wait3A_2450 : memref<128x16xf32, #tpu.memory_space<vmem>>)
      %scan3A_2458 = arith.constant 0 : i32
      %scan3A_2459 = arith.constant 1 : i32
      %scan3A_2460 = arith.constant 0 : i32
      %scan3A_2461 = arith.constant 128 : i32
      %scan3A_2462 = arith.addi %scan3A_2460, %scan3A_2461 : i32
      %scan3A_2463 = arith.constant 1 : i32
      scf.for %scan3A_2499 = %scan3A_2460 to %scan3A_2462 step %scan3A_2463  : i32 {
        %get3A = arith.constant 0 : i32
        %get3A_2500 = arith.constant 0 : i32
        %get3A_2501 = tpu.memref_slice %arg6[%scan3A_2459, %get3A, %get3A_2500] : memref<2x2560x16xf32, #tpu.memory_space<vmem>> -> memref<1x2560x16xf32, #tpu.memory_space<vmem>>
        %get3A_2502 = tpu.memref_squeeze %get3A_2501 : memref<1x2560x16xf32, #tpu.memory_space<vmem>> -> memref<2560x16xf32, #tpu.memory_space<vmem>>
        %get3A_2503 = arith.index_cast %scan3A_2499 : i32 to index
        %get3A_2504 = arith.constant 0 : index
        %get3A_2505 = tpu.vector_load %get3A_2502[%get3A_2503, %get3A_2504] {strides = array<i32>} : memref<2560x16xf32, #tpu.memory_space<vmem>>, vector<1x16xf32>,
        %get3A_2506 = vector.shape_cast %get3A_2505 : vector<1x16xf32> to vector<16xf32>
        %add3A_2507 = arith.constant 128 : i32
        %add3A_2508 = arith.addi %add3A_2507, %scan3A_2499 : i32
        %get3A_2509 = arith.constant 0 : i32
        %get3A_2510 = arith.constant 0 : i32
        %get3A_2511 = tpu.memref_slice %arg6[%scan3A_2459, %get3A_2509, %get3A_2510] : memref<2x2560x16xf32, #tpu.memory_space<vmem>> -> memref<1x2560x16xf32, #tpu.memory_space<vmem>>
        %get3A_2512 = tpu.memref_squeeze %get3A_2511 : memref<1x2560x16xf32, #tpu.memory_space<vmem>> -> memref<2560x16xf32, #tpu.memory_space<vmem>>
        %get3A_2513 = arith.index_cast %add3A_2508 : i32 to index
        %get3A_2514 = arith.constant 0 : index
        %get3A_2515 = tpu.vector_load %get3A_2512[%get3A_2513, %get3A_2514] {strides = array<i32>} : memref<2560x16xf32, #tpu.memory_space<vmem>>, vector<1x16xf32>,
        %get3A_2516 = vector.shape_cast %get3A_2515 : vector<1x16xf32> to vector<16xf32>
        %add3A_2517 = arith.addf %get3A_2506, %get3A_2516 : vector<16xf32>
        %add3A_2518 = arith.constant 256 : i32
        %add3A_2519 = arith.addi %add3A_2518, %scan3A_2499 : i32
        %get3A_2520 = arith.constant 0 : i32
        %get3A_2521 = arith.constant 0 : i32
        %get3A_2522 = tpu.memref_slice %arg6[%scan3A_2459, %get3A_2520, %get3A_2521] : memref<2x2560x16xf32, #tpu.memory_space<vmem>> -> memref<1x2560x16xf32, #tpu.memory_space<vmem>>
        %get3A_2523 = tpu.memref_squeeze %get3A_2522 : memref<1x2560x16xf32, #tpu.memory_space<vmem>> -> memref<2560x16xf32, #tpu.memory_space<vmem>>
        %get3A_2524 = arith.index_cast %add3A_2519 : i32 to index
        %get3A_2525 = arith.constant 0 : index
        %get3A_2526 = tpu.vector_load %get3A_2523[%get3A_2524, %get3A_2525] {strides = array<i32>} : memref<2560x16xf32, #tpu.memory_space<vmem>>, vector<1x16xf32>,
        %get3A_2527 = vector.shape_cast %get3A_2526 : vector<1x16xf32> to vector<16xf32>
        %add3A_2528 = arith.addf %add3A_2517, %get3A_2527 : vector<16xf32>
        %add3A_2529 = arith.constant 384 : i32
        %add3A_2530 = arith.addi %add3A_2529, %scan3A_2499 : i32
        %get3A_2531 = arith.constant 0 : i32
        %get3A_2532 = arith.constant 0 : i32
        %get3A_2533 = tpu.memref_slice %arg6[%scan3A_2459, %get3A_2531, %get3A_2532] : memref<2x2560x16xf32, #tpu.memory_space<vmem>> -> memref<1x2560x16xf32, #tpu.memory_space<vmem>>
        %get3A_2534 = tpu.memref_squeeze %get3A_2533 : memref<1x2560x16xf32, #tpu.memory_space<vmem>> -> memref<2560x16xf32, #tpu.memory_space<vmem>>
        %get3A_2535 = arith.index_cast %add3A_2530 : i32 to index
        %get3A_2536 = arith.constant 0 : index
        %get3A_2537 = tpu.vector_load %get3A_2534[%get3A_2535, %get3A_2536] {strides = array<i32>} : memref<2560x16xf32, #tpu.memory_space<vmem>>, vector<1x16xf32>,
        %get3A_2538 = vector.shape_cast %get3A_2537 : vector<1x16xf32> to vector<16xf32>
        %add3A_2539 = arith.addf %add3A_2528, %get3A_2538 : vector<16xf32>
        %add3A_2540 = arith.constant 512 : i32
        %add3A_2541 = arith.addi %add3A_2540, %scan3A_2499 : i32
        %get3A_2542 = arith.constant 0 : i32
        %get3A_2543 = arith.constant 0 : i32
        %get3A_2544 = tpu.memref_slice %arg6[%scan3A_2459, %get3A_2542, %get3A_2543] : memref<2x2560x16xf32, #tpu.memory_space<vmem>> -> memref<1x2560x16xf32, #tpu.memory_space<vmem>>
        %get3A_2545 = tpu.memref_squeeze %get3A_2544 : memref<1x2560x16xf32, #tpu.memory_space<vmem>> -> memref<2560x16xf32, #tpu.memory_space<vmem>>
        %get3A_2546 = arith.index_cast %add3A_2541 : i32 to index
        %get3A_2547 = arith.constant 0 : index
        %get3A_2548 = tpu.vector_load %get3A_2545[%get3A_2546, %get3A_2547] {strides = array<i32>} : memref<2560x16xf32, #tpu.memory_space<vmem>>, vector<1x16xf32>,
        %get3A_2549 = vector.shape_cast %get3A_2548 : vector<1x16xf32> to vector<16xf32>
        %add3A_2550 = arith.addf %add3A_2539, %get3A_2549 : vector<16xf32>
        %add3A_2551 = arith.constant 640 : i32
        %add3A_2552 = arith.addi %add3A_2551, %scan3A_2499 : i32
        %get3A_2553 = arith.constant 0 : i32
        %get3A_2554 = arith.constant 0 : i32
        %get3A_2555 = tpu.memref_slice %arg6[%scan3A_2459, %get3A_2553, %get3A_2554] : memref<2x2560x16xf32, #tpu.memory_space<vmem>> -> memref<1x2560x16xf32, #tpu.memory_space<vmem>>
        %get3A_2556 = tpu.memref_squeeze %get3A_2555 : memref<1x2560x16xf32, #tpu.memory_space<vmem>> -> memref<2560x16xf32, #tpu.memory_space<vmem>>
        %get3A_2557 = arith.index_cast %add3A_2552 : i32 to index
        %get3A_2558 = arith.constant 0 : index
        %get3A_2559 = tpu.vector_load %get3A_2556[%get3A_2557, %get3A_2558] {strides = array<i32>} : memref<2560x16xf32, #tpu.memory_space<vmem>>, vector<1x16xf32>,
        %get3A_2560 = vector.shape_cast %get3A_2559 : vector<1x16xf32> to vector<16xf32>
        %add3A_2561 = arith.addf %add3A_2550, %get3A_2560 : vector<16xf32>
        %add3A_2562 = arith.constant 768 : i32
        %add3A_2563 = arith.addi %add3A_2562, %scan3A_2499 : i32
        %get3A_2564 = arith.constant 0 : i32
        %get3A_2565 = arith.constant 0 : i32
        %get3A_2566 = tpu.memref_slice %arg6[%scan3A_2459, %get3A_2564, %get3A_2565] : memref<2x2560x16xf32, #tpu.memory_space<vmem>> -> memref<1x2560x16xf32, #tpu.memory_space<vmem>>
        %get3A_2567 = tpu.memref_squeeze %get3A_2566 : memref<1x2560x16xf32, #tpu.memory_space<vmem>> -> memref<2560x16xf32, #tpu.memory_space<vmem>>
        %get3A_2568 = arith.index_cast %add3A_2563 : i32 to index
        %get3A_2569 = arith.constant 0 : index
        %get3A_2570 = tpu.vector_load %get3A_2567[%get3A_2568, %get3A_2569] {strides = array<i32>} : memref<2560x16xf32, #tpu.memory_space<vmem>>, vector<1x16xf32>,
        %get3A_2571 = vector.shape_cast %get3A_2570 : vector<1x16xf32> to vector<16xf32>
        %add3A_2572 = arith.addf %add3A_2561, %get3A_2571 : vector<16xf32>
        %add3A_2573 = arith.constant 896 : i32
        %add3A_2574 = arith.addi %add3A_2573, %scan3A_2499 : i32
        %get3A_2575 = arith.constant 0 : i32
        %get3A_2576 = arith.constant 0 : i32
        %get3A_2577 = tpu.memref_slice %arg6[%scan3A_2459, %get3A_2575, %get3A_2576] : memref<2x2560x16xf32, #tpu.memory_space<vmem>> -> memref<1x2560x16xf32, #tpu.memory_space<vmem>>
        %get3A_2578 = tpu.memref_squeeze %get3A_2577 : memref<1x2560x16xf32, #tpu.memory_space<vmem>> -> memref<2560x16xf32, #tpu.memory_space<vmem>>
        %get3A_2579 = arith.index_cast %add3A_2574 : i32 to index
        %get3A_2580 = arith.constant 0 : index
        %get3A_2581 = tpu.vector_load %get3A_2578[%get3A_2579, %get3A_2580] {strides = array<i32>} : memref<2560x16xf32, #tpu.memory_space<vmem>>, vector<1x16xf32>,
        %get3A_2582 = vector.shape_cast %get3A_2581 : vector<1x16xf32> to vector<16xf32>
        %add3A_2583 = arith.addf %add3A_2572, %get3A_2582 : vector<16xf32>
        %add3A_2584 = arith.constant 1024 : i32
        %add3A_2585 = arith.addi %add3A_2584, %scan3A_2499 : i32
        %get3A_2586 = arith.constant 0 : i32
        %get3A_2587 = arith.constant 0 : i32
        %get3A_2588 = tpu.memref_slice %arg6[%scan3A_2459, %get3A_2586, %get3A_2587] : memref<2x2560x16xf32, #tpu.memory_space<vmem>> -> memref<1x2560x16xf32, #tpu.memory_space<vmem>>
        %get3A_2589 = tpu.memref_squeeze %get3A_2588 : memref<1x2560x16xf32, #tpu.memory_space<vmem>> -> memref<2560x16xf32, #tpu.memory_space<vmem>>
        %get3A_2590 = arith.index_cast %add3A_2585 : i32 to index
        %get3A_2591 = arith.constant 0 : index
        %get3A_2592 = tpu.vector_load %get3A_2589[%get3A_2590, %get3A_2591] {strides = array<i32>} : memref<2560x16xf32, #tpu.memory_space<vmem>>, vector<1x16xf32>,
        %get3A_2593 = vector.shape_cast %get3A_2592 : vector<1x16xf32> to vector<16xf32>
        %add3A_2594 = arith.addf %add3A_2583, %get3A_2593 : vector<16xf32>
        %add3A_2595 = arith.constant 1152 : i32
        %add3A_2596 = arith.addi %add3A_2595, %scan3A_2499 : i32
        %get3A_2597 = arith.constant 0 : i32
        %get3A_2598 = arith.constant 0 : i32
        %get3A_2599 = tpu.memref_slice %arg6[%scan3A_2459, %get3A_2597, %get3A_2598] : memref<2x2560x16xf32, #tpu.memory_space<vmem>> -> memref<1x2560x16xf32, #tpu.memory_space<vmem>>
        %get3A_2600 = tpu.memref_squeeze %get3A_2599 : memref<1x2560x16xf32, #tpu.memory_space<vmem>> -> memref<2560x16xf32, #tpu.memory_space<vmem>>
        %get3A_2601 = arith.index_cast %add3A_2596 : i32 to index
        %get3A_2602 = arith.constant 0 : index
        %get3A_2603 = tpu.vector_load %get3A_2600[%get3A_2601, %get3A_2602] {strides = array<i32>} : memref<2560x16xf32, #tpu.memory_space<vmem>>, vector<1x16xf32>,
        %get3A_2604 = vector.shape_cast %get3A_2603 : vector<1x16xf32> to vector<16xf32>
        %add3A_2605 = arith.addf %add3A_2594, %get3A_2604 : vector<16xf32>
        %add3A_2606 = arith.constant 1280 : i32
        %add3A_2607 = arith.addi %add3A_2606, %scan3A_2499 : i32
        %get3A_2608 = arith.constant 0 : i32
        %get3A_2609 = arith.constant 0 : i32
        %get3A_2610 = tpu.memref_slice %arg6[%scan3A_2459, %get3A_2608, %get3A_2609] : memref<2x2560x16xf32, #tpu.memory_space<vmem>> -> memref<1x2560x16xf32, #tpu.memory_space<vmem>>
        %get3A_2611 = tpu.memref_squeeze %get3A_2610 : memref<1x2560x16xf32, #tpu.memory_space<vmem>> -> memref<2560x16xf32, #tpu.memory_space<vmem>>
        %get3A_2612 = arith.index_cast %add3A_2607 : i32 to index
        %get3A_2613 = arith.constant 0 : index
        %get3A_2614 = tpu.vector_load %get3A_2611[%get3A_2612, %get3A_2613] {strides = array<i32>} : memref<2560x16xf32, #tpu.memory_space<vmem>>, vector<1x16xf32>,
        %get3A_2615 = vector.shape_cast %get3A_2614 : vector<1x16xf32> to vector<16xf32>
        %add3A_2616 = arith.addf %add3A_2605, %get3A_2615 : vector<16xf32>
        %add3A_2617 = arith.constant 1408 : i32
        %add3A_2618 = arith.addi %add3A_2617, %scan3A_2499 : i32
        %get3A_2619 = arith.constant 0 : i32
        %get3A_2620 = arith.constant 0 : i32
        %get3A_2621 = tpu.memref_slice %arg6[%scan3A_2459, %get3A_2619, %get3A_2620] : memref<2x2560x16xf32, #tpu.memory_space<vmem>> -> memref<1x2560x16xf32, #tpu.memory_space<vmem>>
        %get3A_2622 = tpu.memref_squeeze %get3A_2621 : memref<1x2560x16xf32, #tpu.memory_space<vmem>> -> memref<2560x16xf32, #tpu.memory_space<vmem>>
        %get3A_2623 = arith.index_cast %add3A_2618 : i32 to index
        %get3A_2624 = arith.constant 0 : index
        %get3A_2625 = tpu.vector_load %get3A_2622[%get3A_2623, %get3A_2624] {strides = array<i32>} : memref<2560x16xf32, #tpu.memory_space<vmem>>, vector<1x16xf32>,
        %get3A_2626 = vector.shape_cast %get3A_2625 : vector<1x16xf32> to vector<16xf32>
        %add3A_2627 = arith.addf %add3A_2616, %get3A_2626 : vector<16xf32>
        %add3A_2628 = arith.constant 1536 : i32
        %add3A_2629 = arith.addi %add3A_2628, %scan3A_2499 : i32
        %get3A_2630 = arith.constant 0 : i32
        %get3A_2631 = arith.constant 0 : i32
        %get3A_2632 = tpu.memref_slice %arg6[%scan3A_2459, %get3A_2630, %get3A_2631] : memref<2x2560x16xf32, #tpu.memory_space<vmem>> -> memref<1x2560x16xf32, #tpu.memory_space<vmem>>
        %get3A_2633 = tpu.memref_squeeze %get3A_2632 : memref<1x2560x16xf32, #tpu.memory_space<vmem>> -> memref<2560x16xf32, #tpu.memory_space<vmem>>
        %get3A_2634 = arith.index_cast %add3A_2629 : i32 to index
        %get3A_2635 = arith.constant 0 : index
        %get3A_2636 = tpu.vector_load %get3A_2633[%get3A_2634, %get3A_2635] {strides = array<i32>} : memref<2560x16xf32, #tpu.memory_space<vmem>>, vector<1x16xf32>,
        %get3A_2637 = vector.shape_cast %get3A_2636 : vector<1x16xf32> to vector<16xf32>
        %add3A_2638 = arith.addf %add3A_2627, %get3A_2637 : vector<16xf32>
        %add3A_2639 = arith.constant 1664 : i32
        %add3A_2640 = arith.addi %add3A_2639, %scan3A_2499 : i32
        %get3A_2641 = arith.constant 0 : i32
        %get3A_2642 = arith.constant 0 : i32
        %get3A_2643 = tpu.memref_slice %arg6[%scan3A_2459, %get3A_2641, %get3A_2642] : memref<2x2560x16xf32, #tpu.memory_space<vmem>> -> memref<1x2560x16xf32, #tpu.memory_space<vmem>>
        %get3A_2644 = tpu.memref_squeeze %get3A_2643 : memref<1x2560x16xf32, #tpu.memory_space<vmem>> -> memref<2560x16xf32, #tpu.memory_space<vmem>>
        %get3A_2645 = arith.index_cast %add3A_2640 : i32 to index
        %get3A_2646 = arith.constant 0 : index
        %get3A_2647 = tpu.vector_load %get3A_2644[%get3A_2645, %get3A_2646] {strides = array<i32>} : memref<2560x16xf32, #tpu.memory_space<vmem>>, vector<1x16xf32>,
        %get3A_2648 = vector.shape_cast %get3A_2647 : vector<1x16xf32> to vector<16xf32>
        %add3A_2649 = arith.addf %add3A_2638, %get3A_2648 : vector<16xf32>
        %add3A_2650 = arith.constant 1792 : i32
        %add3A_2651 = arith.addi %add3A_2650, %scan3A_2499 : i32
        %get3A_2652 = arith.constant 0 : i32
        %get3A_2653 = arith.constant 0 : i32
        %get3A_2654 = tpu.memref_slice %arg6[%scan3A_2459, %get3A_2652, %get3A_2653] : memref<2x2560x16xf32, #tpu.memory_space<vmem>> -> memref<1x2560x16xf32, #tpu.memory_space<vmem>>
        %get3A_2655 = tpu.memref_squeeze %get3A_2654 : memref<1x2560x16xf32, #tpu.memory_space<vmem>> -> memref<2560x16xf32, #tpu.memory_space<vmem>>
        %get3A_2656 = arith.index_cast %add3A_2651 : i32 to index
        %get3A_2657 = arith.constant 0 : index
        %get3A_2658 = tpu.vector_load %get3A_2655[%get3A_2656, %get3A_2657] {strides = array<i32>} : memref<2560x16xf32, #tpu.memory_space<vmem>>, vector<1x16xf32>,
        %get3A_2659 = vector.shape_cast %get3A_2658 : vector<1x16xf32> to vector<16xf32>
        %add3A_2660 = arith.addf %add3A_2649, %get3A_2659 : vector<16xf32>
        %add3A_2661 = arith.constant 1920 : i32
        %add3A_2662 = arith.addi %add3A_2661, %scan3A_2499 : i32
        %get3A_2663 = arith.constant 0 : i32
        %get3A_2664 = arith.constant 0 : i32
        %get3A_2665 = tpu.memref_slice %arg6[%scan3A_2459, %get3A_2663, %get3A_2664] : memref<2x2560x16xf32, #tpu.memory_space<vmem>> -> memref<1x2560x16xf32, #tpu.memory_space<vmem>>
        %get3A_2666 = tpu.memref_squeeze %get3A_2665 : memref<1x2560x16xf32, #tpu.memory_space<vmem>> -> memref<2560x16xf32, #tpu.memory_space<vmem>>
        %get3A_2667 = arith.index_cast %add3A_2662 : i32 to index
        %get3A_2668 = arith.constant 0 : index
        %get3A_2669 = tpu.vector_load %get3A_2666[%get3A_2667, %get3A_2668] {strides = array<i32>} : memref<2560x16xf32, #tpu.memory_space<vmem>>, vector<1x16xf32>,
        %get3A_2670 = vector.shape_cast %get3A_2669 : vector<1x16xf32> to vector<16xf32>
        %add3A_2671 = arith.addf %add3A_2660, %get3A_2670 : vector<16xf32>
        %add3A_2672 = arith.constant 2048 : i32
        %add3A_2673 = arith.addi %add3A_2672, %scan3A_2499 : i32
        %get3A_2674 = arith.constant 0 : i32
        %get3A_2675 = arith.constant 0 : i32
        %get3A_2676 = tpu.memref_slice %arg6[%scan3A_2459, %get3A_2674, %get3A_2675] : memref<2x2560x16xf32, #tpu.memory_space<vmem>> -> memref<1x2560x16xf32, #tpu.memory_space<vmem>>
        %get3A_2677 = tpu.memref_squeeze %get3A_2676 : memref<1x2560x16xf32, #tpu.memory_space<vmem>> -> memref<2560x16xf32, #tpu.memory_space<vmem>>
        %get3A_2678 = arith.index_cast %add3A_2673 : i32 to index
        %get3A_2679 = arith.constant 0 : index
        %get3A_2680 = tpu.vector_load %get3A_2677[%get3A_2678, %get3A_2679] {strides = array<i32>} : memref<2560x16xf32, #tpu.memory_space<vmem>>, vector<1x16xf32>,
        %get3A_2681 = vector.shape_cast %get3A_2680 : vector<1x16xf32> to vector<16xf32>
        %add3A_2682 = arith.addf %add3A_2671, %get3A_2681 : vector<16xf32>
        %add3A_2683 = arith.constant 2176 : i32
        %add3A_2684 = arith.addi %add3A_2683, %scan3A_2499 : i32
        %get3A_2685 = arith.constant 0 : i32
        %get3A_2686 = arith.constant 0 : i32
        %get3A_2687 = tpu.memref_slice %arg6[%scan3A_2459, %get3A_2685, %get3A_2686] : memref<2x2560x16xf32, #tpu.memory_space<vmem>> -> memref<1x2560x16xf32, #tpu.memory_space<vmem>>
        %get3A_2688 = tpu.memref_squeeze %get3A_2687 : memref<1x2560x16xf32, #tpu.memory_space<vmem>> -> memref<2560x16xf32, #tpu.memory_space<vmem>>
        %get3A_2689 = arith.index_cast %add3A_2684 : i32 to index
        %get3A_2690 = arith.constant 0 : index
        %get3A_2691 = tpu.vector_load %get3A_2688[%get3A_2689, %get3A_2690] {strides = array<i32>} : memref<2560x16xf32, #tpu.memory_space<vmem>>, vector<1x16xf32>,
        %get3A_2692 = vector.shape_cast %get3A_2691 : vector<1x16xf32> to vector<16xf32>
        %add3A_2693 = arith.addf %add3A_2682, %get3A_2692 : vector<16xf32>
        %add3A_2694 = arith.constant 2304 : i32
        %add3A_2695 = arith.addi %add3A_2694, %scan3A_2499 : i32
        %get3A_2696 = arith.constant 0 : i32
        %get3A_2697 = arith.constant 0 : i32
        %get3A_2698 = tpu.memref_slice %arg6[%scan3A_2459, %get3A_2696, %get3A_2697] : memref<2x2560x16xf32, #tpu.memory_space<vmem>> -> memref<1x2560x16xf32, #tpu.memory_space<vmem>>
        %get3A_2699 = tpu.memref_squeeze %get3A_2698 : memref<1x2560x16xf32, #tpu.memory_space<vmem>> -> memref<2560x16xf32, #tpu.memory_space<vmem>>
        %get3A_2700 = arith.index_cast %add3A_2695 : i32 to index
        %get3A_2701 = arith.constant 0 : index
        %get3A_2702 = tpu.vector_load %get3A_2699[%get3A_2700, %get3A_2701] {strides = array<i32>} : memref<2560x16xf32, #tpu.memory_space<vmem>>, vector<1x16xf32>,
        %get3A_2703 = vector.shape_cast %get3A_2702 : vector<1x16xf32> to vector<16xf32>
        %add3A_2704 = arith.addf %add3A_2693, %get3A_2703 : vector<16xf32>
        %add3A_2705 = arith.constant 2432 : i32
        %add3A_2706 = arith.addi %add3A_2705, %scan3A_2499 : i32
        %get3A_2707 = arith.constant 0 : i32
        %get3A_2708 = arith.constant 0 : i32
        %get3A_2709 = tpu.memref_slice %arg6[%scan3A_2459, %get3A_2707, %get3A_2708] : memref<2x2560x16xf32, #tpu.memory_space<vmem>> -> memref<1x2560x16xf32, #tpu.memory_space<vmem>>
        %get3A_2710 = tpu.memref_squeeze %get3A_2709 : memref<1x2560x16xf32, #tpu.memory_space<vmem>> -> memref<2560x16xf32, #tpu.memory_space<vmem>>
        %get3A_2711 = arith.index_cast %add3A_2706 : i32 to index
        %get3A_2712 = arith.constant 0 : index
        %get3A_2713 = tpu.vector_load %get3A_2710[%get3A_2711, %get3A_2712] {strides = array<i32>} : memref<2560x16xf32, #tpu.memory_space<vmem>>, vector<1x16xf32>,
        %get3A_2714 = vector.shape_cast %get3A_2713 : vector<1x16xf32> to vector<16xf32>
        %add3A_2715 = arith.addf %add3A_2704, %get3A_2714 : vector<16xf32>
        %swap3A = arith.index_cast %scan3A_2499 : i32 to index
        %swap3A_2716 = arith.constant 0 : index
        %swap3A_2717 = tpu.vector_load %arg7[%swap3A, %swap3A_2716] {strides = array<i32>} : memref<128x16xf32, #tpu.memory_space<vmem>>, vector<1x16xf32>,
        %swap3A_2718 = vector.shape_cast %swap3A_2717 : vector<1x16xf32> to vector<16xf32>
        %swap3A_2719 = vector.shape_cast %add3A_2715 : vector<16xf32> to vector<1x16xf32>
        tpu.vector_store %arg7[%swap3A, %swap3A_2716], %swap3A_2719 {strides = array<i32>} : memref<128x16xf32, #tpu.memory_space<vmem>>, vector<1x16xf32>,
      }
      %scan3A_2464 = arith.constant 128 : i32
      %jit3A_2465 = arith.constant 4 : i32
      %div3A_2466 = arith.divsi %add3A_1977, %jit3A_2465 : i32
      %sign3A_2467 = arith.constant 0 : i32
      %sign3A_2468 = arith.cmpi sgt, %add3A_1977, %sign3A_2467 : i32
      %sign3A_2469 = arith.extui %sign3A_2468 : i1 to i32
      %sign3A_2470 = arith.constant 0 : i32
      %sign3A_2471 = arith.cmpi slt, %add3A_1977, %sign3A_2470 : i32
      %sign3A_2472 = arith.extui %sign3A_2471 : i1 to i32
      %sign3A_2473 = arith.subi %sign3A_2469, %sign3A_2472 : i32
      %sign3A_2474 = arith.constant 0 : i32
      %sign3A_2475 = arith.cmpi sgt, %jit3A_2465, %sign3A_2474 : i32
      %sign3A_2476 = arith.extui %sign3A_2475 : i1 to i32
      %sign3A_2477 = arith.constant 0 : i32
      %sign3A_2478 = arith.cmpi slt, %jit3A_2465, %sign3A_2477 : i32
      %sign3A_2479 = arith.extui %sign3A_2478 : i1 to i32
      %sign3A_2480 = arith.subi %sign3A_2476, %sign3A_2479 : i32
      %ne3A_2481 = arith.cmpi ne, %sign3A_2473, %sign3A_2480 : i32
      %rem3A_2482 = arith.remsi %add3A_1977, %jit3A_2465 : i32
      %ne3A_2483 = arith.constant 0 : i32
      %ne3A_2484 = arith.cmpi ne, %rem3A_2482, %ne3A_2483 : i32
      %and3A_2485 = arith.andi %ne3A_2481, %ne3A_2484 : i1
      %sub3A_2486 = arith.constant 1 : i32
      %sub3A_2487 = arith.subi %div3A_2466, %sub3A_2486 : i32
      %select_n3A_2488 = arith.select %and3A_2485, %sub3A_2487, %div3A_2466 : i32
      %mul3A_2489 = arith.constant 4 : i32
      %mul3A_2490 = arith.muli %select_n3A_2488, %mul3A_2489 : i32
      %sub3A_2491 = arith.subi %add3A_1977, %mul3A_2490 : i32
      %mul3A_2492 = arith.constant 512 : i32
      %mul3A_2493 = arith.muli %add3A, %mul3A_2492 : i32
      %mul3A_2494 = arith.constant 128 : i32
      %mul3A_2495 = arith.muli %sub3A_2491, %mul3A_2494 : i32
      %add3A_2496 = arith.addi %mul3A_2493, %mul3A_2495 : i32
      %mul3A_2497 = arith.constant 16 : i32
      %mul3A_2498 = arith.muli %select_n3A_2488, %mul3A_2497 : i32
      "tpu.region"() ({
        %run_scoped3A_2499 = tpu.sem_alloc : memref<!tpu.dma_semaphore, #tpu.memory_space<semaphore_mem>>
        %dma_start3A_2500 = tpu.memref_slice %arg4[%add3A_2496, %mul3A_2498] : memref<16384x416xf32, #tpu.memory_space<hbm>> -> memref<128x16xf32, #tpu.memory_space<hbm>>
        %dma_start3A_2501 = tpu.memref_slice %arg4[%add3A_2496, %mul3A_2498] : memref<16384x416xf32, #tpu.memory_space<hbm>> -> memref<128x16xf32, #tpu.memory_space<hbm>>
        tpu.enqueue_dma source(%arg7 : memref<128x16xf32, #tpu.memory_space<vmem>>) target(%dma_start3A_2501 : memref<128x16xf32, #tpu.memory_space<hbm>>) target_semaphore(%run_scoped3A_2499 : memref<!tpu.dma_semaphore, #tpu.memory_space<semaphore_mem>>)
        %dma_wait3A_2502 = tpu.memref_slice %arg4[%add3A_2496, %mul3A_2498] : memref<16384x416xf32, #tpu.memory_space<hbm>> -> memref<128x16xf32, #tpu.memory_space<hbm>>
        %dma_wait3A_2503 = tpu.memref_slice %arg4[%add3A_2496, %mul3A_2498] : memref<16384x416xf32, #tpu.memory_space<hbm>> -> memref<128x16xf32, #tpu.memory_space<hbm>>
        tpu.wait_dma2 semaphore(%run_scoped3A_2499 : memref<!tpu.dma_semaphore, #tpu.memory_space<semaphore_mem>>) src(%arg7 : memref<128x16xf32, #tpu.memory_space<vmem>>) dst(%dma_wait3A_2503 : memref<128x16xf32, #tpu.memory_space<hbm>>)
        tpu.yield
      }) : () -> ()
    }
    %scan3A_369 = arith.constant 52 : i32
    %dma_wait3A = arith.constant 0 : i32
    %dma_wait3A_370 = arith.constant 0 : i32
    %dma_wait3A_371 = arith.constant 0 : i32
    %dma_wait3A_372 = tpu.memref_slice %arg6[%dma_wait3A, %dma_wait3A_370, %dma_wait3A_371] : memref<2x2560x16xf32, #tpu.memory_space<vmem>> -> memref<1x128x16xf32, #tpu.memory_space<vmem>>
    %dma_wait3A_373 = tpu.memref_squeeze %dma_wait3A_372 : memref<1x128x16xf32, #tpu.memory_space<vmem>> -> memref<128x16xf32, #tpu.memory_space<vmem>>
    %dma_wait3A_374 = arith.constant 0 : i32
    %dma_wait3A_375 = arith.constant 0 : i32
    %dma_wait3A_376 = arith.constant 0 : i32
    %dma_wait3A_377 = tpu.memref_slice %arg3[%dma_wait3A_374, %dma_wait3A_375, %dma_wait3A_376] : memref<26x100000x16xf32, #tpu.memory_space<hbm>> -> memref<128x100000x16xf32, #tpu.memory_space<hbm>>
    %dma_wait3A_378 = arith.constant 0 : i32
    %dma_wait3A_379 = arith.constant 0 : i32
    %dma_wait3A_380 = tpu.memref_slice %arg6[%dma_wait3A, %dma_wait3A_378, %dma_wait3A_379] : memref<2x2560x16xf32, #tpu.memory_space<vmem>> -> memref<1x128x16xf32, #tpu.memory_space<vmem>>
    %dma_wait3A_381 = tpu.memref_squeeze %dma_wait3A_380 : memref<1x128x16xf32, #tpu.memory_space<vmem>> -> memref<128x16xf32, #tpu.memory_space<vmem>>
    %dma_wait3A_382 = arith.constant 0 : i32
    %dma_wait3A_383 = arith.constant 0 : i32
    %dma_wait3A_384 = arith.constant 0 : i32
    %dma_wait3A_385 = tpu.memref_slice %arg3[%dma_wait3A_382, %dma_wait3A_383, %dma_wait3A_384] : memref<26x100000x16xf32, #tpu.memory_space<hbm>> -> memref<128x100000x16xf32, #tpu.memory_space<hbm>>
    tpu.wait_dma2 semaphore(%arg8 : memref<!tpu.dma_semaphore, #tpu.memory_space<semaphore_mem>>) src(%dma_wait3A_385 : memref<128x100000x16xf32, #tpu.memory_space<hbm>>) dst(%dma_wait3A_381 : memref<128x16xf32, #tpu.memory_space<vmem>>)
    %dma_wait3A_386 = arith.constant 0 : i32
    %dma_wait3A_387 = arith.constant 128 : i32
    %dma_wait3A_388 = arith.constant 0 : i32
    %dma_wait3A_389 = tpu.memref_slice %arg6[%dma_wait3A_386, %dma_wait3A_387, %dma_wait3A_388] : memref<2x2560x16xf32, #tpu.memory_space<vmem>> -> memref<1x128x16xf32, #tpu.memory_space<vmem>>
    %dma_wait3A_390 = tpu.memref_squeeze %dma_wait3A_389 : memref<1x128x16xf32, #tpu.memory_space<vmem>> -> memref<128x16xf32, #tpu.memory_space<vmem>>
    %dma_wait3A_391 = arith.constant 0 : i32
    %dma_wait3A_392 = arith.constant 0 : i32
    %dma_wait3A_393 = arith.constant 0 : i32
    %dma_wait3A_394 = tpu.memref_slice %arg3[%dma_wait3A_391, %dma_wait3A_392, %dma_wait3A_393] : memref<26x100000x16xf32, #tpu.memory_space<hbm>> -> memref<128x100000x16xf32, #tpu.memory_space<hbm>>
    %dma_wait3A_395 = arith.constant 128 : i32
    %dma_wait3A_396 = arith.constant 0 : i32
    %dma_wait3A_397 = tpu.memref_slice %arg6[%dma_wait3A_386, %dma_wait3A_395, %dma_wait3A_396] : memref<2x2560x16xf32, #tpu.memory_space<vmem>> -> memref<1x128x16xf32, #tpu.memory_space<vmem>>
    %dma_wait3A_398 = tpu.memref_squeeze %dma_wait3A_397 : memref<1x128x16xf32, #tpu.memory_space<vmem>> -> memref<128x16xf32, #tpu.memory_space<vmem>>
    %dma_wait3A_399 = arith.constant 0 : i32
    %dma_wait3A_400 = arith.constant 0 : i32
    %dma_wait3A_401 = arith.constant 0 : i32
    %dma_wait3A_402 = tpu.memref_slice %arg3[%dma_wait3A_399, %dma_wait3A_400, %dma_wait3A_401] : memref<26x100000x16xf32, #tpu.memory_space<hbm>> -> memref<128x100000x16xf32, #tpu.memory_space<hbm>>
    tpu.wait_dma2 semaphore(%arg8 : memref<!tpu.dma_semaphore, #tpu.memory_space<semaphore_mem>>) src(%dma_wait3A_402 : memref<128x100000x16xf32, #tpu.memory_space<hbm>>) dst(%dma_wait3A_398 : memref<128x16xf32, #tpu.memory_space<vmem>>)
    %dma_wait3A_403 = arith.constant 0 : i32
    %dma_wait3A_404 = arith.constant 256 : i32
    %dma_wait3A_405 = arith.constant 0 : i32
    %dma_wait3A_406 = tpu.memref_slice %arg6[%dma_wait3A_403, %dma_wait3A_404, %dma_wait3A_405] : memref<2x2560x16xf32, #tpu.memory_space<vmem>> -> memref<1x128x16xf32, #tpu.memory_space<vmem>>
    %dma_wait3A_407 = tpu.memref_squeeze %dma_wait3A_406 : memref<1x128x16xf32, #tpu.memory_space<vmem>> -> memref<128x16xf32, #tpu.memory_space<vmem>>
    %dma_wait3A_408 = arith.constant 0 : i32
    %dma_wait3A_409 = arith.constant 0 : i32
    %dma_wait3A_410 = arith.constant 0 : i32
    %dma_wait3A_411 = tpu.memref_slice %arg3[%dma_wait3A_408, %dma_wait3A_409, %dma_wait3A_410] : memref<26x100000x16xf32, #tpu.memory_space<hbm>> -> memref<128x100000x16xf32, #tpu.memory_space<hbm>>
    %dma_wait3A_412 = arith.constant 256 : i32
    %dma_wait3A_413 = arith.constant 0 : i32
    %dma_wait3A_414 = tpu.memref_slice %arg6[%dma_wait3A_403, %dma_wait3A_412, %dma_wait3A_413] : memref<2x2560x16xf32, #tpu.memory_space<vmem>> -> memref<1x128x16xf32, #tpu.memory_space<vmem>>
    %dma_wait3A_415 = tpu.memref_squeeze %dma_wait3A_414 : memref<1x128x16xf32, #tpu.memory_space<vmem>> -> memref<128x16xf32, #tpu.memory_space<vmem>>
    %dma_wait3A_416 = arith.constant 0 : i32
    %dma_wait3A_417 = arith.constant 0 : i32
    %dma_wait3A_418 = arith.constant 0 : i32
    %dma_wait3A_419 = tpu.memref_slice %arg3[%dma_wait3A_416, %dma_wait3A_417, %dma_wait3A_418] : memref<26x100000x16xf32, #tpu.memory_space<hbm>> -> memref<128x100000x16xf32, #tpu.memory_space<hbm>>
    tpu.wait_dma2 semaphore(%arg8 : memref<!tpu.dma_semaphore, #tpu.memory_space<semaphore_mem>>) src(%dma_wait3A_419 : memref<128x100000x16xf32, #tpu.memory_space<hbm>>) dst(%dma_wait3A_415 : memref<128x16xf32, #tpu.memory_space<vmem>>)
    %dma_wait3A_420 = arith.constant 0 : i32
    %dma_wait3A_421 = arith.constant 384 : i32
    %dma_wait3A_422 = arith.constant 0 : i32
    %dma_wait3A_423 = tpu.memref_slice %arg6[%dma_wait3A_420, %dma_wait3A_421, %dma_wait3A_422] : memref<2x2560x16xf32, #tpu.memory_space<vmem>> -> memref<1x128x16xf32, #tpu.memory_space<vmem>>
    %dma_wait3A_424 = tpu.memref_squeeze %dma_wait3A_423 : memref<1x128x16xf32, #tpu.memory_space<vmem>> -> memref<128x16xf32, #tpu.memory_space<vmem>>
    %dma_wait3A_425 = arith.constant 0 : i32
    %dma_wait3A_426 = arith.constant 0 : i32
    %dma_wait3A_427 = arith.constant 0 : i32
    %dma_wait3A_428 = tpu.memref_slice %arg3[%dma_wait3A_425, %dma_wait3A_426, %dma_wait3A_427] : memref<26x100000x16xf32, #tpu.memory_space<hbm>> -> memref<128x100000x16xf32, #tpu.memory_space<hbm>>
    %dma_wait3A_429 = arith.constant 384 : i32
    %dma_wait3A_430 = arith.constant 0 : i32
    %dma_wait3A_431 = tpu.memref_slice %arg6[%dma_wait3A_420, %dma_wait3A_429, %dma_wait3A_430] : memref<2x2560x16xf32, #tpu.memory_space<vmem>> -> memref<1x128x16xf32, #tpu.memory_space<vmem>>
    %dma_wait3A_432 = tpu.memref_squeeze %dma_wait3A_431 : memref<1x128x16xf32, #tpu.memory_space<vmem>> -> memref<128x16xf32, #tpu.memory_space<vmem>>
    %dma_wait3A_433 = arith.constant 0 : i32
    %dma_wait3A_434 = arith.constant 0 : i32
    %dma_wait3A_435 = arith.constant 0 : i32
    %dma_wait3A_436 = tpu.memref_slice %arg3[%dma_wait3A_433, %dma_wait3A_434, %dma_wait3A_435] : memref<26x100000x16xf32, #tpu.memory_space<hbm>> -> memref<128x100000x16xf32, #tpu.memory_space<hbm>>
    tpu.wait_dma2 semaphore(%arg8 : memref<!tpu.dma_semaphore, #tpu.memory_space<semaphore_mem>>) src(%dma_wait3A_436 : memref<128x100000x16xf32, #tpu.memory_space<hbm>>) dst(%dma_wait3A_432 : memref<128x16xf32, #tpu.memory_space<vmem>>)
    %dma_wait3A_437 = arith.constant 0 : i32
    %dma_wait3A_438 = arith.constant 512 : i32
    %dma_wait3A_439 = arith.constant 0 : i32
    %dma_wait3A_440 = tpu.memref_slice %arg6[%dma_wait3A_437, %dma_wait3A_438, %dma_wait3A_439] : memref<2x2560x16xf32, #tpu.memory_space<vmem>> -> memref<1x128x16xf32, #tpu.memory_space<vmem>>
    %dma_wait3A_441 = tpu.memref_squeeze %dma_wait3A_440 : memref<1x128x16xf32, #tpu.memory_space<vmem>> -> memref<128x16xf32, #tpu.memory_space<vmem>>
    %dma_wait3A_442 = arith.constant 0 : i32
    %dma_wait3A_443 = arith.constant 0 : i32
    %dma_wait3A_444 = arith.constant 0 : i32
    %dma_wait3A_445 = tpu.memref_slice %arg3[%dma_wait3A_442, %dma_wait3A_443, %dma_wait3A_444] : memref<26x100000x16xf32, #tpu.memory_space<hbm>> -> memref<128x100000x16xf32, #tpu.memory_space<hbm>>
    %dma_wait3A_446 = arith.constant 512 : i32
    %dma_wait3A_447 = arith.constant 0 : i32
    %dma_wait3A_448 = tpu.memref_slice %arg6[%dma_wait3A_437, %dma_wait3A_446, %dma_wait3A_447] : memref<2x2560x16xf32, #tpu.memory_space<vmem>> -> memref<1x128x16xf32, #tpu.memory_space<vmem>>
    %dma_wait3A_449 = tpu.memref_squeeze %dma_wait3A_448 : memref<1x128x16xf32, #tpu.memory_space<vmem>> -> memref<128x16xf32, #tpu.memory_space<vmem>>
    %dma_wait3A_450 = arith.constant 0 : i32
    %dma_wait3A_451 = arith.constant 0 : i32
    %dma_wait3A_452 = arith.constant 0 : i32
    %dma_wait3A_453 = tpu.memref_slice %arg3[%dma_wait3A_450, %dma_wait3A_451, %dma_wait3A_452] : memref<26x100000x16xf32, #tpu.memory_space<hbm>> -> memref<128x100000x16xf32, #tpu.memory_space<hbm>>
    tpu.wait_dma2 semaphore(%arg8 : memref<!tpu.dma_semaphore, #tpu.memory_space<semaphore_mem>>) src(%dma_wait3A_453 : memref<128x100000x16xf32, #tpu.memory_space<hbm>>) dst(%dma_wait3A_449 : memref<128x16xf32, #tpu.memory_space<vmem>>)
    %dma_wait3A_454 = arith.constant 0 : i32
    %dma_wait3A_455 = arith.constant 640 : i32
    %dma_wait3A_456 = arith.constant 0 : i32
    %dma_wait3A_457 = tpu.memref_slice %arg6[%dma_wait3A_454, %dma_wait3A_455, %dma_wait3A_456] : memref<2x2560x16xf32, #tpu.memory_space<vmem>> -> memref<1x128x16xf32, #tpu.memory_space<vmem>>
    %dma_wait3A_458 = tpu.memref_squeeze %dma_wait3A_457 : memref<1x128x16xf32, #tpu.memory_space<vmem>> -> memref<128x16xf32, #tpu.memory_space<vmem>>
    %dma_wait3A_459 = arith.constant 0 : i32
    %dma_wait3A_460 = arith.constant 0 : i32
    %dma_wait3A_461 = arith.constant 0 : i32
    %dma_wait3A_462 = tpu.memref_slice %arg3[%dma_wait3A_459, %dma_wait3A_460, %dma_wait3A_461] : memref<26x100000x16xf32, #tpu.memory_space<hbm>> -> memref<128x100000x16xf32, #tpu.memory_space<hbm>>
    %dma_wait3A_463 = arith.constant 640 : i32
    %dma_wait3A_464 = arith.constant 0 : i32
    %dma_wait3A_465 = tpu.memref_slice %arg6[%dma_wait3A_454, %dma_wait3A_463, %dma_wait3A_464] : memref<2x2560x16xf32, #tpu.memory_space<vmem>> -> memref<1x128x16xf32, #tpu.memory_space<vmem>>
    %dma_wait3A_466 = tpu.memref_squeeze %dma_wait3A_465 : memref<1x128x16xf32, #tpu.memory_space<vmem>> -> memref<128x16xf32, #tpu.memory_space<vmem>>
    %dma_wait3A_467 = arith.constant 0 : i32
    %dma_wait3A_468 = arith.constant 0 : i32
    %dma_wait3A_469 = arith.constant 0 : i32
    %dma_wait3A_470 = tpu.memref_slice %arg3[%dma_wait3A_467, %dma_wait3A_468, %dma_wait3A_469] : memref<26x100000x16xf32, #tpu.memory_space<hbm>> -> memref<128x100000x16xf32, #tpu.memory_space<hbm>>
    tpu.wait_dma2 semaphore(%arg8 : memref<!tpu.dma_semaphore, #tpu.memory_space<semaphore_mem>>) src(%dma_wait3A_470 : memref<128x100000x16xf32, #tpu.memory_space<hbm>>) dst(%dma_wait3A_466 : memref<128x16xf32, #tpu.memory_space<vmem>>)
    %dma_wait3A_471 = arith.constant 0 : i32
    %dma_wait3A_472 = arith.constant 768 : i32
    %dma_wait3A_473 = arith.constant 0 : i32
    %dma_wait3A_474 = tpu.memref_slice %arg6[%dma_wait3A_471, %dma_wait3A_472, %dma_wait3A_473] : memref<2x2560x16xf32, #tpu.memory_space<vmem>> -> memref<1x128x16xf32, #tpu.memory_space<vmem>>
    %dma_wait3A_475 = tpu.memref_squeeze %dma_wait3A_474 : memref<1x128x16xf32, #tpu.memory_space<vmem>> -> memref<128x16xf32, #tpu.memory_space<vmem>>
    %dma_wait3A_476 = arith.constant 0 : i32
    %dma_wait3A_477 = arith.constant 0 : i32
    %dma_wait3A_478 = arith.constant 0 : i32
    %dma_wait3A_479 = tpu.memref_slice %arg3[%dma_wait3A_476, %dma_wait3A_477, %dma_wait3A_478] : memref<26x100000x16xf32, #tpu.memory_space<hbm>> -> memref<128x100000x16xf32, #tpu.memory_space<hbm>>
    %dma_wait3A_480 = arith.constant 768 : i32
    %dma_wait3A_481 = arith.constant 0 : i32
    %dma_wait3A_482 = tpu.memref_slice %arg6[%dma_wait3A_471, %dma_wait3A_480, %dma_wait3A_481] : memref<2x2560x16xf32, #tpu.memory_space<vmem>> -> memref<1x128x16xf32, #tpu.memory_space<vmem>>
    %dma_wait3A_483 = tpu.memref_squeeze %dma_wait3A_482 : memref<1x128x16xf32, #tpu.memory_space<vmem>> -> memref<128x16xf32, #tpu.memory_space<vmem>>
    %dma_wait3A_484 = arith.constant 0 : i32
    %dma_wait3A_485 = arith.constant 0 : i32
    %dma_wait3A_486 = arith.constant 0 : i32
    %dma_wait3A_487 = tpu.memref_slice %arg3[%dma_wait3A_484, %dma_wait3A_485, %dma_wait3A_486] : memref<26x100000x16xf32, #tpu.memory_space<hbm>> -> memref<128x100000x16xf32, #tpu.memory_space<hbm>>
    tpu.wait_dma2 semaphore(%arg8 : memref<!tpu.dma_semaphore, #tpu.memory_space<semaphore_mem>>) src(%dma_wait3A_487 : memref<128x100000x16xf32, #tpu.memory_space<hbm>>) dst(%dma_wait3A_483 : memref<128x16xf32, #tpu.memory_space<vmem>>)
    %dma_wait3A_488 = arith.constant 0 : i32
    %dma_wait3A_489 = arith.constant 896 : i32
    %dma_wait3A_490 = arith.constant 0 : i32
    %dma_wait3A_491 = tpu.memref_slice %arg6[%dma_wait3A_488, %dma_wait3A_489, %dma_wait3A_490] : memref<2x2560x16xf32, #tpu.memory_space<vmem>> -> memref<1x128x16xf32, #tpu.memory_space<vmem>>
    %dma_wait3A_492 = tpu.memref_squeeze %dma_wait3A_491 : memref<1x128x16xf32, #tpu.memory_space<vmem>> -> memref<128x16xf32, #tpu.memory_space<vmem>>
    %dma_wait3A_493 = arith.constant 0 : i32
    %dma_wait3A_494 = arith.constant 0 : i32
    %dma_wait3A_495 = arith.constant 0 : i32
    %dma_wait3A_496 = tpu.memref_slice %arg3[%dma_wait3A_493, %dma_wait3A_494, %dma_wait3A_495] : memref<26x100000x16xf32, #tpu.memory_space<hbm>> -> memref<128x100000x16xf32, #tpu.memory_space<hbm>>
    %dma_wait3A_497 = arith.constant 896 : i32
    %dma_wait3A_498 = arith.constant 0 : i32
    %dma_wait3A_499 = tpu.memref_slice %arg6[%dma_wait3A_488, %dma_wait3A_497, %dma_wait3A_498] : memref<2x2560x16xf32, #tpu.memory_space<vmem>> -> memref<1x128x16xf32, #tpu.memory_space<vmem>>
    %dma_wait3A_500 = tpu.memref_squeeze %dma_wait3A_499 : memref<1x128x16xf32, #tpu.memory_space<vmem>> -> memref<128x16xf32, #tpu.memory_space<vmem>>
    %dma_wait3A_501 = arith.constant 0 : i32
    %dma_wait3A_502 = arith.constant 0 : i32
    %dma_wait3A_503 = arith.constant 0 : i32
    %dma_wait3A_504 = tpu.memref_slice %arg3[%dma_wait3A_501, %dma_wait3A_502, %dma_wait3A_503] : memref<26x100000x16xf32, #tpu.memory_space<hbm>> -> memref<128x100000x16xf32, #tpu.memory_space<hbm>>
    tpu.wait_dma2 semaphore(%arg8 : memref<!tpu.dma_semaphore, #tpu.memory_space<semaphore_mem>>) src(%dma_wait3A_504 : memref<128x100000x16xf32, #tpu.memory_space<hbm>>) dst(%dma_wait3A_500 : memref<128x16xf32, #tpu.memory_space<vmem>>)
    %dma_wait3A_505 = arith.constant 0 : i32
    %dma_wait3A_506 = arith.constant 1024 : i32
    %dma_wait3A_507 = arith.constant 0 : i32
    %dma_wait3A_508 = tpu.memref_slice %arg6[%dma_wait3A_505, %dma_wait3A_506, %dma_wait3A_507] : memref<2x2560x16xf32, #tpu.memory_space<vmem>> -> memref<1x128x16xf32, #tpu.memory_space<vmem>>
    %dma_wait3A_509 = tpu.memref_squeeze %dma_wait3A_508 : memref<1x128x16xf32, #tpu.memory_space<vmem>> -> memref<128x16xf32, #tpu.memory_space<vmem>>
    %dma_wait3A_510 = arith.constant 0 : i32
    %dma_wait3A_511 = arith.constant 0 : i32
    %dma_wait3A_512 = arith.constant 0 : i32
    %dma_wait3A_513 = tpu.memref_slice %arg3[%dma_wait3A_510, %dma_wait3A_511, %dma_wait3A_512] : memref<26x100000x16xf32, #tpu.memory_space<hbm>> -> memref<128x100000x16xf32, #tpu.memory_space<hbm>>
    %dma_wait3A_514 = arith.constant 1024 : i32
    %dma_wait3A_515 = arith.constant 0 : i32
    %dma_wait3A_516 = tpu.memref_slice %arg6[%dma_wait3A_505, %dma_wait3A_514, %dma_wait3A_515] : memref<2x2560x16xf32, #tpu.memory_space<vmem>> -> memref<1x128x16xf32, #tpu.memory_space<vmem>>
    %dma_wait3A_517 = tpu.memref_squeeze %dma_wait3A_516 : memref<1x128x16xf32, #tpu.memory_space<vmem>> -> memref<128x16xf32, #tpu.memory_space<vmem>>
    %dma_wait3A_518 = arith.constant 0 : i32
    %dma_wait3A_519 = arith.constant 0 : i32
    %dma_wait3A_520 = arith.constant 0 : i32
    %dma_wait3A_521 = tpu.memref_slice %arg3[%dma_wait3A_518, %dma_wait3A_519, %dma_wait3A_520] : memref<26x100000x16xf32, #tpu.memory_space<hbm>> -> memref<128x100000x16xf32, #tpu.memory_space<hbm>>
    tpu.wait_dma2 semaphore(%arg8 : memref<!tpu.dma_semaphore, #tpu.memory_space<semaphore_mem>>) src(%dma_wait3A_521 : memref<128x100000x16xf32, #tpu.memory_space<hbm>>) dst(%dma_wait3A_517 : memref<128x16xf32, #tpu.memory_space<vmem>>)
    %dma_wait3A_522 = arith.constant 0 : i32
    %dma_wait3A_523 = arith.constant 1152 : i32
    %dma_wait3A_524 = arith.constant 0 : i32
    %dma_wait3A_525 = tpu.memref_slice %arg6[%dma_wait3A_522, %dma_wait3A_523, %dma_wait3A_524] : memref<2x2560x16xf32, #tpu.memory_space<vmem>> -> memref<1x128x16xf32, #tpu.memory_space<vmem>>
    %dma_wait3A_526 = tpu.memref_squeeze %dma_wait3A_525 : memref<1x128x16xf32, #tpu.memory_space<vmem>> -> memref<128x16xf32, #tpu.memory_space<vmem>>
    %dma_wait3A_527 = arith.constant 0 : i32
    %dma_wait3A_528 = arith.constant 0 : i32
    %dma_wait3A_529 = arith.constant 0 : i32
    %dma_wait3A_530 = tpu.memref_slice %arg3[%dma_wait3A_527, %dma_wait3A_528, %dma_wait3A_529] : memref<26x100000x16xf32, #tpu.memory_space<hbm>> -> memref<128x100000x16xf32, #tpu.memory_space<hbm>>
    %dma_wait3A_531 = arith.constant 1152 : i32
    %dma_wait3A_532 = arith.constant 0 : i32
    %dma_wait3A_533 = tpu.memref_slice %arg6[%dma_wait3A_522, %dma_wait3A_531, %dma_wait3A_532] : memref<2x2560x16xf32, #tpu.memory_space<vmem>> -> memref<1x128x16xf32, #tpu.memory_space<vmem>>
    %dma_wait3A_534 = tpu.memref_squeeze %dma_wait3A_533 : memref<1x128x16xf32, #tpu.memory_space<vmem>> -> memref<128x16xf32, #tpu.memory_space<vmem>>
    %dma_wait3A_535 = arith.constant 0 : i32
    %dma_wait3A_536 = arith.constant 0 : i32
    %dma_wait3A_537 = arith.constant 0 : i32
    %dma_wait3A_538 = tpu.memref_slice %arg3[%dma_wait3A_535, %dma_wait3A_536, %dma_wait3A_537] : memref<26x100000x16xf32, #tpu.memory_space<hbm>> -> memref<128x100000x16xf32, #tpu.memory_space<hbm>>
    tpu.wait_dma2 semaphore(%arg8 : memref<!tpu.dma_semaphore, #tpu.memory_space<semaphore_mem>>) src(%dma_wait3A_538 : memref<128x100000x16xf32, #tpu.memory_space<hbm>>) dst(%dma_wait3A_534 : memref<128x16xf32, #tpu.memory_space<vmem>>)
    %dma_wait3A_539 = arith.constant 0 : i32
    %dma_wait3A_540 = arith.constant 1280 : i32
    %dma_wait3A_541 = arith.constant 0 : i32
    %dma_wait3A_542 = tpu.memref_slice %arg6[%dma_wait3A_539, %dma_wait3A_540, %dma_wait3A_541] : memref<2x2560x16xf32, #tpu.memory_space<vmem>> -> memref<1x128x16xf32, #tpu.memory_space<vmem>>
    %dma_wait3A_543 = tpu.memref_squeeze %dma_wait3A_542 : memref<1x128x16xf32, #tpu.memory_space<vmem>> -> memref<128x16xf32, #tpu.memory_space<vmem>>
    %dma_wait3A_544 = arith.constant 0 : i32
    %dma_wait3A_545 = arith.constant 0 : i32
    %dma_wait3A_546 = arith.constant 0 : i32
    %dma_wait3A_547 = tpu.memref_slice %arg3[%dma_wait3A_544, %dma_wait3A_545, %dma_wait3A_546] : memref<26x100000x16xf32, #tpu.memory_space<hbm>> -> memref<128x100000x16xf32, #tpu.memory_space<hbm>>
    %dma_wait3A_548 = arith.constant 1280 : i32
    %dma_wait3A_549 = arith.constant 0 : i32
    %dma_wait3A_550 = tpu.memref_slice %arg6[%dma_wait3A_539, %dma_wait3A_548, %dma_wait3A_549] : memref<2x2560x16xf32, #tpu.memory_space<vmem>> -> memref<1x128x16xf32, #tpu.memory_space<vmem>>
    %dma_wait3A_551 = tpu.memref_squeeze %dma_wait3A_550 : memref<1x128x16xf32, #tpu.memory_space<vmem>> -> memref<128x16xf32, #tpu.memory_space<vmem>>
    %dma_wait3A_552 = arith.constant 0 : i32
    %dma_wait3A_553 = arith.constant 0 : i32
    %dma_wait3A_554 = arith.constant 0 : i32
    %dma_wait3A_555 = tpu.memref_slice %arg3[%dma_wait3A_552, %dma_wait3A_553, %dma_wait3A_554] : memref<26x100000x16xf32, #tpu.memory_space<hbm>> -> memref<128x100000x16xf32, #tpu.memory_space<hbm>>
    tpu.wait_dma2 semaphore(%arg8 : memref<!tpu.dma_semaphore, #tpu.memory_space<semaphore_mem>>) src(%dma_wait3A_555 : memref<128x100000x16xf32, #tpu.memory_space<hbm>>) dst(%dma_wait3A_551 : memref<128x16xf32, #tpu.memory_space<vmem>>)
    %dma_wait3A_556 = arith.constant 0 : i32
    %dma_wait3A_557 = arith.constant 1408 : i32
    %dma_wait3A_558 = arith.constant 0 : i32
    %dma_wait3A_559 = tpu.memref_slice %arg6[%dma_wait3A_556, %dma_wait3A_557, %dma_wait3A_558] : memref<2x2560x16xf32, #tpu.memory_space<vmem>> -> memref<1x128x16xf32, #tpu.memory_space<vmem>>
    %dma_wait3A_560 = tpu.memref_squeeze %dma_wait3A_559 : memref<1x128x16xf32, #tpu.memory_space<vmem>> -> memref<128x16xf32, #tpu.memory_space<vmem>>
    %dma_wait3A_561 = arith.constant 0 : i32
    %dma_wait3A_562 = arith.constant 0 : i32
    %dma_wait3A_563 = arith.constant 0 : i32
    %dma_wait3A_564 = tpu.memref_slice %arg3[%dma_wait3A_561, %dma_wait3A_562, %dma_wait3A_563] : memref<26x100000x16xf32, #tpu.memory_space<hbm>> -> memref<128x100000x16xf32, #tpu.memory_space<hbm>>
    %dma_wait3A_565 = arith.constant 1408 : i32
    %dma_wait3A_566 = arith.constant 0 : i32
    %dma_wait3A_567 = tpu.memref_slice %arg6[%dma_wait3A_556, %dma_wait3A_565, %dma_wait3A_566] : memref<2x2560x16xf32, #tpu.memory_space<vmem>> -> memref<1x128x16xf32, #tpu.memory_space<vmem>>
    %dma_wait3A_568 = tpu.memref_squeeze %dma_wait3A_567 : memref<1x128x16xf32, #tpu.memory_space<vmem>> -> memref<128x16xf32, #tpu.memory_space<vmem>>
    %dma_wait3A_569 = arith.constant 0 : i32
    %dma_wait3A_570 = arith.constant 0 : i32
    %dma_wait3A_571 = arith.constant 0 : i32
    %dma_wait3A_572 = tpu.memref_slice %arg3[%dma_wait3A_569, %dma_wait3A_570, %dma_wait3A_571] : memref<26x100000x16xf32, #tpu.memory_space<hbm>> -> memref<128x100000x16xf32, #tpu.memory_space<hbm>>
    tpu.wait_dma2 semaphore(%arg8 : memref<!tpu.dma_semaphore, #tpu.memory_space<semaphore_mem>>) src(%dma_wait3A_572 : memref<128x100000x16xf32, #tpu.memory_space<hbm>>) dst(%dma_wait3A_568 : memref<128x16xf32, #tpu.memory_space<vmem>>)
    %dma_wait3A_573 = arith.constant 0 : i32
    %dma_wait3A_574 = arith.constant 1536 : i32
    %dma_wait3A_575 = arith.constant 0 : i32
    %dma_wait3A_576 = tpu.memref_slice %arg6[%dma_wait3A_573, %dma_wait3A_574, %dma_wait3A_575] : memref<2x2560x16xf32, #tpu.memory_space<vmem>> -> memref<1x128x16xf32, #tpu.memory_space<vmem>>
    %dma_wait3A_577 = tpu.memref_squeeze %dma_wait3A_576 : memref<1x128x16xf32, #tpu.memory_space<vmem>> -> memref<128x16xf32, #tpu.memory_space<vmem>>
    %dma_wait3A_578 = arith.constant 0 : i32
    %dma_wait3A_579 = arith.constant 0 : i32
    %dma_wait3A_580 = arith.constant 0 : i32
    %dma_wait3A_581 = tpu.memref_slice %arg3[%dma_wait3A_578, %dma_wait3A_579, %dma_wait3A_580] : memref<26x100000x16xf32, #tpu.memory_space<hbm>> -> memref<128x100000x16xf32, #tpu.memory_space<hbm>>
    %dma_wait3A_582 = arith.constant 1536 : i32
    %dma_wait3A_583 = arith.constant 0 : i32
    %dma_wait3A_584 = tpu.memref_slice %arg6[%dma_wait3A_573, %dma_wait3A_582, %dma_wait3A_583] : memref<2x2560x16xf32, #tpu.memory_space<vmem>> -> memref<1x128x16xf32, #tpu.memory_space<vmem>>
    %dma_wait3A_585 = tpu.memref_squeeze %dma_wait3A_584 : memref<1x128x16xf32, #tpu.memory_space<vmem>> -> memref<128x16xf32, #tpu.memory_space<vmem>>
    %dma_wait3A_586 = arith.constant 0 : i32
    %dma_wait3A_587 = arith.constant 0 : i32
    %dma_wait3A_588 = arith.constant 0 : i32
    %dma_wait3A_589 = tpu.memref_slice %arg3[%dma_wait3A_586, %dma_wait3A_587, %dma_wait3A_588] : memref<26x100000x16xf32, #tpu.memory_space<hbm>> -> memref<128x100000x16xf32, #tpu.memory_space<hbm>>
    tpu.wait_dma2 semaphore(%arg8 : memref<!tpu.dma_semaphore, #tpu.memory_space<semaphore_mem>>) src(%dma_wait3A_589 : memref<128x100000x16xf32, #tpu.memory_space<hbm>>) dst(%dma_wait3A_585 : memref<128x16xf32, #tpu.memory_space<vmem>>)
    %dma_wait3A_590 = arith.constant 0 : i32
    %dma_wait3A_591 = arith.constant 1664 : i32
    %dma_wait3A_592 = arith.constant 0 : i32
    %dma_wait3A_593 = tpu.memref_slice %arg6[%dma_wait3A_590, %dma_wait3A_591, %dma_wait3A_592] : memref<2x2560x16xf32, #tpu.memory_space<vmem>> -> memref<1x128x16xf32, #tpu.memory_space<vmem>>
    %dma_wait3A_594 = tpu.memref_squeeze %dma_wait3A_593 : memref<1x128x16xf32, #tpu.memory_space<vmem>> -> memref<128x16xf32, #tpu.memory_space<vmem>>
    %dma_wait3A_595 = arith.constant 0 : i32
    %dma_wait3A_596 = arith.constant 0 : i32
    %dma_wait3A_597 = arith.constant 0 : i32
    %dma_wait3A_598 = tpu.memref_slice %arg3[%dma_wait3A_595, %dma_wait3A_596, %dma_wait3A_597] : memref<26x100000x16xf32, #tpu.memory_space<hbm>> -> memref<128x100000x16xf32, #tpu.memory_space<hbm>>
    %dma_wait3A_599 = arith.constant 1664 : i32
    %dma_wait3A_600 = arith.constant 0 : i32
    %dma_wait3A_601 = tpu.memref_slice %arg6[%dma_wait3A_590, %dma_wait3A_599, %dma_wait3A_600] : memref<2x2560x16xf32, #tpu.memory_space<vmem>> -> memref<1x128x16xf32, #tpu.memory_space<vmem>>
    %dma_wait3A_602 = tpu.memref_squeeze %dma_wait3A_601 : memref<1x128x16xf32, #tpu.memory_space<vmem>> -> memref<128x16xf32, #tpu.memory_space<vmem>>
    %dma_wait3A_603 = arith.constant 0 : i32
    %dma_wait3A_604 = arith.constant 0 : i32
    %dma_wait3A_605 = arith.constant 0 : i32
    %dma_wait3A_606 = tpu.memref_slice %arg3[%dma_wait3A_603, %dma_wait3A_604, %dma_wait3A_605] : memref<26x100000x16xf32, #tpu.memory_space<hbm>> -> memref<128x100000x16xf32, #tpu.memory_space<hbm>>
    tpu.wait_dma2 semaphore(%arg8 : memref<!tpu.dma_semaphore, #tpu.memory_space<semaphore_mem>>) src(%dma_wait3A_606 : memref<128x100000x16xf32, #tpu.memory_space<hbm>>) dst(%dma_wait3A_602 : memref<128x16xf32, #tpu.memory_space<vmem>>)
    %dma_wait3A_607 = arith.constant 0 : i32
    %dma_wait3A_608 = arith.constant 1792 : i32
    %dma_wait3A_609 = arith.constant 0 : i32
    %dma_wait3A_610 = tpu.memref_slice %arg6[%dma_wait3A_607, %dma_wait3A_608, %dma_wait3A_609] : memref<2x2560x16xf32, #tpu.memory_space<vmem>> -> memref<1x128x16xf32, #tpu.memory_space<vmem>>
    %dma_wait3A_611 = tpu.memref_squeeze %dma_wait3A_610 : memref<1x128x16xf32, #tpu.memory_space<vmem>> -> memref<128x16xf32, #tpu.memory_space<vmem>>
    %dma_wait3A_612 = arith.constant 0 : i32
    %dma_wait3A_613 = arith.constant 0 : i32
    %dma_wait3A_614 = arith.constant 0 : i32
    %dma_wait3A_615 = tpu.memref_slice %arg3[%dma_wait3A_612, %dma_wait3A_613, %dma_wait3A_614] : memref<26x100000x16xf32, #tpu.memory_space<hbm>> -> memref<128x100000x16xf32, #tpu.memory_space<hbm>>
    %dma_wait3A_616 = arith.constant 1792 : i32
    %dma_wait3A_617 = arith.constant 0 : i32
    %dma_wait3A_618 = tpu.memref_slice %arg6[%dma_wait3A_607, %dma_wait3A_616, %dma_wait3A_617] : memref<2x2560x16xf32, #tpu.memory_space<vmem>> -> memref<1x128x16xf32, #tpu.memory_space<vmem>>
    %dma_wait3A_619 = tpu.memref_squeeze %dma_wait3A_618 : memref<1x128x16xf32, #tpu.memory_space<vmem>> -> memref<128x16xf32, #tpu.memory_space<vmem>>
    %dma_wait3A_620 = arith.constant 0 : i32
    %dma_wait3A_621 = arith.constant 0 : i32
    %dma_wait3A_622 = arith.constant 0 : i32
    %dma_wait3A_623 = tpu.memref_slice %arg3[%dma_wait3A_620, %dma_wait3A_621, %dma_wait3A_622] : memref<26x100000x16xf32, #tpu.memory_space<hbm>> -> memref<128x100000x16xf32, #tpu.memory_space<hbm>>
    tpu.wait_dma2 semaphore(%arg8 : memref<!tpu.dma_semaphore, #tpu.memory_space<semaphore_mem>>) src(%dma_wait3A_623 : memref<128x100000x16xf32, #tpu.memory_space<hbm>>) dst(%dma_wait3A_619 : memref<128x16xf32, #tpu.memory_space<vmem>>)
    %dma_wait3A_624 = arith.constant 0 : i32
    %dma_wait3A_625 = arith.constant 1920 : i32
    %dma_wait3A_626 = arith.constant 0 : i32
    %dma_wait3A_627 = tpu.memref_slice %arg6[%dma_wait3A_624, %dma_wait3A_625, %dma_wait3A_626] : memref<2x2560x16xf32, #tpu.memory_space<vmem>> -> memref<1x128x16xf32, #tpu.memory_space<vmem>>
    %dma_wait3A_628 = tpu.memref_squeeze %dma_wait3A_627 : memref<1x128x16xf32, #tpu.memory_space<vmem>> -> memref<128x16xf32, #tpu.memory_space<vmem>>
    %dma_wait3A_629 = arith.constant 0 : i32
    %dma_wait3A_630 = arith.constant 0 : i32
    %dma_wait3A_631 = arith.constant 0 : i32
    %dma_wait3A_632 = tpu.memref_slice %arg3[%dma_wait3A_629, %dma_wait3A_630, %dma_wait3A_631] : memref<26x100000x16xf32, #tpu.memory_space<hbm>> -> memref<128x100000x16xf32, #tpu.memory_space<hbm>>
    %dma_wait3A_633 = arith.constant 1920 : i32
    %dma_wait3A_634 = arith.constant 0 : i32
    %dma_wait3A_635 = tpu.memref_slice %arg6[%dma_wait3A_624, %dma_wait3A_633, %dma_wait3A_634] : memref<2x2560x16xf32, #tpu.memory_space<vmem>> -> memref<1x128x16xf32, #tpu.memory_space<vmem>>
    %dma_wait3A_636 = tpu.memref_squeeze %dma_wait3A_635 : memref<1x128x16xf32, #tpu.memory_space<vmem>> -> memref<128x16xf32, #tpu.memory_space<vmem>>
    %dma_wait3A_637 = arith.constant 0 : i32
    %dma_wait3A_638 = arith.constant 0 : i32
    %dma_wait3A_639 = arith.constant 0 : i32
    %dma_wait3A_640 = tpu.memref_slice %arg3[%dma_wait3A_637, %dma_wait3A_638, %dma_wait3A_639] : memref<26x100000x16xf32, #tpu.memory_space<hbm>> -> memref<128x100000x16xf32, #tpu.memory_space<hbm>>
    tpu.wait_dma2 semaphore(%arg8 : memref<!tpu.dma_semaphore, #tpu.memory_space<semaphore_mem>>) src(%dma_wait3A_640 : memref<128x100000x16xf32, #tpu.memory_space<hbm>>) dst(%dma_wait3A_636 : memref<128x16xf32, #tpu.memory_space<vmem>>)
    %dma_wait3A_641 = arith.constant 0 : i32
    %dma_wait3A_642 = arith.constant 2048 : i32
    %dma_wait3A_643 = arith.constant 0 : i32
    %dma_wait3A_644 = tpu.memref_slice %arg6[%dma_wait3A_641, %dma_wait3A_642, %dma_wait3A_643] : memref<2x2560x16xf32, #tpu.memory_space<vmem>> -> memref<1x128x16xf32, #tpu.memory_space<vmem>>
    %dma_wait3A_645 = tpu.memref_squeeze %dma_wait3A_644 : memref<1x128x16xf32, #tpu.memory_space<vmem>> -> memref<128x16xf32, #tpu.memory_space<vmem>>
    %dma_wait3A_646 = arith.constant 0 : i32
    %dma_wait3A_647 = arith.constant 0 : i32
    %dma_wait3A_648 = arith.constant 0 : i32
    %dma_wait3A_649 = tpu.memref_slice %arg3[%dma_wait3A_646, %dma_wait3A_647, %dma_wait3A_648] : memref<26x100000x16xf32, #tpu.memory_space<hbm>> -> memref<128x100000x16xf32, #tpu.memory_space<hbm>>
    %dma_wait3A_650 = arith.constant 2048 : i32
    %dma_wait3A_651 = arith.constant 0 : i32
    %dma_wait3A_652 = tpu.memref_slice %arg6[%dma_wait3A_641, %dma_wait3A_650, %dma_wait3A_651] : memref<2x2560x16xf32, #tpu.memory_space<vmem>> -> memref<1x128x16xf32, #tpu.memory_space<vmem>>
    %dma_wait3A_653 = tpu.memref_squeeze %dma_wait3A_652 : memref<1x128x16xf32, #tpu.memory_space<vmem>> -> memref<128x16xf32, #tpu.memory_space<vmem>>
    %dma_wait3A_654 = arith.constant 0 : i32
    %dma_wait3A_655 = arith.constant 0 : i32
    %dma_wait3A_656 = arith.constant 0 : i32
    %dma_wait3A_657 = tpu.memref_slice %arg3[%dma_wait3A_654, %dma_wait3A_655, %dma_wait3A_656] : memref<26x100000x16xf32, #tpu.memory_space<hbm>> -> memref<128x100000x16xf32, #tpu.memory_space<hbm>>
    tpu.wait_dma2 semaphore(%arg8 : memref<!tpu.dma_semaphore, #tpu.memory_space<semaphore_mem>>) src(%dma_wait3A_657 : memref<128x100000x16xf32, #tpu.memory_space<hbm>>) dst(%dma_wait3A_653 : memref<128x16xf32, #tpu.memory_space<vmem>>)
    %dma_wait3A_658 = arith.constant 0 : i32
    %dma_wait3A_659 = arith.constant 2176 : i32
    %dma_wait3A_660 = arith.constant 0 : i32
    %dma_wait3A_661 = tpu.memref_slice %arg6[%dma_wait3A_658, %dma_wait3A_659, %dma_wait3A_660] : memref<2x2560x16xf32, #tpu.memory_space<vmem>> -> memref<1x128x16xf32, #tpu.memory_space<vmem>>
    %dma_wait3A_662 = tpu.memref_squeeze %dma_wait3A_661 : memref<1x128x16xf32, #tpu.memory_space<vmem>> -> memref<128x16xf32, #tpu.memory_space<vmem>>
    %dma_wait3A_663 = arith.constant 0 : i32
    %dma_wait3A_664 = arith.constant 0 : i32
    %dma_wait3A_665 = arith.constant 0 : i32
    %dma_wait3A_666 = tpu.memref_slice %arg3[%dma_wait3A_663, %dma_wait3A_664, %dma_wait3A_665] : memref<26x100000x16xf32, #tpu.memory_space<hbm>> -> memref<128x100000x16xf32, #tpu.memory_space<hbm>>
    %dma_wait3A_667 = arith.constant 2176 : i32
    %dma_wait3A_668 = arith.constant 0 : i32
    %dma_wait3A_669 = tpu.memref_slice %arg6[%dma_wait3A_658, %dma_wait3A_667, %dma_wait3A_668] : memref<2x2560x16xf32, #tpu.memory_space<vmem>> -> memref<1x128x16xf32, #tpu.memory_space<vmem>>
    %dma_wait3A_670 = tpu.memref_squeeze %dma_wait3A_669 : memref<1x128x16xf32, #tpu.memory_space<vmem>> -> memref<128x16xf32, #tpu.memory_space<vmem>>
    %dma_wait3A_671 = arith.constant 0 : i32
    %dma_wait3A_672 = arith.constant 0 : i32
    %dma_wait3A_673 = arith.constant 0 : i32
    %dma_wait3A_674 = tpu.memref_slice %arg3[%dma_wait3A_671, %dma_wait3A_672, %dma_wait3A_673] : memref<26x100000x16xf32, #tpu.memory_space<hbm>> -> memref<128x100000x16xf32, #tpu.memory_space<hbm>>
    tpu.wait_dma2 semaphore(%arg8 : memref<!tpu.dma_semaphore, #tpu.memory_space<semaphore_mem>>) src(%dma_wait3A_674 : memref<128x100000x16xf32, #tpu.memory_space<hbm>>) dst(%dma_wait3A_670 : memref<128x16xf32, #tpu.memory_space<vmem>>)
    %dma_wait3A_675 = arith.constant 0 : i32
    %dma_wait3A_676 = arith.constant 2304 : i32
    %dma_wait3A_677 = arith.constant 0 : i32
    %dma_wait3A_678 = tpu.memref_slice %arg6[%dma_wait3A_675, %dma_wait3A_676, %dma_wait3A_677] : memref<2x2560x16xf32, #tpu.memory_space<vmem>> -> memref<1x128x16xf32, #tpu.memory_space<vmem>>
    %dma_wait3A_679 = tpu.memref_squeeze %dma_wait3A_678 : memref<1x128x16xf32, #tpu.memory_space<vmem>> -> memref<128x16xf32, #tpu.memory_space<vmem>>
    %dma_wait3A_680 = arith.constant 0 : i32
    %dma_wait3A_681 = arith.constant 0 : i32
    %dma_wait3A_682 = arith.constant 0 : i32
    %dma_wait3A_683 = tpu.memref_slice %arg3[%dma_wait3A_680, %dma_wait3A_681, %dma_wait3A_682] : memref<26x100000x16xf32, #tpu.memory_space<hbm>> -> memref<128x100000x16xf32, #tpu.memory_space<hbm>>
    %dma_wait3A_684 = arith.constant 2304 : i32
    %dma_wait3A_685 = arith.constant 0 : i32
    %dma_wait3A_686 = tpu.memref_slice %arg6[%dma_wait3A_675, %dma_wait3A_684, %dma_wait3A_685] : memref<2x2560x16xf32, #tpu.memory_space<vmem>> -> memref<1x128x16xf32, #tpu.memory_space<vmem>>
    %dma_wait3A_687 = tpu.memref_squeeze %dma_wait3A_686 : memref<1x128x16xf32, #tpu.memory_space<vmem>> -> memref<128x16xf32, #tpu.memory_space<vmem>>
    %dma_wait3A_688 = arith.constant 0 : i32
    %dma_wait3A_689 = arith.constant 0 : i32
    %dma_wait3A_690 = arith.constant 0 : i32
    %dma_wait3A_691 = tpu.memref_slice %arg3[%dma_wait3A_688, %dma_wait3A_689, %dma_wait3A_690] : memref<26x100000x16xf32, #tpu.memory_space<hbm>> -> memref<128x100000x16xf32, #tpu.memory_space<hbm>>
    tpu.wait_dma2 semaphore(%arg8 : memref<!tpu.dma_semaphore, #tpu.memory_space<semaphore_mem>>) src(%dma_wait3A_691 : memref<128x100000x16xf32, #tpu.memory_space<hbm>>) dst(%dma_wait3A_687 : memref<128x16xf32, #tpu.memory_space<vmem>>)
    %dma_wait3A_692 = arith.constant 0 : i32
    %dma_wait3A_693 = arith.constant 2432 : i32
    %dma_wait3A_694 = arith.constant 0 : i32
    %dma_wait3A_695 = tpu.memref_slice %arg6[%dma_wait3A_692, %dma_wait3A_693, %dma_wait3A_694] : memref<2x2560x16xf32, #tpu.memory_space<vmem>> -> memref<1x128x16xf32, #tpu.memory_space<vmem>>
    %dma_wait3A_696 = tpu.memref_squeeze %dma_wait3A_695 : memref<1x128x16xf32, #tpu.memory_space<vmem>> -> memref<128x16xf32, #tpu.memory_space<vmem>>
    %dma_wait3A_697 = arith.constant 0 : i32
    %dma_wait3A_698 = arith.constant 0 : i32
    %dma_wait3A_699 = arith.constant 0 : i32
    %dma_wait3A_700 = tpu.memref_slice %arg3[%dma_wait3A_697, %dma_wait3A_698, %dma_wait3A_699] : memref<26x100000x16xf32, #tpu.memory_space<hbm>> -> memref<128x100000x16xf32, #tpu.memory_space<hbm>>
    %dma_wait3A_701 = arith.constant 2432 : i32
    %dma_wait3A_702 = arith.constant 0 : i32
    %dma_wait3A_703 = tpu.memref_slice %arg6[%dma_wait3A_692, %dma_wait3A_701, %dma_wait3A_702] : memref<2x2560x16xf32, #tpu.memory_space<vmem>> -> memref<1x128x16xf32, #tpu.memory_space<vmem>>
    %dma_wait3A_704 = tpu.memref_squeeze %dma_wait3A_703 : memref<1x128x16xf32, #tpu.memory_space<vmem>> -> memref<128x16xf32, #tpu.memory_space<vmem>>
    %dma_wait3A_705 = arith.constant 0 : i32
    %dma_wait3A_706 = arith.constant 0 : i32
    %dma_wait3A_707 = arith.constant 0 : i32
    %dma_wait3A_708 = tpu.memref_slice %arg3[%dma_wait3A_705, %dma_wait3A_706, %dma_wait3A_707] : memref<26x100000x16xf32, #tpu.memory_space<hbm>> -> memref<128x100000x16xf32, #tpu.memory_space<hbm>>
    tpu.wait_dma2 semaphore(%arg8 : memref<!tpu.dma_semaphore, #tpu.memory_space<semaphore_mem>>) src(%dma_wait3A_708 : memref<128x100000x16xf32, #tpu.memory_space<hbm>>) dst(%dma_wait3A_704 : memref<128x16xf32, #tpu.memory_space<vmem>>)
    return
  }
}

module attributes {stable_mosaic.version = 14 : i64} {
  func.func @_repack_body(%arg0: i32, %arg1: memref<1x16x100000xf32, #tpu.memory_space<vmem>>, %arg2: memref<1x12500x128xf32, #tpu.memory_space<vmem>>) attributes {dimension_semantics = [#tpu.dimension_semantics<arbitrary>], iteration_bounds = array<i64: 26>, scalar_prefetch = 0 : i64, scratch_operands = 0 : i64, tpu.core_type = #tpu.core_type<tc>, window_params = [{transform_indices = @transform_0, window_bounds = array<i64: 1, 16, 100000>}, {transform_indices = @transform_1, window_bounds = array<i64: 1, 12500, 128>}]} {
    %get3A = arith.constant 0 : index
    %get3A_0 = arith.constant 0 : index
    %get3A_1 = arith.constant 0 : index
    %get3A_2 = vector.load %arg1[%get3A, %get3A_0, %get3A_1] : memref<1x16x100000xf32, #tpu.memory_space<vmem>>, vector<1x16x100000xf32>
    %get3A_3 = vector.shape_cast %get3A_2 : vector<1x16x100000xf32> to vector<16x100000xf32>
    %slice3A = vector.extract_strided_slice %get3A_3 {offsets = [0, 0], sizes = [16, 12500], strides = [1, 1]} : vector<16x100000xf32> to vector<16x12500xf32>
    %slice3A_4 = vector.extract_strided_slice %get3A_3 {offsets = [0, 12500], sizes = [16, 12500], strides = [1, 1]} : vector<16x100000xf32> to vector<16x12500xf32>
    %slice3A_5 = vector.extract_strided_slice %get3A_3 {offsets = [0, 25000], sizes = [16, 12500], strides = [1, 1]} : vector<16x100000xf32> to vector<16x12500xf32>
    %slice3A_6 = vector.extract_strided_slice %get3A_3 {offsets = [0, 37500], sizes = [16, 12500], strides = [1, 1]} : vector<16x100000xf32> to vector<16x12500xf32>
    %slice3A_7 = vector.extract_strided_slice %get3A_3 {offsets = [0, 50000], sizes = [16, 12500], strides = [1, 1]} : vector<16x100000xf32> to vector<16x12500xf32>
    %slice3A_8 = vector.extract_strided_slice %get3A_3 {offsets = [0, 62500], sizes = [16, 12500], strides = [1, 1]} : vector<16x100000xf32> to vector<16x12500xf32>
    %slice3A_9 = vector.extract_strided_slice %get3A_3 {offsets = [0, 75000], sizes = [16, 12500], strides = [1, 1]} : vector<16x100000xf32> to vector<16x12500xf32>
    %slice3A_10 = vector.extract_strided_slice %get3A_3 {offsets = [0, 87500], sizes = [16, 12500], strides = [1, 1]} : vector<16x100000xf32> to vector<16x12500xf32>
    %concatenate3A = tpu.concatenate %slice3A, %slice3A_4, %slice3A_5, %slice3A_6, %slice3A_7, %slice3A_8, %slice3A_9, %slice3A_10 in 0 : vector<16x12500xf32>, vector<16x12500xf32>, vector<16x12500xf32>, vector<16x12500xf32>, vector<16x12500xf32>, vector<16x12500xf32>, vector<16x12500xf32>, vector<16x12500xf32> -> vector<128x12500xf32>
    %transpose3A = tpu.transpose %concatenate3A, [1, 0] : vector<128x12500xf32> -> vector<12500x128xf32>
    %swap3A = arith.constant 0 : index
    %swap3A_11 = arith.constant 0 : index
    %swap3A_12 = arith.constant 0 : index
    %swap3A_13 = vector.load %arg2[%swap3A, %swap3A_11, %swap3A_12] : memref<1x12500x128xf32, #tpu.memory_space<vmem>>, vector<1x12500x128xf32>
    %swap3A_14 = vector.shape_cast %swap3A_13 : vector<1x12500x128xf32> to vector<12500x128xf32>
    %swap3A_15 = vector.shape_cast %transpose3A : vector<12500x128xf32> to vector<1x12500x128xf32>
    tpu.vector_store %arg2[%swap3A, %swap3A_11, %swap3A_12], %swap3A_15 {strides = array<i32>} : memref<1x12500x128xf32, #tpu.memory_space<vmem>>, vector<1x12500x128xf32>,
    return
  }
  func.func @transform_0(%arg0: i32) -> (i32, i32, i32) {
    %c0_i32 = arith.constant 0 : i32
    %c0_i32_0 = arith.constant 0 : i32
    %c0_i32_1 = arith.constant 0 : i32
    return %arg0, %c0_i32, %c0_i32_0 : i32, i32, i32
  }
  func.func @transform_1(%arg0: i32) -> (i32, i32, i32) {
    %c0_i32 = arith.constant 0 : i32
    %c0_i32_0 = arith.constant 0 : i32
    %c0_i32_1 = arith.constant 0 : i32
    return %arg0, %c0_i32, %c0_i32_0 : i32, i32, i32
  }
}

module attributes {stable_mosaic.version = 14 : i64} {
  func.func @_autodis_body(%arg0: i32, %arg1: memref<2048x13xf32, #tpu.memory_space<vmem>>, %arg2: memref<1x208xf32, #tpu.memory_space<vmem>>, %arg3: memref<208x208xf32, #tpu.memory_space<vmem>>, %arg4: memref<208x208xf32, #tpu.memory_space<vmem>>, %arg5: memref<13x208xf32, #tpu.memory_space<vmem>>, %arg6: memref<208x208xf32, #tpu.memory_space<vmem>>, %arg7: memref<1x208xf32, #tpu.memory_space<vmem>>, %arg8: memref<2048x208xf32, #tpu.memory_space<vmem>>) attributes {dimension_semantics = [#tpu.dimension_semantics<arbitrary>], iteration_bounds = array<i64: 8>, scalar_prefetch = 0 : i64, scratch_operands = 0 : i64, tpu.core_type = #tpu.core_type<tc>, window_params = [{transform_indices = @transform_0, window_bounds = array<i64: 2048, 13>}, {pipeline_mode = #tpu.pipeline_mode<synchronous>, transform_indices = @transform_1, window_bounds = array<i64: 1, 208>}, {pipeline_mode = #tpu.pipeline_mode<synchronous>, transform_indices = @transform_2, window_bounds = array<i64: 208, 208>}, {pipeline_mode = #tpu.pipeline_mode<synchronous>, transform_indices = @transform_3, window_bounds = array<i64: 208, 208>}, {pipeline_mode = #tpu.pipeline_mode<synchronous>, transform_indices = @transform_4, window_bounds = array<i64: 13, 208>}, {pipeline_mode = #tpu.pipeline_mode<synchronous>, transform_indices = @transform_5, window_bounds = array<i64: 208, 208>}, {pipeline_mode = #tpu.pipeline_mode<synchronous>, transform_indices = @transform_6, window_bounds = array<i64: 1, 208>}, {transform_indices = @transform_7, window_bounds = array<i64: 2048, 208>}]} {
    %get3A = arith.constant 0 : index
    %get3A_0 = arith.constant 0 : index
    %get3A_1 = vector.load %arg1[%get3A, %get3A_0] : memref<2048x13xf32, #tpu.memory_space<vmem>>, vector<2048x13xf32>
    %get3A_2 = arith.constant 0 : index
    %get3A_3 = arith.constant 0 : index
    %get3A_4 = vector.load %arg5[%get3A_2, %get3A_3] : memref<13x208xf32, #tpu.memory_space<vmem>>, vector<13x208xf32>
    %dot_general3A = arith.constant dense<0.000000e+00> : vector<2048x208xf32>
    %dot_general3A_5 = tpu.matmul %get3A_1, %get3A_4, %dot_general3A {dimension_numbers = #tpu.dot_dimension_numbers<[1], [0], [0], [1], [0, 0, 1, 1], [], []>, precision = #tpu.contract_precision<fp32>, transpose_lhs_hint = false} : vector<2048x13xf32>, vector<13x208xf32>, vector<2048x208xf32> -> vector<2048x208xf32>
    %get3A_6 = arith.constant 0 : index
    %get3A_7 = arith.constant 0 : index
    %get3A_8 = vector.load %arg2[%get3A_6, %get3A_7] : memref<1x208xf32, #tpu.memory_space<vmem>>, vector<1x208xf32>
    %mul3A = vector.broadcast %get3A_8 : vector<1x208xf32> to vector<2048x208xf32>
    %mul3A_9 = arith.mulf %dot_general3A_5, %mul3A : vector<2048x208xf32>
    %ge3A = arith.constant 0.000000e+00 : f32
    %ge3A_10 = vector.broadcast %ge3A : f32 to vector<2048x208xf32>
    %ge3A_11 = arith.cmpf oge, %mul3A_9, %ge3A_10 : vector<2048x208xf32>
    %mul3A_12 = arith.constant 0.00999999977 : f32
    %mul3A_13 = vector.broadcast %mul3A_12 : f32 to vector<2048x208xf32>
    %mul3A_14 = arith.mulf %mul3A_13, %mul3A_9 : vector<2048x208xf32>
    %select_n3A = arith.select %ge3A_11, %mul3A_9, %mul3A_14 : vector<2048x208xi1>, vector<2048x208xf32>
    %get3A_15 = arith.constant 0 : index
    %get3A_16 = arith.constant 0 : index
    %get3A_17 = vector.load %arg3[%get3A_15, %get3A_16] : memref<208x208xf32, #tpu.memory_space<vmem>>, vector<208x208xf32>
    %dot_general3A_18 = arith.constant dense<0.000000e+00> : vector<2048x208xf32>
    %dot_general3A_19 = tpu.matmul %select_n3A, %get3A_17, %dot_general3A_18 {dimension_numbers = #tpu.dot_dimension_numbers<[1], [0], [0], [1], [0, 0, 1, 1], [], []>, precision = #tpu.contract_precision<fp32>, transpose_lhs_hint = false} : vector<2048x208xf32>, vector<208x208xf32>, vector<2048x208xf32> -> vector<2048x208xf32>
    %mul3A_20 = arith.constant 8.000000e-01 : f32
    %mul3A_21 = vector.broadcast %mul3A_20 : f32 to vector<2048x208xf32>
    %mul3A_22 = arith.mulf %mul3A_21, %select_n3A : vector<2048x208xf32>
    %add3A = arith.addf %dot_general3A_19, %mul3A_22 : vector<2048x208xf32>
    %mul3A_23 = arith.constant 1.000000e+01 : f32
    %mul3A_24 = vector.broadcast %mul3A_23 : f32 to vector<2048x208xf32>
    %mul3A_25 = arith.mulf %add3A, %mul3A_24 : vector<2048x208xf32>
    %slice3A = vector.extract_strided_slice %mul3A_25 {offsets = [0, 1], sizes = [2048, 207], strides = [1, 1]} : vector<2048x208xf32> to vector<2048x207xf32>
    %slice3A_26 = vector.extract_strided_slice %mul3A_25 {offsets = [0, 0], sizes = [2048, 1], strides = [1, 1]} : vector<2048x208xf32> to vector<2048x1xf32>
    %concatenate3A = tpu.concatenate %slice3A, %slice3A_26 in 1 : vector<2048x207xf32>, vector<2048x1xf32> -> vector<2048x208xf32>
    %max3A = arith.maximumf %mul3A_25, %concatenate3A : vector<2048x208xf32>
    %slice3A_27 = vector.extract_strided_slice %max3A {offsets = [0, 2], sizes = [2048, 206], strides = [1, 1]} : vector<2048x208xf32> to vector<2048x206xf32>
    %slice3A_28 = vector.extract_strided_slice %max3A {offsets = [0, 0], sizes = [2048, 2], strides = [1, 1]} : vector<2048x208xf32> to vector<2048x2xf32>
    %concatenate3A_29 = tpu.concatenate %slice3A_27, %slice3A_28 in 1 : vector<2048x206xf32>, vector<2048x2xf32> -> vector<2048x208xf32>
    %max3A_30 = arith.maximumf %max3A, %concatenate3A_29 : vector<2048x208xf32>
    %slice3A_31 = vector.extract_strided_slice %max3A_30 {offsets = [0, 4], sizes = [2048, 204], strides = [1, 1]} : vector<2048x208xf32> to vector<2048x204xf32>
    %slice3A_32 = vector.extract_strided_slice %max3A_30 {offsets = [0, 0], sizes = [2048, 4], strides = [1, 1]} : vector<2048x208xf32> to vector<2048x4xf32>
    %concatenate3A_33 = tpu.concatenate %slice3A_31, %slice3A_32 in 1 : vector<2048x204xf32>, vector<2048x4xf32> -> vector<2048x208xf32>
    %max3A_34 = arith.maximumf %max3A_30, %concatenate3A_33 : vector<2048x208xf32>
    %slice3A_35 = vector.extract_strided_slice %max3A_34 {offsets = [0, 8], sizes = [2048, 200], strides = [1, 1]} : vector<2048x208xf32> to vector<2048x200xf32>
    %slice3A_36 = vector.extract_strided_slice %max3A_34 {offsets = [0, 0], sizes = [2048, 8], strides = [1, 1]} : vector<2048x208xf32> to vector<2048x8xf32>
    %concatenate3A_37 = tpu.concatenate %slice3A_35, %slice3A_36 in 1 : vector<2048x200xf32>, vector<2048x8xf32> -> vector<2048x208xf32>
    %max3A_38 = arith.maximumf %max3A_34, %concatenate3A_37 : vector<2048x208xf32>
    %get3A_39 = arith.constant 0 : index
    %get3A_40 = arith.constant 0 : index
    %get3A_41 = vector.load %arg7[%get3A_39, %get3A_40] : memref<1x208xf32, #tpu.memory_space<vmem>>, vector<1x208xf32>
    %mul3A_42 = vector.broadcast %get3A_41 : vector<1x208xf32> to vector<2048x208xf32>
    %mul3A_43 = arith.mulf %max3A_38, %mul3A_42 : vector<2048x208xf32>
    %get3A_44 = arith.constant 0 : index
    %get3A_45 = arith.constant 0 : index
    %get3A_46 = vector.load %arg6[%get3A_44, %get3A_45] : memref<208x208xf32, #tpu.memory_space<vmem>>, vector<208x208xf32>
    %dot_general3A_47 = arith.constant dense<0.000000e+00> : vector<2048x208xf32>
    %dot_general3A_48 = tpu.matmul %mul3A_43, %get3A_46, %dot_general3A_47 {dimension_numbers = #tpu.dot_dimension_numbers<[1], [0], [0], [1], [0, 0, 1, 1], [], []>, precision = #tpu.contract_precision<fp32>, transpose_lhs_hint = false} : vector<2048x208xf32>, vector<208x208xf32>, vector<2048x208xf32> -> vector<2048x208xf32>
    %sub3A = arith.subf %mul3A_25, %dot_general3A_48 : vector<2048x208xf32>
    %exp3A = math.exp %sub3A : vector<2048x208xf32>
    %get3A_49 = arith.constant 0 : index
    %get3A_50 = arith.constant 0 : index
    %get3A_51 = vector.load %arg6[%get3A_49, %get3A_50] : memref<208x208xf32, #tpu.memory_space<vmem>>, vector<208x208xf32>
    %dot_general3A_52 = arith.constant dense<0.000000e+00> : vector<2048x208xf32>
    %dot_general3A_53 = tpu.matmul %exp3A, %get3A_51, %dot_general3A_52 {dimension_numbers = #tpu.dot_dimension_numbers<[1], [0], [0], [1], [0, 0, 1, 1], [], []>, precision = #tpu.contract_precision<fp32>, transpose_lhs_hint = false} : vector<2048x208xf32>, vector<208x208xf32>, vector<2048x208xf32> -> vector<2048x208xf32>
    %div3A = arith.divf %exp3A, %dot_general3A_53 : vector<2048x208xf32>
    %get3A_54 = arith.constant 0 : index
    %get3A_55 = arith.constant 0 : index
    %get3A_56 = vector.load %arg4[%get3A_54, %get3A_55] : memref<208x208xf32, #tpu.memory_space<vmem>>, vector<208x208xf32>
    %dot_general3A_57 = arith.constant dense<0.000000e+00> : vector<2048x208xf32>
    %dot_general3A_58 = tpu.matmul %div3A, %get3A_56, %dot_general3A_57 {dimension_numbers = #tpu.dot_dimension_numbers<[1], [0], [0], [1], [0, 0, 1, 1], [], []>, precision = #tpu.contract_precision<fp32>, transpose_lhs_hint = false} : vector<2048x208xf32>, vector<208x208xf32>, vector<2048x208xf32> -> vector<2048x208xf32>
    %swap3A = arith.constant 0 : index
    %swap3A_59 = arith.constant 0 : index
    %swap3A_60 = vector.load %arg8[%swap3A, %swap3A_59] : memref<2048x208xf32, #tpu.memory_space<vmem>>, vector<2048x208xf32>
    tpu.vector_store %arg8[%swap3A, %swap3A_59], %dot_general3A_58 {strides = array<i32>} : memref<2048x208xf32, #tpu.memory_space<vmem>>, vector<2048x208xf32>,
    return
  }
  func.func @transform_0(%arg0: i32) -> (i32, i32) {
    %c0_i32 = arith.constant 0 : i32
    %c0_i32_0 = arith.constant 0 : i32
    return %arg0, %c0_i32 : i32, i32
  }
  func.func @transform_1(%arg0: i32) -> (i32, i32) {
    %c0_i32 = arith.constant 0 : i32
    %c0_i32_0 = arith.constant 0 : i32
    %c0_i32_1 = arith.constant 0 : i32
    return %c0_i32, %c0_i32_0 : i32, i32
  }
  func.func @transform_2(%arg0: i32) -> (i32, i32) {
    %c0_i32 = arith.constant 0 : i32
    %c0_i32_0 = arith.constant 0 : i32
    %c0_i32_1 = arith.constant 0 : i32
    return %c0_i32, %c0_i32_0 : i32, i32
  }
  func.func @transform_3(%arg0: i32) -> (i32, i32) {
    %c0_i32 = arith.constant 0 : i32
    %c0_i32_0 = arith.constant 0 : i32
    %c0_i32_1 = arith.constant 0 : i32
    return %c0_i32, %c0_i32_0 : i32, i32
  }
  func.func @transform_4(%arg0: i32) -> (i32, i32) {
    %c0_i32 = arith.constant 0 : i32
    %c0_i32_0 = arith.constant 0 : i32
    %c0_i32_1 = arith.constant 0 : i32
    return %c0_i32, %c0_i32_0 : i32, i32
  }
  func.func @transform_5(%arg0: i32) -> (i32, i32) {
    %c0_i32 = arith.constant 0 : i32
    %c0_i32_0 = arith.constant 0 : i32
    %c0_i32_1 = arith.constant 0 : i32
    return %c0_i32, %c0_i32_0 : i32, i32
  }
  func.func @transform_6(%arg0: i32) -> (i32, i32) {
    %c0_i32 = arith.constant 0 : i32
    %c0_i32_0 = arith.constant 0 : i32
    %c0_i32_1 = arith.constant 0 : i32
    return %c0_i32, %c0_i32_0 : i32, i32
  }
  func.func @transform_7(%arg0: i32) -> (i32, i32) {
    %c0_i32 = arith.constant 0 : i32
    %c0_i32_0 = arith.constant 0 : i32
    return %arg0, %c0_i32 : i32, i32
  }
}

</mosaic_0001>

<sc_bundles>
// kernel: kernel.5.cloned.1.call-start
scs
__scs_entry_jumppad:
0x0: {  	(pc) =	sbr.rel $0x88, $3  }
0x1: {  	(tag) =	ssettag $0x0;
	lr =	simm.s32 $0x1  }
0x2: {  	[smem:$0x3F9B] =	sst lr;
	_ =	strace $0xD0000000  }
0x3: {  	_ = 	snop  }
0x4: {  	_ = 	snop  }
0x5: {  	_ = 	snop  }
0x6: {  	_ = 	snop  }
0x7: {  	_ = 	snop  }
__scs_overlays_trampoline_lowered:
0x8: {  	[smem:$0x3FAA] =	sst s0  }
0x9: {  	[smem:$0x3FAB] =	sst s1  }
0xa: {  	[smem:$0x3FAC] =	sst s2  }
0xb: {  	[smem:$0x3FAD] =	sst s3  }
0xc: {  	[smem:$0x3FAE] =	sst s4  }
0xd: {  	[smem:$0x3FAF] =	sst s5  }
0xe: {  	[smem:$0x3FB0] =	sst s6  }
0xf: {  	[smem:$0x3FB1] =	sst s7  }
0x10: {  	[smem:$0x3FB2] =	sst s8  }
0x11: {  	[smem:$0x3FB3] =	sst s9;
	s0 =	simm.s32 @!p0 $0x0  }
0x12: {  	s1 =	sld [smem:$0x3F99];
	s0 =	simm.s32 @p0 $0x1  }
0x13: {  	[smem:$0x3FB4] =	sst s0;
	s0 =	simm.s32 @!p1 $0x0  }
0x14: {  	s2 =	sld [smem:$0x3F98];
	s0 =	simm.s32 @p1 $0x1  }
0x15: {  	[smem:$0x3FB5] =	sst s0;
	s0 =	simm.s32 @!p2 $0x0  }
0x16: {  	s3 =	sld [smem:$0x3FDB];
	s0 =	simm.s32 @p2 $0x1  }
0x17: {  	s4 =	simm.s32 $0x1BF5;
	[smem:$0x3FB7] =	sst s0  }
0x18: {  	s0 =	sld [smem:$0x3F9A];
	_ =	swait.ge [sflag:s4], $0x0  }
0x19: {  	s7 =	sld [smem:$0x3F9B]  }
0x1a: {  	s8 =	sadd.s32 $0xFFFFE003, lr  }
0x1b: {  	s9 =	sadd.s32 $0xFFFFFEF7, lr;
	s5 =	simm.s32 $0xFFFFFFFF;
	p2 =	slt.u32 s8, $0xFFFFF086  }
0x1c: {  	p1 =	slt.u32 s9, $0xF7A;
	s5 =	simm.s32 @!p2 $0x0  }
0x1d: {  	s5 =	simm.s32 @p1 $0x1;
	p0 =	seq.s32 s7, s2  }
0x1e: {  	s7 =	smul.u32 @!p0 $0xF7A, s2;
	p2 =	seq.s32 @!p0 s5, $0x0  }
0x1f: {  	s9 =	smul.u32 $0xF7A, s1;
	s8 =	simm.s32 @!p0 $0x1BF5;
	p2 =	por !p2, p0  }
0x20: {  	[sflag:s8] =	ssyncset.s32 @!p0 $0xFFFFF086;
	s6 =	sadd.s32 @!p0 s3, s7;
	s7 =	simm.s32 @!p0 $0x108  }
0x21: {  	s3 =	sadd.s32 s3, s9;
	s6 =	sadd.s32 @!p0 $0x88, s6;
	s7 =	simm.s32 @p2 $0x1082  }
0x22: {  	[simem:s7], [sflag:s8] =	dma.local @!p0 [hbm:s6], $0xF7A  }
0x23: {  	s9 =	sor.u32 $0xD0000000, s2;
	s6 =	simm.s32 $0x108;
	_ =	swait.ge @!p0 [sflag:s8], $0x0  }
0x24: {  	s3 =	sadd.s32 $0x88, s3;
	s6 =	simm.s32 @!p1 $0x1082;
	[sflag:s4] =	ssyncset.s32 $0xFFFFF086  }
0x25: {  	[simem:s6], [sflag:s4] =	dma.local [hbm:s3], $0xF7A  }
0x26: {  	[smem:$0x3F9B] =	sst s1;
	(tag) =	ssettag s2;
	_ =	strace s9  }
0x27: {  	s1 =	sld [smem:$0x3FAB]  }
0x28: {  	s2 =	sld [smem:$0x3FAC]  }
0x29: {  	s4 =	sld [smem:$0x3FAE]  }
0x2a: {  	p0 =	seq.s32 s5, $0x0;
	s5 =	sld [smem:$0x3FAF]  }
0x2b: {  	s6 =	sld [smem:$0x3FB0]  }
0x2c: {  	s7 =	sld [smem:$0x3FB1]  }
0x2d: {  	s3 =	simm.s32 $0x108;
	s8 =	sld [smem:$0x3FB2]  }
0x2e: {  	s3 =	simm.s32 @!p0 $0x1082;
	s9 =	sld [smem:$0x3FB3]  }
0x2f: {  	lr =	sadd.s32 s0, s3;
	s0 =	sld [smem:$0x3FAA]  }
0x30: {  	s3 =	sld [smem:$0x3FAD]  }
0x31: {  	[smem:$0x3FB6] =	sst s10  }
0x32: {  	s10 =	sld [smem:$0x3FB4];
	_ =	sdelay $0x3  }
0x33: {  	p0 =	seq.s32 s10, $0x1;
	s10 =	sld [smem:$0x3FB6];
	_ =	sdelay $0x3  }
0x34: {  	[smem:$0x3FB6] =	sst s10  }
0x35: {  	s10 =	sld [smem:$0x3FB5];
	_ =	sdelay $0x3  }
0x36: {  	p1 =	seq.s32 s10, $0x1;
	s10 =	sld [smem:$0x3FB6];
	_ =	sdelay $0x3  }
0x37: {  	[smem:$0x3FB6] =	sst s10  }
0x38: {  	s10 =	sld [smem:$0x3FB7]  }
0x39: {  	_ = 	snop;
	(pc) =	sbr.ind lr, $3  }
0x3a: {  	_ = 	snop  }
0x3b: {  	_ = 	snop  }
0x3c: {  	p2 =	seq.s32 s10, $0x1;
	s10 =	sld [smem:$0x3FB6]  }
0x3d: {  	_ =	shalt  }
0x3e: {  	_ =	shalt  }
0x3f: {  	_ =	shalt  }
0x40: {  	_ =	shalt  }
0x41: {  	_ =	shalt  }
0x42: {  	_ =	shalt  }
0x43: {  	_ =	shalt  }
0x44: {  	_ =	shalt  }
0x45: {  	_ =	shalt  }
0x46: {  	_ =	shalt  }
0x47: {  	_ =	shalt  }
0x48: {  	_ =	shalt  }
0x49: {  	_ =	shalt  }
0x4a: {  	_ =	shalt  }
0x4b: {  	_ =	shalt  }
0x4c: {  	_ =	shalt  }
0x4d: {  	_ =	shalt  }
0x4e: {  	_ =	shalt  }
0x4f: {  	_ =	shalt  }
0x50: {  	_ =	shalt  }
0x51: {  	_ =	shalt  }
0x52: {  	_ =	shalt  }
0x53: {  	_ =	shalt  }
0x54: {  	_ =	shalt  }
0x55: {  	_ =	shalt  }
0x56: {  	_ =	shalt  }
0x57: {  	_ =	shalt  }
0x58: {  	_ =	shalt  }
0x59: {  	_ =	shalt  }
0x5a: {  	_ =	shalt  }
0x5b: {  	_ =	shalt  }
0x5c: {  	_ =	shalt  }
0x5d: {  	_ =	shalt  }
0x5e: {  	_ =	shalt  }
0x5f: {  	_ =	shalt  }
0x60: {  	_ =	shalt  }
0x61: {  	_ =	shalt  }
0x62: {  	_ =	shalt  }
0x63: {  	_ =	shalt  }
0x64: {  	_ =	shalt  }
0x65: {  	_ =	shalt  }
0x66: {  	_ =	shalt  }
0x67: {  	_ =	shalt  }
0x68: {  	_ =	shalt  }
0x69: {  	_ =	shalt  }
0x6a: {  	_ =	shalt  }
0x6b: {  	_ =	shalt  }
0x6c: {  	_ =	shalt  }
0x6d: {  	_ =	shalt  }
0x6e: {  	_ =	shalt  }
0x6f: {  	_ =	shalt  }
0x70: {  	_ =	shalt  }
0x71: {  	_ =	shalt  }
0x72: {  	_ =	shalt  }
0x73: {  	_ =	shalt  }
0x74: {  	_ =	shalt  }
0x75: {  	_ =	shalt  }
0x76: {  	_ =	shalt  }
0x77: {  	_ =	shalt  }
0x78: {  	_ =	shalt  }
0x79: {  	_ =	shalt  }
0x7a: {  	_ =	shalt  }
0x7b: {  	_ =	shalt  }
0x7c: {  	_ =	shalt  }
0x7d: {  	_ =	shalt  }
0x7e: {  	_ =	shalt  }
0x7f: {  	_ =	shalt  }
0x80: {  	_ =	shalt  }
0x81: {  	_ =	shalt  }
0x82: {  	_ =	shalt  }
0x83: {  	_ =	shalt  }
0x84: {  	_ =	shalt  }
0x85: {  	_ =	shalt  }
0x86: {  	_ =	shalt  }
0x87: {  	_ =	shalt  }
.Lfunc_end0:
.L_simem_size_0:
called_computation.1_lowered:
.L_overlay_start_0:
0x88: {  	s2 =	sld [smem:$0x3FD9]  }
0x89: {  	s3 =	sld [smem:$0x3FFE];
	_ =	sdelay $0x1  }
0x8a: {  	s1 =	srdreg.scid  }
0x8b: {  	s0 =	sand.u32 $0x1, s1  }
0x8c: {  	s16 =	sshll.u32 s0, $0xA;
	s2 =	sadd.s32 s3, s2  }
0x8d: {  	s2 =	sadd.s32 s2, s16  }
0x8e: {  	[smem:$0x3FC2] =	sst s2  }
0x8f: {  	_ = 	snop  }
0x90: {  	(tm) =	ssettm $0x1  }
0x91: {  	s17 =	sld [smem:$0x3FFB];
	_ =	sdelay $0x3  }
0x92: {  	_ =	strace s17  }
0x93: {  	s2 =	sld [smem:$0x3FFC];
	_ =	sdelay $0x3  }
0x94: {  	_ =	strace s2  }
0x95: {  	s2 =	sld [smem:$0x3FFD];
	_ =	sdelay $0x3  }
0x96: {  	_ =	strace s2  }
0x97: {  	_ =	strace $0x8FFFFFFF  }
0x98: {  	s18 =	sld [smem:$0x3FDB];
	_ =	sdelay $0x1  }
0x99: {  	s19 =	simm.s32 $_scs_section_size  }
0x9a: {  	s4 =	simm.s32 $_size__tile_overlayer_lowered;
	s5 =	simm.s32 $_tile_overlayer_lowered  }
0x9b: {  	s22 =	simm.s32 $0x1BFF;
	s21 =	sshll.u32 s5, $0x1;
	s2 =	sadd.s32 s19, s18  }
0x9c: {  	s6 =	simm.s32 $0x0;
	s20 =	sshll.u32 s4, $0x1;
	s4 =	sadd.s32 s21, s2  }
0x9d: {  	[timem:s6], [sflag:s22] =	dma.local [hbm:s4], s20  }
0x9e: {  	_ =	swait.ge [sflag:s22], s20  }
0x9f: {  	s3 =	ssub.s32 $0x0, s20;
	[sflag:s22] =	ssyncset.done $0x0  }
0xa0: {  	[sflag:s22] =	ssyncadd.s32 s3;
	_ =	sdelay $0x1  }
0xa1: {  	s23 =	simm.s32 $0x1B8B  }
0xa2: {  	_ =	swait.ge [sflag:s23], $0x1  }
0xa3: {  	[sflag:s23] =	ssyncset.done $0x0  }
0xa4: {  	s25 =	simm.s32 $0x1B8E;
	s24 =	sld [smem:$0x3FFE];
	[sflag:s23] =	ssyncadd.s32 $0xFFFFFFFF  }
0xa5: {  	s26 =	simm.s32 $execute0_lowered;
	[smem:$0x3FD2] =	sst s25  }
0xa6: {  	s4 =	sshll.u32 s26, $0x1;
	_ =	strace $0x80000046;
	[dreg:$0x1] =	wrdreg $0xFFFFFFFF  }
0xa7: {  	s28 =	simm.s32 $_size_execute0_lowered;
	s2 =	sadd.s32 s2, s4;
	[dreg:$0x0] =	wrdreg $0x0  }
0xa8: {  	s4 =	sshll.u32 s28, $0x1;
	[dreg:$0x2] =	wrdreg s2  }
0xa9: {  	[dreg:$0x3] =	wrdreg s4  }
0xaa: {  	[dreg:$0x4] =	wrdreg $0xC0  }
0xab: {  	_ =	task [dreg:s6], $0x5FFFF  }
0xac: {  	[dreg:$0x1] =	wrdreg $0xFFFFFFFF  }
0xad: {  	[dreg:$0x0] =	wrdreg $0x60  }
0xae: {  	[dreg:$0x2] =	wrdreg s24  }
0xaf: {  	[dreg:$0x3] =	wrdreg $0x9  }
0xb0: {  	_ =	task.clear_ibuf [dreg:s6], $0x4FFFF;
	_ =	strace $0x90000046  }
0xb1: {  	s29 =	simm.s32 $0x9;
	_ =	strace $0x80000048  }
0xb2: {  	_ =	swait.ge [sflag:s29], $0x1  }
0xb3: {  	[sflag:s29] =	ssyncadd.s32 $0xFFFFFFFF  }
0xb4: {  	_ =	strace $0x90000048  }
0xb5: {  	_ =	sfence  }
0xb6: {  	s30 =	sld [smem:$0x0];
	_ =	sdelay $0x2  }
0xb7: {  	s31 =	sshll.u32 s1, $0xD;
	s1 =	sshrl.u32 s1, $0x2  }
0xb8: {  	s3 =	sand.u32 $0x4000, s31;
	s1 =	sadd.s32 s1, s30  }
0xb9: {  	s0 =	sor.u32 s3, s0;
	s1 =	sshll.u32 s1, $0x11  }
0xba: {  	s0 =	sor.u32 s1, s0  }
0xbb: {  	s0 =	sadd.s32 $0x8F2B, s0  }
0xbc: {  	[sflag:s0] =	ssyncadd.remote.s32 $0x1  }
0xbd: {  	_ =	sfence.sel $0xFFFF  }
0xbe: {  	[dreg:$0x0] =	wrdreg $0xFFFFFFFF;
	(pc) =	sbr.abs _section_cstart, $3  }
0xbf: {  	[dreg:$0x1] =	wrdreg $0xFFFFFFFF  }
0xc0: {  	_ =	task.clear_ibuf [dreg:s6], $0x2FFFF;
	_ =	strace $0x9FFFFFFF  }
0xc1: {  	(tm) =	ssettm $0x7FFFFFFF  }
tec
execute0_lowered:
.L_overlay_start_1:
0x0: {  	(tag) =	ssettag $0x1  }
0x1: {  	s0 =	rddreg [dreg:$0x0]  }
0x2: {  	s1 =	simm.s32 $0x0;
	s26 =	srdreg.scid;
	s4 =	stileid.u32  }
0x3: {  	s10 =	simm.s32 $0x80;
	s11 =	simm.s32 $0x4000;
	s12 =	simm.s32 $0x3  }
0x4: {  	s29 =	simm.s32 $0xA00;
	s21 =	simm.s32 $0x1200;
	s30 =	simm.s32 $0x13400  }
0x5: {  	s22 =	simm.s32 $0x1280;
	s14 =	simm.s32 $0x13C00;
	s23 =	simm.s32 $0x1300  }
0x6: {  	s24 =	simm.s32 $0x1380;
	s15 =	simm.s32 $0x14C00;
	s25 =	simm.s32 $0x1  }
0x7: {  	s16 =	simm.s32 $0x15400;
	s28 =	simm.s32 $0x2;
	[smem:$0x7FF] =	sst s1  }
0x8: {  	s3 =	sadd.s32 $0x2200, s0;
	s1 =	sand.u32 $0x1, s26;
	s5 =	sshll.u32 s4, $0xA  }
0x9: {  	s4 =	sadd.s32 $0x4F8200, s0;
	s2 =	ssub.s32 $0x2, s1;
	s1 =	sshll.u32 s1, $0x9  }
0xa: {  	s6 =	sadd.s32 $0x106200, s0;
	s26 =	simm.s32 $0x1A0;
	s5 =	sor.u32 s1, s5  }
0xb: {  	_ =	strace $0x80000047;
	s7 =	sshrl.u32 s2, $0x1;
	s1 =	sshrl.u32 s5, $0x3  }
0xc: {  	s31 =	ssub.s32 s2, s7;
	s8 =	sor.u32 $0x80, s5;
	s1 =	sadd.s32 s3, s1  }
0xd: {  	s7 =	simm.s32 $0x0;
	s0 =	smax.u32 s31, $0x1;
	[dreg:$0x2] =	wrdreg s1  }
0xe: {  	[dreg:$0x3] =	wrdreg s0;
	s1 =	simm.s32 $0x14400;
	s0 =	simm.s32 $0x10  }
.LBB2_1:
0xf: {  	[dreg:$0x4] =	wrdreg s7  }
0x10: {  	s2 =	simm.s32 $0x0;
	s9 =	rddreg [dreg:$0x2]  }
0x11: {  	[tilespmem:s2], [sflag:$0x3] =	stream.strided.gather [hbm4b:s9+s10], $0xA00, s11, s10, $0x38;
	[tilespmem:$0x15C00] =	vst v63  }
0x12: {  	_ =	swait.ge [sflag:s12], $0xA00  }
0x13: {  	[sflag:s12] =	ssyncset.done $0x0  }
0x14: {  	s13 =	simm.s32 $0x1400;
	[sflag:s12] =	ssyncadd.s32 $0xFFFFF600  }
0x15: {  	[tilespmem:s13], [sflag:$0x1] =	stream.indirect.gather [hbm4b:s4+s10], $0x10, s2, s10, $0xb8;
	[tilespmem:$0x15C00] =	vst v63  }
0x16: {  	s17 =	simm.s32 $0x1C00  }
0x17: {  	[tilespmem:s17], [sflag:$0x1] =	stream.indirect.gather [hbm4b:s4+s10], $0x10, s10, s10, $0xb8;
	[tilespmem:$0x15C00] =	vst v63  }
0x18: {  	s18 =	simm.s32 $0x100;
	s19 =	simm.s32 $0x2400  }
0x19: {  	[tilespmem:s19], [sflag:$0x1] =	stream.indirect.gather [hbm4b:s4+s10], $0x10, s18, s10, $0xb8;
	[tilespmem:$0x15C00] =	vst v63  }
0x1a: {  	s20 =	simm.s32 $0x180;
	s31 =	simm.s32 $0x2C00  }
0x1b: {  	[tilespmem:s31], [sflag:$0x1] =	stream.indirect.gather [hbm4b:s4+s10], $0x10, s20, s10, $0xb8;
	[tilespmem:$0x15C00] =	vst v63  }
0x1c: {  	s7 =	simm.s32 $0x200;
	s9 =	simm.s32 $0x3400  }
0x1d: {  	[tilespmem:s9], [sflag:$0x1] =	stream.indirect.gather [hbm4b:s4+s10], $0x10, s7, s10, $0xb8;
	[tilespmem:$0x15C00] =	vst v63  }
0x1e: {  	s13 =	simm.s32 $0x280;
	s17 =	simm.s32 $0x3C00  }
0x1f: {  	[tilespmem:s17], [sflag:$0x1] =	stream.indirect.gather [hbm4b:s4+s10], $0x10, s13, s10, $0xb8;
	[tilespmem:$0x15C00] =	vst v63  }
0x20: {  	s18 =	simm.s32 $0x300;
	s19 =	simm.s32 $0x4400  }
0x21: {  	[tilespmem:s19], [sflag:$0x1] =	stream.indirect.gather [hbm4b:s4+s10], $0x10, s18, s10, $0xb8;
	[tilespmem:$0x15C00] =	vst v63  }
0x22: {  	s20 =	simm.s32 $0x380;
	s31 =	simm.s32 $0x4C00  }
0x23: {  	[tilespmem:s31], [sflag:$0x1] =	stream.indirect.gather [hbm4b:s4+s10], $0x10, s20, s10, $0xb8;
	[tilespmem:$0x15C00] =	vst v63  }
0x24: {  	s7 =	simm.s32 $0x400;
	s9 =	simm.s32 $0x5400  }
0x25: {  	[tilespmem:s9], [sflag:$0x1] =	stream.indirect.gather [hbm4b:s4+s10], $0x10, s7, s10, $0xb8;
	[tilespmem:$0x15C00] =	vst v63  }
0x26: {  	s13 =	simm.s32 $0x480;
	s17 =	simm.s32 $0x5C00  }
0x27: {  	[tilespmem:s17], [sflag:$0x1] =	stream.indirect.gather [hbm4b:s4+s10], $0x10, s13, s10, $0xb8;
	[tilespmem:$0x15C00] =	vst v63  }
0x28: {  	s18 =	simm.s32 $0x500;
	s19 =	simm.s32 $0x6400  }
0x29: {  	[tilespmem:s19], [sflag:$0x1] =	stream.indirect.gather [hbm4b:s4+s10], $0x10, s18, s10, $0xb8;
	[tilespmem:$0x15C00] =	vst v63  }
0x2a: {  	s20 =	simm.s32 $0x580;
	s31 =	simm.s32 $0x6C00  }
0x2b: {  	[tilespmem:s31], [sflag:$0x1] =	stream.indirect.gather [hbm4b:s4+s10], $0x10, s20, s10, $0xb8;
	[tilespmem:$0x15C00] =	vst v63  }
0x2c: {  	s7 =	simm.s32 $0x600;
	s9 =	simm.s32 $0x7400  }
0x2d: {  	[tilespmem:s9], [sflag:$0x1] =	stream.indirect.gather [hbm4b:s4+s10], $0x10, s7, s10, $0xb8;
	[tilespmem:$0x15C00] =	vst v63  }
0x2e: {  	s13 =	simm.s32 $0x680;
	s17 =	simm.s32 $0x7C00  }
0x2f: {  	[tilespmem:s17], [sflag:$0x1] =	stream.indirect.gather [hbm4b:s4+s10], $0x10, s13, s10, $0xb8;
	[tilespmem:$0x15C00] =	vst v63  }
0x30: {  	s18 =	simm.s32 $0x700;
	s19 =	simm.s32 $0x8400  }
0x31: {  	[tilespmem:s19], [sflag:$0x1] =	stream.indirect.gather [hbm4b:s4+s10], $0x10, s18, s10, $0xb8;
	[tilespmem:$0x15C00] =	vst v63  }
0x32: {  	s20 =	simm.s32 $0x780;
	s31 =	simm.s32 $0x8C00  }
0x33: {  	[tilespmem:s31], [sflag:$0x1] =	stream.indirect.gather [hbm4b:s4+s10], $0x10, s20, s10, $0xb8;
	[tilespmem:$0x15C00] =	vst v63  }
0x34: {  	s7 =	simm.s32 $0x800;
	s9 =	simm.s32 $0x9400  }
0x35: {  	[tilespmem:s9], [sflag:$0x1] =	stream.indirect.gather [hbm4b:s4+s10], $0x10, s7, s10, $0xb8;
	[tilespmem:$0x15C00] =	vst v63  }
0x36: {  	s13 =	simm.s32 $0x880;
	s17 =	simm.s32 $0x9C00  }
0x37: {  	[tilespmem:s17], [sflag:$0x1] =	stream.indirect.gather [hbm4b:s4+s10], $0x10, s13, s10, $0xb8;
	[tilespmem:$0x15C00] =	vst v63  }
0x38: {  	s18 =	simm.s32 $0x900;
	s19 =	simm.s32 $0xA400  }
0x39: {  	[tilespmem:s19], [sflag:$0x1] =	stream.indirect.gather [hbm4b:s4+s10], $0x10, s18, s10, $0xb8;
	[tilespmem:$0x15C00] =	vst v63  }
0x3a: {  	s20 =	simm.s32 $0x980;
	s31 =	simm.s32 $0xAC00;
	s7 =	simm.s32 $0x0  }
0x3b: {  	[tilespmem:s31], [sflag:$0x1] =	stream.indirect.gather [hbm4b:s4+s10], $0x10, s20, s10, $0xb8;
	[tilespmem:$0x15C00] =	vst v63  }
.LBB2_2:
0x3c: {  	s31 =	sshrl.u32 s7, $0x1;
	s18 =	sshll.u32 s7, $0x8  }
0x3d: {  	s19 =	sshll.u32 s31, $0x9;
	s2 =	sadd.s32 s18, s8;
	s9 =	smul.u32 $0x50000, s31  }
0x3e: {  	s17 =	ssub.s32 s2, s19  }
0x3f: {  	s2 =	sadd.s32 s9, s17  }
0x40: {  	s2 =	sshrl.u32 s2, $0x3  }
0x41: {  	s2 =	sadd.s32 s3, s2  }
0x42: {  	[tilespmem:s29], [sflag:$0x3] =	stream.strided.gather [hbm4b:s2+s10], $0xA00, s11, s10, $0x38;
	[tilespmem:$0x15C00] =	vst v63  }
0x43: {  	s9 =	smul.u32 $0x30D40, s31;
	_ =	swait.ge [sflag:s12], $0xA00  }
0x44: {  	[sflag:s12] =	ssyncset.done $0x0  }
0x45: {  	s13 =	simm.s32 $0xB400;
	s2 =	sadd.s32 s4, s9;
	[sflag:s12] =	ssyncadd.s32 $0xFFFFF600  }
0x46: {  	[tilespmem:s13], [sflag:$0x2] =	stream.indirect.gather [hbm4b:s2+s10], $0x10, s29, s10, $0xb8;
	[tilespmem:$0x15C00] =	vst v63  }
0x47: {  	s20 =	simm.s32 $0xA80;
	s13 =	simm.s32 $0xBC00  }
0x48: {  	[tilespmem:s13], [sflag:$0x2] =	stream.indirect.gather [hbm4b:s2+s10], $0x10, s20, s10, $0xb8;
	[tilespmem:$0x15C00] =	vst v63  }
0x49: {  	s13 =	simm.s32 $0xB00;
	s20 =	simm.s32 $0xC400  }
0x4a: {  	[tilespmem:s20], [sflag:$0x2] =	stream.indirect.gather [hbm4b:s2+s10], $0x10, s13, s10, $0xb8;
	[tilespmem:$0x15C00] =	vst v63  }
0x4b: {  	s13 =	simm.s32 $0xB80;
	s20 =	simm.s32 $0xCC00  }
0x4c: {  	[tilespmem:s20], [sflag:$0x2] =	stream.indirect.gather [hbm4b:s2+s10], $0x10, s13, s10, $0xb8;
	[tilespmem:$0x15C00] =	vst v63  }
0x4d: {  	s13 =	simm.s32 $0xC00;
	s20 =	simm.s32 $0xD400  }
0x4e: {  	[tilespmem:s20], [sflag:$0x2] =	stream.indirect.gather [hbm4b:s2+s10], $0x10, s13, s10, $0xb8;
	[tilespmem:$0x15C00] =	vst v63  }
0x4f: {  	s13 =	simm.s32 $0xC80;
	s20 =	simm.s32 $0xDC00  }
0x50: {  	[tilespmem:s20], [sflag:$0x2] =	stream.indirect.gather [hbm4b:s2+s10], $0x10, s13, s10, $0xb8;
	[tilespmem:$0x15C00] =	vst v63  }
0x51: {  	s13 =	simm.s32 $0xD00;
	s20 =	simm.s32 $0xE400  }
0x52: {  	[tilespmem:s20], [sflag:$0x2] =	stream.indirect.gather [hbm4b:s2+s10], $0x10, s13, s10, $0xb8;
	[tilespmem:$0x15C00] =	vst v63  }
0x53: {  	s13 =	simm.s32 $0xD80;
	s20 =	simm.s32 $0xEC00  }
0x54: {  	[tilespmem:s20], [sflag:$0x2] =	stream.indirect.gather [hbm4b:s2+s10], $0x10, s13, s10, $0xb8;
	[tilespmem:$0x15C00] =	vst v63  }
0x55: {  	s13 =	simm.s32 $0xE00;
	s20 =	simm.s32 $0xF400  }
0x56: {  	[tilespmem:s20], [sflag:$0x2] =	stream.indirect.gather [hbm4b:s2+s10], $0x10, s13, s10, $0xb8;
	[tilespmem:$0x15C00] =	vst v63  }
0x57: {  	s13 =	simm.s32 $0xE80;
	s20 =	simm.s32 $0xFC00  }
0x58: {  	[tilespmem:s20], [sflag:$0x2] =	stream.indirect.gather [hbm4b:s2+s10], $0x10, s13, s10, $0xb8;
	[tilespmem:$0x15C00] =	vst v63  }
0x59: {  	s13 =	simm.s32 $0xF00;
	s20 =	simm.s32 $0x10400  }
0x5a: {  	[tilespmem:s20], [sflag:$0x2] =	stream.indirect.gather [hbm4b:s2+s10], $0x10, s13, s10, $0xb8;
	[tilespmem:$0x15C00] =	vst v63  }
0x5b: {  	s13 =	simm.s32 $0xF80;
	s20 =	simm.s32 $0x10C00  }
0x5c: {  	[tilespmem:s20], [sflag:$0x2] =	stream.indirect.gather [hbm4b:s2+s10], $0x10, s13, s10, $0xb8;
	[tilespmem:$0x15C00] =	vst v63  }
0x5d: {  	s13 =	simm.s32 $0x1000;
	s20 =	simm.s32 $0x11400  }
0x5e: {  	[tilespmem:s20], [sflag:$0x2] =	stream.indirect.gather [hbm4b:s2+s10], $0x10, s13, s10, $0xb8;
	[tilespmem:$0x15C00] =	vst v63  }
0x5f: {  	s13 =	simm.s32 $0x1080;
	s20 =	simm.s32 $0x11C00  }
0x60: {  	[tilespmem:s20], [sflag:$0x2] =	stream.indirect.gather [hbm4b:s2+s10], $0x10, s13, s10, $0xb8;
	[tilespmem:$0x15C00] =	vst v63  }
0x61: {  	s13 =	simm.s32 $0x1100;
	s20 =	simm.s32 $0x12400  }
0x62: {  	[tilespmem:s20], [sflag:$0x2] =	stream.indirect.gather [hbm4b:s2+s10], $0x10, s13, s10, $0xb8;
	[tilespmem:$0x15C00] =	vst v63  }
0x63: {  	s13 =	simm.s32 $0x1180;
	s20 =	simm.s32 $0x12C00  }
0x64: {  	[tilespmem:s20], [sflag:$0x2] =	stream.indirect.gather [hbm4b:s2+s10], $0x10, s13, s10, $0xb8;
	[tilespmem:$0x15C00] =	vst v63  }
0x65: {  	_ = 	snop  }
0x66: {  	[tilespmem:s30], [sflag:$0x2] =	stream.indirect.gather [hbm4b:s2+s10], $0x10, s21, s10, $0xb8;
	[tilespmem:$0x15C00] =	vst v63  }
0x67: {  	_ = 	snop  }
0x68: {  	[tilespmem:s14], [sflag:$0x2] =	stream.indirect.gather [hbm4b:s2+s10], $0x10, s22, s10, $0xb8;
	[tilespmem:$0x15C00] =	vst v63  }
0x69: {  	_ = 	snop  }
0x6a: {  	[tilespmem:s1], [sflag:$0x2] =	stream.indirect.gather [hbm4b:s2+s10], $0x10, s23, s10, $0xb8;
	[tilespmem:$0x15C00] =	vst v63  }
0x6b: {  	_ = 	snop  }
0x6c: {  	[tilespmem:s15], [sflag:$0x2] =	stream.indirect.gather [hbm4b:s2+s10], $0x10, s24, s10, $0xb8;
	[tilespmem:$0x15C00] =	vst v63  }
0x6d: {  	_ =	swait.ge [sflag:s25], $0x800  }
0x6e: {  	[sflag:s25] =	ssyncset.done $0x0  }
0x6f: {  	[sflag:s25] =	ssyncadd.s32 $0xFFFFF800  }
0x70: {  	_ =	swait.ge [sflag:s25], $0x800  }
0x71: {  	[sflag:s25] =	ssyncset.done $0x0  }
0x72: {  	[sflag:s25] =	ssyncadd.s32 $0xFFFFF800  }
0x73: {  	_ =	swait.ge [sflag:s25], $0x800  }
0x74: {  	[sflag:s25] =	ssyncset.done $0x0  }
0x75: {  	[sflag:s25] =	ssyncadd.s32 $0xFFFFF800  }
0x76: {  	_ =	swait.ge [sflag:s25], $0x800  }
0x77: {  	[sflag:s25] =	ssyncset.done $0x0  }
0x78: {  	[sflag:s25] =	ssyncadd.s32 $0xFFFFF800  }
0x79: {  	_ =	swait.ge [sflag:s25], $0x800  }
0x7a: {  	[sflag:s25] =	ssyncset.done $0x0  }
0x7b: {  	[sflag:s25] =	ssyncadd.s32 $0xFFFFF800  }
0x7c: {  	_ =	swait.ge [sflag:s25], $0x800  }
0x7d: {  	[sflag:s25] =	ssyncset.done $0x0  }
0x7e: {  	[sflag:s25] =	ssyncadd.s32 $0xFFFFF800  }
0x7f: {  	_ =	swait.ge [sflag:s25], $0x800  }
0x80: {  	[sflag:s25] =	ssyncset.done $0x0  }
0x81: {  	[sflag:s25] =	ssyncadd.s32 $0xFFFFF800  }
0x82: {  	_ =	swait.ge [sflag:s25], $0x800  }
0x83: {  	[sflag:s25] =	ssyncset.done $0x0  }
0x84: {  	[sflag:s25] =	ssyncadd.s32 $0xFFFFF800  }
0x85: {  	_ =	swait.ge [sflag:s25], $0x800  }
0x86: {  	[sflag:s25] =	ssyncset.done $0x0  }
0x87: {  	[sflag:s25] =	ssyncadd.s32 $0xFFFFF800  }
0x88: {  	_ =	swait.ge [sflag:s25], $0x800  }
0x89: {  	[sflag:s25] =	ssyncset.done $0x0  }
0x8a: {  	[sflag:s25] =	ssyncadd.s32 $0xFFFFF800  }
0x8b: {  	_ =	swait.ge [sflag:s25], $0x800  }
0x8c: {  	[sflag:s25] =	ssyncset.done $0x0  }
0x8d: {  	[sflag:s25] =	ssyncadd.s32 $0xFFFFF800  }
0x8e: {  	_ =	swait.ge [sflag:s25], $0x800  }
0x8f: {  	[sflag:s25] =	ssyncset.done $0x0  }
0x90: {  	[sflag:s25] =	ssyncadd.s32 $0xFFFFF800  }
0x91: {  	_ =	swait.ge [sflag:s25], $0x800  }
0x92: {  	[sflag:s25] =	ssyncset.done $0x0  }
0x93: {  	[sflag:s25] =	ssyncadd.s32 $0xFFFFF800  }
0x94: {  	_ =	swait.ge [sflag:s25], $0x800  }
0x95: {  	[sflag:s25] =	ssyncset.done $0x0  }
0x96: {  	[sflag:s25] =	ssyncadd.s32 $0xFFFFF800  }
0x97: {  	_ =	swait.ge [sflag:s25], $0x800  }
0x98: {  	[sflag:s25] =	ssyncset.done $0x0  }
0x99: {  	[sflag:s25] =	ssyncadd.s32 $0xFFFFF800  }
0x9a: {  	_ =	swait.ge [sflag:s25], $0x800  }
0x9b: {  	[sflag:s25] =	ssyncset.done $0x0  }
0x9c: {  	[sflag:s25] =	ssyncadd.s32 $0xFFFFF800  }
0x9d: {  	_ =	swait.ge [sflag:s25], $0x800  }
0x9e: {  	[sflag:s25] =	ssyncset.done $0x0  }
0x9f: {  	[sflag:s25] =	ssyncadd.s32 $0xFFFFF800  }
0xa0: {  	_ =	swait.ge [sflag:s25], $0x800  }
0xa1: {  	[sflag:s25] =	ssyncset.done $0x0  }
0xa2: {  	[sflag:s25] =	ssyncadd.s32 $0xFFFFF800  }
0xa3: {  	_ =	swait.ge [sflag:s25], $0x800  }
0xa4: {  	[sflag:s25] =	ssyncset.done $0x0  }
0xa5: {  	[sflag:s25] =	ssyncadd.s32 $0xFFFFF800  }
0xa6: {  	_ =	swait.ge [sflag:s25], $0x800  }
0xa7: {  	[sflag:s25] =	ssyncset.done $0x0  }
0xa8: {  	s2 =	simm.s32 $0x0;
	[sflag:s25] =	ssyncadd.s32 $0xFFFFF800  }
0xa9: {  	v0 =	vld [tilespmem:s2+$0x1400]  }
0xaa: {  	v1 =	vld [tilespmem:s2+$0x1C00];
	_ =	sdelay $0x1  }
0xab: {  	v2 =	vld [tilespmem:s2+$0x2400];
	_ =	sdelay $0x1  }
0xac: {  	v3 =	vld [tilespmem:s2+$0x2C00]  }
0xad: {  	v0 =	vadd.f32 v1, v0  }
0xae: {  	v1 =	vld [tilespmem:s2+$0x3400]  }
0xaf: {  	v0 =	vadd.f32 v2, v0  }
0xb0: {  	v2 =	vld [tilespmem:s2+$0x3C00]  }
0xb1: {  	v0 =	vadd.f32 v3, v0  }
0xb2: {  	v3 =	vld [tilespmem:s2+$0x4400]  }
0xb3: {  	v0 =	vadd.f32 v1, v0  }
0xb4: {  	v1 =	vld [tilespmem:s2+$0x4C00]  }
0xb5: {  	v0 =	vadd.f32 v2, v0  }
0xb6: {  	v2 =	vld [tilespmem:s2+$0x5400]  }
0xb7: {  	v0 =	vadd.f32 v3, v0  }
0xb8: {  	v3 =	vld [tilespmem:s2+$0x5C00]  }
0xb9: {  	s9 =	simm.s32 $0x10;
	v4 =	vld [tilespmem:s2+$0x6400];
	v0 =	vadd.f32 v1, v0  }
0xba: {  	v5 =	vld [tilespmem:s9+$0x1400]  }
0xbb: {  	v1 =	vld [tilespmem:s2+$0x6C00];
	v0 =	vadd.f32 v2, v0  }
0xbc: {  	v2 =	vld [tilespmem:s9+$0x1C00]  }
0xbd: {  	v6 =	vld [tilespmem:s9+$0x2400];
	v0 =	vadd.f32 v3, v0  }
0xbe: {  	v3 =	vld [tilespmem:s2+$0x7400]  }
0xbf: {  	v7 =	vld [tilespmem:s9+$0x2C00];
	v0 =	vadd.f32 v4, v0  }
0xc0: {  	v4 =	vld [tilespmem:s2+$0x7C00]  }
0xc1: {  	v2 =	vadd.f32 v2, v5;
	v5 =	vld [tilespmem:s9+$0x3400];
	v0 =	vadd.f32 v1, v0  }
0xc2: {  	v1 =	vld [tilespmem:s2+$0x8400]  }
0xc3: {  	v2 =	vadd.f32 v6, v2;
	v6 =	vld [tilespmem:s9+$0x3C00];
	v0 =	vadd.f32 v3, v0  }
0xc4: {  	v3 =	vld [tilespmem:s2+$0x8C00]  }
0xc5: {  	v2 =	vadd.f32 v7, v2;
	v7 =	vld [tilespmem:s9+$0x4400];
	v0 =	vadd.f32 v4, v0  }
0xc6: {  	v4 =	vld [tilespmem:s2+$0x9400]  }
0xc7: {  	v8 =	vld [tilespmem:s9+$0x4C00];
	v2 =	vadd.f32 v5, v2;
	v0 =	vadd.f32 v1, v0  }
0xc8: {  	v5 =	vld [tilespmem:s2+$0x9C00]  }
0xc9: {  	v9 =	vld [tilespmem:s9+$0x5400];
	v1 =	vadd.f32 v6, v2;
	v0 =	vadd.f32 v3, v0  }
0xca: {  	v6 =	vld [tilespmem:s2+$0xA400]  }
0xcb: {  	v3 =	vld [tilespmem:s9+$0x5C00];
	v2 =	vadd.f32 v7, v1;
	v4 =	vadd.f32 v4, v0  }
0xcc: {  	v1 =	vld [tilespmem:s2+$0xAC00]  }
0xcd: {  	v0 =	vld [tilespmem:s9+$0x6C00];
	v7 =	vadd.f32 v8, v2;
	v8 =	vadd.f32 v5, v4  }
0xce: {  	s20 =	simm.s32 $0x20;
	v4 =	vld [tilespmem:s9+$0x6400]  }
0xcf: {  	s19 =	ssub.s32 $0x0, s19;
	s13 =	simm.s32 $0xC0;
	v2 =	vld [tilespmem:s20+$0x1400];
	v5 =	vadd.f32 v9, v7;
	v6 =	vadd.f32 v6, v8  }
.LBB2_3:
0xd0: {  	p0 =	sne.s32 s13, $0x1FC0;
	v7 =	vld [tilespmem:s20+$0x1C00]  }
0xd1: {  	v3 =	vadd.f32 v3, v5;
	v5 =	vld [tilespmem:s9+$0x7400];
	v1 =	vadd.f32 v1, v6  }
0xd2: {  	v6 =	vld [tilespmem:s20+$0x2400]  }
0xd3: {  	v3 =	vadd.f32 v4, v3;
	v4 =	vld [tilespmem:s9+$0x7C00];
	[tilespmem:s2+$0x15400] =	vst v1;
	s2 =	smov.u32 s9;
	s9 =	smov.u32 s20  }
0xd4: {  	v1 =	vld [tilespmem:s9+$0x2C00]  }
0xd5: {  	v2 =	vadd.f32 v7, v2;
	v0 =	vadd.f32 v0, v3;
	v3 =	vld [tilespmem:s2+$0x8400]  }
0xd6: {  	v7 =	vld [tilespmem:s9+$0x3400]  }
0xd7: {  	v2 =	vadd.f32 v6, v2;
	v0 =	vadd.f32 v5, v0;
	v5 =	vld [tilespmem:s2+$0x8C00]  }
0xd8: {  	v6 =	vld [tilespmem:s9+$0x3C00]  }
0xd9: {  	v1 =	vadd.f32 v1, v2;
	v0 =	vadd.f32 v4, v0;
	v2 =	vld [tilespmem:s2+$0x9400]  }
0xda: {  	v4 =	vld [tilespmem:s9+$0x4400]  }
0xdb: {  	v1 =	vadd.f32 v7, v1;
	v0 =	vadd.f32 v3, v0;
	v7 =	vld [tilespmem:s2+$0x9C00]  }
0xdc: {  	v8 =	vld [tilespmem:s9+$0x4C00]  }
0xdd: {  	v1 =	vadd.f32 v6, v1;
	v0 =	vadd.f32 v5, v0;
	v6 =	vld [tilespmem:s2+$0xA400]  }
0xde: {  	v5 =	vld [tilespmem:s9+$0x5400]  }
.Ltmp0:
0xdf: {  	v4 =	vadd.f32 v4, v1;
	v2 =	vadd.f32 v2, v0;
	v1 =	vld [tilespmem:s2+$0xAC00];
	(pc) =	sbr.rel @p0 .LBB2_3-.Ltmp0, $4  }
0xe0: {  	v3 =	vld [tilespmem:s9+$0x5C00]  }
0xe1: {  	v8 =	vadd.f32 v8, v4;
	v0 =	vld [tilespmem:s9+$0x6C00];
	v7 =	vadd.f32 v7, v2  }
0xe2: {  	s20 =	sshra.s32 s13, $0x2;
	v4 =	vld [tilespmem:s9+$0x6400]  }
0xe3: {  	s13 =	sadd.s32 $0x40, s13;
	v2 =	vld [tilespmem:s20+$0x1400];
	v5 =	vadd.f32 v5, v8;
	v6 =	vadd.f32 v6, v7  }
0xe4: {  	v7 =	vld [tilespmem:s20+$0x1C00]  }
0xe5: {  	v8 =	vld [tilespmem:s9+$0x7400];
	v1 =	vadd.f32 v1, v6  }
0xe6: {  	v6 =	vld [tilespmem:s20+$0x2400]  }
0xe7: {  	v9 =	vld [tilespmem:s9+$0x7C00];
	[tilespmem:s2+$0x15400] =	vst v1;
	v1 =	vadd.f32 v3, v5  }
0xe8: {  	v3 =	vld [tilespmem:s20+$0x2C00]  }
0xe9: {  	v1 =	vadd.f32 v4, v1;
	v2 =	vadd.f32 v7, v2  }
0xea: {  	v4 =	vld [tilespmem:s20+$0x3400]  }
0xeb: {  	v5 =	vld [tilespmem:s20+$0x3C00];
	v0 =	vadd.f32 v0, v1;
	v2 =	vadd.f32 v6, v2  }
0xec: {  	v1 =	vld [tilespmem:s9+$0x8400]  }
0xed: {  	v6 =	vld [tilespmem:s9+$0x8C00];
	v0 =	vadd.f32 v8, v0;
	v2 =	vadd.f32 v3, v2  }
0xee: {  	v3 =	vld [tilespmem:s20+$0x4400]  }
0xef: {  	v7 =	vld [tilespmem:s9+$0x9400];
	v0 =	vadd.f32 v9, v0;
	v2 =	vadd.f32 v4, v2  }
0xf0: {  	v4 =	vld [tilespmem:s20+$0x4C00]  }
0xf1: {  	v0 =	vadd.f32 v1, v0;
	v1 =	vld [tilespmem:s9+$0x9C00];
	v2 =	vadd.f32 v5, v2  }
0xf2: {  	v5 =	vld [tilespmem:s20+$0x5400]  }
0xf3: {  	v0 =	vadd.f32 v6, v0;
	v6 =	vld [tilespmem:s9+$0xA400];
	v2 =	vadd.f32 v3, v2  }
0xf4: {  	v3 =	vld [tilespmem:s20+$0x5C00]  }
0xf5: {  	v0 =	vadd.f32 v7, v0;
	v7 =	vld [tilespmem:s9+$0xAC00];
	v2 =	vadd.f32 v4, v2  }
0xf6: {  	v4 =	vld [tilespmem:s20+$0x6400]  }
0xf7: {  	v0 =	vadd.f32 v1, v0;
	v1 =	vadd.f32 v5, v2  }
0xf8: {  	v2 =	vld [tilespmem:s20+$0x6C00]  }
0xf9: {  	v0 =	vadd.f32 v6, v0;
	v1 =	vadd.f32 v3, v1  }
0xfa: {  	v3 =	vld [tilespmem:s20+$0x7400]  }
0xfb: {  	v0 =	vadd.f32 v7, v0;
	v1 =	vadd.f32 v4, v1  }
0xfc: {  	v4 =	vld [tilespmem:s20+$0x7C00]  }
0xfd: {  	[tilespmem:s9+$0x15400] =	vst v0;
	v0 =	vadd.f32 v2, v1  }
0xfe: {  	v1 =	vld [tilespmem:s20+$0x8400]  }
0xff: {  	v0 =	vadd.f32 v3, v0  }
0x100: {  	v2 =	vld [tilespmem:s20+$0x8C00]  }
0x101: {  	v0 =	vadd.f32 v4, v0  }
0x102: {  	v3 =	vld [tilespmem:s20+$0x9400]  }
0x103: {  	v0 =	vadd.f32 v1, v0  }
0x104: {  	v1 =	vld [tilespmem:s20+$0x9C00]  }
0x105: {  	v0 =	vadd.f32 v2, v0  }
0x106: {  	v2 =	vld [tilespmem:s20+$0xA400]  }
0x107: {  	v0 =	vadd.f32 v3, v0  }
0x108: {  	v3 =	vld [tilespmem:s20+$0xAC00]  }
0x109: {  	s9 =	sadd.s32 s5, s18;
	v0 =	vadd.f32 v1, v0  }
0x10a: {  	s2 =	sadd.s32 s19, s9  }
0x10b: {  	s2 =	smul.u32 $0x1A0, s2;
	v0 =	vadd.f32 v2, v0  }
0x10c: {  	s31 =	sshll.u32 s31, $0x4  }
0x10d: {  	s2 =	sadd.s32 s31, s2;
	v0 =	vadd.f32 v3, v0  }
0x10e: {  	s13 =	sshll.u32 s7, $0x1;
	s2 =	sshrl.u32 s2, $0x3  }
0x10f: {  	s18 =	smin.u32 s13, $0x65;
	s2 =	sadd.s32 s6, s2;
	[tilespmem:s20+$0x15400] =	vst v0  }
0x110: {  	[hbm4b:s2+s0] =	stream.strided.scatter [tilespmem:s16], [sflag:$0x3], $0x800, s26, s0, $0x38;
	[tilespmem:$0x15C00] =	vst v63  }
0x111: {  	s2 =	sadd.s32 $0x2, s18  }
0x112: {  	s9 =	sshrl.u32 s2, $0x2;
	s2 =	sshll.u32 s2, $0x7  }
0x113: {  	s13 =	smul.u32 $0x50000, s9;
	s2 =	sadd.s32 s5, s2;
	s19 =	sshll.u32 s9, $0x9  }
0x114: {  	s2 =	ssub.s32 s2, s19  }
0x115: {  	_ =	swait.ge [sflag:s12], $0x800;
	s2 =	sadd.s32 s13, s2  }
0x116: {  	[sflag:s12] =	ssyncset.done $0x0;
	s2 =	sshrl.u32 s2, $0x3  }
0x117: {  	s20 =	simm.s32 $0x0;
	[sflag:s12] =	ssyncadd.s32 $0xFFFFF800;
	s2 =	sadd.s32 s3, s2  }
0x118: {  	[tilespmem:s20], [sflag:$0x3] =	stream.strided.gather [hbm4b:s2+s10], $0xA00, s11, s10, $0x38;
	[tilespmem:$0x15C00] =	vst v63  }
0x119: {  	s18 =	smul.u32 $0x30D40, s9;
	_ =	swait.ge [sflag:s12], $0xA00  }
0x11a: {  	[sflag:s12] =	ssyncset.done $0x0  }
0x11b: {  	s19 =	simm.s32 $0x1400;
	s2 =	sadd.s32 s4, s18;
	[sflag:s12] =	ssyncadd.s32 $0xFFFFF600  }
0x11c: {  	[tilespmem:s19], [sflag:$0x1] =	stream.indirect.gather [hbm4b:s2+s10], $0x10, s20, s10, $0xb8;
	[tilespmem:$0x15C00] =	vst v63  }
0x11d: {  	s20 =	simm.s32 $0x1C00  }
0x11e: {  	[tilespmem:s20], [sflag:$0x1] =	stream.indirect.gather [hbm4b:s2+s10], $0x10, s10, s10, $0xb8;
	[tilespmem:$0x15C00] =	vst v63  }
0x11f: {  	s13 =	simm.s32 $0x100;
	s18 =	simm.s32 $0x2400  }
0x120: {  	[tilespmem:s18], [sflag:$0x1] =	stream.indirect.gather [hbm4b:s2+s10], $0x10, s13, s10, $0xb8;
	[tilespmem:$0x15C00] =	vst v63  }
0x121: {  	s19 =	simm.s32 $0x180;
	s20 =	simm.s32 $0x2C00  }
0x122: {  	[tilespmem:s20], [sflag:$0x1] =	stream.indirect.gather [hbm4b:s2+s10], $0x10, s19, s10, $0xb8;
	[tilespmem:$0x15C00] =	vst v63  }
0x123: {  	s13 =	simm.s32 $0x200;
	s18 =	simm.s32 $0x3400  }
0x124: {  	[tilespmem:s18], [sflag:$0x1] =	stream.indirect.gather [hbm4b:s2+s10], $0x10, s13, s10, $0xb8;
	[tilespmem:$0x15C00] =	vst v63  }
0x125: {  	s19 =	simm.s32 $0x280;
	s20 =	simm.s32 $0x3C00  }
0x126: {  	[tilespmem:s20], [sflag:$0x1] =	stream.indirect.gather [hbm4b:s2+s10], $0x10, s19, s10, $0xb8;
	[tilespmem:$0x15C00] =	vst v63  }
0x127: {  	s13 =	simm.s32 $0x300;
	s18 =	simm.s32 $0x4400  }
0x128: {  	[tilespmem:s18], [sflag:$0x1] =	stream.indirect.gather [hbm4b:s2+s10], $0x10, s13, s10, $0xb8;
	[tilespmem:$0x15C00] =	vst v63  }
0x129: {  	s19 =	simm.s32 $0x380;
	s20 =	simm.s32 $0x4C00  }
0x12a: {  	[tilespmem:s20], [sflag:$0x1] =	stream.indirect.gather [hbm4b:s2+s10], $0x10, s19, s10, $0xb8;
	[tilespmem:$0x15C00] =	vst v63  }
0x12b: {  	s13 =	simm.s32 $0x400;
	s18 =	simm.s32 $0x5400  }
0x12c: {  	[tilespmem:s18], [sflag:$0x1] =	stream.indirect.gather [hbm4b:s2+s10], $0x10, s13, s10, $0xb8;
	[tilespmem:$0x15C00] =	vst v63  }
0x12d: {  	s19 =	simm.s32 $0x480;
	s20 =	simm.s32 $0x5C00  }
0x12e: {  	[tilespmem:s20], [sflag:$0x1] =	stream.indirect.gather [hbm4b:s2+s10], $0x10, s19, s10, $0xb8;
	[tilespmem:$0x15C00] =	vst v63  }
0x12f: {  	s13 =	simm.s32 $0x500;
	s18 =	simm.s32 $0x6400  }
0x130: {  	[tilespmem:s18], [sflag:$0x1] =	stream.indirect.gather [hbm4b:s2+s10], $0x10, s13, s10, $0xb8;
	[tilespmem:$0x15C00] =	vst v63  }
0x131: {  	s19 =	simm.s32 $0x580;
	s20 =	simm.s32 $0x6C00  }
0x132: {  	[tilespmem:s20], [sflag:$0x1] =	stream.indirect.gather [hbm4b:s2+s10], $0x10, s19, s10, $0xb8;
	[tilespmem:$0x15C00] =	vst v63  }
0x133: {  	s13 =	simm.s32 $0x600;
	s18 =	simm.s32 $0x7400  }
0x134: {  	[tilespmem:s18], [sflag:$0x1] =	stream.indirect.gather [hbm4b:s2+s10], $0x10, s13, s10, $0xb8;
	[tilespmem:$0x15C00] =	vst v63  }
0x135: {  	s19 =	simm.s32 $0x680;
	s20 =	simm.s32 $0x7C00  }
0x136: {  	[tilespmem:s20], [sflag:$0x1] =	stream.indirect.gather [hbm4b:s2+s10], $0x10, s19, s10, $0xb8;
	[tilespmem:$0x15C00] =	vst v63  }
0x137: {  	s13 =	simm.s32 $0x700;
	s18 =	simm.s32 $0x8400  }
0x138: {  	[tilespmem:s18], [sflag:$0x1] =	stream.indirect.gather [hbm4b:s2+s10], $0x10, s13, s10, $0xb8;
	[tilespmem:$0x15C00] =	vst v63  }
0x139: {  	s19 =	simm.s32 $0x780;
	s20 =	simm.s32 $0x8C00  }
0x13a: {  	[tilespmem:s20], [sflag:$0x1] =	stream.indirect.gather [hbm4b:s2+s10], $0x10, s19, s10, $0xb8;
	[tilespmem:$0x15C00] =	vst v63  }
0x13b: {  	s13 =	simm.s32 $0x800;
	s18 =	simm.s32 $0x9400  }
0x13c: {  	[tilespmem:s18], [sflag:$0x1] =	stream.indirect.gather [hbm4b:s2+s10], $0x10, s13, s10, $0xb8;
	[tilespmem:$0x15C00] =	vst v63  }
0x13d: {  	s19 =	simm.s32 $0x880;
	s20 =	simm.s32 $0x9C00  }
0x13e: {  	[tilespmem:s20], [sflag:$0x1] =	stream.indirect.gather [hbm4b:s2+s10], $0x10, s19, s10, $0xb8;
	[tilespmem:$0x15C00] =	vst v63  }
0x13f: {  	s13 =	simm.s32 $0x900;
	s18 =	simm.s32 $0xA400  }
0x140: {  	[tilespmem:s18], [sflag:$0x1] =	stream.indirect.gather [hbm4b:s2+s10], $0x10, s13, s10, $0xb8;
	[tilespmem:$0x15C00] =	vst v63  }
0x141: {  	s19 =	simm.s32 $0x980;
	s20 =	simm.s32 $0xAC00  }
0x142: {  	[tilespmem:s20], [sflag:$0x1] =	stream.indirect.gather [hbm4b:s2+s10], $0x10, s19, s10, $0xb8;
	[tilespmem:$0x15C00] =	vst v63  }
0x143: {  	_ =	swait.ge [sflag:s28], $0x800  }
0x144: {  	[sflag:s28] =	ssyncset.done $0x0  }
0x145: {  	[sflag:s28] =	ssyncadd.s32 $0xFFFFF800  }
0x146: {  	_ =	swait.ge [sflag:s28], $0x800  }
0x147: {  	[sflag:s28] =	ssyncset.done $0x0  }
0x148: {  	[sflag:s28] =	ssyncadd.s32 $0xFFFFF800  }
0x149: {  	_ =	swait.ge [sflag:s28], $0x800  }
0x14a: {  	[sflag:s28] =	ssyncset.done $0x0  }
0x14b: {  	[sflag:s28] =	ssyncadd.s32 $0xFFFFF800  }
0x14c: {  	_ =	swait.ge [sflag:s28], $0x800  }
0x14d: {  	[sflag:s28] =	ssyncset.done $0x0  }
0x14e: {  	[sflag:s28] =	ssyncadd.s32 $0xFFFFF800  }
0x14f: {  	_ =	swait.ge [sflag:s28], $0x800  }
0x150: {  	[sflag:s28] =	ssyncset.done $0x0  }
0x151: {  	[sflag:s28] =	ssyncadd.s32 $0xFFFFF800  }
0x152: {  	_ =	swait.ge [sflag:s28], $0x800  }
0x153: {  	[sflag:s28] =	ssyncset.done $0x0  }
0x154: {  	[sflag:s28] =	ssyncadd.s32 $0xFFFFF800  }
0x155: {  	_ =	swait.ge [sflag:s28], $0x800  }
0x156: {  	[sflag:s28] =	ssyncset.done $0x0  }
0x157: {  	[sflag:s28] =	ssyncadd.s32 $0xFFFFF800  }
0x158: {  	_ =	swait.ge [sflag:s28], $0x800  }
0x159: {  	[sflag:s28] =	ssyncset.done $0x0  }
0x15a: {  	[sflag:s28] =	ssyncadd.s32 $0xFFFFF800  }
0x15b: {  	_ =	swait.ge [sflag:s28], $0x800  }
0x15c: {  	[sflag:s28] =	ssyncset.done $0x0  }
0x15d: {  	[sflag:s28] =	ssyncadd.s32 $0xFFFFF800  }
0x15e: {  	_ =	swait.ge [sflag:s28], $0x800  }
0x15f: {  	[sflag:s28] =	ssyncset.done $0x0  }
0x160: {  	[sflag:s28] =	ssyncadd.s32 $0xFFFFF800  }
0x161: {  	_ =	swait.ge [sflag:s28], $0x800  }
0x162: {  	[sflag:s28] =	ssyncset.done $0x0  }
0x163: {  	[sflag:s28] =	ssyncadd.s32 $0xFFFFF800  }
0x164: {  	_ =	swait.ge [sflag:s28], $0x800  }
0x165: {  	[sflag:s28] =	ssyncset.done $0x0  }
0x166: {  	[sflag:s28] =	ssyncadd.s32 $0xFFFFF800  }
0x167: {  	_ =	swait.ge [sflag:s28], $0x800  }
0x168: {  	[sflag:s28] =	ssyncset.done $0x0  }
0x169: {  	[sflag:s28] =	ssyncadd.s32 $0xFFFFF800  }
0x16a: {  	_ =	swait.ge [sflag:s28], $0x800  }
0x16b: {  	[sflag:s28] =	ssyncset.done $0x0  }
0x16c: {  	[sflag:s28] =	ssyncadd.s32 $0xFFFFF800  }
0x16d: {  	_ =	swait.ge [sflag:s28], $0x800  }
0x16e: {  	[sflag:s28] =	ssyncset.done $0x0  }
0x16f: {  	[sflag:s28] =	ssyncadd.s32 $0xFFFFF800  }
0x170: {  	_ =	swait.ge [sflag:s28], $0x800  }
0x171: {  	[sflag:s28] =	ssyncset.done $0x0  }
0x172: {  	[sflag:s28] =	ssyncadd.s32 $0xFFFFF800  }
0x173: {  	_ =	swait.ge [sflag:s28], $0x800  }
0x174: {  	[sflag:s28] =	ssyncset.done $0x0  }
0x175: {  	[sflag:s28] =	ssyncadd.s32 $0xFFFFF800  }
0x176: {  	_ =	swait.ge [sflag:s28], $0x800  }
0x177: {  	[sflag:s28] =	ssyncset.done $0x0  }
0x178: {  	[sflag:s28] =	ssyncadd.s32 $0xFFFFF800  }
0x179: {  	_ =	swait.ge [sflag:s28], $0x800  }
0x17a: {  	[sflag:s28] =	ssyncset.done $0x0  }
0x17b: {  	[sflag:s28] =	ssyncadd.s32 $0xFFFFF800  }
0x17c: {  	_ =	swait.ge [sflag:s28], $0x800  }
0x17d: {  	[sflag:s28] =	ssyncset.done $0x0  }
0x17e: {  	s2 =	simm.s32 $0x0;
	[sflag:s28] =	ssyncadd.s32 $0xFFFFF800  }
0x17f: {  	v0 =	vld [tilespmem:s2+$0xB400]  }
0x180: {  	v1 =	vld [tilespmem:s2+$0xBC00];
	_ =	sdelay $0x1  }
0x181: {  	v2 =	vld [tilespmem:s2+$0xC400];
	_ =	sdelay $0x1  }
0x182: {  	v3 =	vld [tilespmem:s2+$0xCC00]  }
0x183: {  	v0 =	vadd.f32 v1, v0  }
0x184: {  	v1 =	vld [tilespmem:s2+$0xD400]  }
0x185: {  	v0 =	vadd.f32 v2, v0  }
0x186: {  	v2 =	vld [tilespmem:s2+$0xDC00]  }
0x187: {  	v0 =	vadd.f32 v3, v0  }
0x188: {  	v3 =	vld [tilespmem:s2+$0xE400]  }
0x189: {  	v0 =	vadd.f32 v1, v0  }
0x18a: {  	v1 =	vld [tilespmem:s2+$0xEC00]  }
0x18b: {  	v0 =	vadd.f32 v2, v0  }
0x18c: {  	v2 =	vld [tilespmem:s2+$0xF400]  }
0x18d: {  	v0 =	vadd.f32 v3, v0  }
0x18e: {  	v3 =	vld [tilespmem:s2+$0xFC00]  }
0x18f: {  	s9 =	simm.s32 $0x10;
	v4 =	vld [tilespmem:s2+$0x10400];
	v0 =	vadd.f32 v1, v0  }
0x190: {  	v5 =	vld [tilespmem:s9+$0xB400]  }
0x191: {  	v1 =	vld [tilespmem:s2+$0x10C00];
	v0 =	vadd.f32 v2, v0  }
0x192: {  	v2 =	vld [tilespmem:s9+$0xBC00]  }
0x193: {  	v6 =	vld [tilespmem:s9+$0xC400];
	v0 =	vadd.f32 v3, v0  }
0x194: {  	v3 =	vld [tilespmem:s2+$0x11400]  }
0x195: {  	v7 =	vld [tilespmem:s9+$0xCC00];
	v0 =	vadd.f32 v4, v0  }
0x196: {  	v4 =	vld [tilespmem:s2+$0x11C00]  }
0x197: {  	v2 =	vadd.f32 v2, v5;
	v5 =	vld [tilespmem:s9+$0xD400];
	v0 =	vadd.f32 v1, v0  }
0x198: {  	v1 =	vld [tilespmem:s2+$0x12400]  }
0x199: {  	v2 =	vadd.f32 v6, v2;
	v6 =	vld [tilespmem:s9+$0xDC00];
	v0 =	vadd.f32 v3, v0  }
0x19a: {  	v3 =	vld [tilespmem:s2+$0x12C00]  }
0x19b: {  	v2 =	vadd.f32 v7, v2;
	v7 =	vld [tilespmem:s9+$0xE400];
	v0 =	vadd.f32 v4, v0  }
0x19c: {  	v4 =	vld [tilespmem:s2+$0x13400]  }
0x19d: {  	v2 =	vadd.f32 v5, v2;
	v5 =	vld [tilespmem:s9+$0xEC00];
	v0 =	vadd.f32 v1, v0  }
0x19e: {  	v1 =	vld [tilespmem:s2+$0x13C00]  }
0x19f: {  	v8 =	vld [tilespmem:s9+$0xF400];
	v2 =	vadd.f32 v6, v2;
	v0 =	vadd.f32 v3, v0  }
0x1a0: {  	v6 =	vld [tilespmem:s2+$0x14400]  }
0x1a1: {  	v3 =	vld [tilespmem:s9+$0xFC00];
	v7 =	vadd.f32 v7, v2;
	v4 =	vadd.f32 v4, v0  }
0x1a2: {  	v2 =	vld [tilespmem:s2+$0x14C00]  }
0x1a3: {  	v0 =	vld [tilespmem:s9+$0x10C00];
	v5 =	vadd.f32 v5, v7;
	v7 =	vadd.f32 v1, v4  }
0x1a4: {  	s18 =	simm.s32 $0x20;
	v4 =	vld [tilespmem:s9+$0x10400]  }
0x1a5: {  	s13 =	simm.s32 $0xC0;
	v1 =	vld [tilespmem:s18+$0xB400];
	v5 =	vadd.f32 v8, v5;
	v6 =	vadd.f32 v6, v7  }
.LBB2_5:
0x1a6: {  	p0 =	sne.s32 s13, $0x1FC0;
	v7 =	vld [tilespmem:s18+$0xBC00]  }
0x1a7: {  	v3 =	vadd.f32 v3, v5;
	v5 =	vld [tilespmem:s9+$0x11400];
	v2 =	vadd.f32 v2, v6  }
0x1a8: {  	v6 =	vld [tilespmem:s18+$0xC400]  }
0x1a9: {  	v3 =	vadd.f32 v4, v3;
	v4 =	vld [tilespmem:s9+$0x11C00];
	[tilespmem:s2+$0x15400] =	vst v2;
	s2 =	smov.u32 s9;
	s9 =	smov.u32 s18  }
0x1aa: {  	v2 =	vld [tilespmem:s9+$0xCC00]  }
0x1ab: {  	v1 =	vadd.f32 v7, v1;
	v0 =	vadd.f32 v0, v3;
	v3 =	vld [tilespmem:s2+$0x12400]  }
0x1ac: {  	v7 =	vld [tilespmem:s9+$0xD400]  }
0x1ad: {  	v1 =	vadd.f32 v6, v1;
	v0 =	vadd.f32 v5, v0;
	v5 =	vld [tilespmem:s2+$0x12C00]  }
0x1ae: {  	v6 =	vld [tilespmem:s9+$0xDC00]  }
0x1af: {  	v1 =	vadd.f32 v2, v1;
	v0 =	vadd.f32 v4, v0;
	v2 =	vld [tilespmem:s2+$0x13400]  }
0x1b0: {  	v4 =	vld [tilespmem:s9+$0xE400]  }
0x1b1: {  	v1 =	vadd.f32 v7, v1;
	v0 =	vadd.f32 v3, v0;
	v7 =	vld [tilespmem:s2+$0x13C00]  }
0x1b2: {  	v8 =	vld [tilespmem:s9+$0xEC00]  }
0x1b3: {  	v1 =	vadd.f32 v6, v1;
	v0 =	vadd.f32 v5, v0;
	v6 =	vld [tilespmem:s2+$0x14400]  }
0x1b4: {  	v5 =	vld [tilespmem:s9+$0xF400]  }
.Ltmp1:
0x1b5: {  	v1 =	vadd.f32 v4, v1;
	v4 =	vadd.f32 v2, v0;
	v2 =	vld [tilespmem:s2+$0x14C00];
	(pc) =	sbr.rel @p0 .LBB2_5-.Ltmp1, $4  }
0x1b6: {  	v3 =	vld [tilespmem:s9+$0xFC00]  }
0x1b7: {  	v8 =	vadd.f32 v8, v1;
	v0 =	vld [tilespmem:s9+$0x10C00];
	v7 =	vadd.f32 v7, v4  }
0x1b8: {  	s18 =	sshra.s32 s13, $0x2;
	v4 =	vld [tilespmem:s9+$0x10400]  }
0x1b9: {  	s13 =	sadd.s32 $0x40, s13;
	v1 =	vld [tilespmem:s18+$0xB400];
	v5 =	vadd.f32 v5, v8;
	v6 =	vadd.f32 v6, v7  }
0x1ba: {  	v7 =	vld [tilespmem:s18+$0xBC00]  }
0x1bb: {  	v8 =	vld [tilespmem:s9+$0x11400];
	v2 =	vadd.f32 v2, v6  }
0x1bc: {  	v40 =	vld [tilespmem:s18+$0xC400]  }
0x1bd: {  	v9 =	vld [tilespmem:s9+$0x11C00];
	v3 =	vadd.f32 v3, v5;
	[tilespmem:s2+$0x15400] =	vst v2  }
0x1be: {  	v2 =	vld [tilespmem:s18+$0xCC00]  }
0x1bf: {  	v3 =	vadd.f32 v4, v3;
	v1 =	vadd.f32 v7, v1  }
0x1c0: {  	v41 =	vld [tilespmem:s18+$0xD400]  }
0x1c1: {  	v42 =	vld [tilespmem:s9+$0x12400];
	v0 =	vadd.f32 v0, v3;
	v1 =	vadd.f32 v40, v1  }
0x1c2: {  	v43 =	vld [tilespmem:s18+$0xDC00]  }
0x1c3: {  	v44 =	vld [tilespmem:s9+$0x12C00];
	v0 =	vadd.f32 v8, v0;
	v1 =	vadd.f32 v2, v1  }
0x1c4: {  	v45 =	vld [tilespmem:s18+$0xE400]  }
0x1c5: {  	v46 =	vld [tilespmem:s9+$0x13400];
	v0 =	vadd.f32 v9, v0;
	v1 =	vadd.f32 v41, v1  }
0x1c6: {  	v47 =	vld [tilespmem:s18+$0xEC00]  }
0x1c7: {  	v48 =	vld [tilespmem:s9+$0x13C00];
	v0 =	vadd.f32 v42, v0;
	v1 =	vadd.f32 v43, v1  }
0x1c8: {  	v49 =	vld [tilespmem:s18+$0xF400]  }
0x1c9: {  	v50 =	vld [tilespmem:s9+$0x14400];
	v0 =	vadd.f32 v44, v0;
	v1 =	vadd.f32 v45, v1  }
0x1ca: {  	v51 =	vld [tilespmem:s18+$0xFC00]  }
0x1cb: {  	v52 =	vld [tilespmem:s9+$0x14C00];
	v0 =	vadd.f32 v46, v0;
	v1 =	vadd.f32 v47, v1  }
0x1cc: {  	v53 =	vld [tilespmem:s18+$0x10400]  }
0x1cd: {  	v0 =	vadd.f32 v48, v0;
	v1 =	vadd.f32 v49, v1  }
0x1ce: {  	v54 =	vld [tilespmem:s18+$0x10C00]  }
0x1cf: {  	v0 =	vadd.f32 v50, v0;
	v1 =	vadd.f32 v51, v1  }
0x1d0: {  	v55 =	vld [tilespmem:s18+$0x11400]  }
0x1d1: {  	v0 =	vadd.f32 v52, v0;
	v1 =	vadd.f32 v53, v1  }
0x1d2: {  	v56 =	vld [tilespmem:s18+$0x11C00]  }
0x1d3: {  	[tilespmem:s9+$0x15400] =	vst v0;
	v57 =	vadd.f32 v54, v1  }
0x1d4: {  	v58 =	vld [tilespmem:s18+$0x12400]  }
0x1d5: {  	v0 =	vadd.f32 v55, v57  }
0x1d6: {  	v59 =	vld [tilespmem:s18+$0x12C00]  }
0x1d7: {  	v0 =	vadd.f32 v56, v0  }
0x1d8: {  	v60 =	vld [tilespmem:s18+$0x13400]  }
0x1d9: {  	v0 =	vadd.f32 v58, v0  }
0x1da: {  	v61 =	vld [tilespmem:s18+$0x13C00]  }
0x1db: {  	v0 =	vadd.f32 v59, v0  }
0x1dc: {  	v62 =	vld [tilespmem:s18+$0x14400]  }
0x1dd: {  	v0 =	vadd.f32 v60, v0  }
0x1de: {  	v63 =	vld [tilespmem:s18+$0x14C00]  }
0x1df: {  	v0 =	vadd.f32 v61, v0;
	_ =	sdelay $0x1  }
0x1e0: {  	s20 =	smul.u32 $0x1A0, s17;
	v0 =	vadd.f32 v62, v0;
	_ =	sdelay $0x1  }
0x1e1: {  	s7 =	sadd.s32 $0x1, s7;
	s2 =	sadd.s32 s31, s20;
	v0 =	vadd.f32 v63, v0  }
0x1e2: {  	p0 =	sne.s32 s7, $0x34;
	s2 =	sshrl.u32 s2, $0x3  }
.Ltmp2:
0x1e3: {  	s2 =	sadd.s32 s6, s2;
	[tilespmem:s18+$0x15400] =	vst v0;
	(pc) =	sbr.rel @p0 .LBB2_2-.Ltmp2, $4  }
0x1e4: {  	[hbm4b:s2+s0] =	stream.strided.scatter [tilespmem:s16], [sflag:$0x3], $0x800, s26, s0, $0x38;
	[tilespmem:$0x15C00] =	vst v63  }
0x1e5: {  	_ =	swait.ge [sflag:s12], $0x800  }
0x1e6: {  	[sflag:s12] =	ssyncset.done $0x0  }
0x1e7: {  	[sflag:s12] =	ssyncadd.s32 $0xFFFFF800  }
0x1e8: {  	_ =	swait.ge [sflag:s25], $0x800  }
0x1e9: {  	[sflag:s25] =	ssyncset.done $0x0  }
0x1ea: {  	[sflag:s25] =	ssyncadd.s32 $0xFFFFF800  }
0x1eb: {  	_ =	swait.ge [sflag:s25], $0x800  }
0x1ec: {  	[sflag:s25] =	ssyncset.done $0x0  }
0x1ed: {  	[sflag:s25] =	ssyncadd.s32 $0xFFFFF800  }
0x1ee: {  	_ =	swait.ge [sflag:s25], $0x800  }
0x1ef: {  	[sflag:s25] =	ssyncset.done $0x0  }
0x1f0: {  	[sflag:s25] =	ssyncadd.s32 $0xFFFFF800  }
0x1f1: {  	_ =	swait.ge [sflag:s25], $0x800  }
0x1f2: {  	[sflag:s25] =	ssyncset.done $0x0  }
0x1f3: {  	[sflag:s25] =	ssyncadd.s32 $0xFFFFF800  }
0x1f4: {  	_ =	swait.ge [sflag:s25], $0x800  }
0x1f5: {  	[sflag:s25] =	ssyncset.done $0x0  }
0x1f6: {  	[sflag:s25] =	ssyncadd.s32 $0xFFFFF800  }
0x1f7: {  	_ =	swait.ge [sflag:s25], $0x800  }
0x1f8: {  	[sflag:s25] =	ssyncset.done $0x0  }
0x1f9: {  	[sflag:s25] =	ssyncadd.s32 $0xFFFFF800  }
0x1fa: {  	_ =	swait.ge [sflag:s25], $0x800  }
0x1fb: {  	[sflag:s25] =	ssyncset.done $0x0  }
0x1fc: {  	[sflag:s25] =	ssyncadd.s32 $0xFFFFF800  }
0x1fd: {  	_ =	swait.ge [sflag:s25], $0x800  }
0x1fe: {  	[sflag:s25] =	ssyncset.done $0x0  }
0x1ff: {  	[sflag:s25] =	ssyncadd.s32 $0xFFFFF800  }
0x200: {  	_ =	swait.ge [sflag:s25], $0x800  }
0x201: {  	[sflag:s25] =	ssyncset.done $0x0  }
0x202: {  	[sflag:s25] =	ssyncadd.s32 $0xFFFFF800  }
0x203: {  	_ =	swait.ge [sflag:s25], $0x800  }
0x204: {  	[sflag:s25] =	ssyncset.done $0x0  }
0x205: {  	[sflag:s25] =	ssyncadd.s32 $0xFFFFF800  }
0x206: {  	_ =	swait.ge [sflag:s25], $0x800  }
0x207: {  	[sflag:s25] =	ssyncset.done $0x0  }
0x208: {  	[sflag:s25] =	ssyncadd.s32 $0xFFFFF800  }
0x209: {  	_ =	swait.ge [sflag:s25], $0x800  }
0x20a: {  	[sflag:s25] =	ssyncset.done $0x0  }
0x20b: {  	[sflag:s25] =	ssyncadd.s32 $0xFFFFF800  }
0x20c: {  	_ =	swait.ge [sflag:s25], $0x800  }
0x20d: {  	[sflag:s25] =	ssyncset.done $0x0  }
0x20e: {  	[sflag:s25] =	ssyncadd.s32 $0xFFFFF800  }
0x20f: {  	_ =	swait.ge [sflag:s25], $0x800  }
0x210: {  	[sflag:s25] =	ssyncset.done $0x0  }
0x211: {  	[sflag:s25] =	ssyncadd.s32 $0xFFFFF800  }
0x212: {  	_ =	swait.ge [sflag:s25], $0x800  }
0x213: {  	[sflag:s25] =	ssyncset.done $0x0  }
0x214: {  	[sflag:s25] =	ssyncadd.s32 $0xFFFFF800  }
0x215: {  	_ =	swait.ge [sflag:s25], $0x800  }
0x216: {  	[sflag:s25] =	ssyncset.done $0x0  }
0x217: {  	[sflag:s25] =	ssyncadd.s32 $0xFFFFF800  }
0x218: {  	_ =	swait.ge [sflag:s25], $0x800  }
0x219: {  	[sflag:s25] =	ssyncset.done $0x0  }
0x21a: {  	[sflag:s25] =	ssyncadd.s32 $0xFFFFF800  }
0x21b: {  	_ =	swait.ge [sflag:s25], $0x800  }
0x21c: {  	[sflag:s25] =	ssyncset.done $0x0  }
0x21d: {  	[sflag:s25] =	ssyncadd.s32 $0xFFFFF800  }
0x21e: {  	_ =	swait.ge [sflag:s25], $0x800  }
0x21f: {  	[sflag:s25] =	ssyncset.done $0x0  }
0x220: {  	[sflag:s25] =	ssyncadd.s32 $0xFFFFF800  }
0x221: {  	_ =	swait.ge [sflag:s25], $0x800  }
0x222: {  	s7 =	rddreg [dreg:$0x4]  }
0x223: {  	s2 =	rddreg [dreg:$0x3];
	s7 =	sadd.s32 $0x1, s7  }
0x224: {  	p0 =	sne.s32 s7, s2  }
.Ltmp3:
0x225: {  	_ = 	snop;
	(pc) =	sbr.rel @p0 .LBB2_1-.Ltmp3, $3  }
0x226: {  	_ =	sdelay $0x1  }
0x227: {  	[sflag:s25] =	ssyncset.done $0x0  }
0x228: {  	[sflag:s25] =	ssyncadd.s32 $0xFFFFF800  }
0x229: {  	_ =	sfence.sel $0x180000  }
0x22a: {  	[bflag:$0x0] =	sbarrier.arrive $0xFFFF  }
0x22b: {  	_ =	strace $0x90000047  }
0x22c: {  	s0 =	stileid.u32;
	[bflag:$0x2] =	sbarrier.arrive $0xFFFF  }
0x22d: {  	p0 =	sne.s32 s0, $0x0;
	s0 =	rddreg [dreg:$0x1]  }
0x22e: {  	s0 =	sadd.s32 @!p0 $0x100000, s0  }
0x22f: {  	[sflag:s0] =	ssyncadd.tile.s32 @!p0 $0x1;
	_ =	shalt  }
.Lfunc_end2:
_tile_overlayer_lowered:
.L_overlay_start_2:
0x230: {  	(tag) =	ssettag $0x2  }
0x231: {  	s0 =	rddreg [dreg:$0x0];
	s2 =	stileid.u32  }
0x232: {  	s1 =	rddreg [dreg:$0x1];
	p0 =	sne.s32 s2, $0x0  }
0x233: {  	s3 =	rddreg [dreg:$0x2];
	[bflag:$0x3] =	sbarrier.arrive $0xFFFF;
	s2 =	simm.s32 @!p0 $0x1C03  }
0x234: {  	[timem:s3], [sflag:s2] =	dma.local @!p0 [hbm:s0], s1  }
0x235: {  	s0 =	simm.s32 @!p0 $0x3  }
0x236: {  	_ =	swait.ge @!p0 [sflag:s0], s1  }
0x237: {  	s1 =	ssub.s32 @!p0 $0x0, s1;
	[sflag:s0] =	ssyncset.done @!p0 $0x0  }
0x238: {  	[sflag:s0] =	ssyncadd.s32 @!p0 s1  }
0x239: {  	[bflag:$0x3] =	sbarrier.arrive $0xFFFF  }
0x23a: {  	_ =	shalt  }

// kernel: sparse-core-data-format-call.cloned.1.call-start
scs
called_computation_lowered:
.L_overlay_start_0:
0x0: {  	s2 =	sld [smem:$0x3FD9]  }
0x1: {  	s3 =	sld [smem:$0x3FFE];
	_ =	sdelay $0x1  }
0x2: {  	s1 =	srdreg.scid  }
0x3: {  	s0 =	sand.u32 $0x1, s1  }
0x4: {  	s18 =	sshll.u32 s0, $0xA;
	s2 =	sadd.s32 s3, s2  }
0x5: {  	s2 =	sadd.s32 s2, s18  }
0x6: {  	[smem:$0x3FC2] =	sst s2  }
0x7: {  	_ = 	snop  }
0x8: {  	s2 =	sld [smem:$0x3FD0];
	(tm) =	ssettm $0x1  }
0x9: {  	s19 =	sld [smem:$0x3FFB];
	_ =	sdelay $0x3  }
0xa: {  	_ =	strace s19  }
0xb: {  	s3 =	sld [smem:$0x3FFC];
	_ =	sdelay $0x3  }
0xc: {  	_ =	strace s3  }
0xd: {  	s3 =	sld [smem:$0x3FFD];
	_ =	sdelay $0x3  }
0xe: {  	_ =	strace s3  }
0xf: {  	_ =	strace $0x8FFFFFFF  }
0x10: {  	s20 =	sld [smem:$0x3FDB];
	_ =	sdelay $0x1  }
0x11: {  	s4 =	simm.s32 $_scs_section_size  }
0x12: {  	s5 =	simm.s32 $_size__tile_overlayer_lowered;
	s6 =	simm.s32 $_tile_overlayer_lowered  }
0x13: {  	s23 =	simm.s32 $0x1BFF;
	s22 =	sshll.u32 s6, $0x1;
	s3 =	sadd.s32 s4, s20  }
0x14: {  	s7 =	simm.s32 $0x0;
	s21 =	sshll.u32 s5, $0x1;
	s5 =	sadd.s32 s22, s3  }
0x15: {  	[timem:s7], [sflag:s23] =	dma.local [hbm:s5], s21  }
0x16: {  	_ =	swait.ge [sflag:s23], s21  }
0x17: {  	s4 =	ssub.s32 $0x0, s21;
	[sflag:s23] =	ssyncset.done $0x0  }
0x18: {  	[sflag:s23] =	ssyncadd.s32 s4;
	_ =	sdelay $0x1  }
0x19: {  	s24 =	simm.s32 $0x1B8B  }
0x1a: {  	_ =	swait.ge [sflag:s24], $0x1  }
0x1b: {  	[sflag:s24] =	ssyncset.done $0x0  }
0x1c: {  	s26 =	simm.s32 $0x1B8E;
	s25 =	sld [smem:$0x3FFE];
	[sflag:s24] =	ssyncadd.s32 $0xFFFFFFFF  }
0x1d: {  	s27 =	simm.s32 $execute0_lowered;
	[smem:$0x3FD2] =	sst s26  }
0x1e: {  	s5 =	sshll.u32 s27, $0x1;
	_ =	strace $0x80000049;
	[dreg:$0x1] =	wrdreg $0xFFFFFFFF  }
0x1f: {  	s28 =	simm.s32 $_size_execute0_lowered;
	s3 =	sadd.s32 s3, s5;
	[dreg:$0x0] =	wrdreg $0x0  }
0x20: {  	s5 =	sshll.u32 s28, $0x1;
	[dreg:$0x2] =	wrdreg s3  }
0x21: {  	[dreg:$0x3] =	wrdreg s5  }
0x22: {  	[dreg:$0x4] =	wrdreg $0xC0  }
0x23: {  	_ =	task [dreg:s7], $0x5FFFF  }
0x24: {  	[dreg:$0x1] =	wrdreg $0xFFFFFFFF  }
0x25: {  	[dreg:$0x0] =	wrdreg $0x60  }
0x26: {  	[dreg:$0x2] =	wrdreg s25  }
0x27: {  	[dreg:$0x3] =	wrdreg s2  }
0x28: {  	[dreg:$0x4] =	wrdreg $0x9  }
0x29: {  	_ =	task.clear_ibuf [dreg:s7], $0x5FFFF;
	_ =	strace $0x90000049  }
0x2a: {  	s29 =	simm.s32 $0x9;
	_ =	strace $0x8000004B  }
0x2b: {  	_ =	swait.ge [sflag:s29], $0x1  }
0x2c: {  	[sflag:s29] =	ssyncadd.s32 $0xFFFFFFFF  }
0x2d: {  	_ =	strace $0x9000004B  }
0x2e: {  	_ =	sfence  }
0x2f: {  	s30 =	sld [smem:$0x0];
	_ =	sdelay $0x2  }
0x30: {  	s31 =	sshll.u32 s1, $0xD;
	s1 =	sshrl.u32 s1, $0x2  }
0x31: {  	s3 =	sand.u32 $0x4000, s31;
	s1 =	sadd.s32 s1, s30  }
0x32: {  	s0 =	sor.u32 s3, s0;
	s1 =	sshll.u32 s1, $0x11  }
0x33: {  	s0 =	sor.u32 s1, s0  }
0x34: {  	s0 =	sadd.s32 $0x8F2B, s0  }
0x35: {  	[sflag:s0] =	ssyncadd.remote.s32 $0x1  }
0x36: {  	_ =	sfence.sel $0xFFFF  }
0x37: {  	[dreg:$0x0] =	wrdreg $0xFFFFFFFF;
	(pc) =	sbr.abs _section_cstart, $3  }
0x38: {  	[dreg:$0x1] =	wrdreg $0xFFFFFFFF  }
0x39: {  	_ =	task.clear_ibuf [dreg:s7], $0x2FFFF;
	_ =	strace $0x9FFFFFFF  }
0x3a: {  	(tm) =	ssettm $0x7FFFFFFF  }
0x3b: {  	_ =	shalt  }
tec
execute0_lowered:
.L_overlay_start_1:
0x0: {  	(tag) =	ssettag $0x1  }
0x1: {  	s0 =	srdreg.scid  }
0x2: {  	s1 =	sshll.u32 s0, $0x4  }
0x3: {  	s6 =	rddreg [dreg:$0x0];
	s0 =	stileid.u32;
	s1 =	sand.u32 $0x10, s1  }
0x4: {  	s3 =	rddreg [dreg:$0x1];
	s1 =	sor.u32 s0, s1  }
0x5: {  	s5 =	simm.s32 $0x1;
	s31 =	simm.s32 $0x2;
	s2 =	sshll.u32 s1, $0x7  }
0x6: {  	s15 =	simm.s32 $0x0;
	s8 =	simm.s32 $0x20000;
	s4 =	ssub.s32 $0x4000, s2  }
0x7: {  	s14 =	simm.s32 $0x0;
	s9 =	simm.s32 $0x0;
	s30 =	sand.u32 $0xF80, s4  }
0x8: {  	s10 =	simm.s32 $0x0;
	s11 =	simm.s32 $0x0;
	p0 =	sne.s32 s30, $0x0  }
.Ltmp0:
0x9: {  	s7 =	sshrl.u32 s4, $0xC;
	s5 =	simm.s32 @!p0 $0x0;
	(pc) =	sbr.rel .LBB1_1-.Ltmp0, $4  }
0xa: {  	s13 =	simm.s32 $0x0;
	s1 =	rddreg [dreg:$0x2];
	s5 =	sadd.s32 s5, s7  }
0xb: {  	_ =	strace $0x8000004A;
	s4 =	simm.s32 $0x1;
	s5 =	smul.u32 $0x5, s5  }
0xc: {  	s6 =	sadd.s32 $0x2200, s6;
	s12 =	smov.u32 s2;
	[sflag:s4] =	ssyncpa.u1 $0x0  }
0xd: {  	[sflag:s31] =	ssyncpa.u1 $0x0;
	p0 =	por $0x0, $0x0;
	s7 =	sadd.s32 $0x1, s5  }
.LBB1_4:
0xe: {  	s20 =	sshra.s32 s20, $0x2  }
0xf: {  	s28 =	sand.u32 $0x78, s10;
	s21 =	sshll.u32 s9, $0xE;
	s22 =	sshll.u32 s10, $0x3  }
0x10: {  	s24 =	sshll.u32 s9, $0x7;
	p1 =	sgt.s32 s9, $0x1F0;
	s30 =	sshra.s32 s9, $0x1F  }
0x11: {  	s26 =	sshra.s32 s10, $0x1F;
	s19 =	sadd.s32 s20, s19;
	s21 =	sand.u32 $0xFFFE0000, s21  }
0x12: {  	v5 =	vld [tilespmem:s17+$0xFFFFFFD0];
	[tilespmem:s18+$0x2040 ss:$0x81] =	vst.msk $0xffff, v4;
	s23 =	sand.u32 $0xFFFFFC00, s22;
	s29 =	sand.u32 $0x380, s24;
	s22 =	sand.u32 $0x3C00, s22  }
0x13: {  	v58 =	vld [tilespmem:s17+$0xFFFFFFE0];
	[tilespmem:s18+$0x2850 ss:$0x81] =	vst.msk $0xffff, v3;
	s21 =	sadd.s32 s23, s21;
	s20 =	sor.u32 s28, s22;
	s22 =	smov.u32 s9  }
0x14: {  	v59 =	vld [tilespmem:s17+$0xFFFFFFF0];
	[tilespmem:s18+$0x3060 ss:$0x81] =	vst.msk $0xffff, v2;
	s24 =	sand.u32 s30, s9;
	s21 =	sshrl.u32 s21, $0xE;
	s22 =	simm.s32 @!p1 $0x1F0  }
0x15: {  	v60 =	vld [tilespmem:s17+$0x0];
	[tilespmem:s18+$0x0 ss:$0x81] =	vst.msk $0xffff, v1;
	p1 =	sgt.s32 s10, $0x3F80;
	s31 =	ssub.s32 s22, s24;
	s22 =	smov.u32 s10  }
0x16: {  	v61 =	vld [tilespmem:s17+$0x10];
	[tilespmem:s19+$0x3870 ss:$0x81] =	vst.msk $0xffff, v0;
	s25 =	smulhi.u32 $0x690691, s21;
	s24 =	sand.u32 s26, s10;
	s22 =	simm.s32 @!p1 $0x3F80  }
0x17: {  	v62 =	vld [tilespmem:s17+$0x20];
	s20 =	sor.u32 s29, s20;
	[tilespmem:s19+$0x810 ss:$0x81] =	vst.msk $0xffff, v5;
	s27 =	sadd.s32 $0xFFFFFE10, s31;
	s22 =	ssub.s32 s22, s24  }
0x18: {  	v63 =	vld [tilespmem:s17+$0xFFFFFFC0];
	[tilespmem:s19+$0x1020 ss:$0x81] =	vst.msk $0xffff, v58;
	s18 =	ssub.s32 $0x270, s31;
	s28 =	smul.u32 $0x270, s25;
	s29 =	sadd.s32 $0xFFFFC080, s22  }
0x19: {  	[tilespmem:s19+$0x1830 ss:$0x81] =	vst.msk $0xffff, v59;
	p1 =	sgt.s32 s27, $0x7F;
	s22 =	ssub.s32 $0x4000, s22;
	p2 =	sgt.s32 s29, $0x7F  }
0x1a: {  	s30 =	sand.u32 $0x7, s10;
	[tilespmem:s19+$0x2040 ss:$0x81] =	vst.msk $0xffff, v60;
	s18 =	simm.s32 @p1 $0x0;
	s22 =	simm.s32 @p2 $0x0  }
0x1b: {  	s20 =	sshrl.u32 s20, $0x3;
	[tilespmem:s19+$0x2850 ss:$0x81] =	vst.msk $0xffff, v61;
	s17 =	ssub.s32 s21, s28;
	s18 =	smul.u32 s22, s18  }
0x1c: {  	[tilespmem:s19+$0x3060 ss:$0x81] =	vst.msk $0xffff, v62;
	s20 =	sadd.s32 s3, s20;
	s21 =	sshll.u32 s30, $0x12;
	s17 =	sshll.u32 s17, $0xB  }
0x1d: {  	[tilespmem:s19+$0x0 ss:$0x81] =	vst.msk $0xffff, v63;
	s31 =	sor.u32 $0x400, s21;
	s17 =	sadd.s32 s17, s20;
	s18 =	sand.u32 $0x3FFFFFFF, s18  }
0x1e: {  	[hbm4b:s17+s31] =	stream.strided.scatter [tilespmem:s16], [sflag:$0x2], s18, s8, s31, $0x20;
	[tilespmem:$0x10100] =	vst v63  }
.LBB1_5:
0x1f: {  	p1 =	slt.u32 s13, $0x2  }
0x20: {  	s17 =	smov.u32 s15;
	p2 =	sgt.s32 @!p1 s15, $0x1F0;
	s16 =	sshra.s32 @!p1 s15, $0x1F  }
0x21: {  	p3 =	sgt.s32 @!p1 s14, $0x3F80;
	s18 =	sshra.s32 @!p1 s14, $0x1F;
	p2 =	por !p2, p1  }
0x22: {  	s15 =	sand.u32 @!p1 s16, s15;
	p3 =	por !p3, p1;
	s16 =	smov.u32 s14  }
0x23: {  	s14 =	sand.u32 @!p1 s18, s14;
	s17 =	simm.s32 @p2 $0x1F0;
	s16 =	simm.s32 @p3 $0x3F80  }
0x24: {  	s15 =	ssub.s32 @!p1 s17, s15;
	s14 =	ssub.s32 @!p1 s16, s14  }
0x25: {  	s18 =	smov.u32 s12;
	s16 =	sadd.s32 @!p1 $0xFFFFFE10, s15;
	s17 =	sadd.s32 @!p1 $0xFFFFC080, s14  }
0x26: {  	s15 =	ssub.s32 @!p1 $0x270, s15;
	p2 =	sgt.s32 @!p1 s16, $0x7F;
	p3 =	sgt.s32 @!p1 s17, $0x7F  }
0x27: {  	s14 =	ssub.s32 @!p1 $0x4000, s14;
	p2 =	por !p2, p1;
	p3 =	por !p3, p1  }
0x28: {  	s16 =	sadd.s32 $0x80, s11;
	s15 =	simm.s32 @!p2 $0x0;
	s14 =	simm.s32 @!p3 $0x0  }
0x29: {  	p2 =	sgt.s32 s16, $0x26F;
	s14 =	smul.u32 @!p1 s14, s15;
	s15 =	sadd.s32 $0x1000, s12  }
0x2a: {  	s18 =	smov.u32 @p2 s15  }
0x2b: {  	s16 =	simm.s32 @p2 $0x0;
	p2 =	sgt.s32 s18, $0x3FFF  }
0x2c: {  	s18 =	smov.u32 @p2 s2;
	p2 =	sne.s32 s13, s7  }
.Ltmp1:
0x2d: {  	p0 =	por !p0, !p0;
	s17 =	simm.s32 @!p1 $0x2;
	(pc) =	sbr.rel @!p2 .LBB1_6-.Ltmp1, $4  }
0x2e: {  	s15 =	smov.u32 s9;
	s9 =	smov.u32 s11;
	s14 =	sand.u32 @!p1 $0x3FFFFFFF, s14  }
0x2f: {  	s11 =	smov.u32 s16;
	_ =	swait.ge @!p1 [sflag:s17], s14;
	s19 =	ssub.s32 @!p1 $0x0, s14  }
0x30: {  	s14 =	smov.u32 s10;
	s13 =	sadd.s32 $0x1, s13;
	[sflag:s17] =	ssyncset.done @!p1 $0x0  }
0x31: {  	s10 =	smov.u32 s12;
	s12 =	smov.u32 s18;
	[sflag:s17] =	ssyncadd.s32 @!p1 s19  }
.LBB1_1:
0x32: {  	p1 =	sge.u32 s13, s5  }
0x33: {  	s16 =	sshrl.u32 @!p1 s12, $0x3  }
0x34: {  	s17 =	sshll.u32 @!p1 s11, $0x3;
	s16 =	smul.u32 @!p1 $0x1400, s16  }
0x35: {  	s18 =	sshll.u32 @!p1 s12, $0x7;
	s17 =	sand.u32 @!p1 $0xFFFFFC00, s17  }
0x36: {  	s16 =	sadd.s32 @!p1 s16, s17;
	s17 =	sand.u32 @!p1 $0x380, s18  }
0x37: {  	s18 =	sand.u32 @!p1 $0x7F, s11;
	s16 =	sor.u32 @!p1 s17, s16  }
0x38: {  	s17 =	sor.u32 @!p1 s18, s16  }
0x39: {  	s18 =	smulhi.u32 @!p1 $0xCCCCCCCD, s17;
	_ =	sdelay $0x1  }
0x3a: {  	s16 =	smulhi.u32 @!p1 $0xCCCCCCCD, s16;
	s18 =	sshrl.u32 @!p1 s18, $0x9  }
0x3b: {  	s18 =	smul.u32 @!p1 $0x280, s18  }
0x3c: {  	s31 =	sadd.s32 $0xFFFFFFFF, s13;
	s19 =	sxor.u32 @!p1 $0xFFFFFFFF, s13;
	s16 =	sshrl.u32 @!p1 s16, $0x9  }
0x3d: {  	s19 =	sshll.u32 @!p1 s19, $0xE;
	s16 =	sand.u32 @!p1 $0x3FFF, s16;
	s17 =	ssub.s32 @!p1 s17, s18  }
0x3e: {  	s16 =	smul.u32 @!p1 $0x50, s16;
	s18 =	sshrl.u32 @!p1 s17, $0x3;
	s17 =	sand.u32 @!p1 $0x7, s17  }
0x3f: {  	s19 =	sand.u32 @!p1 $0x4000, s19;
	s18 =	sadd.s32 @!p1 s6, s18;
	s17 =	sshll.u32 @!p1 s17, $0x12  }
0x40: {  	s16 =	sadd.s32 @!p1 s16, s18;
	s17 =	sor.u32 @!p1 $0x400, s17;
	s18 =	simm.s32 @!p1 $0x1400  }
0x41: {  	[tilespmem:s19], [sflag:$0x1] =	stream.strided.gather @!p1 [hbm4b:s16+s17], $0x4000, s18, s17, $0x38;
	[tilespmem:$0x10100] =	vst v63  }
0x42: {  	p1 =	sge.u32 s31, s5  }
.Ltmp2:
0x43: {  	_ = 	snop;
	(pc) =	sbr.rel @p1 .LBB1_5-.Ltmp2, $1  }
0x44: {  	_ =	sdelay $0x3  }
0x45: {  	s16 =	simm.s32 $0x1  }
0x46: {  	_ =	swait.ge [sflag:s4], $0x4000;
	s16 =	simm.s32 @!p0 $0x0  }
0x47: {  	[sflag:s4] =	ssyncset.done $0x0;
	s17 =	sshll.u32 s16, $0xE  }
0x48: {  	[sflag:s4] =	ssyncadd.s32 $0xFFFFC000;
	s17 =	sor.u32 $0x40, s17  }
0x49: {  	s16 =	smul.u32 $0x10200, s16;
	v0 =	vld [tilespmem:s17+$0x30]  }
0x4a: {  	v1 =	vld [tilespmem:s17+$0xFFFFFFD0]  }
0x4b: {  	s16 =	sshrl.u32 s16, $0x2;
	v5 =	vld [tilespmem:s17+$0xFFFFFFE0]  }
0x4c: {  	v6 =	vld [tilespmem:s17+$0xFFFFFFF0];
	s19 =	sor.u32 $0x8000, s16  }
0x4d: {  	s31 =	sand.u32 $0x1, s13;
	v4 =	vld [tilespmem:s17+$0x0];
	s18 =	sadd.s32 $0x0, s19  }
0x4e: {  	v3 =	vld [tilespmem:s17+$0x10];
	s16 =	smul.u32 $0x10200, s31;
	[tilespmem:s18+$0x3870 ss:$0x81] =	vst.msk $0xffff, v0  }
0x4f: {  	v2 =	vld [tilespmem:s17+$0x20];
	[tilespmem:s18+$0x810 ss:$0x81] =	vst.msk $0xffff, v1  }
0x50: {  	s16 =	sshrl.u32 s16, $0x2;
	v1 =	vld [tilespmem:s17+$0xFFFFFFC0];
	[tilespmem:s18+$0x1020 ss:$0x81] =	vst.msk $0xffff, v5;
	s17 =	sadd.s32 $0x80, s17  }
0x51: {  	s20 =	simm.s32 $0x4;
	s21 =	simm.s32 $0x8;
	s16 =	sor.u32 $0x8000, s16;
	[tilespmem:s18+$0x1830 ss:$0x81] =	vst.msk $0xffff, v6;
	v0 =	vld [tilespmem:s17+$0x30]  }
.LBB1_3:
0x52: {  	p1 =	sne.s32 s21, $0x1FC;
	v5 =	vld [tilespmem:s17+$0xFFFFFFD0];
	[tilespmem:s18+$0x2040 ss:$0x81] =	vst.msk $0xffff, v4  }
0x53: {  	v6 =	vld [tilespmem:s17+$0xFFFFFFE0];
	[tilespmem:s18+$0x2850 ss:$0x81] =	vst.msk $0xffff, v3  }
0x54: {  	s22 =	sshra.s32 s20, $0x2;
	s20 =	smov.u32 s21;
	v7 =	vld [tilespmem:s17+$0xFFFFFFF0];
	[tilespmem:s18+$0x3060 ss:$0x81] =	vst.msk $0xffff, v2  }
.Ltmp3:
0x55: {  	v4 =	vld [tilespmem:s17+$0x0];
	[tilespmem:s18+$0x0 ss:$0x81] =	vst.msk $0xffff, v1;
	s18 =	sadd.s32 s22, s19;
	(pc) =	sbr.rel @p1 .LBB1_3-.Ltmp3, $4  }
0x56: {  	v3 =	vld [tilespmem:s17+$0x10];
	[tilespmem:s18+$0x3870 ss:$0x81] =	vst.msk $0xffff, v0  }
0x57: {  	[tilespmem:s18+$0x810 ss:$0x81] =	vst.msk $0xffff, v5;
	v2 =	vld [tilespmem:s17+$0x20]  }
0x58: {  	v1 =	vld [tilespmem:s17+$0xFFFFFFC0];
	[tilespmem:s18+$0x1020 ss:$0x81] =	vst.msk $0xffff, v6;
	s17 =	sadd.s32 $0x80, s17  }
0x59: {  	s21 =	sadd.s32 $0x4, s21;
	v0 =	vld [tilespmem:s17+$0x30];
	[tilespmem:s18+$0x1830 ss:$0x81] =	vst.msk $0xffff, v7  }
.Ltmp4:
0x5a: {  	_ = 	snop;
	(pc) =	sbr.rel .LBB1_4-.Ltmp4, $1  }
0x5b: {  	_ =	sdelay $0x3  }
.LBB1_6:
0x5c: {  	_ =	sfence.sel $0x180000  }
0x5d: {  	s2 =	simm.s32 $0x1;
	[bflag:$0x0] =	sbarrier.arrive $0xFFFF  }
0x5e: {  	s31 =	simm.s32 $0x2;
	[sflag:s2] =	ssyncpa.u1 $0x1  }
0x5f: {  	[sflag:s31] =	ssyncpa.u1 $0x1  }
0x60: {  	p0 =	sne.s32 s0, $0x0;
	_ =	strace $0x9000004A  }
0x61: {  	s0 =	sadd.s32 @!p0 $0x100000, s1;
	[bflag:$0x2] =	sbarrier.arrive $0xFFFF  }
0x62: {  	[sflag:s0] =	ssyncadd.tile.s32 @!p0 $0x1;
	_ =	shalt  }
.Lfunc_end1:
_tile_overlayer_lowered:
.L_overlay_start_2:
0x63: {  	(tag) =	ssettag $0x2  }
0x64: {  	s0 =	rddreg [dreg:$0x0];
	s2 =	stileid.u32  }
0x65: {  	s1 =	rddreg [dreg:$0x1];
	p0 =	sne.s32 s2, $0x0  }
0x66: {  	s3 =	rddreg [dreg:$0x2];
	[bflag:$0x3] =	sbarrier.arrive $0xFFFF;
	s2 =	simm.s32 @!p0 $0x1C01  }
0x67: {  	[timem:s3], [sflag:s2] =	dma.local @!p0 [hbm:s0], s1  }
0x68: {  	s0 =	simm.s32 @!p0 $0x1  }
0x69: {  	_ =	swait.ge @!p0 [sflag:s0], s1  }
0x6a: {  	s1 =	ssub.s32 @!p0 $0x0, s1;
	[sflag:s0] =	ssyncset.done @!p0 $0x0  }
0x6b: {  	[sflag:s0] =	ssyncadd.s32 @!p0 s1  }
0x6c: {  	[bflag:$0x3] =	sbarrier.arrive $0xFFFF  }
0x6d: {  	_ =	shalt  }

</sc_bundles>
